<compile_context>
chip_gen: v7x
topology: tpu7x:2x2x1
jax: 0.10.2.dev20260603
libtpu: 0.0.44.dev20260713+nightly
codegen_flags: <defaults>
</compile_context>

<pallas_src>
import functools

import jax
import jax.numpy as jnp
from jax import lax
from jax.experimental import pallas as pl
from jax.experimental.pallas import tpu as pltpu
from jax.experimental.pallas import tpu_sc as plsc

N = 10000
E = 160000
R = 8
R9 = R + 1
D = 256
H = 128
RN = R * N
R9N = R9 * N

NC = 2
NS = 16
CH = 128

P_SUB = -(-E // (NS * 2 * CH)) * 2 * CH
E_PAD = NS * P_SUB
N_CH = P_SUB // CH
NP = N_CH // 2

ACC = 10112
DST_BITS = 14
ROWS_PER_TILE = ACC // NS
BN = 1000

BF = jnp.bfloat16



def _hrk_body(h_ref, w_ref, o_ref):
    res = jnp.dot(h_ref[...], w_ref[0], preferred_element_type=jnp.float32)
    o_ref[0, 0] = res[:, :H]
    o_ref[1, 0] = res[:, H:]


def _hrk(h, W9):
    return pl.pallas_call(
        _hrk_body,
        grid=(N // BN, R9),
        in_specs=[
            pl.BlockSpec((BN, D), lambda nb, r: (nb, 0)),
            pl.BlockSpec((1, D, D), lambda nb, r: (r, 0, 0)),
        ],
        out_specs=pl.BlockSpec((NC, 1, BN, H), lambda nb, r: (0, r, nb, 0)),
        out_shape=jax.ShapeDtypeStruct((NC, R9, N, H), jnp.float32),
    )(h, W9)


def _prep_body(agg_ref, hr_ref, b_ref, h_ref):
    hcat = (jnp.concatenate([agg_ref[0], agg_ref[1]], axis=1)
            + jnp.concatenate([hr_ref[0, 0], hr_ref[1, 0]], axis=1)
            + b_ref[...])
    h_ref[...] = jnp.maximum(hcat, 0.0)


def _prep(agg, HR, b2):
    return pl.pallas_call(
        _prep_body,
        grid=(N // BN,),
        in_specs=[
            pl.BlockSpec((NC, BN, H), lambda nb: (0, nb, 0)),
            pl.BlockSpec((NC, 1, BN, H), lambda nb: (0, R, nb, 0)),
            pl.BlockSpec((1, D), lambda nb: (0, 0)),
        ],
        out_specs=pl.BlockSpec((BN, D), lambda nb: (nb, 0)),
        out_shape=jax.ShapeDtypeStruct((N, D), jnp.float32),
    )(agg, HR, b2)


def _fin_body(agg_ref, hr_ref, b_ref, o_ref):
    nb = pl.program_id(0)
    hcat = (jnp.concatenate([agg_ref[0], agg_ref[1]], axis=1)
            + jnp.concatenate([hr_ref[0, 0], hr_ref[1, 0]], axis=1)
            + b_ref[...])
    hb = jnp.maximum(hcat, 0.0)
    part = jnp.sum(hb, axis=0, keepdims=True)

    @pl.when(nb == 0)
    def _():
        o_ref[...] = jnp.zeros_like(o_ref)

    o_ref[...] += part


def _fin(agg, HR, b2):
    return pl.pallas_call(
        _fin_body,
        grid=(N // BN,),
        in_specs=[
            pl.BlockSpec((NC, BN, H), lambda nb: (0, nb, 0)),
            pl.BlockSpec((NC, 1, BN, H), lambda nb: (0, R, nb, 0)),
            pl.BlockSpec((1, D), lambda nb: (0, 0)),
        ],
        out_specs=pl.BlockSpec((1, D), lambda nb: (0, 0)),
        out_shape=jax.ShapeDtypeStruct((1, D), jnp.float32),
    )(agg, HR, b2)



def _sc_scatter(hr_flat, pidx, zrows):
    mesh = plsc.VectorSubcoreMesh(core_axis_name="c", subcore_axis_name="s")

    @functools.partial(
        pl.kernel,
        mesh=mesh,
        out_type=jax.ShapeDtypeStruct((NC, ACC, H), jnp.float32),
        scratch_types=[
            pltpu.VMEM((P_SUB,), jnp.int32),
            pltpu.VMEM((CH,), jnp.int32),
            pltpu.VMEM((CH,), jnp.int32),
            pltpu.VMEM((CH,), jnp.int32),
            pltpu.VMEM((CH,), jnp.int32),
            pltpu.VMEM((2, CH, H), jnp.float32),
            pltpu.VMEM_SHARED((ACC, H), jnp.float32),
            pltpu.SemaphoreType.DMA,
            pltpu.SemaphoreType.DMA,
        ],
    )
    def k(hr_hbm, pidx_hbm, z_hbm, out_hbm, pks, gixb0, gixb1, dstb0, dstb1,
          rows, acc_s, sem0, sem1):
        cid = lax.axis_index("c")
        sid = lax.axis_index("s")
        row0 = sid * ROWS_PER_TILE
        pltpu.sync_copy(z_hbm.at[pl.ds(row0, ROWS_PER_TILE)],
                        acc_s.at[pl.ds(row0, ROWS_PER_TILE)])
        pltpu.sync_copy(pidx_hbm.at[pl.ds(sid * P_SUB, P_SUB)], pks)

        coff = cid * R9N
        gixb = (gixb0, gixb1)
        dstb = (dstb0, dstb1)
        sems = (sem0, sem1)

        def unpack(j, b):
            for i in range(CH // 16):
                p = pks[pl.ds(j * CH + i * 16, 16)]
                sl = pl.ds(i * 16, 16)
                gixb[b][sl] = (p >> DST_BITS) + coff
                dstb[b][sl] = p & (2**DST_BITS - 1)

        def g_start(b):
            pltpu.async_copy(hr_hbm.at[gixb[b]], rows.at[b], sems[b])

        def g_wait(b):
            pltpu.make_async_copy(hr_hbm.at[gixb[b]], rows.at[b],
                                  sems[b]).wait()

        def s_sync(b):
            pltpu.sync_copy(rows.at[b], acc_s.at[dstb[b]], add=True)

        plsc.subcore_barrier()

        unpack(0, 0)
        unpack(1, 1)
        g_start(0)
        g_start(1)

        def body(g, carry):
            j0 = 2 * g
            g_wait(0)
            s_sync(0)

            @pl.when(g < NP - 1)
            def _():
                unpack(j0 + 2, 0)
                g_start(0)

            g_wait(1)
            s_sync(1)

            @pl.when(g < NP - 1)
            def _():
                unpack(j0 + 3, 1)
                g_start(1)

            return carry

        lax.fori_loop(0, NP, body, 0)
        plsc.subcore_barrier()

        @pl.when(cid == 0)
        def _():
            pltpu.sync_copy(acc_s.at[pl.ds(row0, ROWS_PER_TILE)],
                            out_hbm.at[0, pl.ds(row0, ROWS_PER_TILE)])

        @pl.when(cid == 1)
        def _():
            pltpu.sync_copy(acc_s.at[pl.ds(row0, ROWS_PER_TILE)],
                            out_hbm.at[1, pl.ds(row0, ROWS_PER_TILE)])

    return k(hr_flat, pidx, zrows)



def kernel(x, edge_index, edge_type, W0, S0, b0, W1, S1, b1, W2, S2, b2,
           W3, S3, b3):
    src, dst = edge_index[0], edge_index[1]
    gidx = edge_type * N + src
    pad = E_PAD - E
    gidx_p = jnp.concatenate([gidx, jnp.zeros((pad,), jnp.int32)])
    dst_p = jnp.concatenate([dst, jnp.full((pad,), N, jnp.int32)])
    pidx = gidx_p * 2**DST_BITS + dst_p
    zrows = jnp.zeros((ACC, H), jnp.float32)

    layers = ((W0, S0, b0), (W1, S1, b1), (W2, S2, b2), (W3, S3, b3))
    h = x
    agg = HR = None
    blast = None
    for l in range(4):
        W, S, b = layers[l]
        W9 = jnp.concatenate([W, S.reshape(1, D, D)], axis=0)
        HR = _hrk(h, W9)
        agg = _sc_scatter(HR.reshape(NC * R9N, H), pidx, zrows)
        blast = b.reshape(1, D)
        if l < 3:
            h = _prep(agg, HR, blast)
    out = _fin(agg, HR, blast)
    return out.reshape(1, 1, D)

# --- scband reference (transcript-rebuilt; emitter-appended) ---
"""Pipeline reference for scband-rgcn-34668976013329 (READ-ONLY COPY).

The authoritative reference and input builder live on the scoring server;
editing this copy changes nothing except your own understanding.
"""

import jax, jax.numpy as jnp
import numpy as np

N = 10000
E = 160000
R = 8
DIMS = [(256, 256), (256, 256), (256, 256), (256, 256)]

def setup_inputs(seed: int = 0):
    key = jax.random.key(seed)
    keys = jax.random.split(key, 3 + 3 * len(DIMS))
    inp = {}
    inp["x"] = jax.random.normal(keys[0], (N, DIMS[0][0]), dtype=jnp.float32)
    inp["edge_index"] = jax.random.randint(keys[1], (2, E), 0, N, dtype=jnp.int32)
    inp["edge_type"] = jax.random.randint(keys[2], (E,), 0, R, dtype=jnp.int32)
    for l, (din, dout) in enumerate(DIMS):
        std = (2.0 / (din + dout)) ** 0.5
        inp["W%d" % l] = jax.random.normal(keys[3 + 3 * l], (R, din, dout), dtype=jnp.float32) * std
        inp["S%d" % l] = jax.random.normal(keys[4 + 3 * l], (din, dout), dtype=jnp.float32) * std
        inp["b%d" % l] = jnp.zeros((dout,), dtype=jnp.float32)
    return inp

def _rel_layer(h, W, S, b, src, dst, etype):
    # per-relation transform of all nodes, then per-edge gather by (src, etype)
    hr = jnp.einsum('ni,rio->nro', h, W)
    msg = hr[src, etype]
    agg = jnp.zeros((h.shape[0], W.shape[2]), dtype=h.dtype).at[dst].add(msg)
    # DGL RelGraphConv: sum aggregation + self-loop + bias, then activation
    return jax.nn.relu(agg + h @ S + b)

def reference(x, edge_index, edge_type, W0, S0, b0, W1, S1, b1, W2, S2, b2, W3, S3, b3):
    src, dst = edge_index[0], edge_index[1]
    h = x
    for (W, S, b) in ((W0, S0, b0), (W1, S1, b1), (W2, S2, b2), (W3, S3, b3)):
        h = _rel_layer(h, W, S, b, src, dst, edge_type)
    out_dim = W3.shape[2]
    # SumPooling over a single graph: feat [N, 1, out_dim] -> [1, 1, out_dim]
    return h.reshape(N, -1, out_dim).sum(axis=0)[None]

if __name__ == "__main__":
    import jax
    _d = setup_inputs()
    print(jax.jit(kernel)(*tuple(_d.values())))

</pallas_src>

<mosaic_0001>
#map = affine_map<(d0, d1) -> (0, 0)>
#map1 = affine_map<(d0, d1) -> (0)>
#map2 = affine_map<(d0, d1) -> (0, 0, 0)>
module attributes {stable_mosaic.version = 14 : i64} {
  func.func @k(%arg0: i32, %arg1: i32, %arg2: memref<180000x128xf32, #tpu.memory_space<hbm>>, %arg3: memref<163840xi32, #tpu.memory_space<hbm>>, %arg4: memref<10112x128xf32, #tpu.memory_space<hbm>>, %arg5: memref<2x10112x128xf32, #tpu.memory_space<hbm>>, %arg6: memref<10240xi32, #tpu.memory_space<vmem>>, %arg7: memref<128xi32, #tpu.memory_space<vmem>>, %arg8: memref<128xi32, #tpu.memory_space<vmem>>, %arg9: memref<128xi32, #tpu.memory_space<vmem>>, %arg10: memref<128xi32, #tpu.memory_space<vmem>>, %arg11: memref<2x128x128xf32, #tpu.memory_space<vmem>>, %arg12: memref<10112x128xf32, #tpu.memory_space<vmem_shared>>, %arg13: memref<!tpu.dma_semaphore, #tpu.memory_space<semaphore_mem>>, %arg14: memref<!tpu.dma_semaphore, #tpu.memory_space<semaphore_mem>>) attributes {dimension_semantics = [#tpu.dimension_semantics<core_parallel>, #tpu.dimension_semantics<subcore_parallel>], iteration_bounds = array<i64: 2, 16>, scalar_prefetch = 0 : i64, scratch_operands = 9 : i64, tpu.core_type = #tpu.core_type<sc_vector_subcore>, window_params = [{transform_indices = #map}, {transform_indices = #map1}, {transform_indices = #map}, {transform_indices = #map2}]} {
    %mul3A = arith.constant 632 : i32
    %mul3A_0 = arith.muli %arg1, %mul3A : i32
    "tpu.region"() ({
      %run_scoped3A = tpu.sem_alloc : memref<!tpu.dma_semaphore, #tpu.memory_space<semaphore_mem>>
      %dma_start3A_332 = arith.constant 0 : i32
      %dma_start3A_333 = tpu.memref_slice %arg12[%mul3A_0, %dma_start3A_332] : memref<10112x128xf32, #tpu.memory_space<vmem_shared>> -> memref<632x128xf32, #tpu.memory_space<vmem_shared>>
      %dma_start3A_334 = arith.constant 0 : i32
      %dma_start3A_335 = tpu.memref_slice %arg4[%mul3A_0, %dma_start3A_334] : memref<10112x128xf32, #tpu.memory_space<hbm>> -> memref<632x128xf32, #tpu.memory_space<hbm>>
      tpu.enqueue_dma source(%dma_start3A_335 : memref<632x128xf32, #tpu.memory_space<hbm>>) target(%dma_start3A_333 : memref<632x128xf32, #tpu.memory_space<vmem_shared>>) target_semaphore(%run_scoped3A : memref<!tpu.dma_semaphore, #tpu.memory_space<semaphore_mem>>)
      %dma_wait3A = arith.constant 0 : i32
      %dma_wait3A_336 = tpu.memref_slice %arg12[%mul3A_0, %dma_wait3A] : memref<10112x128xf32, #tpu.memory_space<vmem_shared>> -> memref<632x128xf32, #tpu.memory_space<vmem_shared>>
      %dma_wait3A_337 = arith.constant 0 : i32
      %dma_wait3A_338 = tpu.memref_slice %arg4[%mul3A_0, %dma_wait3A_337] : memref<10112x128xf32, #tpu.memory_space<hbm>> -> memref<632x128xf32, #tpu.memory_space<hbm>>
      tpu.wait_dma2 semaphore(%run_scoped3A : memref<!tpu.dma_semaphore, #tpu.memory_space<semaphore_mem>>) src(%dma_wait3A_338 : memref<632x128xf32, #tpu.memory_space<hbm>>) dst(%dma_wait3A_336 : memref<632x128xf32, #tpu.memory_space<vmem_shared>>)
      tpu.yield
    }) : () -> ()
    %mul3A_1 = arith.constant 10240 : i32
    %mul3A_2 = arith.muli %arg1, %mul3A_1 : i32
    "tpu.region"() ({
      %run_scoped3A = tpu.sem_alloc : memref<!tpu.dma_semaphore, #tpu.memory_space<semaphore_mem>>
      %dma_start3A_332 = tpu.memref_slice %arg3[%mul3A_2] : memref<163840xi32, #tpu.memory_space<hbm>> -> memref<10240xi32, #tpu.memory_space<hbm>>
      %dma_start3A_333 = tpu.memref_slice %arg3[%mul3A_2] : memref<163840xi32, #tpu.memory_space<hbm>> -> memref<10240xi32, #tpu.memory_space<hbm>>
      tpu.enqueue_dma source(%dma_start3A_333 : memref<10240xi32, #tpu.memory_space<hbm>>) target(%arg6 : memref<10240xi32, #tpu.memory_space<vmem>>) target_semaphore(%run_scoped3A : memref<!tpu.dma_semaphore, #tpu.memory_space<semaphore_mem>>)
      %dma_wait3A = tpu.memref_slice %arg3[%mul3A_2] : memref<163840xi32, #tpu.memory_space<hbm>> -> memref<10240xi32, #tpu.memory_space<hbm>>
      %dma_wait3A_334 = tpu.memref_slice %arg3[%mul3A_2] : memref<163840xi32, #tpu.memory_space<hbm>> -> memref<10240xi32, #tpu.memory_space<hbm>>
      tpu.wait_dma2 semaphore(%run_scoped3A : memref<!tpu.dma_semaphore, #tpu.memory_space<semaphore_mem>>) src(%dma_wait3A_334 : memref<10240xi32, #tpu.memory_space<hbm>>) dst(%arg6 : memref<10240xi32, #tpu.memory_space<vmem>>)
      tpu.yield
    }) : () -> ()
    %mul3A_3 = arith.constant 90000 : i32
    %mul3A_4 = arith.muli %arg0, %mul3A_3 : i32
    %barrier3A = arith.constant 0 : index
    tpu.barrier barrier_id(%barrier3A)
    %get3A = arith.constant 0 : index
    %get3A_5 = tpu.vector_load %arg6[%get3A] {strides = array<i32>} : memref<10240xi32, #tpu.memory_space<vmem>>, vector<16xi32>,
    %get3A_6 = vector.shape_cast %get3A_5 : vector<16xi32> to vector<16xi32>
    %shift_right_arithmetic3A = arith.constant 14 : i32
    %shift_right_arithmetic3A_7 = vector.broadcast %shift_right_arithmetic3A : i32 to vector<16xi32>
    %shift_right_arithmetic3A_8 = arith.shrsi %get3A_6, %shift_right_arithmetic3A_7 : vector<16xi32>
    %add3A = vector.broadcast %mul3A_4 : i32 to vector<16xi32>
    %add3A_9 = arith.addi %shift_right_arithmetic3A_8, %add3A : vector<16xi32>
    %swap3A = arith.constant 0 : index
    %swap3A_10 = tpu.vector_load %arg7[%swap3A] {strides = array<i32>} : memref<128xi32, #tpu.memory_space<vmem>>, vector<16xi32>,
    %swap3A_11 = vector.shape_cast %swap3A_10 : vector<16xi32> to vector<16xi32>
    %swap3A_12 = vector.shape_cast %add3A_9 : vector<16xi32> to vector<16xi32>
    tpu.vector_store %arg7[%swap3A], %swap3A_12 {strides = array<i32>} : memref<128xi32, #tpu.memory_space<vmem>>, vector<16xi32>,
    %and3A = arith.constant 16383 : i32
    %and3A_13 = vector.broadcast %and3A : i32 to vector<16xi32>
    %and3A_14 = arith.andi %get3A_6, %and3A_13 : vector<16xi32>
    %swap3A_15 = arith.constant 0 : index
    %swap3A_16 = tpu.vector_load %arg9[%swap3A_15] {strides = array<i32>} : memref<128xi32, #tpu.memory_space<vmem>>, vector<16xi32>,
    %swap3A_17 = vector.shape_cast %swap3A_16 : vector<16xi32> to vector<16xi32>
    %swap3A_18 = vector.shape_cast %and3A_14 : vector<16xi32> to vector<16xi32>
    tpu.vector_store %arg9[%swap3A_15], %swap3A_18 {strides = array<i32>} : memref<128xi32, #tpu.memory_space<vmem>>, vector<16xi32>,
    %get3A_19 = arith.constant 16 : index
    %get3A_20 = tpu.vector_load %arg6[%get3A_19] {strides = array<i32>} : memref<10240xi32, #tpu.memory_space<vmem>>, vector<16xi32>,
    %get3A_21 = vector.shape_cast %get3A_20 : vector<16xi32> to vector<16xi32>
    %shift_right_arithmetic3A_22 = arith.constant 14 : i32
    %shift_right_arithmetic3A_23 = vector.broadcast %shift_right_arithmetic3A_22 : i32 to vector<16xi32>
    %shift_right_arithmetic3A_24 = arith.shrsi %get3A_21, %shift_right_arithmetic3A_23 : vector<16xi32>
    %add3A_25 = vector.broadcast %mul3A_4 : i32 to vector<16xi32>
    %add3A_26 = arith.addi %shift_right_arithmetic3A_24, %add3A_25 : vector<16xi32>
    %swap3A_27 = arith.constant 16 : index
    %swap3A_28 = tpu.vector_load %arg7[%swap3A_27] {strides = array<i32>} : memref<128xi32, #tpu.memory_space<vmem>>, vector<16xi32>,
    %swap3A_29 = vector.shape_cast %swap3A_28 : vector<16xi32> to vector<16xi32>
    %swap3A_30 = vector.shape_cast %add3A_26 : vector<16xi32> to vector<16xi32>
    tpu.vector_store %arg7[%swap3A_27], %swap3A_30 {strides = array<i32>} : memref<128xi32, #tpu.memory_space<vmem>>, vector<16xi32>,
    %and3A_31 = arith.constant 16383 : i32
    %and3A_32 = vector.broadcast %and3A_31 : i32 to vector<16xi32>
    %and3A_33 = arith.andi %get3A_21, %and3A_32 : vector<16xi32>
    %swap3A_34 = arith.constant 16 : index
    %swap3A_35 = tpu.vector_load %arg9[%swap3A_34] {strides = array<i32>} : memref<128xi32, #tpu.memory_space<vmem>>, vector<16xi32>,
    %swap3A_36 = vector.shape_cast %swap3A_35 : vector<16xi32> to vector<16xi32>
    %swap3A_37 = vector.shape_cast %and3A_33 : vector<16xi32> to vector<16xi32>
    tpu.vector_store %arg9[%swap3A_34], %swap3A_37 {strides = array<i32>} : memref<128xi32, #tpu.memory_space<vmem>>, vector<16xi32>,
    %get3A_38 = arith.constant 32 : index
    %get3A_39 = tpu.vector_load %arg6[%get3A_38] {strides = array<i32>} : memref<10240xi32, #tpu.memory_space<vmem>>, vector<16xi32>,
    %get3A_40 = vector.shape_cast %get3A_39 : vector<16xi32> to vector<16xi32>
    %shift_right_arithmetic3A_41 = arith.constant 14 : i32
    %shift_right_arithmetic3A_42 = vector.broadcast %shift_right_arithmetic3A_41 : i32 to vector<16xi32>
    %shift_right_arithmetic3A_43 = arith.shrsi %get3A_40, %shift_right_arithmetic3A_42 : vector<16xi32>
    %add3A_44 = vector.broadcast %mul3A_4 : i32 to vector<16xi32>
    %add3A_45 = arith.addi %shift_right_arithmetic3A_43, %add3A_44 : vector<16xi32>
    %swap3A_46 = arith.constant 32 : index
    %swap3A_47 = tpu.vector_load %arg7[%swap3A_46] {strides = array<i32>} : memref<128xi32, #tpu.memory_space<vmem>>, vector<16xi32>,
    %swap3A_48 = vector.shape_cast %swap3A_47 : vector<16xi32> to vector<16xi32>
    %swap3A_49 = vector.shape_cast %add3A_45 : vector<16xi32> to vector<16xi32>
    tpu.vector_store %arg7[%swap3A_46], %swap3A_49 {strides = array<i32>} : memref<128xi32, #tpu.memory_space<vmem>>, vector<16xi32>,
    %and3A_50 = arith.constant 16383 : i32
    %and3A_51 = vector.broadcast %and3A_50 : i32 to vector<16xi32>
    %and3A_52 = arith.andi %get3A_40, %and3A_51 : vector<16xi32>
    %swap3A_53 = arith.constant 32 : index
    %swap3A_54 = tpu.vector_load %arg9[%swap3A_53] {strides = array<i32>} : memref<128xi32, #tpu.memory_space<vmem>>, vector<16xi32>,
    %swap3A_55 = vector.shape_cast %swap3A_54 : vector<16xi32> to vector<16xi32>
    %swap3A_56 = vector.shape_cast %and3A_52 : vector<16xi32> to vector<16xi32>
    tpu.vector_store %arg9[%swap3A_53], %swap3A_56 {strides = array<i32>} : memref<128xi32, #tpu.memory_space<vmem>>, vector<16xi32>,
    %get3A_57 = arith.constant 48 : index
    %get3A_58 = tpu.vector_load %arg6[%get3A_57] {strides = array<i32>} : memref<10240xi32, #tpu.memory_space<vmem>>, vector<16xi32>,
    %get3A_59 = vector.shape_cast %get3A_58 : vector<16xi32> to vector<16xi32>
    %shift_right_arithmetic3A_60 = arith.constant 14 : i32
    %shift_right_arithmetic3A_61 = vector.broadcast %shift_right_arithmetic3A_60 : i32 to vector<16xi32>
    %shift_right_arithmetic3A_62 = arith.shrsi %get3A_59, %shift_right_arithmetic3A_61 : vector<16xi32>
    %add3A_63 = vector.broadcast %mul3A_4 : i32 to vector<16xi32>
    %add3A_64 = arith.addi %shift_right_arithmetic3A_62, %add3A_63 : vector<16xi32>
    %swap3A_65 = arith.constant 48 : index
    %swap3A_66 = tpu.vector_load %arg7[%swap3A_65] {strides = array<i32>} : memref<128xi32, #tpu.memory_space<vmem>>, vector<16xi32>,
    %swap3A_67 = vector.shape_cast %swap3A_66 : vector<16xi32> to vector<16xi32>
    %swap3A_68 = vector.shape_cast %add3A_64 : vector<16xi32> to vector<16xi32>
    tpu.vector_store %arg7[%swap3A_65], %swap3A_68 {strides = array<i32>} : memref<128xi32, #tpu.memory_space<vmem>>, vector<16xi32>,
    %and3A_69 = arith.constant 16383 : i32
    %and3A_70 = vector.broadcast %and3A_69 : i32 to vector<16xi32>
    %and3A_71 = arith.andi %get3A_59, %and3A_70 : vector<16xi32>
    %swap3A_72 = arith.constant 48 : index
    %swap3A_73 = tpu.vector_load %arg9[%swap3A_72] {strides = array<i32>} : memref<128xi32, #tpu.memory_space<vmem>>, vector<16xi32>,
    %swap3A_74 = vector.shape_cast %swap3A_73 : vector<16xi32> to vector<16xi32>
    %swap3A_75 = vector.shape_cast %and3A_71 : vector<16xi32> to vector<16xi32>
    tpu.vector_store %arg9[%swap3A_72], %swap3A_75 {strides = array<i32>} : memref<128xi32, #tpu.memory_space<vmem>>, vector<16xi32>,
    %get3A_76 = arith.constant 64 : index
    %get3A_77 = tpu.vector_load %arg6[%get3A_76] {strides = array<i32>} : memref<10240xi32, #tpu.memory_space<vmem>>, vector<16xi32>,
    %get3A_78 = vector.shape_cast %get3A_77 : vector<16xi32> to vector<16xi32>
    %shift_right_arithmetic3A_79 = arith.constant 14 : i32
    %shift_right_arithmetic3A_80 = vector.broadcast %shift_right_arithmetic3A_79 : i32 to vector<16xi32>
    %shift_right_arithmetic3A_81 = arith.shrsi %get3A_78, %shift_right_arithmetic3A_80 : vector<16xi32>
    %add3A_82 = vector.broadcast %mul3A_4 : i32 to vector<16xi32>
    %add3A_83 = arith.addi %shift_right_arithmetic3A_81, %add3A_82 : vector<16xi32>
    %swap3A_84 = arith.constant 64 : index
    %swap3A_85 = tpu.vector_load %arg7[%swap3A_84] {strides = array<i32>} : memref<128xi32, #tpu.memory_space<vmem>>, vector<16xi32>,
    %swap3A_86 = vector.shape_cast %swap3A_85 : vector<16xi32> to vector<16xi32>
    %swap3A_87 = vector.shape_cast %add3A_83 : vector<16xi32> to vector<16xi32>
    tpu.vector_store %arg7[%swap3A_84], %swap3A_87 {strides = array<i32>} : memref<128xi32, #tpu.memory_space<vmem>>, vector<16xi32>,
    %and3A_88 = arith.constant 16383 : i32
    %and3A_89 = vector.broadcast %and3A_88 : i32 to vector<16xi32>
    %and3A_90 = arith.andi %get3A_78, %and3A_89 : vector<16xi32>
    %swap3A_91 = arith.constant 64 : index
    %swap3A_92 = tpu.vector_load %arg9[%swap3A_91] {strides = array<i32>} : memref<128xi32, #tpu.memory_space<vmem>>, vector<16xi32>,
    %swap3A_93 = vector.shape_cast %swap3A_92 : vector<16xi32> to vector<16xi32>
    %swap3A_94 = vector.shape_cast %and3A_90 : vector<16xi32> to vector<16xi32>
    tpu.vector_store %arg9[%swap3A_91], %swap3A_94 {strides = array<i32>} : memref<128xi32, #tpu.memory_space<vmem>>, vector<16xi32>,
    %get3A_95 = arith.constant 80 : index
    %get3A_96 = tpu.vector_load %arg6[%get3A_95] {strides = array<i32>} : memref<10240xi32, #tpu.memory_space<vmem>>, vector<16xi32>,
    %get3A_97 = vector.shape_cast %get3A_96 : vector<16xi32> to vector<16xi32>
    %shift_right_arithmetic3A_98 = arith.constant 14 : i32
    %shift_right_arithmetic3A_99 = vector.broadcast %shift_right_arithmetic3A_98 : i32 to vector<16xi32>
    %shift_right_arithmetic3A_100 = arith.shrsi %get3A_97, %shift_right_arithmetic3A_99 : vector<16xi32>
    %add3A_101 = vector.broadcast %mul3A_4 : i32 to vector<16xi32>
    %add3A_102 = arith.addi %shift_right_arithmetic3A_100, %add3A_101 : vector<16xi32>
    %swap3A_103 = arith.constant 80 : index
    %swap3A_104 = tpu.vector_load %arg7[%swap3A_103] {strides = array<i32>} : memref<128xi32, #tpu.memory_space<vmem>>, vector<16xi32>,
    %swap3A_105 = vector.shape_cast %swap3A_104 : vector<16xi32> to vector<16xi32>
    %swap3A_106 = vector.shape_cast %add3A_102 : vector<16xi32> to vector<16xi32>
    tpu.vector_store %arg7[%swap3A_103], %swap3A_106 {strides = array<i32>} : memref<128xi32, #tpu.memory_space<vmem>>, vector<16xi32>,
    %and3A_107 = arith.constant 16383 : i32
    %and3A_108 = vector.broadcast %and3A_107 : i32 to vector<16xi32>
    %and3A_109 = arith.andi %get3A_97, %and3A_108 : vector<16xi32>
    %swap3A_110 = arith.constant 80 : index
    %swap3A_111 = tpu.vector_load %arg9[%swap3A_110] {strides = array<i32>} : memref<128xi32, #tpu.memory_space<vmem>>, vector<16xi32>,
    %swap3A_112 = vector.shape_cast %swap3A_111 : vector<16xi32> to vector<16xi32>
    %swap3A_113 = vector.shape_cast %and3A_109 : vector<16xi32> to vector<16xi32>
    tpu.vector_store %arg9[%swap3A_110], %swap3A_113 {strides = array<i32>} : memref<128xi32, #tpu.memory_space<vmem>>, vector<16xi32>,
    %get3A_114 = arith.constant 96 : index
    %get3A_115 = tpu.vector_load %arg6[%get3A_114] {strides = array<i32>} : memref<10240xi32, #tpu.memory_space<vmem>>, vector<16xi32>,
    %get3A_116 = vector.shape_cast %get3A_115 : vector<16xi32> to vector<16xi32>
    %shift_right_arithmetic3A_117 = arith.constant 14 : i32
    %shift_right_arithmetic3A_118 = vector.broadcast %shift_right_arithmetic3A_117 : i32 to vector<16xi32>
    %shift_right_arithmetic3A_119 = arith.shrsi %get3A_116, %shift_right_arithmetic3A_118 : vector<16xi32>
    %add3A_120 = vector.broadcast %mul3A_4 : i32 to vector<16xi32>
    %add3A_121 = arith.addi %shift_right_arithmetic3A_119, %add3A_120 : vector<16xi32>
    %swap3A_122 = arith.constant 96 : index
    %swap3A_123 = tpu.vector_load %arg7[%swap3A_122] {strides = array<i32>} : memref<128xi32, #tpu.memory_space<vmem>>, vector<16xi32>,
    %swap3A_124 = vector.shape_cast %swap3A_123 : vector<16xi32> to vector<16xi32>
    %swap3A_125 = vector.shape_cast %add3A_121 : vector<16xi32> to vector<16xi32>
    tpu.vector_store %arg7[%swap3A_122], %swap3A_125 {strides = array<i32>} : memref<128xi32, #tpu.memory_space<vmem>>, vector<16xi32>,
    %and3A_126 = arith.constant 16383 : i32
    %and3A_127 = vector.broadcast %and3A_126 : i32 to vector<16xi32>
    %and3A_128 = arith.andi %get3A_116, %and3A_127 : vector<16xi32>
    %swap3A_129 = arith.constant 96 : index
    %swap3A_130 = tpu.vector_load %arg9[%swap3A_129] {strides = array<i32>} : memref<128xi32, #tpu.memory_space<vmem>>, vector<16xi32>,
    %swap3A_131 = vector.shape_cast %swap3A_130 : vector<16xi32> to vector<16xi32>
    %swap3A_132 = vector.shape_cast %and3A_128 : vector<16xi32> to vector<16xi32>
    tpu.vector_store %arg9[%swap3A_129], %swap3A_132 {strides = array<i32>} : memref<128xi32, #tpu.memory_space<vmem>>, vector<16xi32>,
    %get3A_133 = arith.constant 112 : index
    %get3A_134 = tpu.vector_load %arg6[%get3A_133] {strides = array<i32>} : memref<10240xi32, #tpu.memory_space<vmem>>, vector<16xi32>,
    %get3A_135 = vector.shape_cast %get3A_134 : vector<16xi32> to vector<16xi32>
    %shift_right_arithmetic3A_136 = arith.constant 14 : i32
    %shift_right_arithmetic3A_137 = vector.broadcast %shift_right_arithmetic3A_136 : i32 to vector<16xi32>
    %shift_right_arithmetic3A_138 = arith.shrsi %get3A_135, %shift_right_arithmetic3A_137 : vector<16xi32>
    %add3A_139 = vector.broadcast %mul3A_4 : i32 to vector<16xi32>
    %add3A_140 = arith.addi %shift_right_arithmetic3A_138, %add3A_139 : vector<16xi32>
    %swap3A_141 = arith.constant 112 : index
    %swap3A_142 = tpu.vector_load %arg7[%swap3A_141] {strides = array<i32>} : memref<128xi32, #tpu.memory_space<vmem>>, vector<16xi32>,
    %swap3A_143 = vector.shape_cast %swap3A_142 : vector<16xi32> to vector<16xi32>
    %swap3A_144 = vector.shape_cast %add3A_140 : vector<16xi32> to vector<16xi32>
    tpu.vector_store %arg7[%swap3A_141], %swap3A_144 {strides = array<i32>} : memref<128xi32, #tpu.memory_space<vmem>>, vector<16xi32>,
    %and3A_145 = arith.constant 16383 : i32
    %and3A_146 = vector.broadcast %and3A_145 : i32 to vector<16xi32>
    %and3A_147 = arith.andi %get3A_135, %and3A_146 : vector<16xi32>
    %swap3A_148 = arith.constant 112 : index
    %swap3A_149 = tpu.vector_load %arg9[%swap3A_148] {strides = array<i32>} : memref<128xi32, #tpu.memory_space<vmem>>, vector<16xi32>,
    %swap3A_150 = vector.shape_cast %swap3A_149 : vector<16xi32> to vector<16xi32>
    %swap3A_151 = vector.shape_cast %and3A_147 : vector<16xi32> to vector<16xi32>
    tpu.vector_store %arg9[%swap3A_148], %swap3A_151 {strides = array<i32>} : memref<128xi32, #tpu.memory_space<vmem>>, vector<16xi32>,
    %get3A_152 = arith.constant 128 : index
    %get3A_153 = tpu.vector_load %arg6[%get3A_152] {strides = array<i32>} : memref<10240xi32, #tpu.memory_space<vmem>>, vector<16xi32>,
    %get3A_154 = vector.shape_cast %get3A_153 : vector<16xi32> to vector<16xi32>
    %shift_right_arithmetic3A_155 = arith.constant 14 : i32
    %shift_right_arithmetic3A_156 = vector.broadcast %shift_right_arithmetic3A_155 : i32 to vector<16xi32>
    %shift_right_arithmetic3A_157 = arith.shrsi %get3A_154, %shift_right_arithmetic3A_156 : vector<16xi32>
    %add3A_158 = vector.broadcast %mul3A_4 : i32 to vector<16xi32>
    %add3A_159 = arith.addi %shift_right_arithmetic3A_157, %add3A_158 : vector<16xi32>
    %swap3A_160 = arith.constant 0 : index
    %swap3A_161 = tpu.vector_load %arg8[%swap3A_160] {strides = array<i32>} : memref<128xi32, #tpu.memory_space<vmem>>, vector<16xi32>,
    %swap3A_162 = vector.shape_cast %swap3A_161 : vector<16xi32> to vector<16xi32>
    %swap3A_163 = vector.shape_cast %add3A_159 : vector<16xi32> to vector<16xi32>
    tpu.vector_store %arg8[%swap3A_160], %swap3A_163 {strides = array<i32>} : memref<128xi32, #tpu.memory_space<vmem>>, vector<16xi32>,
    %and3A_164 = arith.constant 16383 : i32
    %and3A_165 = vector.broadcast %and3A_164 : i32 to vector<16xi32>
    %and3A_166 = arith.andi %get3A_154, %and3A_165 : vector<16xi32>
    %swap3A_167 = arith.constant 0 : index
    %swap3A_168 = tpu.vector_load %arg10[%swap3A_167] {strides = array<i32>} : memref<128xi32, #tpu.memory_space<vmem>>, vector<16xi32>,
    %swap3A_169 = vector.shape_cast %swap3A_168 : vector<16xi32> to vector<16xi32>
    %swap3A_170 = vector.shape_cast %and3A_166 : vector<16xi32> to vector<16xi32>
    tpu.vector_store %arg10[%swap3A_167], %swap3A_170 {strides = array<i32>} : memref<128xi32, #tpu.memory_space<vmem>>, vector<16xi32>,
    %get3A_171 = arith.constant 144 : index
    %get3A_172 = tpu.vector_load %arg6[%get3A_171] {strides = array<i32>} : memref<10240xi32, #tpu.memory_space<vmem>>, vector<16xi32>,
    %get3A_173 = vector.shape_cast %get3A_172 : vector<16xi32> to vector<16xi32>
    %shift_right_arithmetic3A_174 = arith.constant 14 : i32
    %shift_right_arithmetic3A_175 = vector.broadcast %shift_right_arithmetic3A_174 : i32 to vector<16xi32>
    %shift_right_arithmetic3A_176 = arith.shrsi %get3A_173, %shift_right_arithmetic3A_175 : vector<16xi32>
    %add3A_177 = vector.broadcast %mul3A_4 : i32 to vector<16xi32>
    %add3A_178 = arith.addi %shift_right_arithmetic3A_176, %add3A_177 : vector<16xi32>
    %swap3A_179 = arith.constant 16 : index
    %swap3A_180 = tpu.vector_load %arg8[%swap3A_179] {strides = array<i32>} : memref<128xi32, #tpu.memory_space<vmem>>, vector<16xi32>,
    %swap3A_181 = vector.shape_cast %swap3A_180 : vector<16xi32> to vector<16xi32>
    %swap3A_182 = vector.shape_cast %add3A_178 : vector<16xi32> to vector<16xi32>
    tpu.vector_store %arg8[%swap3A_179], %swap3A_182 {strides = array<i32>} : memref<128xi32, #tpu.memory_space<vmem>>, vector<16xi32>,
    %and3A_183 = arith.constant 16383 : i32
    %and3A_184 = vector.broadcast %and3A_183 : i32 to vector<16xi32>
    %and3A_185 = arith.andi %get3A_173, %and3A_184 : vector<16xi32>
    %swap3A_186 = arith.constant 16 : index
    %swap3A_187 = tpu.vector_load %arg10[%swap3A_186] {strides = array<i32>} : memref<128xi32, #tpu.memory_space<vmem>>, vector<16xi32>,
    %swap3A_188 = vector.shape_cast %swap3A_187 : vector<16xi32> to vector<16xi32>
    %swap3A_189 = vector.shape_cast %and3A_185 : vector<16xi32> to vector<16xi32>
    tpu.vector_store %arg10[%swap3A_186], %swap3A_189 {strides = array<i32>} : memref<128xi32, #tpu.memory_space<vmem>>, vector<16xi32>,
    %get3A_190 = arith.constant 160 : index
    %get3A_191 = tpu.vector_load %arg6[%get3A_190] {strides = array<i32>} : memref<10240xi32, #tpu.memory_space<vmem>>, vector<16xi32>,
    %get3A_192 = vector.shape_cast %get3A_191 : vector<16xi32> to vector<16xi32>
    %shift_right_arithmetic3A_193 = arith.constant 14 : i32
    %shift_right_arithmetic3A_194 = vector.broadcast %shift_right_arithmetic3A_193 : i32 to vector<16xi32>
    %shift_right_arithmetic3A_195 = arith.shrsi %get3A_192, %shift_right_arithmetic3A_194 : vector<16xi32>
    %add3A_196 = vector.broadcast %mul3A_4 : i32 to vector<16xi32>
    %add3A_197 = arith.addi %shift_right_arithmetic3A_195, %add3A_196 : vector<16xi32>
    %swap3A_198 = arith.constant 32 : index
    %swap3A_199 = tpu.vector_load %arg8[%swap3A_198] {strides = array<i32>} : memref<128xi32, #tpu.memory_space<vmem>>, vector<16xi32>,
    %swap3A_200 = vector.shape_cast %swap3A_199 : vector<16xi32> to vector<16xi32>
    %swap3A_201 = vector.shape_cast %add3A_197 : vector<16xi32> to vector<16xi32>
    tpu.vector_store %arg8[%swap3A_198], %swap3A_201 {strides = array<i32>} : memref<128xi32, #tpu.memory_space<vmem>>, vector<16xi32>,
    %and3A_202 = arith.constant 16383 : i32
    %and3A_203 = vector.broadcast %and3A_202 : i32 to vector<16xi32>
    %and3A_204 = arith.andi %get3A_192, %and3A_203 : vector<16xi32>
    %swap3A_205 = arith.constant 32 : index
    %swap3A_206 = tpu.vector_load %arg10[%swap3A_205] {strides = array<i32>} : memref<128xi32, #tpu.memory_space<vmem>>, vector<16xi32>,
    %swap3A_207 = vector.shape_cast %swap3A_206 : vector<16xi32> to vector<16xi32>
    %swap3A_208 = vector.shape_cast %and3A_204 : vector<16xi32> to vector<16xi32>
    tpu.vector_store %arg10[%swap3A_205], %swap3A_208 {strides = array<i32>} : memref<128xi32, #tpu.memory_space<vmem>>, vector<16xi32>,
    %get3A_209 = arith.constant 176 : index
    %get3A_210 = tpu.vector_load %arg6[%get3A_209] {strides = array<i32>} : memref<10240xi32, #tpu.memory_space<vmem>>, vector<16xi32>,
    %get3A_211 = vector.shape_cast %get3A_210 : vector<16xi32> to vector<16xi32>
    %shift_right_arithmetic3A_212 = arith.constant 14 : i32
    %shift_right_arithmetic3A_213 = vector.broadcast %shift_right_arithmetic3A_212 : i32 to vector<16xi32>
    %shift_right_arithmetic3A_214 = arith.shrsi %get3A_211, %shift_right_arithmetic3A_213 : vector<16xi32>
    %add3A_215 = vector.broadcast %mul3A_4 : i32 to vector<16xi32>
    %add3A_216 = arith.addi %shift_right_arithmetic3A_214, %add3A_215 : vector<16xi32>
    %swap3A_217 = arith.constant 48 : index
    %swap3A_218 = tpu.vector_load %arg8[%swap3A_217] {strides = array<i32>} : memref<128xi32, #tpu.memory_space<vmem>>, vector<16xi32>,
    %swap3A_219 = vector.shape_cast %swap3A_218 : vector<16xi32> to vector<16xi32>
    %swap3A_220 = vector.shape_cast %add3A_216 : vector<16xi32> to vector<16xi32>
    tpu.vector_store %arg8[%swap3A_217], %swap3A_220 {strides = array<i32>} : memref<128xi32, #tpu.memory_space<vmem>>, vector<16xi32>,
    %and3A_221 = arith.constant 16383 : i32
    %and3A_222 = vector.broadcast %and3A_221 : i32 to vector<16xi32>
    %and3A_223 = arith.andi %get3A_211, %and3A_222 : vector<16xi32>
    %swap3A_224 = arith.constant 48 : index
    %swap3A_225 = tpu.vector_load %arg10[%swap3A_224] {strides = array<i32>} : memref<128xi32, #tpu.memory_space<vmem>>, vector<16xi32>,
    %swap3A_226 = vector.shape_cast %swap3A_225 : vector<16xi32> to vector<16xi32>
    %swap3A_227 = vector.shape_cast %and3A_223 : vector<16xi32> to vector<16xi32>
    tpu.vector_store %arg10[%swap3A_224], %swap3A_227 {strides = array<i32>} : memref<128xi32, #tpu.memory_space<vmem>>, vector<16xi32>,
    %get3A_228 = arith.constant 192 : index
    %get3A_229 = tpu.vector_load %arg6[%get3A_228] {strides = array<i32>} : memref<10240xi32, #tpu.memory_space<vmem>>, vector<16xi32>,
    %get3A_230 = vector.shape_cast %get3A_229 : vector<16xi32> to vector<16xi32>
    %shift_right_arithmetic3A_231 = arith.constant 14 : i32
    %shift_right_arithmetic3A_232 = vector.broadcast %shift_right_arithmetic3A_231 : i32 to vector<16xi32>
    %shift_right_arithmetic3A_233 = arith.shrsi %get3A_230, %shift_right_arithmetic3A_232 : vector<16xi32>
    %add3A_234 = vector.broadcast %mul3A_4 : i32 to vector<16xi32>
    %add3A_235 = arith.addi %shift_right_arithmetic3A_233, %add3A_234 : vector<16xi32>
    %swap3A_236 = arith.constant 64 : index
    %swap3A_237 = tpu.vector_load %arg8[%swap3A_236] {strides = array<i32>} : memref<128xi32, #tpu.memory_space<vmem>>, vector<16xi32>,
    %swap3A_238 = vector.shape_cast %swap3A_237 : vector<16xi32> to vector<16xi32>
    %swap3A_239 = vector.shape_cast %add3A_235 : vector<16xi32> to vector<16xi32>
    tpu.vector_store %arg8[%swap3A_236], %swap3A_239 {strides = array<i32>} : memref<128xi32, #tpu.memory_space<vmem>>, vector<16xi32>,
    %and3A_240 = arith.constant 16383 : i32
    %and3A_241 = vector.broadcast %and3A_240 : i32 to vector<16xi32>
    %and3A_242 = arith.andi %get3A_230, %and3A_241 : vector<16xi32>
    %swap3A_243 = arith.constant 64 : index
    %swap3A_244 = tpu.vector_load %arg10[%swap3A_243] {strides = array<i32>} : memref<128xi32, #tpu.memory_space<vmem>>, vector<16xi32>,
    %swap3A_245 = vector.shape_cast %swap3A_244 : vector<16xi32> to vector<16xi32>
    %swap3A_246 = vector.shape_cast %and3A_242 : vector<16xi32> to vector<16xi32>
    tpu.vector_store %arg10[%swap3A_243], %swap3A_246 {strides = array<i32>} : memref<128xi32, #tpu.memory_space<vmem>>, vector<16xi32>,
    %get3A_247 = arith.constant 208 : index
    %get3A_248 = tpu.vector_load %arg6[%get3A_247] {strides = array<i32>} : memref<10240xi32, #tpu.memory_space<vmem>>, vector<16xi32>,
    %get3A_249 = vector.shape_cast %get3A_248 : vector<16xi32> to vector<16xi32>
    %shift_right_arithmetic3A_250 = arith.constant 14 : i32
    %shift_right_arithmetic3A_251 = vector.broadcast %shift_right_arithmetic3A_250 : i32 to vector<16xi32>
    %shift_right_arithmetic3A_252 = arith.shrsi %get3A_249, %shift_right_arithmetic3A_251 : vector<16xi32>
    %add3A_253 = vector.broadcast %mul3A_4 : i32 to vector<16xi32>
    %add3A_254 = arith.addi %shift_right_arithmetic3A_252, %add3A_253 : vector<16xi32>
    %swap3A_255 = arith.constant 80 : index
    %swap3A_256 = tpu.vector_load %arg8[%swap3A_255] {strides = array<i32>} : memref<128xi32, #tpu.memory_space<vmem>>, vector<16xi32>,
    %swap3A_257 = vector.shape_cast %swap3A_256 : vector<16xi32> to vector<16xi32>
    %swap3A_258 = vector.shape_cast %add3A_254 : vector<16xi32> to vector<16xi32>
    tpu.vector_store %arg8[%swap3A_255], %swap3A_258 {strides = array<i32>} : memref<128xi32, #tpu.memory_space<vmem>>, vector<16xi32>,
    %and3A_259 = arith.constant 16383 : i32
    %and3A_260 = vector.broadcast %and3A_259 : i32 to vector<16xi32>
    %and3A_261 = arith.andi %get3A_249, %and3A_260 : vector<16xi32>
    %swap3A_262 = arith.constant 80 : index
    %swap3A_263 = tpu.vector_load %arg10[%swap3A_262] {strides = array<i32>} : memref<128xi32, #tpu.memory_space<vmem>>, vector<16xi32>,
    %swap3A_264 = vector.shape_cast %swap3A_263 : vector<16xi32> to vector<16xi32>
    %swap3A_265 = vector.shape_cast %and3A_261 : vector<16xi32> to vector<16xi32>
    tpu.vector_store %arg10[%swap3A_262], %swap3A_265 {strides = array<i32>} : memref<128xi32, #tpu.memory_space<vmem>>, vector<16xi32>,
    %get3A_266 = arith.constant 224 : index
    %get3A_267 = tpu.vector_load %arg6[%get3A_266] {strides = array<i32>} : memref<10240xi32, #tpu.memory_space<vmem>>, vector<16xi32>,
    %get3A_268 = vector.shape_cast %get3A_267 : vector<16xi32> to vector<16xi32>
    %shift_right_arithmetic3A_269 = arith.constant 14 : i32
    %shift_right_arithmetic3A_270 = vector.broadcast %shift_right_arithmetic3A_269 : i32 to vector<16xi32>
    %shift_right_arithmetic3A_271 = arith.shrsi %get3A_268, %shift_right_arithmetic3A_270 : vector<16xi32>
    %add3A_272 = vector.broadcast %mul3A_4 : i32 to vector<16xi32>
    %add3A_273 = arith.addi %shift_right_arithmetic3A_271, %add3A_272 : vector<16xi32>
    %swap3A_274 = arith.constant 96 : index
    %swap3A_275 = tpu.vector_load %arg8[%swap3A_274] {strides = array<i32>} : memref<128xi32, #tpu.memory_space<vmem>>, vector<16xi32>,
    %swap3A_276 = vector.shape_cast %swap3A_275 : vector<16xi32> to vector<16xi32>
    %swap3A_277 = vector.shape_cast %add3A_273 : vector<16xi32> to vector<16xi32>
    tpu.vector_store %arg8[%swap3A_274], %swap3A_277 {strides = array<i32>} : memref<128xi32, #tpu.memory_space<vmem>>, vector<16xi32>,
    %and3A_278 = arith.constant 16383 : i32
    %and3A_279 = vector.broadcast %and3A_278 : i32 to vector<16xi32>
    %and3A_280 = arith.andi %get3A_268, %and3A_279 : vector<16xi32>
    %swap3A_281 = arith.constant 96 : index
    %swap3A_282 = tpu.vector_load %arg10[%swap3A_281] {strides = array<i32>} : memref<128xi32, #tpu.memory_space<vmem>>, vector<16xi32>,
    %swap3A_283 = vector.shape_cast %swap3A_282 : vector<16xi32> to vector<16xi32>
    %swap3A_284 = vector.shape_cast %and3A_280 : vector<16xi32> to vector<16xi32>
    tpu.vector_store %arg10[%swap3A_281], %swap3A_284 {strides = array<i32>} : memref<128xi32, #tpu.memory_space<vmem>>, vector<16xi32>,
    %get3A_285 = arith.constant 240 : index
    %get3A_286 = tpu.vector_load %arg6[%get3A_285] {strides = array<i32>} : memref<10240xi32, #tpu.memory_space<vmem>>, vector<16xi32>,
    %get3A_287 = vector.shape_cast %get3A_286 : vector<16xi32> to vector<16xi32>
    %shift_right_arithmetic3A_288 = arith.constant 14 : i32
    %shift_right_arithmetic3A_289 = vector.broadcast %shift_right_arithmetic3A_288 : i32 to vector<16xi32>
    %shift_right_arithmetic3A_290 = arith.shrsi %get3A_287, %shift_right_arithmetic3A_289 : vector<16xi32>
    %add3A_291 = vector.broadcast %mul3A_4 : i32 to vector<16xi32>
    %add3A_292 = arith.addi %shift_right_arithmetic3A_290, %add3A_291 : vector<16xi32>
    %swap3A_293 = arith.constant 112 : index
    %swap3A_294 = tpu.vector_load %arg8[%swap3A_293] {strides = array<i32>} : memref<128xi32, #tpu.memory_space<vmem>>, vector<16xi32>,
    %swap3A_295 = vector.shape_cast %swap3A_294 : vector<16xi32> to vector<16xi32>
    %swap3A_296 = vector.shape_cast %add3A_292 : vector<16xi32> to vector<16xi32>
    tpu.vector_store %arg8[%swap3A_293], %swap3A_296 {strides = array<i32>} : memref<128xi32, #tpu.memory_space<vmem>>, vector<16xi32>,
    %and3A_297 = arith.constant 16383 : i32
    %and3A_298 = vector.broadcast %and3A_297 : i32 to vector<16xi32>
    %and3A_299 = arith.andi %get3A_287, %and3A_298 : vector<16xi32>
    %swap3A_300 = arith.constant 112 : index
    %swap3A_301 = tpu.vector_load %arg10[%swap3A_300] {strides = array<i32>} : memref<128xi32, #tpu.memory_space<vmem>>, vector<16xi32>,
    %swap3A_302 = vector.shape_cast %swap3A_301 : vector<16xi32> to vector<16xi32>
    %swap3A_303 = vector.shape_cast %and3A_299 : vector<16xi32> to vector<16xi32>
    tpu.vector_store %arg10[%swap3A_300], %swap3A_303 {strides = array<i32>} : memref<128xi32, #tpu.memory_space<vmem>>, vector<16xi32>,
    %dma_start3A = arith.constant 0 : i32
    %dma_start3A_304 = arith.constant 0 : i32
    %dma_start3A_305 = arith.constant 0 : i32
    %dma_start3A_306 = tpu.memref_slice %arg11[%dma_start3A, %dma_start3A_304, %dma_start3A_305] : memref<2x128x128xf32, #tpu.memory_space<vmem>> -> memref<1x128x128xf32, #tpu.memory_space<vmem>>
    %dma_start3A_307 = tpu.memref_squeeze %dma_start3A_306 : memref<1x128x128xf32, #tpu.memory_space<vmem>> -> memref<128x128xf32, #tpu.memory_space<vmem>>
    %dma_start3A_308 = arith.constant 0 : i32
    %dma_start3A_309 = arith.constant 0 : i32
    %dma_start3A_310 = tpu.memref_slice %arg2[%dma_start3A_308, %dma_start3A_309] : memref<180000x128xf32, #tpu.memory_space<hbm>> -> memref<180000x128xf32, #tpu.memory_space<hbm>>
    tpu.enqueue_indirect_dma source(%dma_start3A_310 : memref<180000x128xf32, #tpu.memory_space<hbm>>) target(%dma_start3A_307 : memref<128x128xf32, #tpu.memory_space<vmem>>) offsets(%arg7 : memref<128xi32, #tpu.memory_space<vmem>>) semaphore(%arg13 : memref<!tpu.dma_semaphore, #tpu.memory_space<semaphore_mem>>)
    %dma_start3A_311 = arith.constant 1 : i32
    %dma_start3A_312 = arith.constant 0 : i32
    %dma_start3A_313 = arith.constant 0 : i32
    %dma_start3A_314 = tpu.memref_slice %arg11[%dma_start3A_311, %dma_start3A_312, %dma_start3A_313] : memref<2x128x128xf32, #tpu.memory_space<vmem>> -> memref<1x128x128xf32, #tpu.memory_space<vmem>>
    %dma_start3A_315 = tpu.memref_squeeze %dma_start3A_314 : memref<1x128x128xf32, #tpu.memory_space<vmem>> -> memref<128x128xf32, #tpu.memory_space<vmem>>
    %dma_start3A_316 = arith.constant 0 : i32
    %dma_start3A_317 = arith.constant 0 : i32
    %dma_start3A_318 = tpu.memref_slice %arg2[%dma_start3A_316, %dma_start3A_317] : memref<180000x128xf32, #tpu.memory_space<hbm>> -> memref<180000x128xf32, #tpu.memory_space<hbm>>
    tpu.enqueue_indirect_dma source(%dma_start3A_318 : memref<180000x128xf32, #tpu.memory_space<hbm>>) target(%dma_start3A_315 : memref<128x128xf32, #tpu.memory_space<vmem>>) offsets(%arg8 : memref<128xi32, #tpu.memory_space<vmem>>) semaphore(%arg14 : memref<!tpu.dma_semaphore, #tpu.memory_space<semaphore_mem>>)
    %scan3A = arith.constant 0 : i32
    %scan3A_319 = arith.constant 0 : i32
    %scan3A_320 = arith.constant 40 : i32
    %scan3A_321 = arith.addi %scan3A_319, %scan3A_320 : i32
    %scan3A_322 = arith.constant 1 : i32
    scf.for %scan3A_332 = %scan3A_319 to %scan3A_321 step %scan3A_322  : i32 {
      %mul3A_333 = arith.constant 2 : i32
      %mul3A_334 = arith.muli %mul3A_333, %scan3A_332 : i32
      %dma_wait3A = arith.constant 0 : i32
      %dma_wait3A_335 = arith.constant 0 : i32
      %dma_wait3A_336 = arith.constant 0 : i32
      %dma_wait3A_337 = tpu.memref_slice %arg11[%dma_wait3A, %dma_wait3A_335, %dma_wait3A_336] : memref<2x128x128xf32, #tpu.memory_space<vmem>> -> memref<1x128x128xf32, #tpu.memory_space<vmem>>
      %dma_wait3A_338 = tpu.memref_squeeze %dma_wait3A_337 : memref<1x128x128xf32, #tpu.memory_space<vmem>> -> memref<128x128xf32, #tpu.memory_space<vmem>>
      %dma_wait3A_339 = arith.constant 0 : i32
      %dma_wait3A_340 = arith.constant 0 : i32
      %dma_wait3A_341 = tpu.memref_slice %arg2[%dma_wait3A_339, %dma_wait3A_340] : memref<180000x128xf32, #tpu.memory_space<hbm>> -> memref<180000x128xf32, #tpu.memory_space<hbm>>
      tpu.wait_indirect_dma semaphore(%arg13 : memref<!tpu.dma_semaphore, #tpu.memory_space<semaphore_mem>>) src(%dma_wait3A_341 : memref<180000x128xf32, #tpu.memory_space<hbm>>) dst(%dma_wait3A_338 : memref<128x128xf32, #tpu.memory_space<vmem>>)
      %run_scoped3A = arith.constant 0 : i32
      "tpu.region"() ({
        %run_scoped3A_360 = tpu.sem_alloc : memref<!tpu.dma_semaphore, #tpu.memory_space<semaphore_mem>>
        %dma_start3A_361 = arith.constant 0 : i32
        %dma_start3A_362 = arith.constant 0 : i32
        %dma_start3A_363 = tpu.memref_slice %arg11[%run_scoped3A, %dma_start3A_361, %dma_start3A_362] : memref<2x128x128xf32, #tpu.memory_space<vmem>> -> memref<1x128x128xf32, #tpu.memory_space<vmem>>
        %dma_start3A_364 = tpu.memref_squeeze %dma_start3A_363 : memref<1x128x128xf32, #tpu.memory_space<vmem>> -> memref<128x128xf32, #tpu.memory_space<vmem>>
        %dma_start3A_365 = arith.constant 0 : i32
        %dma_start3A_366 = arith.constant 0 : i32
        %dma_start3A_367 = tpu.memref_slice %arg12[%dma_start3A_365, %dma_start3A_366] : memref<10112x128xf32, #tpu.memory_space<vmem_shared>> -> memref<10112x128xf32, #tpu.memory_space<vmem_shared>>
        tpu.enqueue_indirect_dma source(%dma_start3A_364 : memref<128x128xf32, #tpu.memory_space<vmem>>) target(%dma_start3A_367 : memref<10112x128xf32, #tpu.memory_space<vmem_shared>>) offsets(%arg9 : memref<128xi32, #tpu.memory_space<vmem>>) semaphore(%run_scoped3A_360 : memref<!tpu.dma_semaphore, #tpu.memory_space<semaphore_mem>>) {add = true}
        %dma_wait3A_368 = arith.constant 0 : i32
        %dma_wait3A_369 = arith.constant 0 : i32
        %dma_wait3A_370 = tpu.memref_slice %arg11[%run_scoped3A, %dma_wait3A_368, %dma_wait3A_369] : memref<2x128x128xf32, #tpu.memory_space<vmem>> -> memref<1x128x128xf32, #tpu.memory_space<vmem>>
        %dma_wait3A_371 = tpu.memref_squeeze %dma_wait3A_370 : memref<1x128x128xf32, #tpu.memory_space<vmem>> -> memref<128x128xf32, #tpu.memory_space<vmem>>
        %dma_wait3A_372 = arith.constant 0 : i32
        %dma_wait3A_373 = arith.constant 0 : i32
        %dma_wait3A_374 = tpu.memref_slice %arg12[%dma_wait3A_372, %dma_wait3A_373] : memref<10112x128xf32, #tpu.memory_space<vmem_shared>> -> memref<10112x128xf32, #tpu.memory_space<vmem_shared>>
        tpu.wait_indirect_dma semaphore(%run_scoped3A_360 : memref<!tpu.dma_semaphore, #tpu.memory_space<semaphore_mem>>) src(%dma_wait3A_371 : memref<128x128xf32, #tpu.memory_space<vmem>>) dst(%dma_wait3A_374 : memref<10112x128xf32, #tpu.memory_space<vmem_shared>>)
        tpu.yield
      }) : () -> ()
      %lt3A = arith.constant 39 : i32
      %lt3A_342 = arith.cmpi slt, %scan3A_332, %lt3A : i32
      %convert_element_type3A_343 = arith.extui %lt3A_342 : i1 to i32
      %cond3A_344 = arith.constant 0 : i32
      %cond3A_345 = arith.cmpi ne, %convert_element_type3A_343, %cond3A_344 : i32
      scf.if %cond3A_345 {
        %add3A_360 = arith.constant 2 : i32
        %add3A_361 = arith.addi %mul3A_334, %add3A_360 : i32
        %mul3A_362 = arith.constant 128 : i32
        %mul3A_363 = arith.muli %add3A_361, %mul3A_362 : i32
        %add3A_364 = arith.constant 0 : i32
        %add3A_365 = arith.addi %mul3A_363, %add3A_364 : i32
        %get3A_366 = arith.index_cast %add3A_365 : i32 to index
        %get3A_367 = tpu.vector_load %arg6[%get3A_366] {strides = array<i32>} : memref<10240xi32, #tpu.memory_space<vmem>>, vector<16xi32>,
        %get3A_368 = vector.shape_cast %get3A_367 : vector<16xi32> to vector<16xi32>
        %shift_right_arithmetic3A_369 = arith.constant 14 : i32
        %shift_right_arithmetic3A_370 = vector.broadcast %shift_right_arithmetic3A_369 : i32 to vector<16xi32>
        %shift_right_arithmetic3A_371 = arith.shrsi %get3A_368, %shift_right_arithmetic3A_370 : vector<16xi32>
        %add3A_372 = vector.broadcast %mul3A_4 : i32 to vector<16xi32>
        %add3A_373 = arith.addi %shift_right_arithmetic3A_371, %add3A_372 : vector<16xi32>
        %swap3A_374 = arith.constant 0 : index
        %swap3A_375 = tpu.vector_load %arg7[%swap3A_374] {strides = array<i32>} : memref<128xi32, #tpu.memory_space<vmem>>, vector<16xi32>,
        %swap3A_376 = vector.shape_cast %swap3A_375 : vector<16xi32> to vector<16xi32>
        %swap3A_377 = vector.shape_cast %add3A_373 : vector<16xi32> to vector<16xi32>
        tpu.vector_store %arg7[%swap3A_374], %swap3A_377 {strides = array<i32>} : memref<128xi32, #tpu.memory_space<vmem>>, vector<16xi32>,
        %and3A_378 = arith.constant 16383 : i32
        %and3A_379 = vector.broadcast %and3A_378 : i32 to vector<16xi32>
        %and3A_380 = arith.andi %get3A_368, %and3A_379 : vector<16xi32>
        %swap3A_381 = arith.constant 0 : index
        %swap3A_382 = tpu.vector_load %arg9[%swap3A_381] {strides = array<i32>} : memref<128xi32, #tpu.memory_space<vmem>>, vector<16xi32>,
        %swap3A_383 = vector.shape_cast %swap3A_382 : vector<16xi32> to vector<16xi32>
        %swap3A_384 = vector.shape_cast %and3A_380 : vector<16xi32> to vector<16xi32>
        tpu.vector_store %arg9[%swap3A_381], %swap3A_384 {strides = array<i32>} : memref<128xi32, #tpu.memory_space<vmem>>, vector<16xi32>,
        %mul3A_385 = arith.constant 128 : i32
        %mul3A_386 = arith.muli %add3A_361, %mul3A_385 : i32
        %add3A_387 = arith.constant 16 : i32
        %add3A_388 = arith.addi %mul3A_386, %add3A_387 : i32
        %get3A_389 = arith.index_cast %add3A_388 : i32 to index
        %get3A_390 = tpu.vector_load %arg6[%get3A_389] {strides = array<i32>} : memref<10240xi32, #tpu.memory_space<vmem>>, vector<16xi32>,
        %get3A_391 = vector.shape_cast %get3A_390 : vector<16xi32> to vector<16xi32>
        %shift_right_arithmetic3A_392 = arith.constant 14 : i32
        %shift_right_arithmetic3A_393 = vector.broadcast %shift_right_arithmetic3A_392 : i32 to vector<16xi32>
        %shift_right_arithmetic3A_394 = arith.shrsi %get3A_391, %shift_right_arithmetic3A_393 : vector<16xi32>
        %add3A_395 = vector.broadcast %mul3A_4 : i32 to vector<16xi32>
        %add3A_396 = arith.addi %shift_right_arithmetic3A_394, %add3A_395 : vector<16xi32>
        %swap3A_397 = arith.constant 16 : index
        %swap3A_398 = tpu.vector_load %arg7[%swap3A_397] {strides = array<i32>} : memref<128xi32, #tpu.memory_space<vmem>>, vector<16xi32>,
        %swap3A_399 = vector.shape_cast %swap3A_398 : vector<16xi32> to vector<16xi32>
        %swap3A_400 = vector.shape_cast %add3A_396 : vector<16xi32> to vector<16xi32>
        tpu.vector_store %arg7[%swap3A_397], %swap3A_400 {strides = array<i32>} : memref<128xi32, #tpu.memory_space<vmem>>, vector<16xi32>,
        %and3A_401 = arith.constant 16383 : i32
        %and3A_402 = vector.broadcast %and3A_401 : i32 to vector<16xi32>
        %and3A_403 = arith.andi %get3A_391, %and3A_402 : vector<16xi32>
        %swap3A_404 = arith.constant 16 : index
        %swap3A_405 = tpu.vector_load %arg9[%swap3A_404] {strides = array<i32>} : memref<128xi32, #tpu.memory_space<vmem>>, vector<16xi32>,
        %swap3A_406 = vector.shape_cast %swap3A_405 : vector<16xi32> to vector<16xi32>
        %swap3A_407 = vector.shape_cast %and3A_403 : vector<16xi32> to vector<16xi32>
        tpu.vector_store %arg9[%swap3A_404], %swap3A_407 {strides = array<i32>} : memref<128xi32, #tpu.memory_space<vmem>>, vector<16xi32>,
        %mul3A_408 = arith.constant 128 : i32
        %mul3A_409 = arith.muli %add3A_361, %mul3A_408 : i32
        %add3A_410 = arith.constant 32 : i32
        %add3A_411 = arith.addi %mul3A_409, %add3A_410 : i32
        %get3A_412 = arith.index_cast %add3A_411 : i32 to index
        %get3A_413 = tpu.vector_load %arg6[%get3A_412] {strides = array<i32>} : memref<10240xi32, #tpu.memory_space<vmem>>, vector<16xi32>,
        %get3A_414 = vector.shape_cast %get3A_413 : vector<16xi32> to vector<16xi32>
        %shift_right_arithmetic3A_415 = arith.constant 14 : i32
        %shift_right_arithmetic3A_416 = vector.broadcast %shift_right_arithmetic3A_415 : i32 to vector<16xi32>
        %shift_right_arithmetic3A_417 = arith.shrsi %get3A_414, %shift_right_arithmetic3A_416 : vector<16xi32>
        %add3A_418 = vector.broadcast %mul3A_4 : i32 to vector<16xi32>
        %add3A_419 = arith.addi %shift_right_arithmetic3A_417, %add3A_418 : vector<16xi32>
        %swap3A_420 = arith.constant 32 : index
        %swap3A_421 = tpu.vector_load %arg7[%swap3A_420] {strides = array<i32>} : memref<128xi32, #tpu.memory_space<vmem>>, vector<16xi32>,
        %swap3A_422 = vector.shape_cast %swap3A_421 : vector<16xi32> to vector<16xi32>
        %swap3A_423 = vector.shape_cast %add3A_419 : vector<16xi32> to vector<16xi32>
        tpu.vector_store %arg7[%swap3A_420], %swap3A_423 {strides = array<i32>} : memref<128xi32, #tpu.memory_space<vmem>>, vector<16xi32>,
        %and3A_424 = arith.constant 16383 : i32
        %and3A_425 = vector.broadcast %and3A_424 : i32 to vector<16xi32>
        %and3A_426 = arith.andi %get3A_414, %and3A_425 : vector<16xi32>
        %swap3A_427 = arith.constant 32 : index
        %swap3A_428 = tpu.vector_load %arg9[%swap3A_427] {strides = array<i32>} : memref<128xi32, #tpu.memory_space<vmem>>, vector<16xi32>,
        %swap3A_429 = vector.shape_cast %swap3A_428 : vector<16xi32> to vector<16xi32>
        %swap3A_430 = vector.shape_cast %and3A_426 : vector<16xi32> to vector<16xi32>
        tpu.vector_store %arg9[%swap3A_427], %swap3A_430 {strides = array<i32>} : memref<128xi32, #tpu.memory_space<vmem>>, vector<16xi32>,
        %mul3A_431 = arith.constant 128 : i32
        %mul3A_432 = arith.muli %add3A_361, %mul3A_431 : i32
        %add3A_433 = arith.constant 48 : i32
        %add3A_434 = arith.addi %mul3A_432, %add3A_433 : i32
        %get3A_435 = arith.index_cast %add3A_434 : i32 to index
        %get3A_436 = tpu.vector_load %arg6[%get3A_435] {strides = array<i32>} : memref<10240xi32, #tpu.memory_space<vmem>>, vector<16xi32>,
        %get3A_437 = vector.shape_cast %get3A_436 : vector<16xi32> to vector<16xi32>
        %shift_right_arithmetic3A_438 = arith.constant 14 : i32
        %shift_right_arithmetic3A_439 = vector.broadcast %shift_right_arithmetic3A_438 : i32 to vector<16xi32>
        %shift_right_arithmetic3A_440 = arith.shrsi %get3A_437, %shift_right_arithmetic3A_439 : vector<16xi32>
        %add3A_441 = vector.broadcast %mul3A_4 : i32 to vector<16xi32>
        %add3A_442 = arith.addi %shift_right_arithmetic3A_440, %add3A_441 : vector<16xi32>
        %swap3A_443 = arith.constant 48 : index
        %swap3A_444 = tpu.vector_load %arg7[%swap3A_443] {strides = array<i32>} : memref<128xi32, #tpu.memory_space<vmem>>, vector<16xi32>,
        %swap3A_445 = vector.shape_cast %swap3A_444 : vector<16xi32> to vector<16xi32>
        %swap3A_446 = vector.shape_cast %add3A_442 : vector<16xi32> to vector<16xi32>
        tpu.vector_store %arg7[%swap3A_443], %swap3A_446 {strides = array<i32>} : memref<128xi32, #tpu.memory_space<vmem>>, vector<16xi32>,
        %and3A_447 = arith.constant 16383 : i32
        %and3A_448 = vector.broadcast %and3A_447 : i32 to vector<16xi32>
        %and3A_449 = arith.andi %get3A_437, %and3A_448 : vector<16xi32>
        %swap3A_450 = arith.constant 48 : index
        %swap3A_451 = tpu.vector_load %arg9[%swap3A_450] {strides = array<i32>} : memref<128xi32, #tpu.memory_space<vmem>>, vector<16xi32>,
        %swap3A_452 = vector.shape_cast %swap3A_451 : vector<16xi32> to vector<16xi32>
        %swap3A_453 = vector.shape_cast %and3A_449 : vector<16xi32> to vector<16xi32>
        tpu.vector_store %arg9[%swap3A_450], %swap3A_453 {strides = array<i32>} : memref<128xi32, #tpu.memory_space<vmem>>, vector<16xi32>,
        %mul3A_454 = arith.constant 128 : i32
        %mul3A_455 = arith.muli %add3A_361, %mul3A_454 : i32
        %add3A_456 = arith.constant 64 : i32
        %add3A_457 = arith.addi %mul3A_455, %add3A_456 : i32
        %get3A_458 = arith.index_cast %add3A_457 : i32 to index
        %get3A_459 = tpu.vector_load %arg6[%get3A_458] {strides = array<i32>} : memref<10240xi32, #tpu.memory_space<vmem>>, vector<16xi32>,
        %get3A_460 = vector.shape_cast %get3A_459 : vector<16xi32> to vector<16xi32>
        %shift_right_arithmetic3A_461 = arith.constant 14 : i32
        %shift_right_arithmetic3A_462 = vector.broadcast %shift_right_arithmetic3A_461 : i32 to vector<16xi32>
        %shift_right_arithmetic3A_463 = arith.shrsi %get3A_460, %shift_right_arithmetic3A_462 : vector<16xi32>
        %add3A_464 = vector.broadcast %mul3A_4 : i32 to vector<16xi32>
        %add3A_465 = arith.addi %shift_right_arithmetic3A_463, %add3A_464 : vector<16xi32>
        %swap3A_466 = arith.constant 64 : index
        %swap3A_467 = tpu.vector_load %arg7[%swap3A_466] {strides = array<i32>} : memref<128xi32, #tpu.memory_space<vmem>>, vector<16xi32>,
        %swap3A_468 = vector.shape_cast %swap3A_467 : vector<16xi32> to vector<16xi32>
        %swap3A_469 = vector.shape_cast %add3A_465 : vector<16xi32> to vector<16xi32>
        tpu.vector_store %arg7[%swap3A_466], %swap3A_469 {strides = array<i32>} : memref<128xi32, #tpu.memory_space<vmem>>, vector<16xi32>,
        %and3A_470 = arith.constant 16383 : i32
        %and3A_471 = vector.broadcast %and3A_470 : i32 to vector<16xi32>
        %and3A_472 = arith.andi %get3A_460, %and3A_471 : vector<16xi32>
        %swap3A_473 = arith.constant 64 : index
        %swap3A_474 = tpu.vector_load %arg9[%swap3A_473] {strides = array<i32>} : memref<128xi32, #tpu.memory_space<vmem>>, vector<16xi32>,
        %swap3A_475 = vector.shape_cast %swap3A_474 : vector<16xi32> to vector<16xi32>
        %swap3A_476 = vector.shape_cast %and3A_472 : vector<16xi32> to vector<16xi32>
        tpu.vector_store %arg9[%swap3A_473], %swap3A_476 {strides = array<i32>} : memref<128xi32, #tpu.memory_space<vmem>>, vector<16xi32>,
        %mul3A_477 = arith.constant 128 : i32
        %mul3A_478 = arith.muli %add3A_361, %mul3A_477 : i32
        %add3A_479 = arith.constant 80 : i32
        %add3A_480 = arith.addi %mul3A_478, %add3A_479 : i32
        %get3A_481 = arith.index_cast %add3A_480 : i32 to index
        %get3A_482 = tpu.vector_load %arg6[%get3A_481] {strides = array<i32>} : memref<10240xi32, #tpu.memory_space<vmem>>, vector<16xi32>,
        %get3A_483 = vector.shape_cast %get3A_482 : vector<16xi32> to vector<16xi32>
        %shift_right_arithmetic3A_484 = arith.constant 14 : i32
        %shift_right_arithmetic3A_485 = vector.broadcast %shift_right_arithmetic3A_484 : i32 to vector<16xi32>
        %shift_right_arithmetic3A_486 = arith.shrsi %get3A_483, %shift_right_arithmetic3A_485 : vector<16xi32>
        %add3A_487 = vector.broadcast %mul3A_4 : i32 to vector<16xi32>
        %add3A_488 = arith.addi %shift_right_arithmetic3A_486, %add3A_487 : vector<16xi32>
        %swap3A_489 = arith.constant 80 : index
        %swap3A_490 = tpu.vector_load %arg7[%swap3A_489] {strides = array<i32>} : memref<128xi32, #tpu.memory_space<vmem>>, vector<16xi32>,
        %swap3A_491 = vector.shape_cast %swap3A_490 : vector<16xi32> to vector<16xi32>
        %swap3A_492 = vector.shape_cast %add3A_488 : vector<16xi32> to vector<16xi32>
        tpu.vector_store %arg7[%swap3A_489], %swap3A_492 {strides = array<i32>} : memref<128xi32, #tpu.memory_space<vmem>>, vector<16xi32>,
        %and3A_493 = arith.constant 16383 : i32
        %and3A_494 = vector.broadcast %and3A_493 : i32 to vector<16xi32>
        %and3A_495 = arith.andi %get3A_483, %and3A_494 : vector<16xi32>
        %swap3A_496 = arith.constant 80 : index
        %swap3A_497 = tpu.vector_load %arg9[%swap3A_496] {strides = array<i32>} : memref<128xi32, #tpu.memory_space<vmem>>, vector<16xi32>,
        %swap3A_498 = vector.shape_cast %swap3A_497 : vector<16xi32> to vector<16xi32>
        %swap3A_499 = vector.shape_cast %and3A_495 : vector<16xi32> to vector<16xi32>
        tpu.vector_store %arg9[%swap3A_496], %swap3A_499 {strides = array<i32>} : memref<128xi32, #tpu.memory_space<vmem>>, vector<16xi32>,
        %mul3A_500 = arith.constant 128 : i32
        %mul3A_501 = arith.muli %add3A_361, %mul3A_500 : i32
        %add3A_502 = arith.constant 96 : i32
        %add3A_503 = arith.addi %mul3A_501, %add3A_502 : i32
        %get3A_504 = arith.index_cast %add3A_503 : i32 to index
        %get3A_505 = tpu.vector_load %arg6[%get3A_504] {strides = array<i32>} : memref<10240xi32, #tpu.memory_space<vmem>>, vector<16xi32>,
        %get3A_506 = vector.shape_cast %get3A_505 : vector<16xi32> to vector<16xi32>
        %shift_right_arithmetic3A_507 = arith.constant 14 : i32
        %shift_right_arithmetic3A_508 = vector.broadcast %shift_right_arithmetic3A_507 : i32 to vector<16xi32>
        %shift_right_arithmetic3A_509 = arith.shrsi %get3A_506, %shift_right_arithmetic3A_508 : vector<16xi32>
        %add3A_510 = vector.broadcast %mul3A_4 : i32 to vector<16xi32>
        %add3A_511 = arith.addi %shift_right_arithmetic3A_509, %add3A_510 : vector<16xi32>
        %swap3A_512 = arith.constant 96 : index
        %swap3A_513 = tpu.vector_load %arg7[%swap3A_512] {strides = array<i32>} : memref<128xi32, #tpu.memory_space<vmem>>, vector<16xi32>,
        %swap3A_514 = vector.shape_cast %swap3A_513 : vector<16xi32> to vector<16xi32>
        %swap3A_515 = vector.shape_cast %add3A_511 : vector<16xi32> to vector<16xi32>
        tpu.vector_store %arg7[%swap3A_512], %swap3A_515 {strides = array<i32>} : memref<128xi32, #tpu.memory_space<vmem>>, vector<16xi32>,
        %and3A_516 = arith.constant 16383 : i32
        %and3A_517 = vector.broadcast %and3A_516 : i32 to vector<16xi32>
        %and3A_518 = arith.andi %get3A_506, %and3A_517 : vector<16xi32>
        %swap3A_519 = arith.constant 96 : index
        %swap3A_520 = tpu.vector_load %arg9[%swap3A_519] {strides = array<i32>} : memref<128xi32, #tpu.memory_space<vmem>>, vector<16xi32>,
        %swap3A_521 = vector.shape_cast %swap3A_520 : vector<16xi32> to vector<16xi32>
        %swap3A_522 = vector.shape_cast %and3A_518 : vector<16xi32> to vector<16xi32>
        tpu.vector_store %arg9[%swap3A_519], %swap3A_522 {strides = array<i32>} : memref<128xi32, #tpu.memory_space<vmem>>, vector<16xi32>,
        %mul3A_523 = arith.constant 128 : i32
        %mul3A_524 = arith.muli %add3A_361, %mul3A_523 : i32
        %add3A_525 = arith.constant 112 : i32
        %add3A_526 = arith.addi %mul3A_524, %add3A_525 : i32
        %get3A_527 = arith.index_cast %add3A_526 : i32 to index
        %get3A_528 = tpu.vector_load %arg6[%get3A_527] {strides = array<i32>} : memref<10240xi32, #tpu.memory_space<vmem>>, vector<16xi32>,
        %get3A_529 = vector.shape_cast %get3A_528 : vector<16xi32> to vector<16xi32>
        %shift_right_arithmetic3A_530 = arith.constant 14 : i32
        %shift_right_arithmetic3A_531 = vector.broadcast %shift_right_arithmetic3A_530 : i32 to vector<16xi32>
        %shift_right_arithmetic3A_532 = arith.shrsi %get3A_529, %shift_right_arithmetic3A_531 : vector<16xi32>
        %add3A_533 = vector.broadcast %mul3A_4 : i32 to vector<16xi32>
        %add3A_534 = arith.addi %shift_right_arithmetic3A_532, %add3A_533 : vector<16xi32>
        %swap3A_535 = arith.constant 112 : index
        %swap3A_536 = tpu.vector_load %arg7[%swap3A_535] {strides = array<i32>} : memref<128xi32, #tpu.memory_space<vmem>>, vector<16xi32>,
        %swap3A_537 = vector.shape_cast %swap3A_536 : vector<16xi32> to vector<16xi32>
        %swap3A_538 = vector.shape_cast %add3A_534 : vector<16xi32> to vector<16xi32>
        tpu.vector_store %arg7[%swap3A_535], %swap3A_538 {strides = array<i32>} : memref<128xi32, #tpu.memory_space<vmem>>, vector<16xi32>,
        %and3A_539 = arith.constant 16383 : i32
        %and3A_540 = vector.broadcast %and3A_539 : i32 to vector<16xi32>
        %and3A_541 = arith.andi %get3A_529, %and3A_540 : vector<16xi32>
        %swap3A_542 = arith.constant 112 : index
        %swap3A_543 = tpu.vector_load %arg9[%swap3A_542] {strides = array<i32>} : memref<128xi32, #tpu.memory_space<vmem>>, vector<16xi32>,
        %swap3A_544 = vector.shape_cast %swap3A_543 : vector<16xi32> to vector<16xi32>
        %swap3A_545 = vector.shape_cast %and3A_541 : vector<16xi32> to vector<16xi32>
        tpu.vector_store %arg9[%swap3A_542], %swap3A_545 {strides = array<i32>} : memref<128xi32, #tpu.memory_space<vmem>>, vector<16xi32>,
        %dma_start3A_546 = arith.constant 0 : i32
        %dma_start3A_547 = arith.constant 0 : i32
        %dma_start3A_548 = arith.constant 0 : i32
        %dma_start3A_549 = tpu.memref_slice %arg11[%dma_start3A_546, %dma_start3A_547, %dma_start3A_548] : memref<2x128x128xf32, #tpu.memory_space<vmem>> -> memref<1x128x128xf32, #tpu.memory_space<vmem>>
        %dma_start3A_550 = tpu.memref_squeeze %dma_start3A_549 : memref<1x128x128xf32, #tpu.memory_space<vmem>> -> memref<128x128xf32, #tpu.memory_space<vmem>>
        %dma_start3A_551 = arith.constant 0 : i32
        %dma_start3A_552 = arith.constant 0 : i32
        %dma_start3A_553 = tpu.memref_slice %arg2[%dma_start3A_551, %dma_start3A_552] : memref<180000x128xf32, #tpu.memory_space<hbm>> -> memref<180000x128xf32, #tpu.memory_space<hbm>>
        tpu.enqueue_indirect_dma source(%dma_start3A_553 : memref<180000x128xf32, #tpu.memory_space<hbm>>) target(%dma_start3A_550 : memref<128x128xf32, #tpu.memory_space<vmem>>) offsets(%arg7 : memref<128xi32, #tpu.memory_space<vmem>>) semaphore(%arg13 : memref<!tpu.dma_semaphore, #tpu.memory_space<semaphore_mem>>)
      } else {
      }
      %dma_wait3A_346 = arith.constant 1 : i32
      %dma_wait3A_347 = arith.constant 0 : i32
      %dma_wait3A_348 = arith.constant 0 : i32
      %dma_wait3A_349 = tpu.memref_slice %arg11[%dma_wait3A_346, %dma_wait3A_347, %dma_wait3A_348] : memref<2x128x128xf32, #tpu.memory_space<vmem>> -> memref<1x128x128xf32, #tpu.memory_space<vmem>>
      %dma_wait3A_350 = tpu.memref_squeeze %dma_wait3A_349 : memref<1x128x128xf32, #tpu.memory_space<vmem>> -> memref<128x128xf32, #tpu.memory_space<vmem>>
      %dma_wait3A_351 = arith.constant 0 : i32
      %dma_wait3A_352 = arith.constant 0 : i32
      %dma_wait3A_353 = tpu.memref_slice %arg2[%dma_wait3A_351, %dma_wait3A_352] : memref<180000x128xf32, #tpu.memory_space<hbm>> -> memref<180000x128xf32, #tpu.memory_space<hbm>>
      tpu.wait_indirect_dma semaphore(%arg14 : memref<!tpu.dma_semaphore, #tpu.memory_space<semaphore_mem>>) src(%dma_wait3A_353 : memref<180000x128xf32, #tpu.memory_space<hbm>>) dst(%dma_wait3A_350 : memref<128x128xf32, #tpu.memory_space<vmem>>)
      %run_scoped3A_354 = arith.constant 1 : i32
      "tpu.region"() ({
        %run_scoped3A_360 = tpu.sem_alloc : memref<!tpu.dma_semaphore, #tpu.memory_space<semaphore_mem>>
        %dma_start3A_361 = arith.constant 0 : i32
        %dma_start3A_362 = arith.constant 0 : i32
        %dma_start3A_363 = tpu.memref_slice %arg11[%run_scoped3A_354, %dma_start3A_361, %dma_start3A_362] : memref<2x128x128xf32, #tpu.memory_space<vmem>> -> memref<1x128x128xf32, #tpu.memory_space<vmem>>
        %dma_start3A_364 = tpu.memref_squeeze %dma_start3A_363 : memref<1x128x128xf32, #tpu.memory_space<vmem>> -> memref<128x128xf32, #tpu.memory_space<vmem>>
        %dma_start3A_365 = arith.constant 0 : i32
        %dma_start3A_366 = arith.constant 0 : i32
        %dma_start3A_367 = tpu.memref_slice %arg12[%dma_start3A_365, %dma_start3A_366] : memref<10112x128xf32, #tpu.memory_space<vmem_shared>> -> memref<10112x128xf32, #tpu.memory_space<vmem_shared>>
        tpu.enqueue_indirect_dma source(%dma_start3A_364 : memref<128x128xf32, #tpu.memory_space<vmem>>) target(%dma_start3A_367 : memref<10112x128xf32, #tpu.memory_space<vmem_shared>>) offsets(%arg10 : memref<128xi32, #tpu.memory_space<vmem>>) semaphore(%run_scoped3A_360 : memref<!tpu.dma_semaphore, #tpu.memory_space<semaphore_mem>>) {add = true}
        %dma_wait3A_368 = arith.constant 0 : i32
        %dma_wait3A_369 = arith.constant 0 : i32
        %dma_wait3A_370 = tpu.memref_slice %arg11[%run_scoped3A_354, %dma_wait3A_368, %dma_wait3A_369] : memref<2x128x128xf32, #tpu.memory_space<vmem>> -> memref<1x128x128xf32, #tpu.memory_space<vmem>>
        %dma_wait3A_371 = tpu.memref_squeeze %dma_wait3A_370 : memref<1x128x128xf32, #tpu.memory_space<vmem>> -> memref<128x128xf32, #tpu.memory_space<vmem>>
        %dma_wait3A_372 = arith.constant 0 : i32
        %dma_wait3A_373 = arith.constant 0 : i32
        %dma_wait3A_374 = tpu.memref_slice %arg12[%dma_wait3A_372, %dma_wait3A_373] : memref<10112x128xf32, #tpu.memory_space<vmem_shared>> -> memref<10112x128xf32, #tpu.memory_space<vmem_shared>>
        tpu.wait_indirect_dma semaphore(%run_scoped3A_360 : memref<!tpu.dma_semaphore, #tpu.memory_space<semaphore_mem>>) src(%dma_wait3A_371 : memref<128x128xf32, #tpu.memory_space<vmem>>) dst(%dma_wait3A_374 : memref<10112x128xf32, #tpu.memory_space<vmem_shared>>)
        tpu.yield
      }) : () -> ()
      %lt3A_355 = arith.constant 39 : i32
      %lt3A_356 = arith.cmpi slt, %scan3A_332, %lt3A_355 : i32
      %convert_element_type3A_357 = arith.extui %lt3A_356 : i1 to i32
      %cond3A_358 = arith.constant 0 : i32
      %cond3A_359 = arith.cmpi ne, %convert_element_type3A_357, %cond3A_358 : i32
      scf.if %cond3A_359 {
        %add3A_360 = arith.constant 3 : i32
        %add3A_361 = arith.addi %mul3A_334, %add3A_360 : i32
        %mul3A_362 = arith.constant 128 : i32
        %mul3A_363 = arith.muli %add3A_361, %mul3A_362 : i32
        %add3A_364 = arith.constant 0 : i32
        %add3A_365 = arith.addi %mul3A_363, %add3A_364 : i32
        %get3A_366 = arith.index_cast %add3A_365 : i32 to index
        %get3A_367 = tpu.vector_load %arg6[%get3A_366] {strides = array<i32>} : memref<10240xi32, #tpu.memory_space<vmem>>, vector<16xi32>,
        %get3A_368 = vector.shape_cast %get3A_367 : vector<16xi32> to vector<16xi32>
        %shift_right_arithmetic3A_369 = arith.constant 14 : i32
        %shift_right_arithmetic3A_370 = vector.broadcast %shift_right_arithmetic3A_369 : i32 to vector<16xi32>
        %shift_right_arithmetic3A_371 = arith.shrsi %get3A_368, %shift_right_arithmetic3A_370 : vector<16xi32>
        %add3A_372 = vector.broadcast %mul3A_4 : i32 to vector<16xi32>
        %add3A_373 = arith.addi %shift_right_arithmetic3A_371, %add3A_372 : vector<16xi32>
        %swap3A_374 = arith.constant 0 : index
        %swap3A_375 = tpu.vector_load %arg8[%swap3A_374] {strides = array<i32>} : memref<128xi32, #tpu.memory_space<vmem>>, vector<16xi32>,
        %swap3A_376 = vector.shape_cast %swap3A_375 : vector<16xi32> to vector<16xi32>
        %swap3A_377 = vector.shape_cast %add3A_373 : vector<16xi32> to vector<16xi32>
        tpu.vector_store %arg8[%swap3A_374], %swap3A_377 {strides = array<i32>} : memref<128xi32, #tpu.memory_space<vmem>>, vector<16xi32>,
        %and3A_378 = arith.constant 16383 : i32
        %and3A_379 = vector.broadcast %and3A_378 : i32 to vector<16xi32>
        %and3A_380 = arith.andi %get3A_368, %and3A_379 : vector<16xi32>
        %swap3A_381 = arith.constant 0 : index
        %swap3A_382 = tpu.vector_load %arg10[%swap3A_381] {strides = array<i32>} : memref<128xi32, #tpu.memory_space<vmem>>, vector<16xi32>,
        %swap3A_383 = vector.shape_cast %swap3A_382 : vector<16xi32> to vector<16xi32>
        %swap3A_384 = vector.shape_cast %and3A_380 : vector<16xi32> to vector<16xi32>
        tpu.vector_store %arg10[%swap3A_381], %swap3A_384 {strides = array<i32>} : memref<128xi32, #tpu.memory_space<vmem>>, vector<16xi32>,
        %mul3A_385 = arith.constant 128 : i32
        %mul3A_386 = arith.muli %add3A_361, %mul3A_385 : i32
        %add3A_387 = arith.constant 16 : i32
        %add3A_388 = arith.addi %mul3A_386, %add3A_387 : i32
        %get3A_389 = arith.index_cast %add3A_388 : i32 to index
        %get3A_390 = tpu.vector_load %arg6[%get3A_389] {strides = array<i32>} : memref<10240xi32, #tpu.memory_space<vmem>>, vector<16xi32>,
        %get3A_391 = vector.shape_cast %get3A_390 : vector<16xi32> to vector<16xi32>
        %shift_right_arithmetic3A_392 = arith.constant 14 : i32
        %shift_right_arithmetic3A_393 = vector.broadcast %shift_right_arithmetic3A_392 : i32 to vector<16xi32>
        %shift_right_arithmetic3A_394 = arith.shrsi %get3A_391, %shift_right_arithmetic3A_393 : vector<16xi32>
        %add3A_395 = vector.broadcast %mul3A_4 : i32 to vector<16xi32>
        %add3A_396 = arith.addi %shift_right_arithmetic3A_394, %add3A_395 : vector<16xi32>
        %swap3A_397 = arith.constant 16 : index
        %swap3A_398 = tpu.vector_load %arg8[%swap3A_397] {strides = array<i32>} : memref<128xi32, #tpu.memory_space<vmem>>, vector<16xi32>,
        %swap3A_399 = vector.shape_cast %swap3A_398 : vector<16xi32> to vector<16xi32>
        %swap3A_400 = vector.shape_cast %add3A_396 : vector<16xi32> to vector<16xi32>
        tpu.vector_store %arg8[%swap3A_397], %swap3A_400 {strides = array<i32>} : memref<128xi32, #tpu.memory_space<vmem>>, vector<16xi32>,
        %and3A_401 = arith.constant 16383 : i32
        %and3A_402 = vector.broadcast %and3A_401 : i32 to vector<16xi32>
        %and3A_403 = arith.andi %get3A_391, %and3A_402 : vector<16xi32>
        %swap3A_404 = arith.constant 16 : index
        %swap3A_405 = tpu.vector_load %arg10[%swap3A_404] {strides = array<i32>} : memref<128xi32, #tpu.memory_space<vmem>>, vector<16xi32>,
        %swap3A_406 = vector.shape_cast %swap3A_405 : vector<16xi32> to vector<16xi32>
        %swap3A_407 = vector.shape_cast %and3A_403 : vector<16xi32> to vector<16xi32>
        tpu.vector_store %arg10[%swap3A_404], %swap3A_407 {strides = array<i32>} : memref<128xi32, #tpu.memory_space<vmem>>, vector<16xi32>,
        %mul3A_408 = arith.constant 128 : i32
        %mul3A_409 = arith.muli %add3A_361, %mul3A_408 : i32
        %add3A_410 = arith.constant 32 : i32
        %add3A_411 = arith.addi %mul3A_409, %add3A_410 : i32
        %get3A_412 = arith.index_cast %add3A_411 : i32 to index
        %get3A_413 = tpu.vector_load %arg6[%get3A_412] {strides = array<i32>} : memref<10240xi32, #tpu.memory_space<vmem>>, vector<16xi32>,
        %get3A_414 = vector.shape_cast %get3A_413 : vector<16xi32> to vector<16xi32>
        %shift_right_arithmetic3A_415 = arith.constant 14 : i32
        %shift_right_arithmetic3A_416 = vector.broadcast %shift_right_arithmetic3A_415 : i32 to vector<16xi32>
        %shift_right_arithmetic3A_417 = arith.shrsi %get3A_414, %shift_right_arithmetic3A_416 : vector<16xi32>
        %add3A_418 = vector.broadcast %mul3A_4 : i32 to vector<16xi32>
        %add3A_419 = arith.addi %shift_right_arithmetic3A_417, %add3A_418 : vector<16xi32>
        %swap3A_420 = arith.constant 32 : index
        %swap3A_421 = tpu.vector_load %arg8[%swap3A_420] {strides = array<i32>} : memref<128xi32, #tpu.memory_space<vmem>>, vector<16xi32>,
        %swap3A_422 = vector.shape_cast %swap3A_421 : vector<16xi32> to vector<16xi32>
        %swap3A_423 = vector.shape_cast %add3A_419 : vector<16xi32> to vector<16xi32>
        tpu.vector_store %arg8[%swap3A_420], %swap3A_423 {strides = array<i32>} : memref<128xi32, #tpu.memory_space<vmem>>, vector<16xi32>,
        %and3A_424 = arith.constant 16383 : i32
        %and3A_425 = vector.broadcast %and3A_424 : i32 to vector<16xi32>
        %and3A_426 = arith.andi %get3A_414, %and3A_425 : vector<16xi32>
        %swap3A_427 = arith.constant 32 : index
        %swap3A_428 = tpu.vector_load %arg10[%swap3A_427] {strides = array<i32>} : memref<128xi32, #tpu.memory_space<vmem>>, vector<16xi32>,
        %swap3A_429 = vector.shape_cast %swap3A_428 : vector<16xi32> to vector<16xi32>
        %swap3A_430 = vector.shape_cast %and3A_426 : vector<16xi32> to vector<16xi32>
        tpu.vector_store %arg10[%swap3A_427], %swap3A_430 {strides = array<i32>} : memref<128xi32, #tpu.memory_space<vmem>>, vector<16xi32>,
        %mul3A_431 = arith.constant 128 : i32
        %mul3A_432 = arith.muli %add3A_361, %mul3A_431 : i32
        %add3A_433 = arith.constant 48 : i32
        %add3A_434 = arith.addi %mul3A_432, %add3A_433 : i32
        %get3A_435 = arith.index_cast %add3A_434 : i32 to index
        %get3A_436 = tpu.vector_load %arg6[%get3A_435] {strides = array<i32>} : memref<10240xi32, #tpu.memory_space<vmem>>, vector<16xi32>,
        %get3A_437 = vector.shape_cast %get3A_436 : vector<16xi32> to vector<16xi32>
        %shift_right_arithmetic3A_438 = arith.constant 14 : i32
        %shift_right_arithmetic3A_439 = vector.broadcast %shift_right_arithmetic3A_438 : i32 to vector<16xi32>
        %shift_right_arithmetic3A_440 = arith.shrsi %get3A_437, %shift_right_arithmetic3A_439 : vector<16xi32>
        %add3A_441 = vector.broadcast %mul3A_4 : i32 to vector<16xi32>
        %add3A_442 = arith.addi %shift_right_arithmetic3A_440, %add3A_441 : vector<16xi32>
        %swap3A_443 = arith.constant 48 : index
        %swap3A_444 = tpu.vector_load %arg8[%swap3A_443] {strides = array<i32>} : memref<128xi32, #tpu.memory_space<vmem>>, vector<16xi32>,
        %swap3A_445 = vector.shape_cast %swap3A_444 : vector<16xi32> to vector<16xi32>
        %swap3A_446 = vector.shape_cast %add3A_442 : vector<16xi32> to vector<16xi32>
        tpu.vector_store %arg8[%swap3A_443], %swap3A_446 {strides = array<i32>} : memref<128xi32, #tpu.memory_space<vmem>>, vector<16xi32>,
        %and3A_447 = arith.constant 16383 : i32
        %and3A_448 = vector.broadcast %and3A_447 : i32 to vector<16xi32>
        %and3A_449 = arith.andi %get3A_437, %and3A_448 : vector<16xi32>
        %swap3A_450 = arith.constant 48 : index
        %swap3A_451 = tpu.vector_load %arg10[%swap3A_450] {strides = array<i32>} : memref<128xi32, #tpu.memory_space<vmem>>, vector<16xi32>,
        %swap3A_452 = vector.shape_cast %swap3A_451 : vector<16xi32> to vector<16xi32>
        %swap3A_453 = vector.shape_cast %and3A_449 : vector<16xi32> to vector<16xi32>
        tpu.vector_store %arg10[%swap3A_450], %swap3A_453 {strides = array<i32>} : memref<128xi32, #tpu.memory_space<vmem>>, vector<16xi32>,
        %mul3A_454 = arith.constant 128 : i32
        %mul3A_455 = arith.muli %add3A_361, %mul3A_454 : i32
        %add3A_456 = arith.constant 64 : i32
        %add3A_457 = arith.addi %mul3A_455, %add3A_456 : i32
        %get3A_458 = arith.index_cast %add3A_457 : i32 to index
        %get3A_459 = tpu.vector_load %arg6[%get3A_458] {strides = array<i32>} : memref<10240xi32, #tpu.memory_space<vmem>>, vector<16xi32>,
        %get3A_460 = vector.shape_cast %get3A_459 : vector<16xi32> to vector<16xi32>
        %shift_right_arithmetic3A_461 = arith.constant 14 : i32
        %shift_right_arithmetic3A_462 = vector.broadcast %shift_right_arithmetic3A_461 : i32 to vector<16xi32>
        %shift_right_arithmetic3A_463 = arith.shrsi %get3A_460, %shift_right_arithmetic3A_462 : vector<16xi32>
        %add3A_464 = vector.broadcast %mul3A_4 : i32 to vector<16xi32>
        %add3A_465 = arith.addi %shift_right_arithmetic3A_463, %add3A_464 : vector<16xi32>
        %swap3A_466 = arith.constant 64 : index
        %swap3A_467 = tpu.vector_load %arg8[%swap3A_466] {strides = array<i32>} : memref<128xi32, #tpu.memory_space<vmem>>, vector<16xi32>,
        %swap3A_468 = vector.shape_cast %swap3A_467 : vector<16xi32> to vector<16xi32>
        %swap3A_469 = vector.shape_cast %add3A_465 : vector<16xi32> to vector<16xi32>
        tpu.vector_store %arg8[%swap3A_466], %swap3A_469 {strides = array<i32>} : memref<128xi32, #tpu.memory_space<vmem>>, vector<16xi32>,
        %and3A_470 = arith.constant 16383 : i32
        %and3A_471 = vector.broadcast %and3A_470 : i32 to vector<16xi32>
        %and3A_472 = arith.andi %get3A_460, %and3A_471 : vector<16xi32>
        %swap3A_473 = arith.constant 64 : index
        %swap3A_474 = tpu.vector_load %arg10[%swap3A_473] {strides = array<i32>} : memref<128xi32, #tpu.memory_space<vmem>>, vector<16xi32>,
        %swap3A_475 = vector.shape_cast %swap3A_474 : vector<16xi32> to vector<16xi32>
        %swap3A_476 = vector.shape_cast %and3A_472 : vector<16xi32> to vector<16xi32>
        tpu.vector_store %arg10[%swap3A_473], %swap3A_476 {strides = array<i32>} : memref<128xi32, #tpu.memory_space<vmem>>, vector<16xi32>,
        %mul3A_477 = arith.constant 128 : i32
        %mul3A_478 = arith.muli %add3A_361, %mul3A_477 : i32
        %add3A_479 = arith.constant 80 : i32
        %add3A_480 = arith.addi %mul3A_478, %add3A_479 : i32
        %get3A_481 = arith.index_cast %add3A_480 : i32 to index
        %get3A_482 = tpu.vector_load %arg6[%get3A_481] {strides = array<i32>} : memref<10240xi32, #tpu.memory_space<vmem>>, vector<16xi32>,
        %get3A_483 = vector.shape_cast %get3A_482 : vector<16xi32> to vector<16xi32>
        %shift_right_arithmetic3A_484 = arith.constant 14 : i32
        %shift_right_arithmetic3A_485 = vector.broadcast %shift_right_arithmetic3A_484 : i32 to vector<16xi32>
        %shift_right_arithmetic3A_486 = arith.shrsi %get3A_483, %shift_right_arithmetic3A_485 : vector<16xi32>
        %add3A_487 = vector.broadcast %mul3A_4 : i32 to vector<16xi32>
        %add3A_488 = arith.addi %shift_right_arithmetic3A_486, %add3A_487 : vector<16xi32>
        %swap3A_489 = arith.constant 80 : index
        %swap3A_490 = tpu.vector_load %arg8[%swap3A_489] {strides = array<i32>} : memref<128xi32, #tpu.memory_space<vmem>>, vector<16xi32>,
        %swap3A_491 = vector.shape_cast %swap3A_490 : vector<16xi32> to vector<16xi32>
        %swap3A_492 = vector.shape_cast %add3A_488 : vector<16xi32> to vector<16xi32>
        tpu.vector_store %arg8[%swap3A_489], %swap3A_492 {strides = array<i32>} : memref<128xi32, #tpu.memory_space<vmem>>, vector<16xi32>,
        %and3A_493 = arith.constant 16383 : i32
        %and3A_494 = vector.broadcast %and3A_493 : i32 to vector<16xi32>
        %and3A_495 = arith.andi %get3A_483, %and3A_494 : vector<16xi32>
        %swap3A_496 = arith.constant 80 : index
        %swap3A_497 = tpu.vector_load %arg10[%swap3A_496] {strides = array<i32>} : memref<128xi32, #tpu.memory_space<vmem>>, vector<16xi32>,
        %swap3A_498 = vector.shape_cast %swap3A_497 : vector<16xi32> to vector<16xi32>
        %swap3A_499 = vector.shape_cast %and3A_495 : vector<16xi32> to vector<16xi32>
        tpu.vector_store %arg10[%swap3A_496], %swap3A_499 {strides = array<i32>} : memref<128xi32, #tpu.memory_space<vmem>>, vector<16xi32>,
        %mul3A_500 = arith.constant 128 : i32
        %mul3A_501 = arith.muli %add3A_361, %mul3A_500 : i32
        %add3A_502 = arith.constant 96 : i32
        %add3A_503 = arith.addi %mul3A_501, %add3A_502 : i32
        %get3A_504 = arith.index_cast %add3A_503 : i32 to index
        %get3A_505 = tpu.vector_load %arg6[%get3A_504] {strides = array<i32>} : memref<10240xi32, #tpu.memory_space<vmem>>, vector<16xi32>,
        %get3A_506 = vector.shape_cast %get3A_505 : vector<16xi32> to vector<16xi32>
        %shift_right_arithmetic3A_507 = arith.constant 14 : i32
        %shift_right_arithmetic3A_508 = vector.broadcast %shift_right_arithmetic3A_507 : i32 to vector<16xi32>
        %shift_right_arithmetic3A_509 = arith.shrsi %get3A_506, %shift_right_arithmetic3A_508 : vector<16xi32>
        %add3A_510 = vector.broadcast %mul3A_4 : i32 to vector<16xi32>
        %add3A_511 = arith.addi %shift_right_arithmetic3A_509, %add3A_510 : vector<16xi32>
        %swap3A_512 = arith.constant 96 : index
        %swap3A_513 = tpu.vector_load %arg8[%swap3A_512] {strides = array<i32>} : memref<128xi32, #tpu.memory_space<vmem>>, vector<16xi32>,
        %swap3A_514 = vector.shape_cast %swap3A_513 : vector<16xi32> to vector<16xi32>
        %swap3A_515 = vector.shape_cast %add3A_511 : vector<16xi32> to vector<16xi32>
        tpu.vector_store %arg8[%swap3A_512], %swap3A_515 {strides = array<i32>} : memref<128xi32, #tpu.memory_space<vmem>>, vector<16xi32>,
        %and3A_516 = arith.constant 16383 : i32
        %and3A_517 = vector.broadcast %and3A_516 : i32 to vector<16xi32>
        %and3A_518 = arith.andi %get3A_506, %and3A_517 : vector<16xi32>
        %swap3A_519 = arith.constant 96 : index
        %swap3A_520 = tpu.vector_load %arg10[%swap3A_519] {strides = array<i32>} : memref<128xi32, #tpu.memory_space<vmem>>, vector<16xi32>,
        %swap3A_521 = vector.shape_cast %swap3A_520 : vector<16xi32> to vector<16xi32>
        %swap3A_522 = vector.shape_cast %and3A_518 : vector<16xi32> to vector<16xi32>
        tpu.vector_store %arg10[%swap3A_519], %swap3A_522 {strides = array<i32>} : memref<128xi32, #tpu.memory_space<vmem>>, vector<16xi32>,
        %mul3A_523 = arith.constant 128 : i32
        %mul3A_524 = arith.muli %add3A_361, %mul3A_523 : i32
        %add3A_525 = arith.constant 112 : i32
        %add3A_526 = arith.addi %mul3A_524, %add3A_525 : i32
        %get3A_527 = arith.index_cast %add3A_526 : i32 to index
        %get3A_528 = tpu.vector_load %arg6[%get3A_527] {strides = array<i32>} : memref<10240xi32, #tpu.memory_space<vmem>>, vector<16xi32>,
        %get3A_529 = vector.shape_cast %get3A_528 : vector<16xi32> to vector<16xi32>
        %shift_right_arithmetic3A_530 = arith.constant 14 : i32
        %shift_right_arithmetic3A_531 = vector.broadcast %shift_right_arithmetic3A_530 : i32 to vector<16xi32>
        %shift_right_arithmetic3A_532 = arith.shrsi %get3A_529, %shift_right_arithmetic3A_531 : vector<16xi32>
        %add3A_533 = vector.broadcast %mul3A_4 : i32 to vector<16xi32>
        %add3A_534 = arith.addi %shift_right_arithmetic3A_532, %add3A_533 : vector<16xi32>
        %swap3A_535 = arith.constant 112 : index
        %swap3A_536 = tpu.vector_load %arg8[%swap3A_535] {strides = array<i32>} : memref<128xi32, #tpu.memory_space<vmem>>, vector<16xi32>,
        %swap3A_537 = vector.shape_cast %swap3A_536 : vector<16xi32> to vector<16xi32>
        %swap3A_538 = vector.shape_cast %add3A_534 : vector<16xi32> to vector<16xi32>
        tpu.vector_store %arg8[%swap3A_535], %swap3A_538 {strides = array<i32>} : memref<128xi32, #tpu.memory_space<vmem>>, vector<16xi32>,
        %and3A_539 = arith.constant 16383 : i32
        %and3A_540 = vector.broadcast %and3A_539 : i32 to vector<16xi32>
        %and3A_541 = arith.andi %get3A_529, %and3A_540 : vector<16xi32>
        %swap3A_542 = arith.constant 112 : index
        %swap3A_543 = tpu.vector_load %arg10[%swap3A_542] {strides = array<i32>} : memref<128xi32, #tpu.memory_space<vmem>>, vector<16xi32>,
        %swap3A_544 = vector.shape_cast %swap3A_543 : vector<16xi32> to vector<16xi32>
        %swap3A_545 = vector.shape_cast %and3A_541 : vector<16xi32> to vector<16xi32>
        tpu.vector_store %arg10[%swap3A_542], %swap3A_545 {strides = array<i32>} : memref<128xi32, #tpu.memory_space<vmem>>, vector<16xi32>,
        %dma_start3A_546 = arith.constant 1 : i32
        %dma_start3A_547 = arith.constant 0 : i32
        %dma_start3A_548 = arith.constant 0 : i32
        %dma_start3A_549 = tpu.memref_slice %arg11[%dma_start3A_546, %dma_start3A_547, %dma_start3A_548] : memref<2x128x128xf32, #tpu.memory_space<vmem>> -> memref<1x128x128xf32, #tpu.memory_space<vmem>>
        %dma_start3A_550 = tpu.memref_squeeze %dma_start3A_549 : memref<1x128x128xf32, #tpu.memory_space<vmem>> -> memref<128x128xf32, #tpu.memory_space<vmem>>
        %dma_start3A_551 = arith.constant 0 : i32
        %dma_start3A_552 = arith.constant 0 : i32
        %dma_start3A_553 = tpu.memref_slice %arg2[%dma_start3A_551, %dma_start3A_552] : memref<180000x128xf32, #tpu.memory_space<hbm>> -> memref<180000x128xf32, #tpu.memory_space<hbm>>
        tpu.enqueue_indirect_dma source(%dma_start3A_553 : memref<180000x128xf32, #tpu.memory_space<hbm>>) target(%dma_start3A_550 : memref<128x128xf32, #tpu.memory_space<vmem>>) offsets(%arg8 : memref<128xi32, #tpu.memory_space<vmem>>) semaphore(%arg14 : memref<!tpu.dma_semaphore, #tpu.memory_space<semaphore_mem>>)
      } else {
      }
    }
    %scan3A_323 = arith.constant 40 : i32
    %barrier3A_324 = arith.constant 0 : index
    tpu.barrier barrier_id(%barrier3A_324)
    %eq3A = arith.constant 0 : i32
    %eq3A_325 = arith.cmpi eq, %arg0, %eq3A : i32
    %convert_element_type3A = arith.extui %eq3A_325 : i1 to i32
    %cond3A = arith.constant 0 : i32
    %cond3A_326 = arith.cmpi ne, %convert_element_type3A, %cond3A : i32
    scf.if %cond3A_326 {
      %run_scoped3A = arith.constant 0 : i32
      "tpu.region"() ({
        %run_scoped3A_332 = tpu.sem_alloc : memref<!tpu.dma_semaphore, #tpu.memory_space<semaphore_mem>>
        %dma_start3A_333 = arith.constant 0 : i32
        %dma_start3A_334 = tpu.memref_slice %arg5[%run_scoped3A, %mul3A_0, %dma_start3A_333] : memref<2x10112x128xf32, #tpu.memory_space<hbm>> -> memref<1x632x128xf32, #tpu.memory_space<hbm>>
        %dma_start3A_335 = tpu.memref_squeeze %dma_start3A_334 : memref<1x632x128xf32, #tpu.memory_space<hbm>> -> memref<632x128xf32, #tpu.memory_space<hbm>>
        %dma_start3A_336 = arith.constant 0 : i32
        %dma_start3A_337 = tpu.memref_slice %arg12[%mul3A_0, %dma_start3A_336] : memref<10112x128xf32, #tpu.memory_space<vmem_shared>> -> memref<632x128xf32, #tpu.memory_space<vmem_shared>>
        tpu.enqueue_dma source(%dma_start3A_337 : memref<632x128xf32, #tpu.memory_space<vmem_shared>>) target(%dma_start3A_335 : memref<632x128xf32, #tpu.memory_space<hbm>>) target_semaphore(%run_scoped3A_332 : memref<!tpu.dma_semaphore, #tpu.memory_space<semaphore_mem>>)
        %dma_wait3A = arith.constant 0 : i32
        %dma_wait3A_338 = tpu.memref_slice %arg5[%run_scoped3A, %mul3A_0, %dma_wait3A] : memref<2x10112x128xf32, #tpu.memory_space<hbm>> -> memref<1x632x128xf32, #tpu.memory_space<hbm>>
        %dma_wait3A_339 = tpu.memref_squeeze %dma_wait3A_338 : memref<1x632x128xf32, #tpu.memory_space<hbm>> -> memref<632x128xf32, #tpu.memory_space<hbm>>
        %dma_wait3A_340 = arith.constant 0 : i32
        %dma_wait3A_341 = tpu.memref_slice %arg12[%mul3A_0, %dma_wait3A_340] : memref<10112x128xf32, #tpu.memory_space<vmem_shared>> -> memref<632x128xf32, #tpu.memory_space<vmem_shared>>
        tpu.wait_dma2 semaphore(%run_scoped3A_332 : memref<!tpu.dma_semaphore, #tpu.memory_space<semaphore_mem>>) src(%dma_wait3A_341 : memref<632x128xf32, #tpu.memory_space<vmem_shared>>) dst(%dma_wait3A_339 : memref<632x128xf32, #tpu.memory_space<hbm>>)
        tpu.yield
      }) : () -> ()
    } else {
    }
    %eq3A_327 = arith.constant 1 : i32
    %eq3A_328 = arith.cmpi eq, %arg0, %eq3A_327 : i32
    %convert_element_type3A_329 = arith.extui %eq3A_328 : i1 to i32
    %cond3A_330 = arith.constant 0 : i32
    %cond3A_331 = arith.cmpi ne, %convert_element_type3A_329, %cond3A_330 : i32
    scf.if %cond3A_331 {
      %run_scoped3A = arith.constant 1 : i32
      "tpu.region"() ({
        %run_scoped3A_332 = tpu.sem_alloc : memref<!tpu.dma_semaphore, #tpu.memory_space<semaphore_mem>>
        %dma_start3A_333 = arith.constant 0 : i32
        %dma_start3A_334 = tpu.memref_slice %arg5[%run_scoped3A, %mul3A_0, %dma_start3A_333] : memref<2x10112x128xf32, #tpu.memory_space<hbm>> -> memref<1x632x128xf32, #tpu.memory_space<hbm>>
        %dma_start3A_335 = tpu.memref_squeeze %dma_start3A_334 : memref<1x632x128xf32, #tpu.memory_space<hbm>> -> memref<632x128xf32, #tpu.memory_space<hbm>>
        %dma_start3A_336 = arith.constant 0 : i32
        %dma_start3A_337 = tpu.memref_slice %arg12[%mul3A_0, %dma_start3A_336] : memref<10112x128xf32, #tpu.memory_space<vmem_shared>> -> memref<632x128xf32, #tpu.memory_space<vmem_shared>>
        tpu.enqueue_dma source(%dma_start3A_337 : memref<632x128xf32, #tpu.memory_space<vmem_shared>>) target(%dma_start3A_335 : memref<632x128xf32, #tpu.memory_space<hbm>>) target_semaphore(%run_scoped3A_332 : memref<!tpu.dma_semaphore, #tpu.memory_space<semaphore_mem>>)
        %dma_wait3A = arith.constant 0 : i32
        %dma_wait3A_338 = tpu.memref_slice %arg5[%run_scoped3A, %mul3A_0, %dma_wait3A] : memref<2x10112x128xf32, #tpu.memory_space<hbm>> -> memref<1x632x128xf32, #tpu.memory_space<hbm>>
        %dma_wait3A_339 = tpu.memref_squeeze %dma_wait3A_338 : memref<1x632x128xf32, #tpu.memory_space<hbm>> -> memref<632x128xf32, #tpu.memory_space<hbm>>
        %dma_wait3A_340 = arith.constant 0 : i32
        %dma_wait3A_341 = tpu.memref_slice %arg12[%mul3A_0, %dma_wait3A_340] : memref<10112x128xf32, #tpu.memory_space<vmem_shared>> -> memref<632x128xf32, #tpu.memory_space<vmem_shared>>
        tpu.wait_dma2 semaphore(%run_scoped3A_332 : memref<!tpu.dma_semaphore, #tpu.memory_space<semaphore_mem>>) src(%dma_wait3A_341 : memref<632x128xf32, #tpu.memory_space<vmem_shared>>) dst(%dma_wait3A_339 : memref<632x128xf32, #tpu.memory_space<hbm>>)
        tpu.yield
      }) : () -> ()
    } else {
    }
    return
  }
}

#map = affine_map<(d0, d1) -> (0, 0)>
#map1 = affine_map<(d0, d1) -> (0)>
#map2 = affine_map<(d0, d1) -> (0, 0, 0)>
module attributes {stable_mosaic.version = 14 : i64} {
  func.func @k(%arg0: i32, %arg1: i32, %arg2: memref<180000x128xf32, #tpu.memory_space<hbm>>, %arg3: memref<163840xi32, #tpu.memory_space<hbm>>, %arg4: memref<10112x128xf32, #tpu.memory_space<hbm>>, %arg5: memref<2x10112x128xf32, #tpu.memory_space<hbm>>, %arg6: memref<10240xi32, #tpu.memory_space<vmem>>, %arg7: memref<128xi32, #tpu.memory_space<vmem>>, %arg8: memref<128xi32, #tpu.memory_space<vmem>>, %arg9: memref<128xi32, #tpu.memory_space<vmem>>, %arg10: memref<128xi32, #tpu.memory_space<vmem>>, %arg11: memref<2x128x128xf32, #tpu.memory_space<vmem>>, %arg12: memref<10112x128xf32, #tpu.memory_space<vmem_shared>>, %arg13: memref<!tpu.dma_semaphore, #tpu.memory_space<semaphore_mem>>, %arg14: memref<!tpu.dma_semaphore, #tpu.memory_space<semaphore_mem>>) attributes {dimension_semantics = [#tpu.dimension_semantics<core_parallel>, #tpu.dimension_semantics<subcore_parallel>], iteration_bounds = array<i64: 2, 16>, scalar_prefetch = 0 : i64, scratch_operands = 9 : i64, tpu.core_type = #tpu.core_type<sc_vector_subcore>, window_params = [{transform_indices = #map}, {transform_indices = #map1}, {transform_indices = #map}, {transform_indices = #map2}]} {
    %mul3A = arith.constant 632 : i32
    %mul3A_0 = arith.muli %arg1, %mul3A : i32
    "tpu.region"() ({
      %run_scoped3A = tpu.sem_alloc : memref<!tpu.dma_semaphore, #tpu.memory_space<semaphore_mem>>
      %dma_start3A_332 = arith.constant 0 : i32
      %dma_start3A_333 = tpu.memref_slice %arg12[%mul3A_0, %dma_start3A_332] : memref<10112x128xf32, #tpu.memory_space<vmem_shared>> -> memref<632x128xf32, #tpu.memory_space<vmem_shared>>
      %dma_start3A_334 = arith.constant 0 : i32
      %dma_start3A_335 = tpu.memref_slice %arg4[%mul3A_0, %dma_start3A_334] : memref<10112x128xf32, #tpu.memory_space<hbm>> -> memref<632x128xf32, #tpu.memory_space<hbm>>
      tpu.enqueue_dma source(%dma_start3A_335 : memref<632x128xf32, #tpu.memory_space<hbm>>) target(%dma_start3A_333 : memref<632x128xf32, #tpu.memory_space<vmem_shared>>) target_semaphore(%run_scoped3A : memref<!tpu.dma_semaphore, #tpu.memory_space<semaphore_mem>>)
      %dma_wait3A = arith.constant 0 : i32
      %dma_wait3A_336 = tpu.memref_slice %arg12[%mul3A_0, %dma_wait3A] : memref<10112x128xf32, #tpu.memory_space<vmem_shared>> -> memref<632x128xf32, #tpu.memory_space<vmem_shared>>
      %dma_wait3A_337 = arith.constant 0 : i32
      %dma_wait3A_338 = tpu.memref_slice %arg4[%mul3A_0, %dma_wait3A_337] : memref<10112x128xf32, #tpu.memory_space<hbm>> -> memref<632x128xf32, #tpu.memory_space<hbm>>
      tpu.wait_dma2 semaphore(%run_scoped3A : memref<!tpu.dma_semaphore, #tpu.memory_space<semaphore_mem>>) src(%dma_wait3A_338 : memref<632x128xf32, #tpu.memory_space<hbm>>) dst(%dma_wait3A_336 : memref<632x128xf32, #tpu.memory_space<vmem_shared>>)
      tpu.yield
    }) : () -> ()
    %mul3A_1 = arith.constant 10240 : i32
    %mul3A_2 = arith.muli %arg1, %mul3A_1 : i32
    "tpu.region"() ({
      %run_scoped3A = tpu.sem_alloc : memref<!tpu.dma_semaphore, #tpu.memory_space<semaphore_mem>>
      %dma_start3A_332 = tpu.memref_slice %arg3[%mul3A_2] : memref<163840xi32, #tpu.memory_space<hbm>> -> memref<10240xi32, #tpu.memory_space<hbm>>
      %dma_start3A_333 = tpu.memref_slice %arg3[%mul3A_2] : memref<163840xi32, #tpu.memory_space<hbm>> -> memref<10240xi32, #tpu.memory_space<hbm>>
      tpu.enqueue_dma source(%dma_start3A_333 : memref<10240xi32, #tpu.memory_space<hbm>>) target(%arg6 : memref<10240xi32, #tpu.memory_space<vmem>>) target_semaphore(%run_scoped3A : memref<!tpu.dma_semaphore, #tpu.memory_space<semaphore_mem>>)
      %dma_wait3A = tpu.memref_slice %arg3[%mul3A_2] : memref<163840xi32, #tpu.memory_space<hbm>> -> memref<10240xi32, #tpu.memory_space<hbm>>
      %dma_wait3A_334 = tpu.memref_slice %arg3[%mul3A_2] : memref<163840xi32, #tpu.memory_space<hbm>> -> memref<10240xi32, #tpu.memory_space<hbm>>
      tpu.wait_dma2 semaphore(%run_scoped3A : memref<!tpu.dma_semaphore, #tpu.memory_space<semaphore_mem>>) src(%dma_wait3A_334 : memref<10240xi32, #tpu.memory_space<hbm>>) dst(%arg6 : memref<10240xi32, #tpu.memory_space<vmem>>)
      tpu.yield
    }) : () -> ()
    %mul3A_3 = arith.constant 90000 : i32
    %mul3A_4 = arith.muli %arg0, %mul3A_3 : i32
    %barrier3A = arith.constant 0 : index
    tpu.barrier barrier_id(%barrier3A)
    %get3A = arith.constant 0 : index
    %get3A_5 = tpu.vector_load %arg6[%get3A] {strides = array<i32>} : memref<10240xi32, #tpu.memory_space<vmem>>, vector<16xi32>,
    %get3A_6 = vector.shape_cast %get3A_5 : vector<16xi32> to vector<16xi32>
    %shift_right_arithmetic3A = arith.constant 14 : i32
    %shift_right_arithmetic3A_7 = vector.broadcast %shift_right_arithmetic3A : i32 to vector<16xi32>
    %shift_right_arithmetic3A_8 = arith.shrsi %get3A_6, %shift_right_arithmetic3A_7 : vector<16xi32>
    %add3A = vector.broadcast %mul3A_4 : i32 to vector<16xi32>
    %add3A_9 = arith.addi %shift_right_arithmetic3A_8, %add3A : vector<16xi32>
    %swap3A = arith.constant 0 : index
    %swap3A_10 = tpu.vector_load %arg7[%swap3A] {strides = array<i32>} : memref<128xi32, #tpu.memory_space<vmem>>, vector<16xi32>,
    %swap3A_11 = vector.shape_cast %swap3A_10 : vector<16xi32> to vector<16xi32>
    %swap3A_12 = vector.shape_cast %add3A_9 : vector<16xi32> to vector<16xi32>
    tpu.vector_store %arg7[%swap3A], %swap3A_12 {strides = array<i32>} : memref<128xi32, #tpu.memory_space<vmem>>, vector<16xi32>,
    %and3A = arith.constant 16383 : i32
    %and3A_13 = vector.broadcast %and3A : i32 to vector<16xi32>
    %and3A_14 = arith.andi %get3A_6, %and3A_13 : vector<16xi32>
    %swap3A_15 = arith.constant 0 : index
    %swap3A_16 = tpu.vector_load %arg9[%swap3A_15] {strides = array<i32>} : memref<128xi32, #tpu.memory_space<vmem>>, vector<16xi32>,
    %swap3A_17 = vector.shape_cast %swap3A_16 : vector<16xi32> to vector<16xi32>
    %swap3A_18 = vector.shape_cast %and3A_14 : vector<16xi32> to vector<16xi32>
    tpu.vector_store %arg9[%swap3A_15], %swap3A_18 {strides = array<i32>} : memref<128xi32, #tpu.memory_space<vmem>>, vector<16xi32>,
    %get3A_19 = arith.constant 16 : index
    %get3A_20 = tpu.vector_load %arg6[%get3A_19] {strides = array<i32>} : memref<10240xi32, #tpu.memory_space<vmem>>, vector<16xi32>,
    %get3A_21 = vector.shape_cast %get3A_20 : vector<16xi32> to vector<16xi32>
    %shift_right_arithmetic3A_22 = arith.constant 14 : i32
    %shift_right_arithmetic3A_23 = vector.broadcast %shift_right_arithmetic3A_22 : i32 to vector<16xi32>
    %shift_right_arithmetic3A_24 = arith.shrsi %get3A_21, %shift_right_arithmetic3A_23 : vector<16xi32>
    %add3A_25 = vector.broadcast %mul3A_4 : i32 to vector<16xi32>
    %add3A_26 = arith.addi %shift_right_arithmetic3A_24, %add3A_25 : vector<16xi32>
    %swap3A_27 = arith.constant 16 : index
    %swap3A_28 = tpu.vector_load %arg7[%swap3A_27] {strides = array<i32>} : memref<128xi32, #tpu.memory_space<vmem>>, vector<16xi32>,
    %swap3A_29 = vector.shape_cast %swap3A_28 : vector<16xi32> to vector<16xi32>
    %swap3A_30 = vector.shape_cast %add3A_26 : vector<16xi32> to vector<16xi32>
    tpu.vector_store %arg7[%swap3A_27], %swap3A_30 {strides = array<i32>} : memref<128xi32, #tpu.memory_space<vmem>>, vector<16xi32>,
    %and3A_31 = arith.constant 16383 : i32
    %and3A_32 = vector.broadcast %and3A_31 : i32 to vector<16xi32>
    %and3A_33 = arith.andi %get3A_21, %and3A_32 : vector<16xi32>
    %swap3A_34 = arith.constant 16 : index
    %swap3A_35 = tpu.vector_load %arg9[%swap3A_34] {strides = array<i32>} : memref<128xi32, #tpu.memory_space<vmem>>, vector<16xi32>,
    %swap3A_36 = vector.shape_cast %swap3A_35 : vector<16xi32> to vector<16xi32>
    %swap3A_37 = vector.shape_cast %and3A_33 : vector<16xi32> to vector<16xi32>
    tpu.vector_store %arg9[%swap3A_34], %swap3A_37 {strides = array<i32>} : memref<128xi32, #tpu.memory_space<vmem>>, vector<16xi32>,
    %get3A_38 = arith.constant 32 : index
    %get3A_39 = tpu.vector_load %arg6[%get3A_38] {strides = array<i32>} : memref<10240xi32, #tpu.memory_space<vmem>>, vector<16xi32>,
    %get3A_40 = vector.shape_cast %get3A_39 : vector<16xi32> to vector<16xi32>
    %shift_right_arithmetic3A_41 = arith.constant 14 : i32
    %shift_right_arithmetic3A_42 = vector.broadcast %shift_right_arithmetic3A_41 : i32 to vector<16xi32>
    %shift_right_arithmetic3A_43 = arith.shrsi %get3A_40, %shift_right_arithmetic3A_42 : vector<16xi32>
    %add3A_44 = vector.broadcast %mul3A_4 : i32 to vector<16xi32>
    %add3A_45 = arith.addi %shift_right_arithmetic3A_43, %add3A_44 : vector<16xi32>
    %swap3A_46 = arith.constant 32 : index
    %swap3A_47 = tpu.vector_load %arg7[%swap3A_46] {strides = array<i32>} : memref<128xi32, #tpu.memory_space<vmem>>, vector<16xi32>,
    %swap3A_48 = vector.shape_cast %swap3A_47 : vector<16xi32> to vector<16xi32>
    %swap3A_49 = vector.shape_cast %add3A_45 : vector<16xi32> to vector<16xi32>
    tpu.vector_store %arg7[%swap3A_46], %swap3A_49 {strides = array<i32>} : memref<128xi32, #tpu.memory_space<vmem>>, vector<16xi32>,
    %and3A_50 = arith.constant 16383 : i32
    %and3A_51 = vector.broadcast %and3A_50 : i32 to vector<16xi32>
    %and3A_52 = arith.andi %get3A_40, %and3A_51 : vector<16xi32>
    %swap3A_53 = arith.constant 32 : index
    %swap3A_54 = tpu.vector_load %arg9[%swap3A_53] {strides = array<i32>} : memref<128xi32, #tpu.memory_space<vmem>>, vector<16xi32>,
    %swap3A_55 = vector.shape_cast %swap3A_54 : vector<16xi32> to vector<16xi32>
    %swap3A_56 = vector.shape_cast %and3A_52 : vector<16xi32> to vector<16xi32>
    tpu.vector_store %arg9[%swap3A_53], %swap3A_56 {strides = array<i32>} : memref<128xi32, #tpu.memory_space<vmem>>, vector<16xi32>,
    %get3A_57 = arith.constant 48 : index
    %get3A_58 = tpu.vector_load %arg6[%get3A_57] {strides = array<i32>} : memref<10240xi32, #tpu.memory_space<vmem>>, vector<16xi32>,
    %get3A_59 = vector.shape_cast %get3A_58 : vector<16xi32> to vector<16xi32>
    %shift_right_arithmetic3A_60 = arith.constant 14 : i32
    %shift_right_arithmetic3A_61 = vector.broadcast %shift_right_arithmetic3A_60 : i32 to vector<16xi32>
    %shift_right_arithmetic3A_62 = arith.shrsi %get3A_59, %shift_right_arithmetic3A_61 : vector<16xi32>
    %add3A_63 = vector.broadcast %mul3A_4 : i32 to vector<16xi32>
    %add3A_64 = arith.addi %shift_right_arithmetic3A_62, %add3A_63 : vector<16xi32>
    %swap3A_65 = arith.constant 48 : index
    %swap3A_66 = tpu.vector_load %arg7[%swap3A_65] {strides = array<i32>} : memref<128xi32, #tpu.memory_space<vmem>>, vector<16xi32>,
    %swap3A_67 = vector.shape_cast %swap3A_66 : vector<16xi32> to vector<16xi32>
    %swap3A_68 = vector.shape_cast %add3A_64 : vector<16xi32> to vector<16xi32>
    tpu.vector_store %arg7[%swap3A_65], %swap3A_68 {strides = array<i32>} : memref<128xi32, #tpu.memory_space<vmem>>, vector<16xi32>,
    %and3A_69 = arith.constant 16383 : i32
    %and3A_70 = vector.broadcast %and3A_69 : i32 to vector<16xi32>
    %and3A_71 = arith.andi %get3A_59, %and3A_70 : vector<16xi32>
    %swap3A_72 = arith.constant 48 : index
    %swap3A_73 = tpu.vector_load %arg9[%swap3A_72] {strides = array<i32>} : memref<128xi32, #tpu.memory_space<vmem>>, vector<16xi32>,
    %swap3A_74 = vector.shape_cast %swap3A_73 : vector<16xi32> to vector<16xi32>
    %swap3A_75 = vector.shape_cast %and3A_71 : vector<16xi32> to vector<16xi32>
    tpu.vector_store %arg9[%swap3A_72], %swap3A_75 {strides = array<i32>} : memref<128xi32, #tpu.memory_space<vmem>>, vector<16xi32>,
    %get3A_76 = arith.constant 64 : index
    %get3A_77 = tpu.vector_load %arg6[%get3A_76] {strides = array<i32>} : memref<10240xi32, #tpu.memory_space<vmem>>, vector<16xi32>,
    %get3A_78 = vector.shape_cast %get3A_77 : vector<16xi32> to vector<16xi32>
    %shift_right_arithmetic3A_79 = arith.constant 14 : i32
    %shift_right_arithmetic3A_80 = vector.broadcast %shift_right_arithmetic3A_79 : i32 to vector<16xi32>
    %shift_right_arithmetic3A_81 = arith.shrsi %get3A_78, %shift_right_arithmetic3A_80 : vector<16xi32>
    %add3A_82 = vector.broadcast %mul3A_4 : i32 to vector<16xi32>
    %add3A_83 = arith.addi %shift_right_arithmetic3A_81, %add3A_82 : vector<16xi32>
    %swap3A_84 = arith.constant 64 : index
    %swap3A_85 = tpu.vector_load %arg7[%swap3A_84] {strides = array<i32>} : memref<128xi32, #tpu.memory_space<vmem>>, vector<16xi32>,
    %swap3A_86 = vector.shape_cast %swap3A_85 : vector<16xi32> to vector<16xi32>
    %swap3A_87 = vector.shape_cast %add3A_83 : vector<16xi32> to vector<16xi32>
    tpu.vector_store %arg7[%swap3A_84], %swap3A_87 {strides = array<i32>} : memref<128xi32, #tpu.memory_space<vmem>>, vector<16xi32>,
    %and3A_88 = arith.constant 16383 : i32
    %and3A_89 = vector.broadcast %and3A_88 : i32 to vector<16xi32>
    %and3A_90 = arith.andi %get3A_78, %and3A_89 : vector<16xi32>
    %swap3A_91 = arith.constant 64 : index
    %swap3A_92 = tpu.vector_load %arg9[%swap3A_91] {strides = array<i32>} : memref<128xi32, #tpu.memory_space<vmem>>, vector<16xi32>,
    %swap3A_93 = vector.shape_cast %swap3A_92 : vector<16xi32> to vector<16xi32>
    %swap3A_94 = vector.shape_cast %and3A_90 : vector<16xi32> to vector<16xi32>
    tpu.vector_store %arg9[%swap3A_91], %swap3A_94 {strides = array<i32>} : memref<128xi32, #tpu.memory_space<vmem>>, vector<16xi32>,
    %get3A_95 = arith.constant 80 : index
    %get3A_96 = tpu.vector_load %arg6[%get3A_95] {strides = array<i32>} : memref<10240xi32, #tpu.memory_space<vmem>>, vector<16xi32>,
    %get3A_97 = vector.shape_cast %get3A_96 : vector<16xi32> to vector<16xi32>
    %shift_right_arithmetic3A_98 = arith.constant 14 : i32
    %shift_right_arithmetic3A_99 = vector.broadcast %shift_right_arithmetic3A_98 : i32 to vector<16xi32>
    %shift_right_arithmetic3A_100 = arith.shrsi %get3A_97, %shift_right_arithmetic3A_99 : vector<16xi32>
    %add3A_101 = vector.broadcast %mul3A_4 : i32 to vector<16xi32>
    %add3A_102 = arith.addi %shift_right_arithmetic3A_100, %add3A_101 : vector<16xi32>
    %swap3A_103 = arith.constant 80 : index
    %swap3A_104 = tpu.vector_load %arg7[%swap3A_103] {strides = array<i32>} : memref<128xi32, #tpu.memory_space<vmem>>, vector<16xi32>,
    %swap3A_105 = vector.shape_cast %swap3A_104 : vector<16xi32> to vector<16xi32>
    %swap3A_106 = vector.shape_cast %add3A_102 : vector<16xi32> to vector<16xi32>
    tpu.vector_store %arg7[%swap3A_103], %swap3A_106 {strides = array<i32>} : memref<128xi32, #tpu.memory_space<vmem>>, vector<16xi32>,
    %and3A_107 = arith.constant 16383 : i32
    %and3A_108 = vector.broadcast %and3A_107 : i32 to vector<16xi32>
    %and3A_109 = arith.andi %get3A_97, %and3A_108 : vector<16xi32>
    %swap3A_110 = arith.constant 80 : index
    %swap3A_111 = tpu.vector_load %arg9[%swap3A_110] {strides = array<i32>} : memref<128xi32, #tpu.memory_space<vmem>>, vector<16xi32>,
    %swap3A_112 = vector.shape_cast %swap3A_111 : vector<16xi32> to vector<16xi32>
    %swap3A_113 = vector.shape_cast %and3A_109 : vector<16xi32> to vector<16xi32>
    tpu.vector_store %arg9[%swap3A_110], %swap3A_113 {strides = array<i32>} : memref<128xi32, #tpu.memory_space<vmem>>, vector<16xi32>,
    %get3A_114 = arith.constant 96 : index
    %get3A_115 = tpu.vector_load %arg6[%get3A_114] {strides = array<i32>} : memref<10240xi32, #tpu.memory_space<vmem>>, vector<16xi32>,
    %get3A_116 = vector.shape_cast %get3A_115 : vector<16xi32> to vector<16xi32>
    %shift_right_arithmetic3A_117 = arith.constant 14 : i32
    %shift_right_arithmetic3A_118 = vector.broadcast %shift_right_arithmetic3A_117 : i32 to vector<16xi32>
    %shift_right_arithmetic3A_119 = arith.shrsi %get3A_116, %shift_right_arithmetic3A_118 : vector<16xi32>
    %add3A_120 = vector.broadcast %mul3A_4 : i32 to vector<16xi32>
    %add3A_121 = arith.addi %shift_right_arithmetic3A_119, %add3A_120 : vector<16xi32>
    %swap3A_122 = arith.constant 96 : index
    %swap3A_123 = tpu.vector_load %arg7[%swap3A_122] {strides = array<i32>} : memref<128xi32, #tpu.memory_space<vmem>>, vector<16xi32>,
    %swap3A_124 = vector.shape_cast %swap3A_123 : vector<16xi32> to vector<16xi32>
    %swap3A_125 = vector.shape_cast %add3A_121 : vector<16xi32> to vector<16xi32>
    tpu.vector_store %arg7[%swap3A_122], %swap3A_125 {strides = array<i32>} : memref<128xi32, #tpu.memory_space<vmem>>, vector<16xi32>,
    %and3A_126 = arith.constant 16383 : i32
    %and3A_127 = vector.broadcast %and3A_126 : i32 to vector<16xi32>
    %and3A_128 = arith.andi %get3A_116, %and3A_127 : vector<16xi32>
    %swap3A_129 = arith.constant 96 : index
    %swap3A_130 = tpu.vector_load %arg9[%swap3A_129] {strides = array<i32>} : memref<128xi32, #tpu.memory_space<vmem>>, vector<16xi32>,
    %swap3A_131 = vector.shape_cast %swap3A_130 : vector<16xi32> to vector<16xi32>
    %swap3A_132 = vector.shape_cast %and3A_128 : vector<16xi32> to vector<16xi32>
    tpu.vector_store %arg9[%swap3A_129], %swap3A_132 {strides = array<i32>} : memref<128xi32, #tpu.memory_space<vmem>>, vector<16xi32>,
    %get3A_133 = arith.constant 112 : index
    %get3A_134 = tpu.vector_load %arg6[%get3A_133] {strides = array<i32>} : memref<10240xi32, #tpu.memory_space<vmem>>, vector<16xi32>,
    %get3A_135 = vector.shape_cast %get3A_134 : vector<16xi32> to vector<16xi32>
    %shift_right_arithmetic3A_136 = arith.constant 14 : i32
    %shift_right_arithmetic3A_137 = vector.broadcast %shift_right_arithmetic3A_136 : i32 to vector<16xi32>
    %shift_right_arithmetic3A_138 = arith.shrsi %get3A_135, %shift_right_arithmetic3A_137 : vector<16xi32>
    %add3A_139 = vector.broadcast %mul3A_4 : i32 to vector<16xi32>
    %add3A_140 = arith.addi %shift_right_arithmetic3A_138, %add3A_139 : vector<16xi32>
    %swap3A_141 = arith.constant 112 : index
    %swap3A_142 = tpu.vector_load %arg7[%swap3A_141] {strides = array<i32>} : memref<128xi32, #tpu.memory_space<vmem>>, vector<16xi32>,
    %swap3A_143 = vector.shape_cast %swap3A_142 : vector<16xi32> to vector<16xi32>
    %swap3A_144 = vector.shape_cast %add3A_140 : vector<16xi32> to vector<16xi32>
    tpu.vector_store %arg7[%swap3A_141], %swap3A_144 {strides = array<i32>} : memref<128xi32, #tpu.memory_space<vmem>>, vector<16xi32>,
    %and3A_145 = arith.constant 16383 : i32
    %and3A_146 = vector.broadcast %and3A_145 : i32 to vector<16xi32>
    %and3A_147 = arith.andi %get3A_135, %and3A_146 : vector<16xi32>
    %swap3A_148 = arith.constant 112 : index
    %swap3A_149 = tpu.vector_load %arg9[%swap3A_148] {strides = array<i32>} : memref<128xi32, #tpu.memory_space<vmem>>, vector<16xi32>,
    %swap3A_150 = vector.shape_cast %swap3A_149 : vector<16xi32> to vector<16xi32>
    %swap3A_151 = vector.shape_cast %and3A_147 : vector<16xi32> to vector<16xi32>
    tpu.vector_store %arg9[%swap3A_148], %swap3A_151 {strides = array<i32>} : memref<128xi32, #tpu.memory_space<vmem>>, vector<16xi32>,
    %get3A_152 = arith.constant 128 : index
    %get3A_153 = tpu.vector_load %arg6[%get3A_152] {strides = array<i32>} : memref<10240xi32, #tpu.memory_space<vmem>>, vector<16xi32>,
    %get3A_154 = vector.shape_cast %get3A_153 : vector<16xi32> to vector<16xi32>
    %shift_right_arithmetic3A_155 = arith.constant 14 : i32
    %shift_right_arithmetic3A_156 = vector.broadcast %shift_right_arithmetic3A_155 : i32 to vector<16xi32>
    %shift_right_arithmetic3A_157 = arith.shrsi %get3A_154, %shift_right_arithmetic3A_156 : vector<16xi32>
    %add3A_158 = vector.broadcast %mul3A_4 : i32 to vector<16xi32>
    %add3A_159 = arith.addi %shift_right_arithmetic3A_157, %add3A_158 : vector<16xi32>
    %swap3A_160 = arith.constant 0 : index
    %swap3A_161 = tpu.vector_load %arg8[%swap3A_160] {strides = array<i32>} : memref<128xi32, #tpu.memory_space<vmem>>, vector<16xi32>,
    %swap3A_162 = vector.shape_cast %swap3A_161 : vector<16xi32> to vector<16xi32>
    %swap3A_163 = vector.shape_cast %add3A_159 : vector<16xi32> to vector<16xi32>
    tpu.vector_store %arg8[%swap3A_160], %swap3A_163 {strides = array<i32>} : memref<128xi32, #tpu.memory_space<vmem>>, vector<16xi32>,
    %and3A_164 = arith.constant 16383 : i32
    %and3A_165 = vector.broadcast %and3A_164 : i32 to vector<16xi32>
    %and3A_166 = arith.andi %get3A_154, %and3A_165 : vector<16xi32>
    %swap3A_167 = arith.constant 0 : index
    %swap3A_168 = tpu.vector_load %arg10[%swap3A_167] {strides = array<i32>} : memref<128xi32, #tpu.memory_space<vmem>>, vector<16xi32>,
    %swap3A_169 = vector.shape_cast %swap3A_168 : vector<16xi32> to vector<16xi32>
    %swap3A_170 = vector.shape_cast %and3A_166 : vector<16xi32> to vector<16xi32>
    tpu.vector_store %arg10[%swap3A_167], %swap3A_170 {strides = array<i32>} : memref<128xi32, #tpu.memory_space<vmem>>, vector<16xi32>,
    %get3A_171 = arith.constant 144 : index
    %get3A_172 = tpu.vector_load %arg6[%get3A_171] {strides = array<i32>} : memref<10240xi32, #tpu.memory_space<vmem>>, vector<16xi32>,
    %get3A_173 = vector.shape_cast %get3A_172 : vector<16xi32> to vector<16xi32>
    %shift_right_arithmetic3A_174 = arith.constant 14 : i32
    %shift_right_arithmetic3A_175 = vector.broadcast %shift_right_arithmetic3A_174 : i32 to vector<16xi32>
    %shift_right_arithmetic3A_176 = arith.shrsi %get3A_173, %shift_right_arithmetic3A_175 : vector<16xi32>
    %add3A_177 = vector.broadcast %mul3A_4 : i32 to vector<16xi32>
    %add3A_178 = arith.addi %shift_right_arithmetic3A_176, %add3A_177 : vector<16xi32>
    %swap3A_179 = arith.constant 16 : index
    %swap3A_180 = tpu.vector_load %arg8[%swap3A_179] {strides = array<i32>} : memref<128xi32, #tpu.memory_space<vmem>>, vector<16xi32>,
    %swap3A_181 = vector.shape_cast %swap3A_180 : vector<16xi32> to vector<16xi32>
    %swap3A_182 = vector.shape_cast %add3A_178 : vector<16xi32> to vector<16xi32>
    tpu.vector_store %arg8[%swap3A_179], %swap3A_182 {strides = array<i32>} : memref<128xi32, #tpu.memory_space<vmem>>, vector<16xi32>,
    %and3A_183 = arith.constant 16383 : i32
    %and3A_184 = vector.broadcast %and3A_183 : i32 to vector<16xi32>
    %and3A_185 = arith.andi %get3A_173, %and3A_184 : vector<16xi32>
    %swap3A_186 = arith.constant 16 : index
    %swap3A_187 = tpu.vector_load %arg10[%swap3A_186] {strides = array<i32>} : memref<128xi32, #tpu.memory_space<vmem>>, vector<16xi32>,
    %swap3A_188 = vector.shape_cast %swap3A_187 : vector<16xi32> to vector<16xi32>
    %swap3A_189 = vector.shape_cast %and3A_185 : vector<16xi32> to vector<16xi32>
    tpu.vector_store %arg10[%swap3A_186], %swap3A_189 {strides = array<i32>} : memref<128xi32, #tpu.memory_space<vmem>>, vector<16xi32>,
    %get3A_190 = arith.constant 160 : index
    %get3A_191 = tpu.vector_load %arg6[%get3A_190] {strides = array<i32>} : memref<10240xi32, #tpu.memory_space<vmem>>, vector<16xi32>,
    %get3A_192 = vector.shape_cast %get3A_191 : vector<16xi32> to vector<16xi32>
    %shift_right_arithmetic3A_193 = arith.constant 14 : i32
    %shift_right_arithmetic3A_194 = vector.broadcast %shift_right_arithmetic3A_193 : i32 to vector<16xi32>
    %shift_right_arithmetic3A_195 = arith.shrsi %get3A_192, %shift_right_arithmetic3A_194 : vector<16xi32>
    %add3A_196 = vector.broadcast %mul3A_4 : i32 to vector<16xi32>
    %add3A_197 = arith.addi %shift_right_arithmetic3A_195, %add3A_196 : vector<16xi32>
    %swap3A_198 = arith.constant 32 : index
    %swap3A_199 = tpu.vector_load %arg8[%swap3A_198] {strides = array<i32>} : memref<128xi32, #tpu.memory_space<vmem>>, vector<16xi32>,
    %swap3A_200 = vector.shape_cast %swap3A_199 : vector<16xi32> to vector<16xi32>
    %swap3A_201 = vector.shape_cast %add3A_197 : vector<16xi32> to vector<16xi32>
    tpu.vector_store %arg8[%swap3A_198], %swap3A_201 {strides = array<i32>} : memref<128xi32, #tpu.memory_space<vmem>>, vector<16xi32>,
    %and3A_202 = arith.constant 16383 : i32
    %and3A_203 = vector.broadcast %and3A_202 : i32 to vector<16xi32>
    %and3A_204 = arith.andi %get3A_192, %and3A_203 : vector<16xi32>
    %swap3A_205 = arith.constant 32 : index
    %swap3A_206 = tpu.vector_load %arg10[%swap3A_205] {strides = array<i32>} : memref<128xi32, #tpu.memory_space<vmem>>, vector<16xi32>,
    %swap3A_207 = vector.shape_cast %swap3A_206 : vector<16xi32> to vector<16xi32>
    %swap3A_208 = vector.shape_cast %and3A_204 : vector<16xi32> to vector<16xi32>
    tpu.vector_store %arg10[%swap3A_205], %swap3A_208 {strides = array<i32>} : memref<128xi32, #tpu.memory_space<vmem>>, vector<16xi32>,
    %get3A_209 = arith.constant 176 : index
    %get3A_210 = tpu.vector_load %arg6[%get3A_209] {strides = array<i32>} : memref<10240xi32, #tpu.memory_space<vmem>>, vector<16xi32>,
    %get3A_211 = vector.shape_cast %get3A_210 : vector<16xi32> to vector<16xi32>
    %shift_right_arithmetic3A_212 = arith.constant 14 : i32
    %shift_right_arithmetic3A_213 = vector.broadcast %shift_right_arithmetic3A_212 : i32 to vector<16xi32>
    %shift_right_arithmetic3A_214 = arith.shrsi %get3A_211, %shift_right_arithmetic3A_213 : vector<16xi32>
    %add3A_215 = vector.broadcast %mul3A_4 : i32 to vector<16xi32>
    %add3A_216 = arith.addi %shift_right_arithmetic3A_214, %add3A_215 : vector<16xi32>
    %swap3A_217 = arith.constant 48 : index
    %swap3A_218 = tpu.vector_load %arg8[%swap3A_217] {strides = array<i32>} : memref<128xi32, #tpu.memory_space<vmem>>, vector<16xi32>,
    %swap3A_219 = vector.shape_cast %swap3A_218 : vector<16xi32> to vector<16xi32>
    %swap3A_220 = vector.shape_cast %add3A_216 : vector<16xi32> to vector<16xi32>
    tpu.vector_store %arg8[%swap3A_217], %swap3A_220 {strides = array<i32>} : memref<128xi32, #tpu.memory_space<vmem>>, vector<16xi32>,
    %and3A_221 = arith.constant 16383 : i32
    %and3A_222 = vector.broadcast %and3A_221 : i32 to vector<16xi32>
    %and3A_223 = arith.andi %get3A_211, %and3A_222 : vector<16xi32>
    %swap3A_224 = arith.constant 48 : index
    %swap3A_225 = tpu.vector_load %arg10[%swap3A_224] {strides = array<i32>} : memref<128xi32, #tpu.memory_space<vmem>>, vector<16xi32>,
    %swap3A_226 = vector.shape_cast %swap3A_225 : vector<16xi32> to vector<16xi32>
    %swap3A_227 = vector.shape_cast %and3A_223 : vector<16xi32> to vector<16xi32>
    tpu.vector_store %arg10[%swap3A_224], %swap3A_227 {strides = array<i32>} : memref<128xi32, #tpu.memory_space<vmem>>, vector<16xi32>,
    %get3A_228 = arith.constant 192 : index
    %get3A_229 = tpu.vector_load %arg6[%get3A_228] {strides = array<i32>} : memref<10240xi32, #tpu.memory_space<vmem>>, vector<16xi32>,
    %get3A_230 = vector.shape_cast %get3A_229 : vector<16xi32> to vector<16xi32>
    %shift_right_arithmetic3A_231 = arith.constant 14 : i32
    %shift_right_arithmetic3A_232 = vector.broadcast %shift_right_arithmetic3A_231 : i32 to vector<16xi32>
    %shift_right_arithmetic3A_233 = arith.shrsi %get3A_230, %shift_right_arithmetic3A_232 : vector<16xi32>
    %add3A_234 = vector.broadcast %mul3A_4 : i32 to vector<16xi32>
    %add3A_235 = arith.addi %shift_right_arithmetic3A_233, %add3A_234 : vector<16xi32>
    %swap3A_236 = arith.constant 64 : index
    %swap3A_237 = tpu.vector_load %arg8[%swap3A_236] {strides = array<i32>} : memref<128xi32, #tpu.memory_space<vmem>>, vector<16xi32>,
    %swap3A_238 = vector.shape_cast %swap3A_237 : vector<16xi32> to vector<16xi32>
    %swap3A_239 = vector.shape_cast %add3A_235 : vector<16xi32> to vector<16xi32>
    tpu.vector_store %arg8[%swap3A_236], %swap3A_239 {strides = array<i32>} : memref<128xi32, #tpu.memory_space<vmem>>, vector<16xi32>,
    %and3A_240 = arith.constant 16383 : i32
    %and3A_241 = vector.broadcast %and3A_240 : i32 to vector<16xi32>
    %and3A_242 = arith.andi %get3A_230, %and3A_241 : vector<16xi32>
    %swap3A_243 = arith.constant 64 : index
    %swap3A_244 = tpu.vector_load %arg10[%swap3A_243] {strides = array<i32>} : memref<128xi32, #tpu.memory_space<vmem>>, vector<16xi32>,
    %swap3A_245 = vector.shape_cast %swap3A_244 : vector<16xi32> to vector<16xi32>
    %swap3A_246 = vector.shape_cast %and3A_242 : vector<16xi32> to vector<16xi32>
    tpu.vector_store %arg10[%swap3A_243], %swap3A_246 {strides = array<i32>} : memref<128xi32, #tpu.memory_space<vmem>>, vector<16xi32>,
    %get3A_247 = arith.constant 208 : index
    %get3A_248 = tpu.vector_load %arg6[%get3A_247] {strides = array<i32>} : memref<10240xi32, #tpu.memory_space<vmem>>, vector<16xi32>,
    %get3A_249 = vector.shape_cast %get3A_248 : vector<16xi32> to vector<16xi32>
    %shift_right_arithmetic3A_250 = arith.constant 14 : i32
    %shift_right_arithmetic3A_251 = vector.broadcast %shift_right_arithmetic3A_250 : i32 to vector<16xi32>
    %shift_right_arithmetic3A_252 = arith.shrsi %get3A_249, %shift_right_arithmetic3A_251 : vector<16xi32>
    %add3A_253 = vector.broadcast %mul3A_4 : i32 to vector<16xi32>
    %add3A_254 = arith.addi %shift_right_arithmetic3A_252, %add3A_253 : vector<16xi32>
    %swap3A_255 = arith.constant 80 : index
    %swap3A_256 = tpu.vector_load %arg8[%swap3A_255] {strides = array<i32>} : memref<128xi32, #tpu.memory_space<vmem>>, vector<16xi32>,
    %swap3A_257 = vector.shape_cast %swap3A_256 : vector<16xi32> to vector<16xi32>
    %swap3A_258 = vector.shape_cast %add3A_254 : vector<16xi32> to vector<16xi32>
    tpu.vector_store %arg8[%swap3A_255], %swap3A_258 {strides = array<i32>} : memref<128xi32, #tpu.memory_space<vmem>>, vector<16xi32>,
    %and3A_259 = arith.constant 16383 : i32
    %and3A_260 = vector.broadcast %and3A_259 : i32 to vector<16xi32>
    %and3A_261 = arith.andi %get3A_249, %and3A_260 : vector<16xi32>
    %swap3A_262 = arith.constant 80 : index
    %swap3A_263 = tpu.vector_load %arg10[%swap3A_262] {strides = array<i32>} : memref<128xi32, #tpu.memory_space<vmem>>, vector<16xi32>,
    %swap3A_264 = vector.shape_cast %swap3A_263 : vector<16xi32> to vector<16xi32>
    %swap3A_265 = vector.shape_cast %and3A_261 : vector<16xi32> to vector<16xi32>
    tpu.vector_store %arg10[%swap3A_262], %swap3A_265 {strides = array<i32>} : memref<128xi32, #tpu.memory_space<vmem>>, vector<16xi32>,
    %get3A_266 = arith.constant 224 : index
    %get3A_267 = tpu.vector_load %arg6[%get3A_266] {strides = array<i32>} : memref<10240xi32, #tpu.memory_space<vmem>>, vector<16xi32>,
    %get3A_268 = vector.shape_cast %get3A_267 : vector<16xi32> to vector<16xi32>
    %shift_right_arithmetic3A_269 = arith.constant 14 : i32
    %shift_right_arithmetic3A_270 = vector.broadcast %shift_right_arithmetic3A_269 : i32 to vector<16xi32>
    %shift_right_arithmetic3A_271 = arith.shrsi %get3A_268, %shift_right_arithmetic3A_270 : vector<16xi32>
    %add3A_272 = vector.broadcast %mul3A_4 : i32 to vector<16xi32>
    %add3A_273 = arith.addi %shift_right_arithmetic3A_271, %add3A_272 : vector<16xi32>
    %swap3A_274 = arith.constant 96 : index
    %swap3A_275 = tpu.vector_load %arg8[%swap3A_274] {strides = array<i32>} : memref<128xi32, #tpu.memory_space<vmem>>, vector<16xi32>,
    %swap3A_276 = vector.shape_cast %swap3A_275 : vector<16xi32> to vector<16xi32>
    %swap3A_277 = vector.shape_cast %add3A_273 : vector<16xi32> to vector<16xi32>
    tpu.vector_store %arg8[%swap3A_274], %swap3A_277 {strides = array<i32>} : memref<128xi32, #tpu.memory_space<vmem>>, vector<16xi32>,
    %and3A_278 = arith.constant 16383 : i32
    %and3A_279 = vector.broadcast %and3A_278 : i32 to vector<16xi32>
    %and3A_280 = arith.andi %get3A_268, %and3A_279 : vector<16xi32>
    %swap3A_281 = arith.constant 96 : index
    %swap3A_282 = tpu.vector_load %arg10[%swap3A_281] {strides = array<i32>} : memref<128xi32, #tpu.memory_space<vmem>>, vector<16xi32>,
    %swap3A_283 = vector.shape_cast %swap3A_282 : vector<16xi32> to vector<16xi32>
    %swap3A_284 = vector.shape_cast %and3A_280 : vector<16xi32> to vector<16xi32>
    tpu.vector_store %arg10[%swap3A_281], %swap3A_284 {strides = array<i32>} : memref<128xi32, #tpu.memory_space<vmem>>, vector<16xi32>,
    %get3A_285 = arith.constant 240 : index
    %get3A_286 = tpu.vector_load %arg6[%get3A_285] {strides = array<i32>} : memref<10240xi32, #tpu.memory_space<vmem>>, vector<16xi32>,
    %get3A_287 = vector.shape_cast %get3A_286 : vector<16xi32> to vector<16xi32>
    %shift_right_arithmetic3A_288 = arith.constant 14 : i32
    %shift_right_arithmetic3A_289 = vector.broadcast %shift_right_arithmetic3A_288 : i32 to vector<16xi32>
    %shift_right_arithmetic3A_290 = arith.shrsi %get3A_287, %shift_right_arithmetic3A_289 : vector<16xi32>
    %add3A_291 = vector.broadcast %mul3A_4 : i32 to vector<16xi32>
    %add3A_292 = arith.addi %shift_right_arithmetic3A_290, %add3A_291 : vector<16xi32>
    %swap3A_293 = arith.constant 112 : index
    %swap3A_294 = tpu.vector_load %arg8[%swap3A_293] {strides = array<i32>} : memref<128xi32, #tpu.memory_space<vmem>>, vector<16xi32>,
    %swap3A_295 = vector.shape_cast %swap3A_294 : vector<16xi32> to vector<16xi32>
    %swap3A_296 = vector.shape_cast %add3A_292 : vector<16xi32> to vector<16xi32>
    tpu.vector_store %arg8[%swap3A_293], %swap3A_296 {strides = array<i32>} : memref<128xi32, #tpu.memory_space<vmem>>, vector<16xi32>,
    %and3A_297 = arith.constant 16383 : i32
    %and3A_298 = vector.broadcast %and3A_297 : i32 to vector<16xi32>
    %and3A_299 = arith.andi %get3A_287, %and3A_298 : vector<16xi32>
    %swap3A_300 = arith.constant 112 : index
    %swap3A_301 = tpu.vector_load %arg10[%swap3A_300] {strides = array<i32>} : memref<128xi32, #tpu.memory_space<vmem>>, vector<16xi32>,
    %swap3A_302 = vector.shape_cast %swap3A_301 : vector<16xi32> to vector<16xi32>
    %swap3A_303 = vector.shape_cast %and3A_299 : vector<16xi32> to vector<16xi32>
    tpu.vector_store %arg10[%swap3A_300], %swap3A_303 {strides = array<i32>} : memref<128xi32, #tpu.memory_space<vmem>>, vector<16xi32>,
    %dma_start3A = arith.constant 0 : i32
    %dma_start3A_304 = arith.constant 0 : i32
    %dma_start3A_305 = arith.constant 0 : i32
    %dma_start3A_306 = tpu.memref_slice %arg11[%dma_start3A, %dma_start3A_304, %dma_start3A_305] : memref<2x128x128xf32, #tpu.memory_space<vmem>> -> memref<1x128x128xf32, #tpu.memory_space<vmem>>
    %dma_start3A_307 = tpu.memref_squeeze %dma_start3A_306 : memref<1x128x128xf32, #tpu.memory_space<vmem>> -> memref<128x128xf32, #tpu.memory_space<vmem>>
    %dma_start3A_308 = arith.constant 0 : i32
    %dma_start3A_309 = arith.constant 0 : i32
    %dma_start3A_310 = tpu.memref_slice %arg2[%dma_start3A_308, %dma_start3A_309] : memref<180000x128xf32, #tpu.memory_space<hbm>> -> memref<180000x128xf32, #tpu.memory_space<hbm>>
    tpu.enqueue_indirect_dma source(%dma_start3A_310 : memref<180000x128xf32, #tpu.memory_space<hbm>>) target(%dma_start3A_307 : memref<128x128xf32, #tpu.memory_space<vmem>>) offsets(%arg7 : memref<128xi32, #tpu.memory_space<vmem>>) semaphore(%arg13 : memref<!tpu.dma_semaphore, #tpu.memory_space<semaphore_mem>>)
    %dma_start3A_311 = arith.constant 1 : i32
    %dma_start3A_312 = arith.constant 0 : i32
    %dma_start3A_313 = arith.constant 0 : i32
    %dma_start3A_314 = tpu.memref_slice %arg11[%dma_start3A_311, %dma_start3A_312, %dma_start3A_313] : memref<2x128x128xf32, #tpu.memory_space<vmem>> -> memref<1x128x128xf32, #tpu.memory_space<vmem>>
    %dma_start3A_315 = tpu.memref_squeeze %dma_start3A_314 : memref<1x128x128xf32, #tpu.memory_space<vmem>> -> memref<128x128xf32, #tpu.memory_space<vmem>>
    %dma_start3A_316 = arith.constant 0 : i32
    %dma_start3A_317 = arith.constant 0 : i32
    %dma_start3A_318 = tpu.memref_slice %arg2[%dma_start3A_316, %dma_start3A_317] : memref<180000x128xf32, #tpu.memory_space<hbm>> -> memref<180000x128xf32, #tpu.memory_space<hbm>>
    tpu.enqueue_indirect_dma source(%dma_start3A_318 : memref<180000x128xf32, #tpu.memory_space<hbm>>) target(%dma_start3A_315 : memref<128x128xf32, #tpu.memory_space<vmem>>) offsets(%arg8 : memref<128xi32, #tpu.memory_space<vmem>>) semaphore(%arg14 : memref<!tpu.dma_semaphore, #tpu.memory_space<semaphore_mem>>)
    %scan3A = arith.constant 0 : i32
    %scan3A_319 = arith.constant 0 : i32
    %scan3A_320 = arith.constant 40 : i32
    %scan3A_321 = arith.addi %scan3A_319, %scan3A_320 : i32
    %scan3A_322 = arith.constant 1 : i32
    scf.for %scan3A_332 = %scan3A_319 to %scan3A_321 step %scan3A_322  : i32 {
      %mul3A_333 = arith.constant 2 : i32
      %mul3A_334 = arith.muli %mul3A_333, %scan3A_332 : i32
      %dma_wait3A = arith.constant 0 : i32
      %dma_wait3A_335 = arith.constant 0 : i32
      %dma_wait3A_336 = arith.constant 0 : i32
      %dma_wait3A_337 = tpu.memref_slice %arg11[%dma_wait3A, %dma_wait3A_335, %dma_wait3A_336] : memref<2x128x128xf32, #tpu.memory_space<vmem>> -> memref<1x128x128xf32, #tpu.memory_space<vmem>>
      %dma_wait3A_338 = tpu.memref_squeeze %dma_wait3A_337 : memref<1x128x128xf32, #tpu.memory_space<vmem>> -> memref<128x128xf32, #tpu.memory_space<vmem>>
      %dma_wait3A_339 = arith.constant 0 : i32
      %dma_wait3A_340 = arith.constant 0 : i32
      %dma_wait3A_341 = tpu.memref_slice %arg2[%dma_wait3A_339, %dma_wait3A_340] : memref<180000x128xf32, #tpu.memory_space<hbm>> -> memref<180000x128xf32, #tpu.memory_space<hbm>>
      tpu.wait_indirect_dma semaphore(%arg13 : memref<!tpu.dma_semaphore, #tpu.memory_space<semaphore_mem>>) src(%dma_wait3A_341 : memref<180000x128xf32, #tpu.memory_space<hbm>>) dst(%dma_wait3A_338 : memref<128x128xf32, #tpu.memory_space<vmem>>)
      %run_scoped3A = arith.constant 0 : i32
      "tpu.region"() ({
        %run_scoped3A_360 = tpu.sem_alloc : memref<!tpu.dma_semaphore, #tpu.memory_space<semaphore_mem>>
        %dma_start3A_361 = arith.constant 0 : i32
        %dma_start3A_362 = arith.constant 0 : i32
        %dma_start3A_363 = tpu.memref_slice %arg11[%run_scoped3A, %dma_start3A_361, %dma_start3A_362] : memref<2x128x128xf32, #tpu.memory_space<vmem>> -> memref<1x128x128xf32, #tpu.memory_space<vmem>>
        %dma_start3A_364 = tpu.memref_squeeze %dma_start3A_363 : memref<1x128x128xf32, #tpu.memory_space<vmem>> -> memref<128x128xf32, #tpu.memory_space<vmem>>
        %dma_start3A_365 = arith.constant 0 : i32
        %dma_start3A_366 = arith.constant 0 : i32
        %dma_start3A_367 = tpu.memref_slice %arg12[%dma_start3A_365, %dma_start3A_366] : memref<10112x128xf32, #tpu.memory_space<vmem_shared>> -> memref<10112x128xf32, #tpu.memory_space<vmem_shared>>
        tpu.enqueue_indirect_dma source(%dma_start3A_364 : memref<128x128xf32, #tpu.memory_space<vmem>>) target(%dma_start3A_367 : memref<10112x128xf32, #tpu.memory_space<vmem_shared>>) offsets(%arg9 : memref<128xi32, #tpu.memory_space<vmem>>) semaphore(%run_scoped3A_360 : memref<!tpu.dma_semaphore, #tpu.memory_space<semaphore_mem>>) {add = true}
        %dma_wait3A_368 = arith.constant 0 : i32
        %dma_wait3A_369 = arith.constant 0 : i32
        %dma_wait3A_370 = tpu.memref_slice %arg11[%run_scoped3A, %dma_wait3A_368, %dma_wait3A_369] : memref<2x128x128xf32, #tpu.memory_space<vmem>> -> memref<1x128x128xf32, #tpu.memory_space<vmem>>
        %dma_wait3A_371 = tpu.memref_squeeze %dma_wait3A_370 : memref<1x128x128xf32, #tpu.memory_space<vmem>> -> memref<128x128xf32, #tpu.memory_space<vmem>>
        %dma_wait3A_372 = arith.constant 0 : i32
        %dma_wait3A_373 = arith.constant 0 : i32
        %dma_wait3A_374 = tpu.memref_slice %arg12[%dma_wait3A_372, %dma_wait3A_373] : memref<10112x128xf32, #tpu.memory_space<vmem_shared>> -> memref<10112x128xf32, #tpu.memory_space<vmem_shared>>
        tpu.wait_indirect_dma semaphore(%run_scoped3A_360 : memref<!tpu.dma_semaphore, #tpu.memory_space<semaphore_mem>>) src(%dma_wait3A_371 : memref<128x128xf32, #tpu.memory_space<vmem>>) dst(%dma_wait3A_374 : memref<10112x128xf32, #tpu.memory_space<vmem_shared>>)
        tpu.yield
      }) : () -> ()
      %lt3A = arith.constant 39 : i32
      %lt3A_342 = arith.cmpi slt, %scan3A_332, %lt3A : i32
      %convert_element_type3A_343 = arith.extui %lt3A_342 : i1 to i32
      %cond3A_344 = arith.constant 0 : i32
      %cond3A_345 = arith.cmpi ne, %convert_element_type3A_343, %cond3A_344 : i32
      scf.if %cond3A_345 {
        %add3A_360 = arith.constant 2 : i32
        %add3A_361 = arith.addi %mul3A_334, %add3A_360 : i32
        %mul3A_362 = arith.constant 128 : i32
        %mul3A_363 = arith.muli %add3A_361, %mul3A_362 : i32
        %add3A_364 = arith.constant 0 : i32
        %add3A_365 = arith.addi %mul3A_363, %add3A_364 : i32
        %get3A_366 = arith.index_cast %add3A_365 : i32 to index
        %get3A_367 = tpu.vector_load %arg6[%get3A_366] {strides = array<i32>} : memref<10240xi32, #tpu.memory_space<vmem>>, vector<16xi32>,
        %get3A_368 = vector.shape_cast %get3A_367 : vector<16xi32> to vector<16xi32>
        %shift_right_arithmetic3A_369 = arith.constant 14 : i32
        %shift_right_arithmetic3A_370 = vector.broadcast %shift_right_arithmetic3A_369 : i32 to vector<16xi32>
        %shift_right_arithmetic3A_371 = arith.shrsi %get3A_368, %shift_right_arithmetic3A_370 : vector<16xi32>
        %add3A_372 = vector.broadcast %mul3A_4 : i32 to vector<16xi32>
        %add3A_373 = arith.addi %shift_right_arithmetic3A_371, %add3A_372 : vector<16xi32>
        %swap3A_374 = arith.constant 0 : index
        %swap3A_375 = tpu.vector_load %arg7[%swap3A_374] {strides = array<i32>} : memref<128xi32, #tpu.memory_space<vmem>>, vector<16xi32>,
        %swap3A_376 = vector.shape_cast %swap3A_375 : vector<16xi32> to vector<16xi32>
        %swap3A_377 = vector.shape_cast %add3A_373 : vector<16xi32> to vector<16xi32>
        tpu.vector_store %arg7[%swap3A_374], %swap3A_377 {strides = array<i32>} : memref<128xi32, #tpu.memory_space<vmem>>, vector<16xi32>,
        %and3A_378 = arith.constant 16383 : i32
        %and3A_379 = vector.broadcast %and3A_378 : i32 to vector<16xi32>
        %and3A_380 = arith.andi %get3A_368, %and3A_379 : vector<16xi32>
        %swap3A_381 = arith.constant 0 : index
        %swap3A_382 = tpu.vector_load %arg9[%swap3A_381] {strides = array<i32>} : memref<128xi32, #tpu.memory_space<vmem>>, vector<16xi32>,
        %swap3A_383 = vector.shape_cast %swap3A_382 : vector<16xi32> to vector<16xi32>
        %swap3A_384 = vector.shape_cast %and3A_380 : vector<16xi32> to vector<16xi32>
        tpu.vector_store %arg9[%swap3A_381], %swap3A_384 {strides = array<i32>} : memref<128xi32, #tpu.memory_space<vmem>>, vector<16xi32>,
        %mul3A_385 = arith.constant 128 : i32
        %mul3A_386 = arith.muli %add3A_361, %mul3A_385 : i32
        %add3A_387 = arith.constant 16 : i32
        %add3A_388 = arith.addi %mul3A_386, %add3A_387 : i32
        %get3A_389 = arith.index_cast %add3A_388 : i32 to index
        %get3A_390 = tpu.vector_load %arg6[%get3A_389] {strides = array<i32>} : memref<10240xi32, #tpu.memory_space<vmem>>, vector<16xi32>,
        %get3A_391 = vector.shape_cast %get3A_390 : vector<16xi32> to vector<16xi32>
        %shift_right_arithmetic3A_392 = arith.constant 14 : i32
        %shift_right_arithmetic3A_393 = vector.broadcast %shift_right_arithmetic3A_392 : i32 to vector<16xi32>
        %shift_right_arithmetic3A_394 = arith.shrsi %get3A_391, %shift_right_arithmetic3A_393 : vector<16xi32>
        %add3A_395 = vector.broadcast %mul3A_4 : i32 to vector<16xi32>
        %add3A_396 = arith.addi %shift_right_arithmetic3A_394, %add3A_395 : vector<16xi32>
        %swap3A_397 = arith.constant 16 : index
        %swap3A_398 = tpu.vector_load %arg7[%swap3A_397] {strides = array<i32>} : memref<128xi32, #tpu.memory_space<vmem>>, vector<16xi32>,
        %swap3A_399 = vector.shape_cast %swap3A_398 : vector<16xi32> to vector<16xi32>
        %swap3A_400 = vector.shape_cast %add3A_396 : vector<16xi32> to vector<16xi32>
        tpu.vector_store %arg7[%swap3A_397], %swap3A_400 {strides = array<i32>} : memref<128xi32, #tpu.memory_space<vmem>>, vector<16xi32>,
        %and3A_401 = arith.constant 16383 : i32
        %and3A_402 = vector.broadcast %and3A_401 : i32 to vector<16xi32>
        %and3A_403 = arith.andi %get3A_391, %and3A_402 : vector<16xi32>
        %swap3A_404 = arith.constant 16 : index
        %swap3A_405 = tpu.vector_load %arg9[%swap3A_404] {strides = array<i32>} : memref<128xi32, #tpu.memory_space<vmem>>, vector<16xi32>,
        %swap3A_406 = vector.shape_cast %swap3A_405 : vector<16xi32> to vector<16xi32>
        %swap3A_407 = vector.shape_cast %and3A_403 : vector<16xi32> to vector<16xi32>
        tpu.vector_store %arg9[%swap3A_404], %swap3A_407 {strides = array<i32>} : memref<128xi32, #tpu.memory_space<vmem>>, vector<16xi32>,
        %mul3A_408 = arith.constant 128 : i32
        %mul3A_409 = arith.muli %add3A_361, %mul3A_408 : i32
        %add3A_410 = arith.constant 32 : i32
        %add3A_411 = arith.addi %mul3A_409, %add3A_410 : i32
        %get3A_412 = arith.index_cast %add3A_411 : i32 to index
        %get3A_413 = tpu.vector_load %arg6[%get3A_412] {strides = array<i32>} : memref<10240xi32, #tpu.memory_space<vmem>>, vector<16xi32>,
        %get3A_414 = vector.shape_cast %get3A_413 : vector<16xi32> to vector<16xi32>
        %shift_right_arithmetic3A_415 = arith.constant 14 : i32
        %shift_right_arithmetic3A_416 = vector.broadcast %shift_right_arithmetic3A_415 : i32 to vector<16xi32>
        %shift_right_arithmetic3A_417 = arith.shrsi %get3A_414, %shift_right_arithmetic3A_416 : vector<16xi32>
        %add3A_418 = vector.broadcast %mul3A_4 : i32 to vector<16xi32>
        %add3A_419 = arith.addi %shift_right_arithmetic3A_417, %add3A_418 : vector<16xi32>
        %swap3A_420 = arith.constant 32 : index
        %swap3A_421 = tpu.vector_load %arg7[%swap3A_420] {strides = array<i32>} : memref<128xi32, #tpu.memory_space<vmem>>, vector<16xi32>,
        %swap3A_422 = vector.shape_cast %swap3A_421 : vector<16xi32> to vector<16xi32>
        %swap3A_423 = vector.shape_cast %add3A_419 : vector<16xi32> to vector<16xi32>
        tpu.vector_store %arg7[%swap3A_420], %swap3A_423 {strides = array<i32>} : memref<128xi32, #tpu.memory_space<vmem>>, vector<16xi32>,
        %and3A_424 = arith.constant 16383 : i32
        %and3A_425 = vector.broadcast %and3A_424 : i32 to vector<16xi32>
        %and3A_426 = arith.andi %get3A_414, %and3A_425 : vector<16xi32>
        %swap3A_427 = arith.constant 32 : index
        %swap3A_428 = tpu.vector_load %arg9[%swap3A_427] {strides = array<i32>} : memref<128xi32, #tpu.memory_space<vmem>>, vector<16xi32>,
        %swap3A_429 = vector.shape_cast %swap3A_428 : vector<16xi32> to vector<16xi32>
        %swap3A_430 = vector.shape_cast %and3A_426 : vector<16xi32> to vector<16xi32>
        tpu.vector_store %arg9[%swap3A_427], %swap3A_430 {strides = array<i32>} : memref<128xi32, #tpu.memory_space<vmem>>, vector<16xi32>,
        %mul3A_431 = arith.constant 128 : i32
        %mul3A_432 = arith.muli %add3A_361, %mul3A_431 : i32
        %add3A_433 = arith.constant 48 : i32
        %add3A_434 = arith.addi %mul3A_432, %add3A_433 : i32
        %get3A_435 = arith.index_cast %add3A_434 : i32 to index
        %get3A_436 = tpu.vector_load %arg6[%get3A_435] {strides = array<i32>} : memref<10240xi32, #tpu.memory_space<vmem>>, vector<16xi32>,
        %get3A_437 = vector.shape_cast %get3A_436 : vector<16xi32> to vector<16xi32>
        %shift_right_arithmetic3A_438 = arith.constant 14 : i32
        %shift_right_arithmetic3A_439 = vector.broadcast %shift_right_arithmetic3A_438 : i32 to vector<16xi32>
        %shift_right_arithmetic3A_440 = arith.shrsi %get3A_437, %shift_right_arithmetic3A_439 : vector<16xi32>
        %add3A_441 = vector.broadcast %mul3A_4 : i32 to vector<16xi32>
        %add3A_442 = arith.addi %shift_right_arithmetic3A_440, %add3A_441 : vector<16xi32>
        %swap3A_443 = arith.constant 48 : index
        %swap3A_444 = tpu.vector_load %arg7[%swap3A_443] {strides = array<i32>} : memref<128xi32, #tpu.memory_space<vmem>>, vector<16xi32>,
        %swap3A_445 = vector.shape_cast %swap3A_444 : vector<16xi32> to vector<16xi32>
        %swap3A_446 = vector.shape_cast %add3A_442 : vector<16xi32> to vector<16xi32>
        tpu.vector_store %arg7[%swap3A_443], %swap3A_446 {strides = array<i32>} : memref<128xi32, #tpu.memory_space<vmem>>, vector<16xi32>,
        %and3A_447 = arith.constant 16383 : i32
        %and3A_448 = vector.broadcast %and3A_447 : i32 to vector<16xi32>
        %and3A_449 = arith.andi %get3A_437, %and3A_448 : vector<16xi32>
        %swap3A_450 = arith.constant 48 : index
        %swap3A_451 = tpu.vector_load %arg9[%swap3A_450] {strides = array<i32>} : memref<128xi32, #tpu.memory_space<vmem>>, vector<16xi32>,
        %swap3A_452 = vector.shape_cast %swap3A_451 : vector<16xi32> to vector<16xi32>
        %swap3A_453 = vector.shape_cast %and3A_449 : vector<16xi32> to vector<16xi32>
        tpu.vector_store %arg9[%swap3A_450], %swap3A_453 {strides = array<i32>} : memref<128xi32, #tpu.memory_space<vmem>>, vector<16xi32>,
        %mul3A_454 = arith.constant 128 : i32
        %mul3A_455 = arith.muli %add3A_361, %mul3A_454 : i32
        %add3A_456 = arith.constant 64 : i32
        %add3A_457 = arith.addi %mul3A_455, %add3A_456 : i32
        %get3A_458 = arith.index_cast %add3A_457 : i32 to index
        %get3A_459 = tpu.vector_load %arg6[%get3A_458] {strides = array<i32>} : memref<10240xi32, #tpu.memory_space<vmem>>, vector<16xi32>,
        %get3A_460 = vector.shape_cast %get3A_459 : vector<16xi32> to vector<16xi32>
        %shift_right_arithmetic3A_461 = arith.constant 14 : i32
        %shift_right_arithmetic3A_462 = vector.broadcast %shift_right_arithmetic3A_461 : i32 to vector<16xi32>
        %shift_right_arithmetic3A_463 = arith.shrsi %get3A_460, %shift_right_arithmetic3A_462 : vector<16xi32>
        %add3A_464 = vector.broadcast %mul3A_4 : i32 to vector<16xi32>
        %add3A_465 = arith.addi %shift_right_arithmetic3A_463, %add3A_464 : vector<16xi32>
        %swap3A_466 = arith.constant 64 : index
        %swap3A_467 = tpu.vector_load %arg7[%swap3A_466] {strides = array<i32>} : memref<128xi32, #tpu.memory_space<vmem>>, vector<16xi32>,
        %swap3A_468 = vector.shape_cast %swap3A_467 : vector<16xi32> to vector<16xi32>
        %swap3A_469 = vector.shape_cast %add3A_465 : vector<16xi32> to vector<16xi32>
        tpu.vector_store %arg7[%swap3A_466], %swap3A_469 {strides = array<i32>} : memref<128xi32, #tpu.memory_space<vmem>>, vector<16xi32>,
        %and3A_470 = arith.constant 16383 : i32
        %and3A_471 = vector.broadcast %and3A_470 : i32 to vector<16xi32>
        %and3A_472 = arith.andi %get3A_460, %and3A_471 : vector<16xi32>
        %swap3A_473 = arith.constant 64 : index
        %swap3A_474 = tpu.vector_load %arg9[%swap3A_473] {strides = array<i32>} : memref<128xi32, #tpu.memory_space<vmem>>, vector<16xi32>,
        %swap3A_475 = vector.shape_cast %swap3A_474 : vector<16xi32> to vector<16xi32>
        %swap3A_476 = vector.shape_cast %and3A_472 : vector<16xi32> to vector<16xi32>
        tpu.vector_store %arg9[%swap3A_473], %swap3A_476 {strides = array<i32>} : memref<128xi32, #tpu.memory_space<vmem>>, vector<16xi32>,
        %mul3A_477 = arith.constant 128 : i32
        %mul3A_478 = arith.muli %add3A_361, %mul3A_477 : i32
        %add3A_479 = arith.constant 80 : i32
        %add3A_480 = arith.addi %mul3A_478, %add3A_479 : i32
        %get3A_481 = arith.index_cast %add3A_480 : i32 to index
        %get3A_482 = tpu.vector_load %arg6[%get3A_481] {strides = array<i32>} : memref<10240xi32, #tpu.memory_space<vmem>>, vector<16xi32>,
        %get3A_483 = vector.shape_cast %get3A_482 : vector<16xi32> to vector<16xi32>
        %shift_right_arithmetic3A_484 = arith.constant 14 : i32
        %shift_right_arithmetic3A_485 = vector.broadcast %shift_right_arithmetic3A_484 : i32 to vector<16xi32>
        %shift_right_arithmetic3A_486 = arith.shrsi %get3A_483, %shift_right_arithmetic3A_485 : vector<16xi32>
        %add3A_487 = vector.broadcast %mul3A_4 : i32 to vector<16xi32>
        %add3A_488 = arith.addi %shift_right_arithmetic3A_486, %add3A_487 : vector<16xi32>
        %swap3A_489 = arith.constant 80 : index
        %swap3A_490 = tpu.vector_load %arg7[%swap3A_489] {strides = array<i32>} : memref<128xi32, #tpu.memory_space<vmem>>, vector<16xi32>,
        %swap3A_491 = vector.shape_cast %swap3A_490 : vector<16xi32> to vector<16xi32>
        %swap3A_492 = vector.shape_cast %add3A_488 : vector<16xi32> to vector<16xi32>
        tpu.vector_store %arg7[%swap3A_489], %swap3A_492 {strides = array<i32>} : memref<128xi32, #tpu.memory_space<vmem>>, vector<16xi32>,
        %and3A_493 = arith.constant 16383 : i32
        %and3A_494 = vector.broadcast %and3A_493 : i32 to vector<16xi32>
        %and3A_495 = arith.andi %get3A_483, %and3A_494 : vector<16xi32>
        %swap3A_496 = arith.constant 80 : index
        %swap3A_497 = tpu.vector_load %arg9[%swap3A_496] {strides = array<i32>} : memref<128xi32, #tpu.memory_space<vmem>>, vector<16xi32>,
        %swap3A_498 = vector.shape_cast %swap3A_497 : vector<16xi32> to vector<16xi32>
        %swap3A_499 = vector.shape_cast %and3A_495 : vector<16xi32> to vector<16xi32>
        tpu.vector_store %arg9[%swap3A_496], %swap3A_499 {strides = array<i32>} : memref<128xi32, #tpu.memory_space<vmem>>, vector<16xi32>,
        %mul3A_500 = arith.constant 128 : i32
        %mul3A_501 = arith.muli %add3A_361, %mul3A_500 : i32
        %add3A_502 = arith.constant 96 : i32
        %add3A_503 = arith.addi %mul3A_501, %add3A_502 : i32
        %get3A_504 = arith.index_cast %add3A_503 : i32 to index
        %get3A_505 = tpu.vector_load %arg6[%get3A_504] {strides = array<i32>} : memref<10240xi32, #tpu.memory_space<vmem>>, vector<16xi32>,
        %get3A_506 = vector.shape_cast %get3A_505 : vector<16xi32> to vector<16xi32>
        %shift_right_arithmetic3A_507 = arith.constant 14 : i32
        %shift_right_arithmetic3A_508 = vector.broadcast %shift_right_arithmetic3A_507 : i32 to vector<16xi32>
        %shift_right_arithmetic3A_509 = arith.shrsi %get3A_506, %shift_right_arithmetic3A_508 : vector<16xi32>
        %add3A_510 = vector.broadcast %mul3A_4 : i32 to vector<16xi32>
        %add3A_511 = arith.addi %shift_right_arithmetic3A_509, %add3A_510 : vector<16xi32>
        %swap3A_512 = arith.constant 96 : index
        %swap3A_513 = tpu.vector_load %arg7[%swap3A_512] {strides = array<i32>} : memref<128xi32, #tpu.memory_space<vmem>>, vector<16xi32>,
        %swap3A_514 = vector.shape_cast %swap3A_513 : vector<16xi32> to vector<16xi32>
        %swap3A_515 = vector.shape_cast %add3A_511 : vector<16xi32> to vector<16xi32>
        tpu.vector_store %arg7[%swap3A_512], %swap3A_515 {strides = array<i32>} : memref<128xi32, #tpu.memory_space<vmem>>, vector<16xi32>,
        %and3A_516 = arith.constant 16383 : i32
        %and3A_517 = vector.broadcast %and3A_516 : i32 to vector<16xi32>
        %and3A_518 = arith.andi %get3A_506, %and3A_517 : vector<16xi32>
        %swap3A_519 = arith.constant 96 : index
        %swap3A_520 = tpu.vector_load %arg9[%swap3A_519] {strides = array<i32>} : memref<128xi32, #tpu.memory_space<vmem>>, vector<16xi32>,
        %swap3A_521 = vector.shape_cast %swap3A_520 : vector<16xi32> to vector<16xi32>
        %swap3A_522 = vector.shape_cast %and3A_518 : vector<16xi32> to vector<16xi32>
        tpu.vector_store %arg9[%swap3A_519], %swap3A_522 {strides = array<i32>} : memref<128xi32, #tpu.memory_space<vmem>>, vector<16xi32>,
        %mul3A_523 = arith.constant 128 : i32
        %mul3A_524 = arith.muli %add3A_361, %mul3A_523 : i32
        %add3A_525 = arith.constant 112 : i32
        %add3A_526 = arith.addi %mul3A_524, %add3A_525 : i32
        %get3A_527 = arith.index_cast %add3A_526 : i32 to index
        %get3A_528 = tpu.vector_load %arg6[%get3A_527] {strides = array<i32>} : memref<10240xi32, #tpu.memory_space<vmem>>, vector<16xi32>,
        %get3A_529 = vector.shape_cast %get3A_528 : vector<16xi32> to vector<16xi32>
        %shift_right_arithmetic3A_530 = arith.constant 14 : i32
        %shift_right_arithmetic3A_531 = vector.broadcast %shift_right_arithmetic3A_530 : i32 to vector<16xi32>
        %shift_right_arithmetic3A_532 = arith.shrsi %get3A_529, %shift_right_arithmetic3A_531 : vector<16xi32>
        %add3A_533 = vector.broadcast %mul3A_4 : i32 to vector<16xi32>
        %add3A_534 = arith.addi %shift_right_arithmetic3A_532, %add3A_533 : vector<16xi32>
        %swap3A_535 = arith.constant 112 : index
        %swap3A_536 = tpu.vector_load %arg7[%swap3A_535] {strides = array<i32>} : memref<128xi32, #tpu.memory_space<vmem>>, vector<16xi32>,
        %swap3A_537 = vector.shape_cast %swap3A_536 : vector<16xi32> to vector<16xi32>
        %swap3A_538 = vector.shape_cast %add3A_534 : vector<16xi32> to vector<16xi32>
        tpu.vector_store %arg7[%swap3A_535], %swap3A_538 {strides = array<i32>} : memref<128xi32, #tpu.memory_space<vmem>>, vector<16xi32>,
        %and3A_539 = arith.constant 16383 : i32
        %and3A_540 = vector.broadcast %and3A_539 : i32 to vector<16xi32>
        %and3A_541 = arith.andi %get3A_529, %and3A_540 : vector<16xi32>
        %swap3A_542 = arith.constant 112 : index
        %swap3A_543 = tpu.vector_load %arg9[%swap3A_542] {strides = array<i32>} : memref<128xi32, #tpu.memory_space<vmem>>, vector<16xi32>,
        %swap3A_544 = vector.shape_cast %swap3A_543 : vector<16xi32> to vector<16xi32>
        %swap3A_545 = vector.shape_cast %and3A_541 : vector<16xi32> to vector<16xi32>
        tpu.vector_store %arg9[%swap3A_542], %swap3A_545 {strides = array<i32>} : memref<128xi32, #tpu.memory_space<vmem>>, vector<16xi32>,
        %dma_start3A_546 = arith.constant 0 : i32
        %dma_start3A_547 = arith.constant 0 : i32
        %dma_start3A_548 = arith.constant 0 : i32
        %dma_start3A_549 = tpu.memref_slice %arg11[%dma_start3A_546, %dma_start3A_547, %dma_start3A_548] : memref<2x128x128xf32, #tpu.memory_space<vmem>> -> memref<1x128x128xf32, #tpu.memory_space<vmem>>
        %dma_start3A_550 = tpu.memref_squeeze %dma_start3A_549 : memref<1x128x128xf32, #tpu.memory_space<vmem>> -> memref<128x128xf32, #tpu.memory_space<vmem>>
        %dma_start3A_551 = arith.constant 0 : i32
        %dma_start3A_552 = arith.constant 0 : i32
        %dma_start3A_553 = tpu.memref_slice %arg2[%dma_start3A_551, %dma_start3A_552] : memref<180000x128xf32, #tpu.memory_space<hbm>> -> memref<180000x128xf32, #tpu.memory_space<hbm>>
        tpu.enqueue_indirect_dma source(%dma_start3A_553 : memref<180000x128xf32, #tpu.memory_space<hbm>>) target(%dma_start3A_550 : memref<128x128xf32, #tpu.memory_space<vmem>>) offsets(%arg7 : memref<128xi32, #tpu.memory_space<vmem>>) semaphore(%arg13 : memref<!tpu.dma_semaphore, #tpu.memory_space<semaphore_mem>>)
      } else {
      }
      %dma_wait3A_346 = arith.constant 1 : i32
      %dma_wait3A_347 = arith.constant 0 : i32
      %dma_wait3A_348 = arith.constant 0 : i32
      %dma_wait3A_349 = tpu.memref_slice %arg11[%dma_wait3A_346, %dma_wait3A_347, %dma_wait3A_348] : memref<2x128x128xf32, #tpu.memory_space<vmem>> -> memref<1x128x128xf32, #tpu.memory_space<vmem>>
      %dma_wait3A_350 = tpu.memref_squeeze %dma_wait3A_349 : memref<1x128x128xf32, #tpu.memory_space<vmem>> -> memref<128x128xf32, #tpu.memory_space<vmem>>
      %dma_wait3A_351 = arith.constant 0 : i32
      %dma_wait3A_352 = arith.constant 0 : i32
      %dma_wait3A_353 = tpu.memref_slice %arg2[%dma_wait3A_351, %dma_wait3A_352] : memref<180000x128xf32, #tpu.memory_space<hbm>> -> memref<180000x128xf32, #tpu.memory_space<hbm>>
      tpu.wait_indirect_dma semaphore(%arg14 : memref<!tpu.dma_semaphore, #tpu.memory_space<semaphore_mem>>) src(%dma_wait3A_353 : memref<180000x128xf32, #tpu.memory_space<hbm>>) dst(%dma_wait3A_350 : memref<128x128xf32, #tpu.memory_space<vmem>>)
      %run_scoped3A_354 = arith.constant 1 : i32
      "tpu.region"() ({
        %run_scoped3A_360 = tpu.sem_alloc : memref<!tpu.dma_semaphore, #tpu.memory_space<semaphore_mem>>
        %dma_start3A_361 = arith.constant 0 : i32
        %dma_start3A_362 = arith.constant 0 : i32
        %dma_start3A_363 = tpu.memref_slice %arg11[%run_scoped3A_354, %dma_start3A_361, %dma_start3A_362] : memref<2x128x128xf32, #tpu.memory_space<vmem>> -> memref<1x128x128xf32, #tpu.memory_space<vmem>>
        %dma_start3A_364 = tpu.memref_squeeze %dma_start3A_363 : memref<1x128x128xf32, #tpu.memory_space<vmem>> -> memref<128x128xf32, #tpu.memory_space<vmem>>
        %dma_start3A_365 = arith.constant 0 : i32
        %dma_start3A_366 = arith.constant 0 : i32
        %dma_start3A_367 = tpu.memref_slice %arg12[%dma_start3A_365, %dma_start3A_366] : memref<10112x128xf32, #tpu.memory_space<vmem_shared>> -> memref<10112x128xf32, #tpu.memory_space<vmem_shared>>
        tpu.enqueue_indirect_dma source(%dma_start3A_364 : memref<128x128xf32, #tpu.memory_space<vmem>>) target(%dma_start3A_367 : memref<10112x128xf32, #tpu.memory_space<vmem_shared>>) offsets(%arg10 : memref<128xi32, #tpu.memory_space<vmem>>) semaphore(%run_scoped3A_360 : memref<!tpu.dma_semaphore, #tpu.memory_space<semaphore_mem>>) {add = true}
        %dma_wait3A_368 = arith.constant 0 : i32
        %dma_wait3A_369 = arith.constant 0 : i32
        %dma_wait3A_370 = tpu.memref_slice %arg11[%run_scoped3A_354, %dma_wait3A_368, %dma_wait3A_369] : memref<2x128x128xf32, #tpu.memory_space<vmem>> -> memref<1x128x128xf32, #tpu.memory_space<vmem>>
        %dma_wait3A_371 = tpu.memref_squeeze %dma_wait3A_370 : memref<1x128x128xf32, #tpu.memory_space<vmem>> -> memref<128x128xf32, #tpu.memory_space<vmem>>
        %dma_wait3A_372 = arith.constant 0 : i32
        %dma_wait3A_373 = arith.constant 0 : i32
        %dma_wait3A_374 = tpu.memref_slice %arg12[%dma_wait3A_372, %dma_wait3A_373] : memref<10112x128xf32, #tpu.memory_space<vmem_shared>> -> memref<10112x128xf32, #tpu.memory_space<vmem_shared>>
        tpu.wait_indirect_dma semaphore(%run_scoped3A_360 : memref<!tpu.dma_semaphore, #tpu.memory_space<semaphore_mem>>) src(%dma_wait3A_371 : memref<128x128xf32, #tpu.memory_space<vmem>>) dst(%dma_wait3A_374 : memref<10112x128xf32, #tpu.memory_space<vmem_shared>>)
        tpu.yield
      }) : () -> ()
      %lt3A_355 = arith.constant 39 : i32
      %lt3A_356 = arith.cmpi slt, %scan3A_332, %lt3A_355 : i32
      %convert_element_type3A_357 = arith.extui %lt3A_356 : i1 to i32
      %cond3A_358 = arith.constant 0 : i32
      %cond3A_359 = arith.cmpi ne, %convert_element_type3A_357, %cond3A_358 : i32
      scf.if %cond3A_359 {
        %add3A_360 = arith.constant 3 : i32
        %add3A_361 = arith.addi %mul3A_334, %add3A_360 : i32
        %mul3A_362 = arith.constant 128 : i32
        %mul3A_363 = arith.muli %add3A_361, %mul3A_362 : i32
        %add3A_364 = arith.constant 0 : i32
        %add3A_365 = arith.addi %mul3A_363, %add3A_364 : i32
        %get3A_366 = arith.index_cast %add3A_365 : i32 to index
        %get3A_367 = tpu.vector_load %arg6[%get3A_366] {strides = array<i32>} : memref<10240xi32, #tpu.memory_space<vmem>>, vector<16xi32>,
        %get3A_368 = vector.shape_cast %get3A_367 : vector<16xi32> to vector<16xi32>
        %shift_right_arithmetic3A_369 = arith.constant 14 : i32
        %shift_right_arithmetic3A_370 = vector.broadcast %shift_right_arithmetic3A_369 : i32 to vector<16xi32>
        %shift_right_arithmetic3A_371 = arith.shrsi %get3A_368, %shift_right_arithmetic3A_370 : vector<16xi32>
        %add3A_372 = vector.broadcast %mul3A_4 : i32 to vector<16xi32>
        %add3A_373 = arith.addi %shift_right_arithmetic3A_371, %add3A_372 : vector<16xi32>
        %swap3A_374 = arith.constant 0 : index
        %swap3A_375 = tpu.vector_load %arg8[%swap3A_374] {strides = array<i32>} : memref<128xi32, #tpu.memory_space<vmem>>, vector<16xi32>,
        %swap3A_376 = vector.shape_cast %swap3A_375 : vector<16xi32> to vector<16xi32>
        %swap3A_377 = vector.shape_cast %add3A_373 : vector<16xi32> to vector<16xi32>
        tpu.vector_store %arg8[%swap3A_374], %swap3A_377 {strides = array<i32>} : memref<128xi32, #tpu.memory_space<vmem>>, vector<16xi32>,
        %and3A_378 = arith.constant 16383 : i32
        %and3A_379 = vector.broadcast %and3A_378 : i32 to vector<16xi32>
        %and3A_380 = arith.andi %get3A_368, %and3A_379 : vector<16xi32>
        %swap3A_381 = arith.constant 0 : index
        %swap3A_382 = tpu.vector_load %arg10[%swap3A_381] {strides = array<i32>} : memref<128xi32, #tpu.memory_space<vmem>>, vector<16xi32>,
        %swap3A_383 = vector.shape_cast %swap3A_382 : vector<16xi32> to vector<16xi32>
        %swap3A_384 = vector.shape_cast %and3A_380 : vector<16xi32> to vector<16xi32>
        tpu.vector_store %arg10[%swap3A_381], %swap3A_384 {strides = array<i32>} : memref<128xi32, #tpu.memory_space<vmem>>, vector<16xi32>,
        %mul3A_385 = arith.constant 128 : i32
        %mul3A_386 = arith.muli %add3A_361, %mul3A_385 : i32
        %add3A_387 = arith.constant 16 : i32
        %add3A_388 = arith.addi %mul3A_386, %add3A_387 : i32
        %get3A_389 = arith.index_cast %add3A_388 : i32 to index
        %get3A_390 = tpu.vector_load %arg6[%get3A_389] {strides = array<i32>} : memref<10240xi32, #tpu.memory_space<vmem>>, vector<16xi32>,
        %get3A_391 = vector.shape_cast %get3A_390 : vector<16xi32> to vector<16xi32>
        %shift_right_arithmetic3A_392 = arith.constant 14 : i32
        %shift_right_arithmetic3A_393 = vector.broadcast %shift_right_arithmetic3A_392 : i32 to vector<16xi32>
        %shift_right_arithmetic3A_394 = arith.shrsi %get3A_391, %shift_right_arithmetic3A_393 : vector<16xi32>
        %add3A_395 = vector.broadcast %mul3A_4 : i32 to vector<16xi32>
        %add3A_396 = arith.addi %shift_right_arithmetic3A_394, %add3A_395 : vector<16xi32>
        %swap3A_397 = arith.constant 16 : index
        %swap3A_398 = tpu.vector_load %arg8[%swap3A_397] {strides = array<i32>} : memref<128xi32, #tpu.memory_space<vmem>>, vector<16xi32>,
        %swap3A_399 = vector.shape_cast %swap3A_398 : vector<16xi32> to vector<16xi32>
        %swap3A_400 = vector.shape_cast %add3A_396 : vector<16xi32> to vector<16xi32>
        tpu.vector_store %arg8[%swap3A_397], %swap3A_400 {strides = array<i32>} : memref<128xi32, #tpu.memory_space<vmem>>, vector<16xi32>,
        %and3A_401 = arith.constant 16383 : i32
        %and3A_402 = vector.broadcast %and3A_401 : i32 to vector<16xi32>
        %and3A_403 = arith.andi %get3A_391, %and3A_402 : vector<16xi32>
        %swap3A_404 = arith.constant 16 : index
        %swap3A_405 = tpu.vector_load %arg10[%swap3A_404] {strides = array<i32>} : memref<128xi32, #tpu.memory_space<vmem>>, vector<16xi32>,
        %swap3A_406 = vector.shape_cast %swap3A_405 : vector<16xi32> to vector<16xi32>
        %swap3A_407 = vector.shape_cast %and3A_403 : vector<16xi32> to vector<16xi32>
        tpu.vector_store %arg10[%swap3A_404], %swap3A_407 {strides = array<i32>} : memref<128xi32, #tpu.memory_space<vmem>>, vector<16xi32>,
        %mul3A_408 = arith.constant 128 : i32
        %mul3A_409 = arith.muli %add3A_361, %mul3A_408 : i32
        %add3A_410 = arith.constant 32 : i32
        %add3A_411 = arith.addi %mul3A_409, %add3A_410 : i32
        %get3A_412 = arith.index_cast %add3A_411 : i32 to index
        %get3A_413 = tpu.vector_load %arg6[%get3A_412] {strides = array<i32>} : memref<10240xi32, #tpu.memory_space<vmem>>, vector<16xi32>,
        %get3A_414 = vector.shape_cast %get3A_413 : vector<16xi32> to vector<16xi32>
        %shift_right_arithmetic3A_415 = arith.constant 14 : i32
        %shift_right_arithmetic3A_416 = vector.broadcast %shift_right_arithmetic3A_415 : i32 to vector<16xi32>
        %shift_right_arithmetic3A_417 = arith.shrsi %get3A_414, %shift_right_arithmetic3A_416 : vector<16xi32>
        %add3A_418 = vector.broadcast %mul3A_4 : i32 to vector<16xi32>
        %add3A_419 = arith.addi %shift_right_arithmetic3A_417, %add3A_418 : vector<16xi32>
        %swap3A_420 = arith.constant 32 : index
        %swap3A_421 = tpu.vector_load %arg8[%swap3A_420] {strides = array<i32>} : memref<128xi32, #tpu.memory_space<vmem>>, vector<16xi32>,
        %swap3A_422 = vector.shape_cast %swap3A_421 : vector<16xi32> to vector<16xi32>
        %swap3A_423 = vector.shape_cast %add3A_419 : vector<16xi32> to vector<16xi32>
        tpu.vector_store %arg8[%swap3A_420], %swap3A_423 {strides = array<i32>} : memref<128xi32, #tpu.memory_space<vmem>>, vector<16xi32>,
        %and3A_424 = arith.constant 16383 : i32
        %and3A_425 = vector.broadcast %and3A_424 : i32 to vector<16xi32>
        %and3A_426 = arith.andi %get3A_414, %and3A_425 : vector<16xi32>
        %swap3A_427 = arith.constant 32 : index
        %swap3A_428 = tpu.vector_load %arg10[%swap3A_427] {strides = array<i32>} : memref<128xi32, #tpu.memory_space<vmem>>, vector<16xi32>,
        %swap3A_429 = vector.shape_cast %swap3A_428 : vector<16xi32> to vector<16xi32>
        %swap3A_430 = vector.shape_cast %and3A_426 : vector<16xi32> to vector<16xi32>
        tpu.vector_store %arg10[%swap3A_427], %swap3A_430 {strides = array<i32>} : memref<128xi32, #tpu.memory_space<vmem>>, vector<16xi32>,
        %mul3A_431 = arith.constant 128 : i32
        %mul3A_432 = arith.muli %add3A_361, %mul3A_431 : i32
        %add3A_433 = arith.constant 48 : i32
        %add3A_434 = arith.addi %mul3A_432, %add3A_433 : i32
        %get3A_435 = arith.index_cast %add3A_434 : i32 to index
        %get3A_436 = tpu.vector_load %arg6[%get3A_435] {strides = array<i32>} : memref<10240xi32, #tpu.memory_space<vmem>>, vector<16xi32>,
        %get3A_437 = vector.shape_cast %get3A_436 : vector<16xi32> to vector<16xi32>
        %shift_right_arithmetic3A_438 = arith.constant 14 : i32
        %shift_right_arithmetic3A_439 = vector.broadcast %shift_right_arithmetic3A_438 : i32 to vector<16xi32>
        %shift_right_arithmetic3A_440 = arith.shrsi %get3A_437, %shift_right_arithmetic3A_439 : vector<16xi32>
        %add3A_441 = vector.broadcast %mul3A_4 : i32 to vector<16xi32>
        %add3A_442 = arith.addi %shift_right_arithmetic3A_440, %add3A_441 : vector<16xi32>
        %swap3A_443 = arith.constant 48 : index
        %swap3A_444 = tpu.vector_load %arg8[%swap3A_443] {strides = array<i32>} : memref<128xi32, #tpu.memory_space<vmem>>, vector<16xi32>,
        %swap3A_445 = vector.shape_cast %swap3A_444 : vector<16xi32> to vector<16xi32>
        %swap3A_446 = vector.shape_cast %add3A_442 : vector<16xi32> to vector<16xi32>
        tpu.vector_store %arg8[%swap3A_443], %swap3A_446 {strides = array<i32>} : memref<128xi32, #tpu.memory_space<vmem>>, vector<16xi32>,
        %and3A_447 = arith.constant 16383 : i32
        %and3A_448 = vector.broadcast %and3A_447 : i32 to vector<16xi32>
        %and3A_449 = arith.andi %get3A_437, %and3A_448 : vector<16xi32>
        %swap3A_450 = arith.constant 48 : index
        %swap3A_451 = tpu.vector_load %arg10[%swap3A_450] {strides = array<i32>} : memref<128xi32, #tpu.memory_space<vmem>>, vector<16xi32>,
        %swap3A_452 = vector.shape_cast %swap3A_451 : vector<16xi32> to vector<16xi32>
        %swap3A_453 = vector.shape_cast %and3A_449 : vector<16xi32> to vector<16xi32>
        tpu.vector_store %arg10[%swap3A_450], %swap3A_453 {strides = array<i32>} : memref<128xi32, #tpu.memory_space<vmem>>, vector<16xi32>,
        %mul3A_454 = arith.constant 128 : i32
        %mul3A_455 = arith.muli %add3A_361, %mul3A_454 : i32
        %add3A_456 = arith.constant 64 : i32
        %add3A_457 = arith.addi %mul3A_455, %add3A_456 : i32
        %get3A_458 = arith.index_cast %add3A_457 : i32 to index
        %get3A_459 = tpu.vector_load %arg6[%get3A_458] {strides = array<i32>} : memref<10240xi32, #tpu.memory_space<vmem>>, vector<16xi32>,
        %get3A_460 = vector.shape_cast %get3A_459 : vector<16xi32> to vector<16xi32>
        %shift_right_arithmetic3A_461 = arith.constant 14 : i32
        %shift_right_arithmetic3A_462 = vector.broadcast %shift_right_arithmetic3A_461 : i32 to vector<16xi32>
        %shift_right_arithmetic3A_463 = arith.shrsi %get3A_460, %shift_right_arithmetic3A_462 : vector<16xi32>
        %add3A_464 = vector.broadcast %mul3A_4 : i32 to vector<16xi32>
        %add3A_465 = arith.addi %shift_right_arithmetic3A_463, %add3A_464 : vector<16xi32>
        %swap3A_466 = arith.constant 64 : index
        %swap3A_467 = tpu.vector_load %arg8[%swap3A_466] {strides = array<i32>} : memref<128xi32, #tpu.memory_space<vmem>>, vector<16xi32>,
        %swap3A_468 = vector.shape_cast %swap3A_467 : vector<16xi32> to vector<16xi32>
        %swap3A_469 = vector.shape_cast %add3A_465 : vector<16xi32> to vector<16xi32>
        tpu.vector_store %arg8[%swap3A_466], %swap3A_469 {strides = array<i32>} : memref<128xi32, #tpu.memory_space<vmem>>, vector<16xi32>,
        %and3A_470 = arith.constant 16383 : i32
        %and3A_471 = vector.broadcast %and3A_470 : i32 to vector<16xi32>
        %and3A_472 = arith.andi %get3A_460, %and3A_471 : vector<16xi32>
        %swap3A_473 = arith.constant 64 : index
        %swap3A_474 = tpu.vector_load %arg10[%swap3A_473] {strides = array<i32>} : memref<128xi32, #tpu.memory_space<vmem>>, vector<16xi32>,
        %swap3A_475 = vector.shape_cast %swap3A_474 : vector<16xi32> to vector<16xi32>
        %swap3A_476 = vector.shape_cast %and3A_472 : vector<16xi32> to vector<16xi32>
        tpu.vector_store %arg10[%swap3A_473], %swap3A_476 {strides = array<i32>} : memref<128xi32, #tpu.memory_space<vmem>>, vector<16xi32>,
        %mul3A_477 = arith.constant 128 : i32
        %mul3A_478 = arith.muli %add3A_361, %mul3A_477 : i32
        %add3A_479 = arith.constant 80 : i32
        %add3A_480 = arith.addi %mul3A_478, %add3A_479 : i32
        %get3A_481 = arith.index_cast %add3A_480 : i32 to index
        %get3A_482 = tpu.vector_load %arg6[%get3A_481] {strides = array<i32>} : memref<10240xi32, #tpu.memory_space<vmem>>, vector<16xi32>,
        %get3A_483 = vector.shape_cast %get3A_482 : vector<16xi32> to vector<16xi32>
        %shift_right_arithmetic3A_484 = arith.constant 14 : i32
        %shift_right_arithmetic3A_485 = vector.broadcast %shift_right_arithmetic3A_484 : i32 to vector<16xi32>
        %shift_right_arithmetic3A_486 = arith.shrsi %get3A_483, %shift_right_arithmetic3A_485 : vector<16xi32>
        %add3A_487 = vector.broadcast %mul3A_4 : i32 to vector<16xi32>
        %add3A_488 = arith.addi %shift_right_arithmetic3A_486, %add3A_487 : vector<16xi32>
        %swap3A_489 = arith.constant 80 : index
        %swap3A_490 = tpu.vector_load %arg8[%swap3A_489] {strides = array<i32>} : memref<128xi32, #tpu.memory_space<vmem>>, vector<16xi32>,
        %swap3A_491 = vector.shape_cast %swap3A_490 : vector<16xi32> to vector<16xi32>
        %swap3A_492 = vector.shape_cast %add3A_488 : vector<16xi32> to vector<16xi32>
        tpu.vector_store %arg8[%swap3A_489], %swap3A_492 {strides = array<i32>} : memref<128xi32, #tpu.memory_space<vmem>>, vector<16xi32>,
        %and3A_493 = arith.constant 16383 : i32
        %and3A_494 = vector.broadcast %and3A_493 : i32 to vector<16xi32>
        %and3A_495 = arith.andi %get3A_483, %and3A_494 : vector<16xi32>
        %swap3A_496 = arith.constant 80 : index
        %swap3A_497 = tpu.vector_load %arg10[%swap3A_496] {strides = array<i32>} : memref<128xi32, #tpu.memory_space<vmem>>, vector<16xi32>,
        %swap3A_498 = vector.shape_cast %swap3A_497 : vector<16xi32> to vector<16xi32>
        %swap3A_499 = vector.shape_cast %and3A_495 : vector<16xi32> to vector<16xi32>
        tpu.vector_store %arg10[%swap3A_496], %swap3A_499 {strides = array<i32>} : memref<128xi32, #tpu.memory_space<vmem>>, vector<16xi32>,
        %mul3A_500 = arith.constant 128 : i32
        %mul3A_501 = arith.muli %add3A_361, %mul3A_500 : i32
        %add3A_502 = arith.constant 96 : i32
        %add3A_503 = arith.addi %mul3A_501, %add3A_502 : i32
        %get3A_504 = arith.index_cast %add3A_503 : i32 to index
        %get3A_505 = tpu.vector_load %arg6[%get3A_504] {strides = array<i32>} : memref<10240xi32, #tpu.memory_space<vmem>>, vector<16xi32>,
        %get3A_506 = vector.shape_cast %get3A_505 : vector<16xi32> to vector<16xi32>
        %shift_right_arithmetic3A_507 = arith.constant 14 : i32
        %shift_right_arithmetic3A_508 = vector.broadcast %shift_right_arithmetic3A_507 : i32 to vector<16xi32>
        %shift_right_arithmetic3A_509 = arith.shrsi %get3A_506, %shift_right_arithmetic3A_508 : vector<16xi32>
        %add3A_510 = vector.broadcast %mul3A_4 : i32 to vector<16xi32>
        %add3A_511 = arith.addi %shift_right_arithmetic3A_509, %add3A_510 : vector<16xi32>
        %swap3A_512 = arith.constant 96 : index
        %swap3A_513 = tpu.vector_load %arg8[%swap3A_512] {strides = array<i32>} : memref<128xi32, #tpu.memory_space<vmem>>, vector<16xi32>,
        %swap3A_514 = vector.shape_cast %swap3A_513 : vector<16xi32> to vector<16xi32>
        %swap3A_515 = vector.shape_cast %add3A_511 : vector<16xi32> to vector<16xi32>
        tpu.vector_store %arg8[%swap3A_512], %swap3A_515 {strides = array<i32>} : memref<128xi32, #tpu.memory_space<vmem>>, vector<16xi32>,
        %and3A_516 = arith.constant 16383 : i32
        %and3A_517 = vector.broadcast %and3A_516 : i32 to vector<16xi32>
        %and3A_518 = arith.andi %get3A_506, %and3A_517 : vector<16xi32>
        %swap3A_519 = arith.constant 96 : index
        %swap3A_520 = tpu.vector_load %arg10[%swap3A_519] {strides = array<i32>} : memref<128xi32, #tpu.memory_space<vmem>>, vector<16xi32>,
        %swap3A_521 = vector.shape_cast %swap3A_520 : vector<16xi32> to vector<16xi32>
        %swap3A_522 = vector.shape_cast %and3A_518 : vector<16xi32> to vector<16xi32>
        tpu.vector_store %arg10[%swap3A_519], %swap3A_522 {strides = array<i32>} : memref<128xi32, #tpu.memory_space<vmem>>, vector<16xi32>,
        %mul3A_523 = arith.constant 128 : i32
        %mul3A_524 = arith.muli %add3A_361, %mul3A_523 : i32
        %add3A_525 = arith.constant 112 : i32
        %add3A_526 = arith.addi %mul3A_524, %add3A_525 : i32
        %get3A_527 = arith.index_cast %add3A_526 : i32 to index
        %get3A_528 = tpu.vector_load %arg6[%get3A_527] {strides = array<i32>} : memref<10240xi32, #tpu.memory_space<vmem>>, vector<16xi32>,
        %get3A_529 = vector.shape_cast %get3A_528 : vector<16xi32> to vector<16xi32>
        %shift_right_arithmetic3A_530 = arith.constant 14 : i32
        %shift_right_arithmetic3A_531 = vector.broadcast %shift_right_arithmetic3A_530 : i32 to vector<16xi32>
        %shift_right_arithmetic3A_532 = arith.shrsi %get3A_529, %shift_right_arithmetic3A_531 : vector<16xi32>
        %add3A_533 = vector.broadcast %mul3A_4 : i32 to vector<16xi32>
        %add3A_534 = arith.addi %shift_right_arithmetic3A_532, %add3A_533 : vector<16xi32>
        %swap3A_535 = arith.constant 112 : index
        %swap3A_536 = tpu.vector_load %arg8[%swap3A_535] {strides = array<i32>} : memref<128xi32, #tpu.memory_space<vmem>>, vector<16xi32>,
        %swap3A_537 = vector.shape_cast %swap3A_536 : vector<16xi32> to vector<16xi32>
        %swap3A_538 = vector.shape_cast %add3A_534 : vector<16xi32> to vector<16xi32>
        tpu.vector_store %arg8[%swap3A_535], %swap3A_538 {strides = array<i32>} : memref<128xi32, #tpu.memory_space<vmem>>, vector<16xi32>,
        %and3A_539 = arith.constant 16383 : i32
        %and3A_540 = vector.broadcast %and3A_539 : i32 to vector<16xi32>
        %and3A_541 = arith.andi %get3A_529, %and3A_540 : vector<16xi32>
        %swap3A_542 = arith.constant 112 : index
        %swap3A_543 = tpu.vector_load %arg10[%swap3A_542] {strides = array<i32>} : memref<128xi32, #tpu.memory_space<vmem>>, vector<16xi32>,
        %swap3A_544 = vector.shape_cast %swap3A_543 : vector<16xi32> to vector<16xi32>
        %swap3A_545 = vector.shape_cast %and3A_541 : vector<16xi32> to vector<16xi32>
        tpu.vector_store %arg10[%swap3A_542], %swap3A_545 {strides = array<i32>} : memref<128xi32, #tpu.memory_space<vmem>>, vector<16xi32>,
        %dma_start3A_546 = arith.constant 1 : i32
        %dma_start3A_547 = arith.constant 0 : i32
        %dma_start3A_548 = arith.constant 0 : i32
        %dma_start3A_549 = tpu.memref_slice %arg11[%dma_start3A_546, %dma_start3A_547, %dma_start3A_548] : memref<2x128x128xf32, #tpu.memory_space<vmem>> -> memref<1x128x128xf32, #tpu.memory_space<vmem>>
        %dma_start3A_550 = tpu.memref_squeeze %dma_start3A_549 : memref<1x128x128xf32, #tpu.memory_space<vmem>> -> memref<128x128xf32, #tpu.memory_space<vmem>>
        %dma_start3A_551 = arith.constant 0 : i32
        %dma_start3A_552 = arith.constant 0 : i32
        %dma_start3A_553 = tpu.memref_slice %arg2[%dma_start3A_551, %dma_start3A_552] : memref<180000x128xf32, #tpu.memory_space<hbm>> -> memref<180000x128xf32, #tpu.memory_space<hbm>>
        tpu.enqueue_indirect_dma source(%dma_start3A_553 : memref<180000x128xf32, #tpu.memory_space<hbm>>) target(%dma_start3A_550 : memref<128x128xf32, #tpu.memory_space<vmem>>) offsets(%arg8 : memref<128xi32, #tpu.memory_space<vmem>>) semaphore(%arg14 : memref<!tpu.dma_semaphore, #tpu.memory_space<semaphore_mem>>)
      } else {
      }
    }
    %scan3A_323 = arith.constant 40 : i32
    %barrier3A_324 = arith.constant 0 : index
    tpu.barrier barrier_id(%barrier3A_324)
    %eq3A = arith.constant 0 : i32
    %eq3A_325 = arith.cmpi eq, %arg0, %eq3A : i32
    %convert_element_type3A = arith.extui %eq3A_325 : i1 to i32
    %cond3A = arith.constant 0 : i32
    %cond3A_326 = arith.cmpi ne, %convert_element_type3A, %cond3A : i32
    scf.if %cond3A_326 {
      %run_scoped3A = arith.constant 0 : i32
      "tpu.region"() ({
        %run_scoped3A_332 = tpu.sem_alloc : memref<!tpu.dma_semaphore, #tpu.memory_space<semaphore_mem>>
        %dma_start3A_333 = arith.constant 0 : i32
        %dma_start3A_334 = tpu.memref_slice %arg5[%run_scoped3A, %mul3A_0, %dma_start3A_333] : memref<2x10112x128xf32, #tpu.memory_space<hbm>> -> memref<1x632x128xf32, #tpu.memory_space<hbm>>
        %dma_start3A_335 = tpu.memref_squeeze %dma_start3A_334 : memref<1x632x128xf32, #tpu.memory_space<hbm>> -> memref<632x128xf32, #tpu.memory_space<hbm>>
        %dma_start3A_336 = arith.constant 0 : i32
        %dma_start3A_337 = tpu.memref_slice %arg12[%mul3A_0, %dma_start3A_336] : memref<10112x128xf32, #tpu.memory_space<vmem_shared>> -> memref<632x128xf32, #tpu.memory_space<vmem_shared>>
        tpu.enqueue_dma source(%dma_start3A_337 : memref<632x128xf32, #tpu.memory_space<vmem_shared>>) target(%dma_start3A_335 : memref<632x128xf32, #tpu.memory_space<hbm>>) target_semaphore(%run_scoped3A_332 : memref<!tpu.dma_semaphore, #tpu.memory_space<semaphore_mem>>)
        %dma_wait3A = arith.constant 0 : i32
        %dma_wait3A_338 = tpu.memref_slice %arg5[%run_scoped3A, %mul3A_0, %dma_wait3A] : memref<2x10112x128xf32, #tpu.memory_space<hbm>> -> memref<1x632x128xf32, #tpu.memory_space<hbm>>
        %dma_wait3A_339 = tpu.memref_squeeze %dma_wait3A_338 : memref<1x632x128xf32, #tpu.memory_space<hbm>> -> memref<632x128xf32, #tpu.memory_space<hbm>>
        %dma_wait3A_340 = arith.constant 0 : i32
        %dma_wait3A_341 = tpu.memref_slice %arg12[%mul3A_0, %dma_wait3A_340] : memref<10112x128xf32, #tpu.memory_space<vmem_shared>> -> memref<632x128xf32, #tpu.memory_space<vmem_shared>>
        tpu.wait_dma2 semaphore(%run_scoped3A_332 : memref<!tpu.dma_semaphore, #tpu.memory_space<semaphore_mem>>) src(%dma_wait3A_341 : memref<632x128xf32, #tpu.memory_space<vmem_shared>>) dst(%dma_wait3A_339 : memref<632x128xf32, #tpu.memory_space<hbm>>)
        tpu.yield
      }) : () -> ()
    } else {
    }
    %eq3A_327 = arith.constant 1 : i32
    %eq3A_328 = arith.cmpi eq, %arg0, %eq3A_327 : i32
    %convert_element_type3A_329 = arith.extui %eq3A_328 : i1 to i32
    %cond3A_330 = arith.constant 0 : i32
    %cond3A_331 = arith.cmpi ne, %convert_element_type3A_329, %cond3A_330 : i32
    scf.if %cond3A_331 {
      %run_scoped3A = arith.constant 1 : i32
      "tpu.region"() ({
        %run_scoped3A_332 = tpu.sem_alloc : memref<!tpu.dma_semaphore, #tpu.memory_space<semaphore_mem>>
        %dma_start3A_333 = arith.constant 0 : i32
        %dma_start3A_334 = tpu.memref_slice %arg5[%run_scoped3A, %mul3A_0, %dma_start3A_333] : memref<2x10112x128xf32, #tpu.memory_space<hbm>> -> memref<1x632x128xf32, #tpu.memory_space<hbm>>
        %dma_start3A_335 = tpu.memref_squeeze %dma_start3A_334 : memref<1x632x128xf32, #tpu.memory_space<hbm>> -> memref<632x128xf32, #tpu.memory_space<hbm>>
        %dma_start3A_336 = arith.constant 0 : i32
        %dma_start3A_337 = tpu.memref_slice %arg12[%mul3A_0, %dma_start3A_336] : memref<10112x128xf32, #tpu.memory_space<vmem_shared>> -> memref<632x128xf32, #tpu.memory_space<vmem_shared>>
        tpu.enqueue_dma source(%dma_start3A_337 : memref<632x128xf32, #tpu.memory_space<vmem_shared>>) target(%dma_start3A_335 : memref<632x128xf32, #tpu.memory_space<hbm>>) target_semaphore(%run_scoped3A_332 : memref<!tpu.dma_semaphore, #tpu.memory_space<semaphore_mem>>)
        %dma_wait3A = arith.constant 0 : i32
        %dma_wait3A_338 = tpu.memref_slice %arg5[%run_scoped3A, %mul3A_0, %dma_wait3A] : memref<2x10112x128xf32, #tpu.memory_space<hbm>> -> memref<1x632x128xf32, #tpu.memory_space<hbm>>
        %dma_wait3A_339 = tpu.memref_squeeze %dma_wait3A_338 : memref<1x632x128xf32, #tpu.memory_space<hbm>> -> memref<632x128xf32, #tpu.memory_space<hbm>>
        %dma_wait3A_340 = arith.constant 0 : i32
        %dma_wait3A_341 = tpu.memref_slice %arg12[%mul3A_0, %dma_wait3A_340] : memref<10112x128xf32, #tpu.memory_space<vmem_shared>> -> memref<632x128xf32, #tpu.memory_space<vmem_shared>>
        tpu.wait_dma2 semaphore(%run_scoped3A_332 : memref<!tpu.dma_semaphore, #tpu.memory_space<semaphore_mem>>) src(%dma_wait3A_341 : memref<632x128xf32, #tpu.memory_space<vmem_shared>>) dst(%dma_wait3A_339 : memref<632x128xf32, #tpu.memory_space<hbm>>)
        tpu.yield
      }) : () -> ()
    } else {
    }
    return
  }
}

#map = affine_map<(d0, d1) -> (0, 0)>
#map1 = affine_map<(d0, d1) -> (0)>
#map2 = affine_map<(d0, d1) -> (0, 0, 0)>
module attributes {stable_mosaic.version = 14 : i64} {
  func.func @k(%arg0: i32, %arg1: i32, %arg2: memref<180000x128xf32, #tpu.memory_space<hbm>>, %arg3: memref<163840xi32, #tpu.memory_space<hbm>>, %arg4: memref<10112x128xf32, #tpu.memory_space<hbm>>, %arg5: memref<2x10112x128xf32, #tpu.memory_space<hbm>>, %arg6: memref<10240xi32, #tpu.memory_space<vmem>>, %arg7: memref<128xi32, #tpu.memory_space<vmem>>, %arg8: memref<128xi32, #tpu.memory_space<vmem>>, %arg9: memref<128xi32, #tpu.memory_space<vmem>>, %arg10: memref<128xi32, #tpu.memory_space<vmem>>, %arg11: memref<2x128x128xf32, #tpu.memory_space<vmem>>, %arg12: memref<10112x128xf32, #tpu.memory_space<vmem_shared>>, %arg13: memref<!tpu.dma_semaphore, #tpu.memory_space<semaphore_mem>>, %arg14: memref<!tpu.dma_semaphore, #tpu.memory_space<semaphore_mem>>) attributes {dimension_semantics = [#tpu.dimension_semantics<core_parallel>, #tpu.dimension_semantics<subcore_parallel>], iteration_bounds = array<i64: 2, 16>, scalar_prefetch = 0 : i64, scratch_operands = 9 : i64, tpu.core_type = #tpu.core_type<sc_vector_subcore>, window_params = [{transform_indices = #map}, {transform_indices = #map1}, {transform_indices = #map}, {transform_indices = #map2}]} {
    %mul3A = arith.constant 632 : i32
    %mul3A_0 = arith.muli %arg1, %mul3A : i32
    "tpu.region"() ({
      %run_scoped3A = tpu.sem_alloc : memref<!tpu.dma_semaphore, #tpu.memory_space<semaphore_mem>>
      %dma_start3A_332 = arith.constant 0 : i32
      %dma_start3A_333 = tpu.memref_slice %arg12[%mul3A_0, %dma_start3A_332] : memref<10112x128xf32, #tpu.memory_space<vmem_shared>> -> memref<632x128xf32, #tpu.memory_space<vmem_shared>>
      %dma_start3A_334 = arith.constant 0 : i32
      %dma_start3A_335 = tpu.memref_slice %arg4[%mul3A_0, %dma_start3A_334] : memref<10112x128xf32, #tpu.memory_space<hbm>> -> memref<632x128xf32, #tpu.memory_space<hbm>>
      tpu.enqueue_dma source(%dma_start3A_335 : memref<632x128xf32, #tpu.memory_space<hbm>>) target(%dma_start3A_333 : memref<632x128xf32, #tpu.memory_space<vmem_shared>>) target_semaphore(%run_scoped3A : memref<!tpu.dma_semaphore, #tpu.memory_space<semaphore_mem>>)
      %dma_wait3A = arith.constant 0 : i32
      %dma_wait3A_336 = tpu.memref_slice %arg12[%mul3A_0, %dma_wait3A] : memref<10112x128xf32, #tpu.memory_space<vmem_shared>> -> memref<632x128xf32, #tpu.memory_space<vmem_shared>>
      %dma_wait3A_337 = arith.constant 0 : i32
      %dma_wait3A_338 = tpu.memref_slice %arg4[%mul3A_0, %dma_wait3A_337] : memref<10112x128xf32, #tpu.memory_space<hbm>> -> memref<632x128xf32, #tpu.memory_space<hbm>>
      tpu.wait_dma2 semaphore(%run_scoped3A : memref<!tpu.dma_semaphore, #tpu.memory_space<semaphore_mem>>) src(%dma_wait3A_338 : memref<632x128xf32, #tpu.memory_space<hbm>>) dst(%dma_wait3A_336 : memref<632x128xf32, #tpu.memory_space<vmem_shared>>)
      tpu.yield
    }) : () -> ()
    %mul3A_1 = arith.constant 10240 : i32
    %mul3A_2 = arith.muli %arg1, %mul3A_1 : i32
    "tpu.region"() ({
      %run_scoped3A = tpu.sem_alloc : memref<!tpu.dma_semaphore, #tpu.memory_space<semaphore_mem>>
      %dma_start3A_332 = tpu.memref_slice %arg3[%mul3A_2] : memref<163840xi32, #tpu.memory_space<hbm>> -> memref<10240xi32, #tpu.memory_space<hbm>>
      %dma_start3A_333 = tpu.memref_slice %arg3[%mul3A_2] : memref<163840xi32, #tpu.memory_space<hbm>> -> memref<10240xi32, #tpu.memory_space<hbm>>
      tpu.enqueue_dma source(%dma_start3A_333 : memref<10240xi32, #tpu.memory_space<hbm>>) target(%arg6 : memref<10240xi32, #tpu.memory_space<vmem>>) target_semaphore(%run_scoped3A : memref<!tpu.dma_semaphore, #tpu.memory_space<semaphore_mem>>)
      %dma_wait3A = tpu.memref_slice %arg3[%mul3A_2] : memref<163840xi32, #tpu.memory_space<hbm>> -> memref<10240xi32, #tpu.memory_space<hbm>>
      %dma_wait3A_334 = tpu.memref_slice %arg3[%mul3A_2] : memref<163840xi32, #tpu.memory_space<hbm>> -> memref<10240xi32, #tpu.memory_space<hbm>>
      tpu.wait_dma2 semaphore(%run_scoped3A : memref<!tpu.dma_semaphore, #tpu.memory_space<semaphore_mem>>) src(%dma_wait3A_334 : memref<10240xi32, #tpu.memory_space<hbm>>) dst(%arg6 : memref<10240xi32, #tpu.memory_space<vmem>>)
      tpu.yield
    }) : () -> ()
    %mul3A_3 = arith.constant 90000 : i32
    %mul3A_4 = arith.muli %arg0, %mul3A_3 : i32
    %barrier3A = arith.constant 0 : index
    tpu.barrier barrier_id(%barrier3A)
    %get3A = arith.constant 0 : index
    %get3A_5 = tpu.vector_load %arg6[%get3A] {strides = array<i32>} : memref<10240xi32, #tpu.memory_space<vmem>>, vector<16xi32>,
    %get3A_6 = vector.shape_cast %get3A_5 : vector<16xi32> to vector<16xi32>
    %shift_right_arithmetic3A = arith.constant 14 : i32
    %shift_right_arithmetic3A_7 = vector.broadcast %shift_right_arithmetic3A : i32 to vector<16xi32>
    %shift_right_arithmetic3A_8 = arith.shrsi %get3A_6, %shift_right_arithmetic3A_7 : vector<16xi32>
    %add3A = vector.broadcast %mul3A_4 : i32 to vector<16xi32>
    %add3A_9 = arith.addi %shift_right_arithmetic3A_8, %add3A : vector<16xi32>
    %swap3A = arith.constant 0 : index
    %swap3A_10 = tpu.vector_load %arg7[%swap3A] {strides = array<i32>} : memref<128xi32, #tpu.memory_space<vmem>>, vector<16xi32>,
    %swap3A_11 = vector.shape_cast %swap3A_10 : vector<16xi32> to vector<16xi32>
    %swap3A_12 = vector.shape_cast %add3A_9 : vector<16xi32> to vector<16xi32>
    tpu.vector_store %arg7[%swap3A], %swap3A_12 {strides = array<i32>} : memref<128xi32, #tpu.memory_space<vmem>>, vector<16xi32>,
    %and3A = arith.constant 16383 : i32
    %and3A_13 = vector.broadcast %and3A : i32 to vector<16xi32>
    %and3A_14 = arith.andi %get3A_6, %and3A_13 : vector<16xi32>
    %swap3A_15 = arith.constant 0 : index
    %swap3A_16 = tpu.vector_load %arg9[%swap3A_15] {strides = array<i32>} : memref<128xi32, #tpu.memory_space<vmem>>, vector<16xi32>,
    %swap3A_17 = vector.shape_cast %swap3A_16 : vector<16xi32> to vector<16xi32>
    %swap3A_18 = vector.shape_cast %and3A_14 : vector<16xi32> to vector<16xi32>
    tpu.vector_store %arg9[%swap3A_15], %swap3A_18 {strides = array<i32>} : memref<128xi32, #tpu.memory_space<vmem>>, vector<16xi32>,
    %get3A_19 = arith.constant 16 : index
    %get3A_20 = tpu.vector_load %arg6[%get3A_19] {strides = array<i32>} : memref<10240xi32, #tpu.memory_space<vmem>>, vector<16xi32>,
    %get3A_21 = vector.shape_cast %get3A_20 : vector<16xi32> to vector<16xi32>
    %shift_right_arithmetic3A_22 = arith.constant 14 : i32
    %shift_right_arithmetic3A_23 = vector.broadcast %shift_right_arithmetic3A_22 : i32 to vector<16xi32>
    %shift_right_arithmetic3A_24 = arith.shrsi %get3A_21, %shift_right_arithmetic3A_23 : vector<16xi32>
    %add3A_25 = vector.broadcast %mul3A_4 : i32 to vector<16xi32>
    %add3A_26 = arith.addi %shift_right_arithmetic3A_24, %add3A_25 : vector<16xi32>
    %swap3A_27 = arith.constant 16 : index
    %swap3A_28 = tpu.vector_load %arg7[%swap3A_27] {strides = array<i32>} : memref<128xi32, #tpu.memory_space<vmem>>, vector<16xi32>,
    %swap3A_29 = vector.shape_cast %swap3A_28 : vector<16xi32> to vector<16xi32>
    %swap3A_30 = vector.shape_cast %add3A_26 : vector<16xi32> to vector<16xi32>
    tpu.vector_store %arg7[%swap3A_27], %swap3A_30 {strides = array<i32>} : memref<128xi32, #tpu.memory_space<vmem>>, vector<16xi32>,
    %and3A_31 = arith.constant 16383 : i32
    %and3A_32 = vector.broadcast %and3A_31 : i32 to vector<16xi32>
    %and3A_33 = arith.andi %get3A_21, %and3A_32 : vector<16xi32>
    %swap3A_34 = arith.constant 16 : index
    %swap3A_35 = tpu.vector_load %arg9[%swap3A_34] {strides = array<i32>} : memref<128xi32, #tpu.memory_space<vmem>>, vector<16xi32>,
    %swap3A_36 = vector.shape_cast %swap3A_35 : vector<16xi32> to vector<16xi32>
    %swap3A_37 = vector.shape_cast %and3A_33 : vector<16xi32> to vector<16xi32>
    tpu.vector_store %arg9[%swap3A_34], %swap3A_37 {strides = array<i32>} : memref<128xi32, #tpu.memory_space<vmem>>, vector<16xi32>,
    %get3A_38 = arith.constant 32 : index
    %get3A_39 = tpu.vector_load %arg6[%get3A_38] {strides = array<i32>} : memref<10240xi32, #tpu.memory_space<vmem>>, vector<16xi32>,
    %get3A_40 = vector.shape_cast %get3A_39 : vector<16xi32> to vector<16xi32>
    %shift_right_arithmetic3A_41 = arith.constant 14 : i32
    %shift_right_arithmetic3A_42 = vector.broadcast %shift_right_arithmetic3A_41 : i32 to vector<16xi32>
    %shift_right_arithmetic3A_43 = arith.shrsi %get3A_40, %shift_right_arithmetic3A_42 : vector<16xi32>
    %add3A_44 = vector.broadcast %mul3A_4 : i32 to vector<16xi32>
    %add3A_45 = arith.addi %shift_right_arithmetic3A_43, %add3A_44 : vector<16xi32>
    %swap3A_46 = arith.constant 32 : index
    %swap3A_47 = tpu.vector_load %arg7[%swap3A_46] {strides = array<i32>} : memref<128xi32, #tpu.memory_space<vmem>>, vector<16xi32>,
    %swap3A_48 = vector.shape_cast %swap3A_47 : vector<16xi32> to vector<16xi32>
    %swap3A_49 = vector.shape_cast %add3A_45 : vector<16xi32> to vector<16xi32>
    tpu.vector_store %arg7[%swap3A_46], %swap3A_49 {strides = array<i32>} : memref<128xi32, #tpu.memory_space<vmem>>, vector<16xi32>,
    %and3A_50 = arith.constant 16383 : i32
    %and3A_51 = vector.broadcast %and3A_50 : i32 to vector<16xi32>
    %and3A_52 = arith.andi %get3A_40, %and3A_51 : vector<16xi32>
    %swap3A_53 = arith.constant 32 : index
    %swap3A_54 = tpu.vector_load %arg9[%swap3A_53] {strides = array<i32>} : memref<128xi32, #tpu.memory_space<vmem>>, vector<16xi32>,
    %swap3A_55 = vector.shape_cast %swap3A_54 : vector<16xi32> to vector<16xi32>
    %swap3A_56 = vector.shape_cast %and3A_52 : vector<16xi32> to vector<16xi32>
    tpu.vector_store %arg9[%swap3A_53], %swap3A_56 {strides = array<i32>} : memref<128xi32, #tpu.memory_space<vmem>>, vector<16xi32>,
    %get3A_57 = arith.constant 48 : index
    %get3A_58 = tpu.vector_load %arg6[%get3A_57] {strides = array<i32>} : memref<10240xi32, #tpu.memory_space<vmem>>, vector<16xi32>,
    %get3A_59 = vector.shape_cast %get3A_58 : vector<16xi32> to vector<16xi32>
    %shift_right_arithmetic3A_60 = arith.constant 14 : i32
    %shift_right_arithmetic3A_61 = vector.broadcast %shift_right_arithmetic3A_60 : i32 to vector<16xi32>
    %shift_right_arithmetic3A_62 = arith.shrsi %get3A_59, %shift_right_arithmetic3A_61 : vector<16xi32>
    %add3A_63 = vector.broadcast %mul3A_4 : i32 to vector<16xi32>
    %add3A_64 = arith.addi %shift_right_arithmetic3A_62, %add3A_63 : vector<16xi32>
    %swap3A_65 = arith.constant 48 : index
    %swap3A_66 = tpu.vector_load %arg7[%swap3A_65] {strides = array<i32>} : memref<128xi32, #tpu.memory_space<vmem>>, vector<16xi32>,
    %swap3A_67 = vector.shape_cast %swap3A_66 : vector<16xi32> to vector<16xi32>
    %swap3A_68 = vector.shape_cast %add3A_64 : vector<16xi32> to vector<16xi32>
    tpu.vector_store %arg7[%swap3A_65], %swap3A_68 {strides = array<i32>} : memref<128xi32, #tpu.memory_space<vmem>>, vector<16xi32>,
    %and3A_69 = arith.constant 16383 : i32
    %and3A_70 = vector.broadcast %and3A_69 : i32 to vector<16xi32>
    %and3A_71 = arith.andi %get3A_59, %and3A_70 : vector<16xi32>
    %swap3A_72 = arith.constant 48 : index
    %swap3A_73 = tpu.vector_load %arg9[%swap3A_72] {strides = array<i32>} : memref<128xi32, #tpu.memory_space<vmem>>, vector<16xi32>,
    %swap3A_74 = vector.shape_cast %swap3A_73 : vector<16xi32> to vector<16xi32>
    %swap3A_75 = vector.shape_cast %and3A_71 : vector<16xi32> to vector<16xi32>
    tpu.vector_store %arg9[%swap3A_72], %swap3A_75 {strides = array<i32>} : memref<128xi32, #tpu.memory_space<vmem>>, vector<16xi32>,
    %get3A_76 = arith.constant 64 : index
    %get3A_77 = tpu.vector_load %arg6[%get3A_76] {strides = array<i32>} : memref<10240xi32, #tpu.memory_space<vmem>>, vector<16xi32>,
    %get3A_78 = vector.shape_cast %get3A_77 : vector<16xi32> to vector<16xi32>
    %shift_right_arithmetic3A_79 = arith.constant 14 : i32
    %shift_right_arithmetic3A_80 = vector.broadcast %shift_right_arithmetic3A_79 : i32 to vector<16xi32>
    %shift_right_arithmetic3A_81 = arith.shrsi %get3A_78, %shift_right_arithmetic3A_80 : vector<16xi32>
    %add3A_82 = vector.broadcast %mul3A_4 : i32 to vector<16xi32>
    %add3A_83 = arith.addi %shift_right_arithmetic3A_81, %add3A_82 : vector<16xi32>
    %swap3A_84 = arith.constant 64 : index
    %swap3A_85 = tpu.vector_load %arg7[%swap3A_84] {strides = array<i32>} : memref<128xi32, #tpu.memory_space<vmem>>, vector<16xi32>,
    %swap3A_86 = vector.shape_cast %swap3A_85 : vector<16xi32> to vector<16xi32>
    %swap3A_87 = vector.shape_cast %add3A_83 : vector<16xi32> to vector<16xi32>
    tpu.vector_store %arg7[%swap3A_84], %swap3A_87 {strides = array<i32>} : memref<128xi32, #tpu.memory_space<vmem>>, vector<16xi32>,
    %and3A_88 = arith.constant 16383 : i32
    %and3A_89 = vector.broadcast %and3A_88 : i32 to vector<16xi32>
    %and3A_90 = arith.andi %get3A_78, %and3A_89 : vector<16xi32>
    %swap3A_91 = arith.constant 64 : index
    %swap3A_92 = tpu.vector_load %arg9[%swap3A_91] {strides = array<i32>} : memref<128xi32, #tpu.memory_space<vmem>>, vector<16xi32>,
    %swap3A_93 = vector.shape_cast %swap3A_92 : vector<16xi32> to vector<16xi32>
    %swap3A_94 = vector.shape_cast %and3A_90 : vector<16xi32> to vector<16xi32>
    tpu.vector_store %arg9[%swap3A_91], %swap3A_94 {strides = array<i32>} : memref<128xi32, #tpu.memory_space<vmem>>, vector<16xi32>,
    %get3A_95 = arith.constant 80 : index
    %get3A_96 = tpu.vector_load %arg6[%get3A_95] {strides = array<i32>} : memref<10240xi32, #tpu.memory_space<vmem>>, vector<16xi32>,
    %get3A_97 = vector.shape_cast %get3A_96 : vector<16xi32> to vector<16xi32>
    %shift_right_arithmetic3A_98 = arith.constant 14 : i32
    %shift_right_arithmetic3A_99 = vector.broadcast %shift_right_arithmetic3A_98 : i32 to vector<16xi32>
    %shift_right_arithmetic3A_100 = arith.shrsi %get3A_97, %shift_right_arithmetic3A_99 : vector<16xi32>
    %add3A_101 = vector.broadcast %mul3A_4 : i32 to vector<16xi32>
    %add3A_102 = arith.addi %shift_right_arithmetic3A_100, %add3A_101 : vector<16xi32>
    %swap3A_103 = arith.constant 80 : index
    %swap3A_104 = tpu.vector_load %arg7[%swap3A_103] {strides = array<i32>} : memref<128xi32, #tpu.memory_space<vmem>>, vector<16xi32>,
    %swap3A_105 = vector.shape_cast %swap3A_104 : vector<16xi32> to vector<16xi32>
    %swap3A_106 = vector.shape_cast %add3A_102 : vector<16xi32> to vector<16xi32>
    tpu.vector_store %arg7[%swap3A_103], %swap3A_106 {strides = array<i32>} : memref<128xi32, #tpu.memory_space<vmem>>, vector<16xi32>,
    %and3A_107 = arith.constant 16383 : i32
    %and3A_108 = vector.broadcast %and3A_107 : i32 to vector<16xi32>
    %and3A_109 = arith.andi %get3A_97, %and3A_108 : vector<16xi32>
    %swap3A_110 = arith.constant 80 : index
    %swap3A_111 = tpu.vector_load %arg9[%swap3A_110] {strides = array<i32>} : memref<128xi32, #tpu.memory_space<vmem>>, vector<16xi32>,
    %swap3A_112 = vector.shape_cast %swap3A_111 : vector<16xi32> to vector<16xi32>
    %swap3A_113 = vector.shape_cast %and3A_109 : vector<16xi32> to vector<16xi32>
    tpu.vector_store %arg9[%swap3A_110], %swap3A_113 {strides = array<i32>} : memref<128xi32, #tpu.memory_space<vmem>>, vector<16xi32>,
    %get3A_114 = arith.constant 96 : index
    %get3A_115 = tpu.vector_load %arg6[%get3A_114] {strides = array<i32>} : memref<10240xi32, #tpu.memory_space<vmem>>, vector<16xi32>,
    %get3A_116 = vector.shape_cast %get3A_115 : vector<16xi32> to vector<16xi32>
    %shift_right_arithmetic3A_117 = arith.constant 14 : i32
    %shift_right_arithmetic3A_118 = vector.broadcast %shift_right_arithmetic3A_117 : i32 to vector<16xi32>
    %shift_right_arithmetic3A_119 = arith.shrsi %get3A_116, %shift_right_arithmetic3A_118 : vector<16xi32>
    %add3A_120 = vector.broadcast %mul3A_4 : i32 to vector<16xi32>
    %add3A_121 = arith.addi %shift_right_arithmetic3A_119, %add3A_120 : vector<16xi32>
    %swap3A_122 = arith.constant 96 : index
    %swap3A_123 = tpu.vector_load %arg7[%swap3A_122] {strides = array<i32>} : memref<128xi32, #tpu.memory_space<vmem>>, vector<16xi32>,
    %swap3A_124 = vector.shape_cast %swap3A_123 : vector<16xi32> to vector<16xi32>
    %swap3A_125 = vector.shape_cast %add3A_121 : vector<16xi32> to vector<16xi32>
    tpu.vector_store %arg7[%swap3A_122], %swap3A_125 {strides = array<i32>} : memref<128xi32, #tpu.memory_space<vmem>>, vector<16xi32>,
    %and3A_126 = arith.constant 16383 : i32
    %and3A_127 = vector.broadcast %and3A_126 : i32 to vector<16xi32>
    %and3A_128 = arith.andi %get3A_116, %and3A_127 : vector<16xi32>
    %swap3A_129 = arith.constant 96 : index
    %swap3A_130 = tpu.vector_load %arg9[%swap3A_129] {strides = array<i32>} : memref<128xi32, #tpu.memory_space<vmem>>, vector<16xi32>,
    %swap3A_131 = vector.shape_cast %swap3A_130 : vector<16xi32> to vector<16xi32>
    %swap3A_132 = vector.shape_cast %and3A_128 : vector<16xi32> to vector<16xi32>
    tpu.vector_store %arg9[%swap3A_129], %swap3A_132 {strides = array<i32>} : memref<128xi32, #tpu.memory_space<vmem>>, vector<16xi32>,
    %get3A_133 = arith.constant 112 : index
    %get3A_134 = tpu.vector_load %arg6[%get3A_133] {strides = array<i32>} : memref<10240xi32, #tpu.memory_space<vmem>>, vector<16xi32>,
    %get3A_135 = vector.shape_cast %get3A_134 : vector<16xi32> to vector<16xi32>
    %shift_right_arithmetic3A_136 = arith.constant 14 : i32
    %shift_right_arithmetic3A_137 = vector.broadcast %shift_right_arithmetic3A_136 : i32 to vector<16xi32>
    %shift_right_arithmetic3A_138 = arith.shrsi %get3A_135, %shift_right_arithmetic3A_137 : vector<16xi32>
    %add3A_139 = vector.broadcast %mul3A_4 : i32 to vector<16xi32>
    %add3A_140 = arith.addi %shift_right_arithmetic3A_138, %add3A_139 : vector<16xi32>
    %swap3A_141 = arith.constant 112 : index
    %swap3A_142 = tpu.vector_load %arg7[%swap3A_141] {strides = array<i32>} : memref<128xi32, #tpu.memory_space<vmem>>, vector<16xi32>,
    %swap3A_143 = vector.shape_cast %swap3A_142 : vector<16xi32> to vector<16xi32>
    %swap3A_144 = vector.shape_cast %add3A_140 : vector<16xi32> to vector<16xi32>
    tpu.vector_store %arg7[%swap3A_141], %swap3A_144 {strides = array<i32>} : memref<128xi32, #tpu.memory_space<vmem>>, vector<16xi32>,
    %and3A_145 = arith.constant 16383 : i32
    %and3A_146 = vector.broadcast %and3A_145 : i32 to vector<16xi32>
    %and3A_147 = arith.andi %get3A_135, %and3A_146 : vector<16xi32>
    %swap3A_148 = arith.constant 112 : index
    %swap3A_149 = tpu.vector_load %arg9[%swap3A_148] {strides = array<i32>} : memref<128xi32, #tpu.memory_space<vmem>>, vector<16xi32>,
    %swap3A_150 = vector.shape_cast %swap3A_149 : vector<16xi32> to vector<16xi32>
    %swap3A_151 = vector.shape_cast %and3A_147 : vector<16xi32> to vector<16xi32>
    tpu.vector_store %arg9[%swap3A_148], %swap3A_151 {strides = array<i32>} : memref<128xi32, #tpu.memory_space<vmem>>, vector<16xi32>,
    %get3A_152 = arith.constant 128 : index
    %get3A_153 = tpu.vector_load %arg6[%get3A_152] {strides = array<i32>} : memref<10240xi32, #tpu.memory_space<vmem>>, vector<16xi32>,
    %get3A_154 = vector.shape_cast %get3A_153 : vector<16xi32> to vector<16xi32>
    %shift_right_arithmetic3A_155 = arith.constant 14 : i32
    %shift_right_arithmetic3A_156 = vector.broadcast %shift_right_arithmetic3A_155 : i32 to vector<16xi32>
    %shift_right_arithmetic3A_157 = arith.shrsi %get3A_154, %shift_right_arithmetic3A_156 : vector<16xi32>
    %add3A_158 = vector.broadcast %mul3A_4 : i32 to vector<16xi32>
    %add3A_159 = arith.addi %shift_right_arithmetic3A_157, %add3A_158 : vector<16xi32>
    %swap3A_160 = arith.constant 0 : index
    %swap3A_161 = tpu.vector_load %arg8[%swap3A_160] {strides = array<i32>} : memref<128xi32, #tpu.memory_space<vmem>>, vector<16xi32>,
    %swap3A_162 = vector.shape_cast %swap3A_161 : vector<16xi32> to vector<16xi32>
    %swap3A_163 = vector.shape_cast %add3A_159 : vector<16xi32> to vector<16xi32>
    tpu.vector_store %arg8[%swap3A_160], %swap3A_163 {strides = array<i32>} : memref<128xi32, #tpu.memory_space<vmem>>, vector<16xi32>,
    %and3A_164 = arith.constant 16383 : i32
    %and3A_165 = vector.broadcast %and3A_164 : i32 to vector<16xi32>
    %and3A_166 = arith.andi %get3A_154, %and3A_165 : vector<16xi32>
    %swap3A_167 = arith.constant 0 : index
    %swap3A_168 = tpu.vector_load %arg10[%swap3A_167] {strides = array<i32>} : memref<128xi32, #tpu.memory_space<vmem>>, vector<16xi32>,
    %swap3A_169 = vector.shape_cast %swap3A_168 : vector<16xi32> to vector<16xi32>
    %swap3A_170 = vector.shape_cast %and3A_166 : vector<16xi32> to vector<16xi32>
    tpu.vector_store %arg10[%swap3A_167], %swap3A_170 {strides = array<i32>} : memref<128xi32, #tpu.memory_space<vmem>>, vector<16xi32>,
    %get3A_171 = arith.constant 144 : index
    %get3A_172 = tpu.vector_load %arg6[%get3A_171] {strides = array<i32>} : memref<10240xi32, #tpu.memory_space<vmem>>, vector<16xi32>,
    %get3A_173 = vector.shape_cast %get3A_172 : vector<16xi32> to vector<16xi32>
    %shift_right_arithmetic3A_174 = arith.constant 14 : i32
    %shift_right_arithmetic3A_175 = vector.broadcast %shift_right_arithmetic3A_174 : i32 to vector<16xi32>
    %shift_right_arithmetic3A_176 = arith.shrsi %get3A_173, %shift_right_arithmetic3A_175 : vector<16xi32>
    %add3A_177 = vector.broadcast %mul3A_4 : i32 to vector<16xi32>
    %add3A_178 = arith.addi %shift_right_arithmetic3A_176, %add3A_177 : vector<16xi32>
    %swap3A_179 = arith.constant 16 : index
    %swap3A_180 = tpu.vector_load %arg8[%swap3A_179] {strides = array<i32>} : memref<128xi32, #tpu.memory_space<vmem>>, vector<16xi32>,
    %swap3A_181 = vector.shape_cast %swap3A_180 : vector<16xi32> to vector<16xi32>
    %swap3A_182 = vector.shape_cast %add3A_178 : vector<16xi32> to vector<16xi32>
    tpu.vector_store %arg8[%swap3A_179], %swap3A_182 {strides = array<i32>} : memref<128xi32, #tpu.memory_space<vmem>>, vector<16xi32>,
    %and3A_183 = arith.constant 16383 : i32
    %and3A_184 = vector.broadcast %and3A_183 : i32 to vector<16xi32>
    %and3A_185 = arith.andi %get3A_173, %and3A_184 : vector<16xi32>
    %swap3A_186 = arith.constant 16 : index
    %swap3A_187 = tpu.vector_load %arg10[%swap3A_186] {strides = array<i32>} : memref<128xi32, #tpu.memory_space<vmem>>, vector<16xi32>,
    %swap3A_188 = vector.shape_cast %swap3A_187 : vector<16xi32> to vector<16xi32>
    %swap3A_189 = vector.shape_cast %and3A_185 : vector<16xi32> to vector<16xi32>
    tpu.vector_store %arg10[%swap3A_186], %swap3A_189 {strides = array<i32>} : memref<128xi32, #tpu.memory_space<vmem>>, vector<16xi32>,
    %get3A_190 = arith.constant 160 : index
    %get3A_191 = tpu.vector_load %arg6[%get3A_190] {strides = array<i32>} : memref<10240xi32, #tpu.memory_space<vmem>>, vector<16xi32>,
    %get3A_192 = vector.shape_cast %get3A_191 : vector<16xi32> to vector<16xi32>
    %shift_right_arithmetic3A_193 = arith.constant 14 : i32
    %shift_right_arithmetic3A_194 = vector.broadcast %shift_right_arithmetic3A_193 : i32 to vector<16xi32>
    %shift_right_arithmetic3A_195 = arith.shrsi %get3A_192, %shift_right_arithmetic3A_194 : vector<16xi32>
    %add3A_196 = vector.broadcast %mul3A_4 : i32 to vector<16xi32>
    %add3A_197 = arith.addi %shift_right_arithmetic3A_195, %add3A_196 : vector<16xi32>
    %swap3A_198 = arith.constant 32 : index
    %swap3A_199 = tpu.vector_load %arg8[%swap3A_198] {strides = array<i32>} : memref<128xi32, #tpu.memory_space<vmem>>, vector<16xi32>,
    %swap3A_200 = vector.shape_cast %swap3A_199 : vector<16xi32> to vector<16xi32>
    %swap3A_201 = vector.shape_cast %add3A_197 : vector<16xi32> to vector<16xi32>
    tpu.vector_store %arg8[%swap3A_198], %swap3A_201 {strides = array<i32>} : memref<128xi32, #tpu.memory_space<vmem>>, vector<16xi32>,
    %and3A_202 = arith.constant 16383 : i32
    %and3A_203 = vector.broadcast %and3A_202 : i32 to vector<16xi32>
    %and3A_204 = arith.andi %get3A_192, %and3A_203 : vector<16xi32>
    %swap3A_205 = arith.constant 32 : index
    %swap3A_206 = tpu.vector_load %arg10[%swap3A_205] {strides = array<i32>} : memref<128xi32, #tpu.memory_space<vmem>>, vector<16xi32>,
    %swap3A_207 = vector.shape_cast %swap3A_206 : vector<16xi32> to vector<16xi32>
    %swap3A_208 = vector.shape_cast %and3A_204 : vector<16xi32> to vector<16xi32>
    tpu.vector_store %arg10[%swap3A_205], %swap3A_208 {strides = array<i32>} : memref<128xi32, #tpu.memory_space<vmem>>, vector<16xi32>,
    %get3A_209 = arith.constant 176 : index
    %get3A_210 = tpu.vector_load %arg6[%get3A_209] {strides = array<i32>} : memref<10240xi32, #tpu.memory_space<vmem>>, vector<16xi32>,
    %get3A_211 = vector.shape_cast %get3A_210 : vector<16xi32> to vector<16xi32>
    %shift_right_arithmetic3A_212 = arith.constant 14 : i32
    %shift_right_arithmetic3A_213 = vector.broadcast %shift_right_arithmetic3A_212 : i32 to vector<16xi32>
    %shift_right_arithmetic3A_214 = arith.shrsi %get3A_211, %shift_right_arithmetic3A_213 : vector<16xi32>
    %add3A_215 = vector.broadcast %mul3A_4 : i32 to vector<16xi32>
    %add3A_216 = arith.addi %shift_right_arithmetic3A_214, %add3A_215 : vector<16xi32>
    %swap3A_217 = arith.constant 48 : index
    %swap3A_218 = tpu.vector_load %arg8[%swap3A_217] {strides = array<i32>} : memref<128xi32, #tpu.memory_space<vmem>>, vector<16xi32>,
    %swap3A_219 = vector.shape_cast %swap3A_218 : vector<16xi32> to vector<16xi32>
    %swap3A_220 = vector.shape_cast %add3A_216 : vector<16xi32> to vector<16xi32>
    tpu.vector_store %arg8[%swap3A_217], %swap3A_220 {strides = array<i32>} : memref<128xi32, #tpu.memory_space<vmem>>, vector<16xi32>,
    %and3A_221 = arith.constant 16383 : i32
    %and3A_222 = vector.broadcast %and3A_221 : i32 to vector<16xi32>
    %and3A_223 = arith.andi %get3A_211, %and3A_222 : vector<16xi32>
    %swap3A_224 = arith.constant 48 : index
    %swap3A_225 = tpu.vector_load %arg10[%swap3A_224] {strides = array<i32>} : memref<128xi32, #tpu.memory_space<vmem>>, vector<16xi32>,
    %swap3A_226 = vector.shape_cast %swap3A_225 : vector<16xi32> to vector<16xi32>
    %swap3A_227 = vector.shape_cast %and3A_223 : vector<16xi32> to vector<16xi32>
    tpu.vector_store %arg10[%swap3A_224], %swap3A_227 {strides = array<i32>} : memref<128xi32, #tpu.memory_space<vmem>>, vector<16xi32>,
    %get3A_228 = arith.constant 192 : index
    %get3A_229 = tpu.vector_load %arg6[%get3A_228] {strides = array<i32>} : memref<10240xi32, #tpu.memory_space<vmem>>, vector<16xi32>,
    %get3A_230 = vector.shape_cast %get3A_229 : vector<16xi32> to vector<16xi32>
    %shift_right_arithmetic3A_231 = arith.constant 14 : i32
    %shift_right_arithmetic3A_232 = vector.broadcast %shift_right_arithmetic3A_231 : i32 to vector<16xi32>
    %shift_right_arithmetic3A_233 = arith.shrsi %get3A_230, %shift_right_arithmetic3A_232 : vector<16xi32>
    %add3A_234 = vector.broadcast %mul3A_4 : i32 to vector<16xi32>
    %add3A_235 = arith.addi %shift_right_arithmetic3A_233, %add3A_234 : vector<16xi32>
    %swap3A_236 = arith.constant 64 : index
    %swap3A_237 = tpu.vector_load %arg8[%swap3A_236] {strides = array<i32>} : memref<128xi32, #tpu.memory_space<vmem>>, vector<16xi32>,
    %swap3A_238 = vector.shape_cast %swap3A_237 : vector<16xi32> to vector<16xi32>
    %swap3A_239 = vector.shape_cast %add3A_235 : vector<16xi32> to vector<16xi32>
    tpu.vector_store %arg8[%swap3A_236], %swap3A_239 {strides = array<i32>} : memref<128xi32, #tpu.memory_space<vmem>>, vector<16xi32>,
    %and3A_240 = arith.constant 16383 : i32
    %and3A_241 = vector.broadcast %and3A_240 : i32 to vector<16xi32>
    %and3A_242 = arith.andi %get3A_230, %and3A_241 : vector<16xi32>
    %swap3A_243 = arith.constant 64 : index
    %swap3A_244 = tpu.vector_load %arg10[%swap3A_243] {strides = array<i32>} : memref<128xi32, #tpu.memory_space<vmem>>, vector<16xi32>,
    %swap3A_245 = vector.shape_cast %swap3A_244 : vector<16xi32> to vector<16xi32>
    %swap3A_246 = vector.shape_cast %and3A_242 : vector<16xi32> to vector<16xi32>
    tpu.vector_store %arg10[%swap3A_243], %swap3A_246 {strides = array<i32>} : memref<128xi32, #tpu.memory_space<vmem>>, vector<16xi32>,
    %get3A_247 = arith.constant 208 : index
    %get3A_248 = tpu.vector_load %arg6[%get3A_247] {strides = array<i32>} : memref<10240xi32, #tpu.memory_space<vmem>>, vector<16xi32>,
    %get3A_249 = vector.shape_cast %get3A_248 : vector<16xi32> to vector<16xi32>
    %shift_right_arithmetic3A_250 = arith.constant 14 : i32
    %shift_right_arithmetic3A_251 = vector.broadcast %shift_right_arithmetic3A_250 : i32 to vector<16xi32>
    %shift_right_arithmetic3A_252 = arith.shrsi %get3A_249, %shift_right_arithmetic3A_251 : vector<16xi32>
    %add3A_253 = vector.broadcast %mul3A_4 : i32 to vector<16xi32>
    %add3A_254 = arith.addi %shift_right_arithmetic3A_252, %add3A_253 : vector<16xi32>
    %swap3A_255 = arith.constant 80 : index
    %swap3A_256 = tpu.vector_load %arg8[%swap3A_255] {strides = array<i32>} : memref<128xi32, #tpu.memory_space<vmem>>, vector<16xi32>,
    %swap3A_257 = vector.shape_cast %swap3A_256 : vector<16xi32> to vector<16xi32>
    %swap3A_258 = vector.shape_cast %add3A_254 : vector<16xi32> to vector<16xi32>
    tpu.vector_store %arg8[%swap3A_255], %swap3A_258 {strides = array<i32>} : memref<128xi32, #tpu.memory_space<vmem>>, vector<16xi32>,
    %and3A_259 = arith.constant 16383 : i32
    %and3A_260 = vector.broadcast %and3A_259 : i32 to vector<16xi32>
    %and3A_261 = arith.andi %get3A_249, %and3A_260 : vector<16xi32>
    %swap3A_262 = arith.constant 80 : index
    %swap3A_263 = tpu.vector_load %arg10[%swap3A_262] {strides = array<i32>} : memref<128xi32, #tpu.memory_space<vmem>>, vector<16xi32>,
    %swap3A_264 = vector.shape_cast %swap3A_263 : vector<16xi32> to vector<16xi32>
    %swap3A_265 = vector.shape_cast %and3A_261 : vector<16xi32> to vector<16xi32>
    tpu.vector_store %arg10[%swap3A_262], %swap3A_265 {strides = array<i32>} : memref<128xi32, #tpu.memory_space<vmem>>, vector<16xi32>,
    %get3A_266 = arith.constant 224 : index
    %get3A_267 = tpu.vector_load %arg6[%get3A_266] {strides = array<i32>} : memref<10240xi32, #tpu.memory_space<vmem>>, vector<16xi32>,
    %get3A_268 = vector.shape_cast %get3A_267 : vector<16xi32> to vector<16xi32>
    %shift_right_arithmetic3A_269 = arith.constant 14 : i32
    %shift_right_arithmetic3A_270 = vector.broadcast %shift_right_arithmetic3A_269 : i32 to vector<16xi32>
    %shift_right_arithmetic3A_271 = arith.shrsi %get3A_268, %shift_right_arithmetic3A_270 : vector<16xi32>
    %add3A_272 = vector.broadcast %mul3A_4 : i32 to vector<16xi32>
    %add3A_273 = arith.addi %shift_right_arithmetic3A_271, %add3A_272 : vector<16xi32>
    %swap3A_274 = arith.constant 96 : index
    %swap3A_275 = tpu.vector_load %arg8[%swap3A_274] {strides = array<i32>} : memref<128xi32, #tpu.memory_space<vmem>>, vector<16xi32>,
    %swap3A_276 = vector.shape_cast %swap3A_275 : vector<16xi32> to vector<16xi32>
    %swap3A_277 = vector.shape_cast %add3A_273 : vector<16xi32> to vector<16xi32>
    tpu.vector_store %arg8[%swap3A_274], %swap3A_277 {strides = array<i32>} : memref<128xi32, #tpu.memory_space<vmem>>, vector<16xi32>,
    %and3A_278 = arith.constant 16383 : i32
    %and3A_279 = vector.broadcast %and3A_278 : i32 to vector<16xi32>
    %and3A_280 = arith.andi %get3A_268, %and3A_279 : vector<16xi32>
    %swap3A_281 = arith.constant 96 : index
    %swap3A_282 = tpu.vector_load %arg10[%swap3A_281] {strides = array<i32>} : memref<128xi32, #tpu.memory_space<vmem>>, vector<16xi32>,
    %swap3A_283 = vector.shape_cast %swap3A_282 : vector<16xi32> to vector<16xi32>
    %swap3A_284 = vector.shape_cast %and3A_280 : vector<16xi32> to vector<16xi32>
    tpu.vector_store %arg10[%swap3A_281], %swap3A_284 {strides = array<i32>} : memref<128xi32, #tpu.memory_space<vmem>>, vector<16xi32>,
    %get3A_285 = arith.constant 240 : index
    %get3A_286 = tpu.vector_load %arg6[%get3A_285] {strides = array<i32>} : memref<10240xi32, #tpu.memory_space<vmem>>, vector<16xi32>,
    %get3A_287 = vector.shape_cast %get3A_286 : vector<16xi32> to vector<16xi32>
    %shift_right_arithmetic3A_288 = arith.constant 14 : i32
    %shift_right_arithmetic3A_289 = vector.broadcast %shift_right_arithmetic3A_288 : i32 to vector<16xi32>
    %shift_right_arithmetic3A_290 = arith.shrsi %get3A_287, %shift_right_arithmetic3A_289 : vector<16xi32>
    %add3A_291 = vector.broadcast %mul3A_4 : i32 to vector<16xi32>
    %add3A_292 = arith.addi %shift_right_arithmetic3A_290, %add3A_291 : vector<16xi32>
    %swap3A_293 = arith.constant 112 : index
    %swap3A_294 = tpu.vector_load %arg8[%swap3A_293] {strides = array<i32>} : memref<128xi32, #tpu.memory_space<vmem>>, vector<16xi32>,
    %swap3A_295 = vector.shape_cast %swap3A_294 : vector<16xi32> to vector<16xi32>
    %swap3A_296 = vector.shape_cast %add3A_292 : vector<16xi32> to vector<16xi32>
    tpu.vector_store %arg8[%swap3A_293], %swap3A_296 {strides = array<i32>} : memref<128xi32, #tpu.memory_space<vmem>>, vector<16xi32>,
    %and3A_297 = arith.constant 16383 : i32
    %and3A_298 = vector.broadcast %and3A_297 : i32 to vector<16xi32>
    %and3A_299 = arith.andi %get3A_287, %and3A_298 : vector<16xi32>
    %swap3A_300 = arith.constant 112 : index
    %swap3A_301 = tpu.vector_load %arg10[%swap3A_300] {strides = array<i32>} : memref<128xi32, #tpu.memory_space<vmem>>, vector<16xi32>,
    %swap3A_302 = vector.shape_cast %swap3A_301 : vector<16xi32> to vector<16xi32>
    %swap3A_303 = vector.shape_cast %and3A_299 : vector<16xi32> to vector<16xi32>
    tpu.vector_store %arg10[%swap3A_300], %swap3A_303 {strides = array<i32>} : memref<128xi32, #tpu.memory_space<vmem>>, vector<16xi32>,
    %dma_start3A = arith.constant 0 : i32
    %dma_start3A_304 = arith.constant 0 : i32
    %dma_start3A_305 = arith.constant 0 : i32
    %dma_start3A_306 = tpu.memref_slice %arg11[%dma_start3A, %dma_start3A_304, %dma_start3A_305] : memref<2x128x128xf32, #tpu.memory_space<vmem>> -> memref<1x128x128xf32, #tpu.memory_space<vmem>>
    %dma_start3A_307 = tpu.memref_squeeze %dma_start3A_306 : memref<1x128x128xf32, #tpu.memory_space<vmem>> -> memref<128x128xf32, #tpu.memory_space<vmem>>
    %dma_start3A_308 = arith.constant 0 : i32
    %dma_start3A_309 = arith.constant 0 : i32
    %dma_start3A_310 = tpu.memref_slice %arg2[%dma_start3A_308, %dma_start3A_309] : memref<180000x128xf32, #tpu.memory_space<hbm>> -> memref<180000x128xf32, #tpu.memory_space<hbm>>
    tpu.enqueue_indirect_dma source(%dma_start3A_310 : memref<180000x128xf32, #tpu.memory_space<hbm>>) target(%dma_start3A_307 : memref<128x128xf32, #tpu.memory_space<vmem>>) offsets(%arg7 : memref<128xi32, #tpu.memory_space<vmem>>) semaphore(%arg13 : memref<!tpu.dma_semaphore, #tpu.memory_space<semaphore_mem>>)
    %dma_start3A_311 = arith.constant 1 : i32
    %dma_start3A_312 = arith.constant 0 : i32
    %dma_start3A_313 = arith.constant 0 : i32
    %dma_start3A_314 = tpu.memref_slice %arg11[%dma_start3A_311, %dma_start3A_312, %dma_start3A_313] : memref<2x128x128xf32, #tpu.memory_space<vmem>> -> memref<1x128x128xf32, #tpu.memory_space<vmem>>
    %dma_start3A_315 = tpu.memref_squeeze %dma_start3A_314 : memref<1x128x128xf32, #tpu.memory_space<vmem>> -> memref<128x128xf32, #tpu.memory_space<vmem>>
    %dma_start3A_316 = arith.constant 0 : i32
    %dma_start3A_317 = arith.constant 0 : i32
    %dma_start3A_318 = tpu.memref_slice %arg2[%dma_start3A_316, %dma_start3A_317] : memref<180000x128xf32, #tpu.memory_space<hbm>> -> memref<180000x128xf32, #tpu.memory_space<hbm>>
    tpu.enqueue_indirect_dma source(%dma_start3A_318 : memref<180000x128xf32, #tpu.memory_space<hbm>>) target(%dma_start3A_315 : memref<128x128xf32, #tpu.memory_space<vmem>>) offsets(%arg8 : memref<128xi32, #tpu.memory_space<vmem>>) semaphore(%arg14 : memref<!tpu.dma_semaphore, #tpu.memory_space<semaphore_mem>>)
    %scan3A = arith.constant 0 : i32
    %scan3A_319 = arith.constant 0 : i32
    %scan3A_320 = arith.constant 40 : i32
    %scan3A_321 = arith.addi %scan3A_319, %scan3A_320 : i32
    %scan3A_322 = arith.constant 1 : i32
    scf.for %scan3A_332 = %scan3A_319 to %scan3A_321 step %scan3A_322  : i32 {
      %mul3A_333 = arith.constant 2 : i32
      %mul3A_334 = arith.muli %mul3A_333, %scan3A_332 : i32
      %dma_wait3A = arith.constant 0 : i32
      %dma_wait3A_335 = arith.constant 0 : i32
      %dma_wait3A_336 = arith.constant 0 : i32
      %dma_wait3A_337 = tpu.memref_slice %arg11[%dma_wait3A, %dma_wait3A_335, %dma_wait3A_336] : memref<2x128x128xf32, #tpu.memory_space<vmem>> -> memref<1x128x128xf32, #tpu.memory_space<vmem>>
      %dma_wait3A_338 = tpu.memref_squeeze %dma_wait3A_337 : memref<1x128x128xf32, #tpu.memory_space<vmem>> -> memref<128x128xf32, #tpu.memory_space<vmem>>
      %dma_wait3A_339 = arith.constant 0 : i32
      %dma_wait3A_340 = arith.constant 0 : i32
      %dma_wait3A_341 = tpu.memref_slice %arg2[%dma_wait3A_339, %dma_wait3A_340] : memref<180000x128xf32, #tpu.memory_space<hbm>> -> memref<180000x128xf32, #tpu.memory_space<hbm>>
      tpu.wait_indirect_dma semaphore(%arg13 : memref<!tpu.dma_semaphore, #tpu.memory_space<semaphore_mem>>) src(%dma_wait3A_341 : memref<180000x128xf32, #tpu.memory_space<hbm>>) dst(%dma_wait3A_338 : memref<128x128xf32, #tpu.memory_space<vmem>>)
      %run_scoped3A = arith.constant 0 : i32
      "tpu.region"() ({
        %run_scoped3A_360 = tpu.sem_alloc : memref<!tpu.dma_semaphore, #tpu.memory_space<semaphore_mem>>
        %dma_start3A_361 = arith.constant 0 : i32
        %dma_start3A_362 = arith.constant 0 : i32
        %dma_start3A_363 = tpu.memref_slice %arg11[%run_scoped3A, %dma_start3A_361, %dma_start3A_362] : memref<2x128x128xf32, #tpu.memory_space<vmem>> -> memref<1x128x128xf32, #tpu.memory_space<vmem>>
        %dma_start3A_364 = tpu.memref_squeeze %dma_start3A_363 : memref<1x128x128xf32, #tpu.memory_space<vmem>> -> memref<128x128xf32, #tpu.memory_space<vmem>>
        %dma_start3A_365 = arith.constant 0 : i32
        %dma_start3A_366 = arith.constant 0 : i32
        %dma_start3A_367 = tpu.memref_slice %arg12[%dma_start3A_365, %dma_start3A_366] : memref<10112x128xf32, #tpu.memory_space<vmem_shared>> -> memref<10112x128xf32, #tpu.memory_space<vmem_shared>>
        tpu.enqueue_indirect_dma source(%dma_start3A_364 : memref<128x128xf32, #tpu.memory_space<vmem>>) target(%dma_start3A_367 : memref<10112x128xf32, #tpu.memory_space<vmem_shared>>) offsets(%arg9 : memref<128xi32, #tpu.memory_space<vmem>>) semaphore(%run_scoped3A_360 : memref<!tpu.dma_semaphore, #tpu.memory_space<semaphore_mem>>) {add = true}
        %dma_wait3A_368 = arith.constant 0 : i32
        %dma_wait3A_369 = arith.constant 0 : i32
        %dma_wait3A_370 = tpu.memref_slice %arg11[%run_scoped3A, %dma_wait3A_368, %dma_wait3A_369] : memref<2x128x128xf32, #tpu.memory_space<vmem>> -> memref<1x128x128xf32, #tpu.memory_space<vmem>>
        %dma_wait3A_371 = tpu.memref_squeeze %dma_wait3A_370 : memref<1x128x128xf32, #tpu.memory_space<vmem>> -> memref<128x128xf32, #tpu.memory_space<vmem>>
        %dma_wait3A_372 = arith.constant 0 : i32
        %dma_wait3A_373 = arith.constant 0 : i32
        %dma_wait3A_374 = tpu.memref_slice %arg12[%dma_wait3A_372, %dma_wait3A_373] : memref<10112x128xf32, #tpu.memory_space<vmem_shared>> -> memref<10112x128xf32, #tpu.memory_space<vmem_shared>>
        tpu.wait_indirect_dma semaphore(%run_scoped3A_360 : memref<!tpu.dma_semaphore, #tpu.memory_space<semaphore_mem>>) src(%dma_wait3A_371 : memref<128x128xf32, #tpu.memory_space<vmem>>) dst(%dma_wait3A_374 : memref<10112x128xf32, #tpu.memory_space<vmem_shared>>)
        tpu.yield
      }) : () -> ()
      %lt3A = arith.constant 39 : i32
      %lt3A_342 = arith.cmpi slt, %scan3A_332, %lt3A : i32
      %convert_element_type3A_343 = arith.extui %lt3A_342 : i1 to i32
      %cond3A_344 = arith.constant 0 : i32
      %cond3A_345 = arith.cmpi ne, %convert_element_type3A_343, %cond3A_344 : i32
      scf.if %cond3A_345 {
        %add3A_360 = arith.constant 2 : i32
        %add3A_361 = arith.addi %mul3A_334, %add3A_360 : i32
        %mul3A_362 = arith.constant 128 : i32
        %mul3A_363 = arith.muli %add3A_361, %mul3A_362 : i32
        %add3A_364 = arith.constant 0 : i32
        %add3A_365 = arith.addi %mul3A_363, %add3A_364 : i32
        %get3A_366 = arith.index_cast %add3A_365 : i32 to index
        %get3A_367 = tpu.vector_load %arg6[%get3A_366] {strides = array<i32>} : memref<10240xi32, #tpu.memory_space<vmem>>, vector<16xi32>,
        %get3A_368 = vector.shape_cast %get3A_367 : vector<16xi32> to vector<16xi32>
        %shift_right_arithmetic3A_369 = arith.constant 14 : i32
        %shift_right_arithmetic3A_370 = vector.broadcast %shift_right_arithmetic3A_369 : i32 to vector<16xi32>
        %shift_right_arithmetic3A_371 = arith.shrsi %get3A_368, %shift_right_arithmetic3A_370 : vector<16xi32>
        %add3A_372 = vector.broadcast %mul3A_4 : i32 to vector<16xi32>
        %add3A_373 = arith.addi %shift_right_arithmetic3A_371, %add3A_372 : vector<16xi32>
        %swap3A_374 = arith.constant 0 : index
        %swap3A_375 = tpu.vector_load %arg7[%swap3A_374] {strides = array<i32>} : memref<128xi32, #tpu.memory_space<vmem>>, vector<16xi32>,
        %swap3A_376 = vector.shape_cast %swap3A_375 : vector<16xi32> to vector<16xi32>
        %swap3A_377 = vector.shape_cast %add3A_373 : vector<16xi32> to vector<16xi32>
        tpu.vector_store %arg7[%swap3A_374], %swap3A_377 {strides = array<i32>} : memref<128xi32, #tpu.memory_space<vmem>>, vector<16xi32>,
        %and3A_378 = arith.constant 16383 : i32
        %and3A_379 = vector.broadcast %and3A_378 : i32 to vector<16xi32>
        %and3A_380 = arith.andi %get3A_368, %and3A_379 : vector<16xi32>
        %swap3A_381 = arith.constant 0 : index
        %swap3A_382 = tpu.vector_load %arg9[%swap3A_381] {strides = array<i32>} : memref<128xi32, #tpu.memory_space<vmem>>, vector<16xi32>,
        %swap3A_383 = vector.shape_cast %swap3A_382 : vector<16xi32> to vector<16xi32>
        %swap3A_384 = vector.shape_cast %and3A_380 : vector<16xi32> to vector<16xi32>
        tpu.vector_store %arg9[%swap3A_381], %swap3A_384 {strides = array<i32>} : memref<128xi32, #tpu.memory_space<vmem>>, vector<16xi32>,
        %mul3A_385 = arith.constant 128 : i32
        %mul3A_386 = arith.muli %add3A_361, %mul3A_385 : i32
        %add3A_387 = arith.constant 16 : i32
        %add3A_388 = arith.addi %mul3A_386, %add3A_387 : i32
        %get3A_389 = arith.index_cast %add3A_388 : i32 to index
        %get3A_390 = tpu.vector_load %arg6[%get3A_389] {strides = array<i32>} : memref<10240xi32, #tpu.memory_space<vmem>>, vector<16xi32>,
        %get3A_391 = vector.shape_cast %get3A_390 : vector<16xi32> to vector<16xi32>
        %shift_right_arithmetic3A_392 = arith.constant 14 : i32
        %shift_right_arithmetic3A_393 = vector.broadcast %shift_right_arithmetic3A_392 : i32 to vector<16xi32>
        %shift_right_arithmetic3A_394 = arith.shrsi %get3A_391, %shift_right_arithmetic3A_393 : vector<16xi32>
        %add3A_395 = vector.broadcast %mul3A_4 : i32 to vector<16xi32>
        %add3A_396 = arith.addi %shift_right_arithmetic3A_394, %add3A_395 : vector<16xi32>
        %swap3A_397 = arith.constant 16 : index
        %swap3A_398 = tpu.vector_load %arg7[%swap3A_397] {strides = array<i32>} : memref<128xi32, #tpu.memory_space<vmem>>, vector<16xi32>,
        %swap3A_399 = vector.shape_cast %swap3A_398 : vector<16xi32> to vector<16xi32>
        %swap3A_400 = vector.shape_cast %add3A_396 : vector<16xi32> to vector<16xi32>
        tpu.vector_store %arg7[%swap3A_397], %swap3A_400 {strides = array<i32>} : memref<128xi32, #tpu.memory_space<vmem>>, vector<16xi32>,
        %and3A_401 = arith.constant 16383 : i32
        %and3A_402 = vector.broadcast %and3A_401 : i32 to vector<16xi32>
        %and3A_403 = arith.andi %get3A_391, %and3A_402 : vector<16xi32>
        %swap3A_404 = arith.constant 16 : index
        %swap3A_405 = tpu.vector_load %arg9[%swap3A_404] {strides = array<i32>} : memref<128xi32, #tpu.memory_space<vmem>>, vector<16xi32>,
        %swap3A_406 = vector.shape_cast %swap3A_405 : vector<16xi32> to vector<16xi32>
        %swap3A_407 = vector.shape_cast %and3A_403 : vector<16xi32> to vector<16xi32>
        tpu.vector_store %arg9[%swap3A_404], %swap3A_407 {strides = array<i32>} : memref<128xi32, #tpu.memory_space<vmem>>, vector<16xi32>,
        %mul3A_408 = arith.constant 128 : i32
        %mul3A_409 = arith.muli %add3A_361, %mul3A_408 : i32
        %add3A_410 = arith.constant 32 : i32
        %add3A_411 = arith.addi %mul3A_409, %add3A_410 : i32
        %get3A_412 = arith.index_cast %add3A_411 : i32 to index
        %get3A_413 = tpu.vector_load %arg6[%get3A_412] {strides = array<i32>} : memref<10240xi32, #tpu.memory_space<vmem>>, vector<16xi32>,
        %get3A_414 = vector.shape_cast %get3A_413 : vector<16xi32> to vector<16xi32>
        %shift_right_arithmetic3A_415 = arith.constant 14 : i32
        %shift_right_arithmetic3A_416 = vector.broadcast %shift_right_arithmetic3A_415 : i32 to vector<16xi32>
        %shift_right_arithmetic3A_417 = arith.shrsi %get3A_414, %shift_right_arithmetic3A_416 : vector<16xi32>
        %add3A_418 = vector.broadcast %mul3A_4 : i32 to vector<16xi32>
        %add3A_419 = arith.addi %shift_right_arithmetic3A_417, %add3A_418 : vector<16xi32>
        %swap3A_420 = arith.constant 32 : index
        %swap3A_421 = tpu.vector_load %arg7[%swap3A_420] {strides = array<i32>} : memref<128xi32, #tpu.memory_space<vmem>>, vector<16xi32>,
        %swap3A_422 = vector.shape_cast %swap3A_421 : vector<16xi32> to vector<16xi32>
        %swap3A_423 = vector.shape_cast %add3A_419 : vector<16xi32> to vector<16xi32>
        tpu.vector_store %arg7[%swap3A_420], %swap3A_423 {strides = array<i32>} : memref<128xi32, #tpu.memory_space<vmem>>, vector<16xi32>,
        %and3A_424 = arith.constant 16383 : i32
        %and3A_425 = vector.broadcast %and3A_424 : i32 to vector<16xi32>
        %and3A_426 = arith.andi %get3A_414, %and3A_425 : vector<16xi32>
        %swap3A_427 = arith.constant 32 : index
        %swap3A_428 = tpu.vector_load %arg9[%swap3A_427] {strides = array<i32>} : memref<128xi32, #tpu.memory_space<vmem>>, vector<16xi32>,
        %swap3A_429 = vector.shape_cast %swap3A_428 : vector<16xi32> to vector<16xi32>
        %swap3A_430 = vector.shape_cast %and3A_426 : vector<16xi32> to vector<16xi32>
        tpu.vector_store %arg9[%swap3A_427], %swap3A_430 {strides = array<i32>} : memref<128xi32, #tpu.memory_space<vmem>>, vector<16xi32>,
        %mul3A_431 = arith.constant 128 : i32
        %mul3A_432 = arith.muli %add3A_361, %mul3A_431 : i32
        %add3A_433 = arith.constant 48 : i32
        %add3A_434 = arith.addi %mul3A_432, %add3A_433 : i32
        %get3A_435 = arith.index_cast %add3A_434 : i32 to index
        %get3A_436 = tpu.vector_load %arg6[%get3A_435] {strides = array<i32>} : memref<10240xi32, #tpu.memory_space<vmem>>, vector<16xi32>,
        %get3A_437 = vector.shape_cast %get3A_436 : vector<16xi32> to vector<16xi32>
        %shift_right_arithmetic3A_438 = arith.constant 14 : i32
        %shift_right_arithmetic3A_439 = vector.broadcast %shift_right_arithmetic3A_438 : i32 to vector<16xi32>
        %shift_right_arithmetic3A_440 = arith.shrsi %get3A_437, %shift_right_arithmetic3A_439 : vector<16xi32>
        %add3A_441 = vector.broadcast %mul3A_4 : i32 to vector<16xi32>
        %add3A_442 = arith.addi %shift_right_arithmetic3A_440, %add3A_441 : vector<16xi32>
        %swap3A_443 = arith.constant 48 : index
        %swap3A_444 = tpu.vector_load %arg7[%swap3A_443] {strides = array<i32>} : memref<128xi32, #tpu.memory_space<vmem>>, vector<16xi32>,
        %swap3A_445 = vector.shape_cast %swap3A_444 : vector<16xi32> to vector<16xi32>
        %swap3A_446 = vector.shape_cast %add3A_442 : vector<16xi32> to vector<16xi32>
        tpu.vector_store %arg7[%swap3A_443], %swap3A_446 {strides = array<i32>} : memref<128xi32, #tpu.memory_space<vmem>>, vector<16xi32>,
        %and3A_447 = arith.constant 16383 : i32
        %and3A_448 = vector.broadcast %and3A_447 : i32 to vector<16xi32>
        %and3A_449 = arith.andi %get3A_437, %and3A_448 : vector<16xi32>
        %swap3A_450 = arith.constant 48 : index
        %swap3A_451 = tpu.vector_load %arg9[%swap3A_450] {strides = array<i32>} : memref<128xi32, #tpu.memory_space<vmem>>, vector<16xi32>,
        %swap3A_452 = vector.shape_cast %swap3A_451 : vector<16xi32> to vector<16xi32>
        %swap3A_453 = vector.shape_cast %and3A_449 : vector<16xi32> to vector<16xi32>
        tpu.vector_store %arg9[%swap3A_450], %swap3A_453 {strides = array<i32>} : memref<128xi32, #tpu.memory_space<vmem>>, vector<16xi32>,
        %mul3A_454 = arith.constant 128 : i32
        %mul3A_455 = arith.muli %add3A_361, %mul3A_454 : i32
        %add3A_456 = arith.constant 64 : i32
        %add3A_457 = arith.addi %mul3A_455, %add3A_456 : i32
        %get3A_458 = arith.index_cast %add3A_457 : i32 to index
        %get3A_459 = tpu.vector_load %arg6[%get3A_458] {strides = array<i32>} : memref<10240xi32, #tpu.memory_space<vmem>>, vector<16xi32>,
        %get3A_460 = vector.shape_cast %get3A_459 : vector<16xi32> to vector<16xi32>
        %shift_right_arithmetic3A_461 = arith.constant 14 : i32
        %shift_right_arithmetic3A_462 = vector.broadcast %shift_right_arithmetic3A_461 : i32 to vector<16xi32>
        %shift_right_arithmetic3A_463 = arith.shrsi %get3A_460, %shift_right_arithmetic3A_462 : vector<16xi32>
        %add3A_464 = vector.broadcast %mul3A_4 : i32 to vector<16xi32>
        %add3A_465 = arith.addi %shift_right_arithmetic3A_463, %add3A_464 : vector<16xi32>
        %swap3A_466 = arith.constant 64 : index
        %swap3A_467 = tpu.vector_load %arg7[%swap3A_466] {strides = array<i32>} : memref<128xi32, #tpu.memory_space<vmem>>, vector<16xi32>,
        %swap3A_468 = vector.shape_cast %swap3A_467 : vector<16xi32> to vector<16xi32>
        %swap3A_469 = vector.shape_cast %add3A_465 : vector<16xi32> to vector<16xi32>
        tpu.vector_store %arg7[%swap3A_466], %swap3A_469 {strides = array<i32>} : memref<128xi32, #tpu.memory_space<vmem>>, vector<16xi32>,
        %and3A_470 = arith.constant 16383 : i32
        %and3A_471 = vector.broadcast %and3A_470 : i32 to vector<16xi32>
        %and3A_472 = arith.andi %get3A_460, %and3A_471 : vector<16xi32>
        %swap3A_473 = arith.constant 64 : index
        %swap3A_474 = tpu.vector_load %arg9[%swap3A_473] {strides = array<i32>} : memref<128xi32, #tpu.memory_space<vmem>>, vector<16xi32>,
        %swap3A_475 = vector.shape_cast %swap3A_474 : vector<16xi32> to vector<16xi32>
        %swap3A_476 = vector.shape_cast %and3A_472 : vector<16xi32> to vector<16xi32>
        tpu.vector_store %arg9[%swap3A_473], %swap3A_476 {strides = array<i32>} : memref<128xi32, #tpu.memory_space<vmem>>, vector<16xi32>,
        %mul3A_477 = arith.constant 128 : i32
        %mul3A_478 = arith.muli %add3A_361, %mul3A_477 : i32
        %add3A_479 = arith.constant 80 : i32
        %add3A_480 = arith.addi %mul3A_478, %add3A_479 : i32
        %get3A_481 = arith.index_cast %add3A_480 : i32 to index
        %get3A_482 = tpu.vector_load %arg6[%get3A_481] {strides = array<i32>} : memref<10240xi32, #tpu.memory_space<vmem>>, vector<16xi32>,
        %get3A_483 = vector.shape_cast %get3A_482 : vector<16xi32> to vector<16xi32>
        %shift_right_arithmetic3A_484 = arith.constant 14 : i32
        %shift_right_arithmetic3A_485 = vector.broadcast %shift_right_arithmetic3A_484 : i32 to vector<16xi32>
        %shift_right_arithmetic3A_486 = arith.shrsi %get3A_483, %shift_right_arithmetic3A_485 : vector<16xi32>
        %add3A_487 = vector.broadcast %mul3A_4 : i32 to vector<16xi32>
        %add3A_488 = arith.addi %shift_right_arithmetic3A_486, %add3A_487 : vector<16xi32>
        %swap3A_489 = arith.constant 80 : index
        %swap3A_490 = tpu.vector_load %arg7[%swap3A_489] {strides = array<i32>} : memref<128xi32, #tpu.memory_space<vmem>>, vector<16xi32>,
        %swap3A_491 = vector.shape_cast %swap3A_490 : vector<16xi32> to vector<16xi32>
        %swap3A_492 = vector.shape_cast %add3A_488 : vector<16xi32> to vector<16xi32>
        tpu.vector_store %arg7[%swap3A_489], %swap3A_492 {strides = array<i32>} : memref<128xi32, #tpu.memory_space<vmem>>, vector<16xi32>,
        %and3A_493 = arith.constant 16383 : i32
        %and3A_494 = vector.broadcast %and3A_493 : i32 to vector<16xi32>
        %and3A_495 = arith.andi %get3A_483, %and3A_494 : vector<16xi32>
        %swap3A_496 = arith.constant 80 : index
        %swap3A_497 = tpu.vector_load %arg9[%swap3A_496] {strides = array<i32>} : memref<128xi32, #tpu.memory_space<vmem>>, vector<16xi32>,
        %swap3A_498 = vector.shape_cast %swap3A_497 : vector<16xi32> to vector<16xi32>
        %swap3A_499 = vector.shape_cast %and3A_495 : vector<16xi32> to vector<16xi32>
        tpu.vector_store %arg9[%swap3A_496], %swap3A_499 {strides = array<i32>} : memref<128xi32, #tpu.memory_space<vmem>>, vector<16xi32>,
        %mul3A_500 = arith.constant 128 : i32
        %mul3A_501 = arith.muli %add3A_361, %mul3A_500 : i32
        %add3A_502 = arith.constant 96 : i32
        %add3A_503 = arith.addi %mul3A_501, %add3A_502 : i32
        %get3A_504 = arith.index_cast %add3A_503 : i32 to index
        %get3A_505 = tpu.vector_load %arg6[%get3A_504] {strides = array<i32>} : memref<10240xi32, #tpu.memory_space<vmem>>, vector<16xi32>,
        %get3A_506 = vector.shape_cast %get3A_505 : vector<16xi32> to vector<16xi32>
        %shift_right_arithmetic3A_507 = arith.constant 14 : i32
        %shift_right_arithmetic3A_508 = vector.broadcast %shift_right_arithmetic3A_507 : i32 to vector<16xi32>
        %shift_right_arithmetic3A_509 = arith.shrsi %get3A_506, %shift_right_arithmetic3A_508 : vector<16xi32>
        %add3A_510 = vector.broadcast %mul3A_4 : i32 to vector<16xi32>
        %add3A_511 = arith.addi %shift_right_arithmetic3A_509, %add3A_510 : vector<16xi32>
        %swap3A_512 = arith.constant 96 : index
        %swap3A_513 = tpu.vector_load %arg7[%swap3A_512] {strides = array<i32>} : memref<128xi32, #tpu.memory_space<vmem>>, vector<16xi32>,
        %swap3A_514 = vector.shape_cast %swap3A_513 : vector<16xi32> to vector<16xi32>
        %swap3A_515 = vector.shape_cast %add3A_511 : vector<16xi32> to vector<16xi32>
        tpu.vector_store %arg7[%swap3A_512], %swap3A_515 {strides = array<i32>} : memref<128xi32, #tpu.memory_space<vmem>>, vector<16xi32>,
        %and3A_516 = arith.constant 16383 : i32
        %and3A_517 = vector.broadcast %and3A_516 : i32 to vector<16xi32>
        %and3A_518 = arith.andi %get3A_506, %and3A_517 : vector<16xi32>
        %swap3A_519 = arith.constant 96 : index
        %swap3A_520 = tpu.vector_load %arg9[%swap3A_519] {strides = array<i32>} : memref<128xi32, #tpu.memory_space<vmem>>, vector<16xi32>,
        %swap3A_521 = vector.shape_cast %swap3A_520 : vector<16xi32> to vector<16xi32>
        %swap3A_522 = vector.shape_cast %and3A_518 : vector<16xi32> to vector<16xi32>
        tpu.vector_store %arg9[%swap3A_519], %swap3A_522 {strides = array<i32>} : memref<128xi32, #tpu.memory_space<vmem>>, vector<16xi32>,
        %mul3A_523 = arith.constant 128 : i32
        %mul3A_524 = arith.muli %add3A_361, %mul3A_523 : i32
        %add3A_525 = arith.constant 112 : i32
        %add3A_526 = arith.addi %mul3A_524, %add3A_525 : i32
        %get3A_527 = arith.index_cast %add3A_526 : i32 to index
        %get3A_528 = tpu.vector_load %arg6[%get3A_527] {strides = array<i32>} : memref<10240xi32, #tpu.memory_space<vmem>>, vector<16xi32>,
        %get3A_529 = vector.shape_cast %get3A_528 : vector<16xi32> to vector<16xi32>
        %shift_right_arithmetic3A_530 = arith.constant 14 : i32
        %shift_right_arithmetic3A_531 = vector.broadcast %shift_right_arithmetic3A_530 : i32 to vector<16xi32>
        %shift_right_arithmetic3A_532 = arith.shrsi %get3A_529, %shift_right_arithmetic3A_531 : vector<16xi32>
        %add3A_533 = vector.broadcast %mul3A_4 : i32 to vector<16xi32>
        %add3A_534 = arith.addi %shift_right_arithmetic3A_532, %add3A_533 : vector<16xi32>
        %swap3A_535 = arith.constant 112 : index
        %swap3A_536 = tpu.vector_load %arg7[%swap3A_535] {strides = array<i32>} : memref<128xi32, #tpu.memory_space<vmem>>, vector<16xi32>,
        %swap3A_537 = vector.shape_cast %swap3A_536 : vector<16xi32> to vector<16xi32>
        %swap3A_538 = vector.shape_cast %add3A_534 : vector<16xi32> to vector<16xi32>
        tpu.vector_store %arg7[%swap3A_535], %swap3A_538 {strides = array<i32>} : memref<128xi32, #tpu.memory_space<vmem>>, vector<16xi32>,
        %and3A_539 = arith.constant 16383 : i32
        %and3A_540 = vector.broadcast %and3A_539 : i32 to vector<16xi32>
        %and3A_541 = arith.andi %get3A_529, %and3A_540 : vector<16xi32>
        %swap3A_542 = arith.constant 112 : index
        %swap3A_543 = tpu.vector_load %arg9[%swap3A_542] {strides = array<i32>} : memref<128xi32, #tpu.memory_space<vmem>>, vector<16xi32>,
        %swap3A_544 = vector.shape_cast %swap3A_543 : vector<16xi32> to vector<16xi32>
        %swap3A_545 = vector.shape_cast %and3A_541 : vector<16xi32> to vector<16xi32>
        tpu.vector_store %arg9[%swap3A_542], %swap3A_545 {strides = array<i32>} : memref<128xi32, #tpu.memory_space<vmem>>, vector<16xi32>,
        %dma_start3A_546 = arith.constant 0 : i32
        %dma_start3A_547 = arith.constant 0 : i32
        %dma_start3A_548 = arith.constant 0 : i32
        %dma_start3A_549 = tpu.memref_slice %arg11[%dma_start3A_546, %dma_start3A_547, %dma_start3A_548] : memref<2x128x128xf32, #tpu.memory_space<vmem>> -> memref<1x128x128xf32, #tpu.memory_space<vmem>>
        %dma_start3A_550 = tpu.memref_squeeze %dma_start3A_549 : memref<1x128x128xf32, #tpu.memory_space<vmem>> -> memref<128x128xf32, #tpu.memory_space<vmem>>
        %dma_start3A_551 = arith.constant 0 : i32
        %dma_start3A_552 = arith.constant 0 : i32
        %dma_start3A_553 = tpu.memref_slice %arg2[%dma_start3A_551, %dma_start3A_552] : memref<180000x128xf32, #tpu.memory_space<hbm>> -> memref<180000x128xf32, #tpu.memory_space<hbm>>
        tpu.enqueue_indirect_dma source(%dma_start3A_553 : memref<180000x128xf32, #tpu.memory_space<hbm>>) target(%dma_start3A_550 : memref<128x128xf32, #tpu.memory_space<vmem>>) offsets(%arg7 : memref<128xi32, #tpu.memory_space<vmem>>) semaphore(%arg13 : memref<!tpu.dma_semaphore, #tpu.memory_space<semaphore_mem>>)
      } else {
      }
      %dma_wait3A_346 = arith.constant 1 : i32
      %dma_wait3A_347 = arith.constant 0 : i32
      %dma_wait3A_348 = arith.constant 0 : i32
      %dma_wait3A_349 = tpu.memref_slice %arg11[%dma_wait3A_346, %dma_wait3A_347, %dma_wait3A_348] : memref<2x128x128xf32, #tpu.memory_space<vmem>> -> memref<1x128x128xf32, #tpu.memory_space<vmem>>
      %dma_wait3A_350 = tpu.memref_squeeze %dma_wait3A_349 : memref<1x128x128xf32, #tpu.memory_space<vmem>> -> memref<128x128xf32, #tpu.memory_space<vmem>>
      %dma_wait3A_351 = arith.constant 0 : i32
      %dma_wait3A_352 = arith.constant 0 : i32
      %dma_wait3A_353 = tpu.memref_slice %arg2[%dma_wait3A_351, %dma_wait3A_352] : memref<180000x128xf32, #tpu.memory_space<hbm>> -> memref<180000x128xf32, #tpu.memory_space<hbm>>
      tpu.wait_indirect_dma semaphore(%arg14 : memref<!tpu.dma_semaphore, #tpu.memory_space<semaphore_mem>>) src(%dma_wait3A_353 : memref<180000x128xf32, #tpu.memory_space<hbm>>) dst(%dma_wait3A_350 : memref<128x128xf32, #tpu.memory_space<vmem>>)
      %run_scoped3A_354 = arith.constant 1 : i32
      "tpu.region"() ({
        %run_scoped3A_360 = tpu.sem_alloc : memref<!tpu.dma_semaphore, #tpu.memory_space<semaphore_mem>>
        %dma_start3A_361 = arith.constant 0 : i32
        %dma_start3A_362 = arith.constant 0 : i32
        %dma_start3A_363 = tpu.memref_slice %arg11[%run_scoped3A_354, %dma_start3A_361, %dma_start3A_362] : memref<2x128x128xf32, #tpu.memory_space<vmem>> -> memref<1x128x128xf32, #tpu.memory_space<vmem>>
        %dma_start3A_364 = tpu.memref_squeeze %dma_start3A_363 : memref<1x128x128xf32, #tpu.memory_space<vmem>> -> memref<128x128xf32, #tpu.memory_space<vmem>>
        %dma_start3A_365 = arith.constant 0 : i32
        %dma_start3A_366 = arith.constant 0 : i32
        %dma_start3A_367 = tpu.memref_slice %arg12[%dma_start3A_365, %dma_start3A_366] : memref<10112x128xf32, #tpu.memory_space<vmem_shared>> -> memref<10112x128xf32, #tpu.memory_space<vmem_shared>>
        tpu.enqueue_indirect_dma source(%dma_start3A_364 : memref<128x128xf32, #tpu.memory_space<vmem>>) target(%dma_start3A_367 : memref<10112x128xf32, #tpu.memory_space<vmem_shared>>) offsets(%arg10 : memref<128xi32, #tpu.memory_space<vmem>>) semaphore(%run_scoped3A_360 : memref<!tpu.dma_semaphore, #tpu.memory_space<semaphore_mem>>) {add = true}
        %dma_wait3A_368 = arith.constant 0 : i32
        %dma_wait3A_369 = arith.constant 0 : i32
        %dma_wait3A_370 = tpu.memref_slice %arg11[%run_scoped3A_354, %dma_wait3A_368, %dma_wait3A_369] : memref<2x128x128xf32, #tpu.memory_space<vmem>> -> memref<1x128x128xf32, #tpu.memory_space<vmem>>
        %dma_wait3A_371 = tpu.memref_squeeze %dma_wait3A_370 : memref<1x128x128xf32, #tpu.memory_space<vmem>> -> memref<128x128xf32, #tpu.memory_space<vmem>>
        %dma_wait3A_372 = arith.constant 0 : i32
        %dma_wait3A_373 = arith.constant 0 : i32
        %dma_wait3A_374 = tpu.memref_slice %arg12[%dma_wait3A_372, %dma_wait3A_373] : memref<10112x128xf32, #tpu.memory_space<vmem_shared>> -> memref<10112x128xf32, #tpu.memory_space<vmem_shared>>
        tpu.wait_indirect_dma semaphore(%run_scoped3A_360 : memref<!tpu.dma_semaphore, #tpu.memory_space<semaphore_mem>>) src(%dma_wait3A_371 : memref<128x128xf32, #tpu.memory_space<vmem>>) dst(%dma_wait3A_374 : memref<10112x128xf32, #tpu.memory_space<vmem_shared>>)
        tpu.yield
      }) : () -> ()
      %lt3A_355 = arith.constant 39 : i32
      %lt3A_356 = arith.cmpi slt, %scan3A_332, %lt3A_355 : i32
      %convert_element_type3A_357 = arith.extui %lt3A_356 : i1 to i32
      %cond3A_358 = arith.constant 0 : i32
      %cond3A_359 = arith.cmpi ne, %convert_element_type3A_357, %cond3A_358 : i32
      scf.if %cond3A_359 {
        %add3A_360 = arith.constant 3 : i32
        %add3A_361 = arith.addi %mul3A_334, %add3A_360 : i32
        %mul3A_362 = arith.constant 128 : i32
        %mul3A_363 = arith.muli %add3A_361, %mul3A_362 : i32
        %add3A_364 = arith.constant 0 : i32
        %add3A_365 = arith.addi %mul3A_363, %add3A_364 : i32
        %get3A_366 = arith.index_cast %add3A_365 : i32 to index
        %get3A_367 = tpu.vector_load %arg6[%get3A_366] {strides = array<i32>} : memref<10240xi32, #tpu.memory_space<vmem>>, vector<16xi32>,
        %get3A_368 = vector.shape_cast %get3A_367 : vector<16xi32> to vector<16xi32>
        %shift_right_arithmetic3A_369 = arith.constant 14 : i32
        %shift_right_arithmetic3A_370 = vector.broadcast %shift_right_arithmetic3A_369 : i32 to vector<16xi32>
        %shift_right_arithmetic3A_371 = arith.shrsi %get3A_368, %shift_right_arithmetic3A_370 : vector<16xi32>
        %add3A_372 = vector.broadcast %mul3A_4 : i32 to vector<16xi32>
        %add3A_373 = arith.addi %shift_right_arithmetic3A_371, %add3A_372 : vector<16xi32>
        %swap3A_374 = arith.constant 0 : index
        %swap3A_375 = tpu.vector_load %arg8[%swap3A_374] {strides = array<i32>} : memref<128xi32, #tpu.memory_space<vmem>>, vector<16xi32>,
        %swap3A_376 = vector.shape_cast %swap3A_375 : vector<16xi32> to vector<16xi32>
        %swap3A_377 = vector.shape_cast %add3A_373 : vector<16xi32> to vector<16xi32>
        tpu.vector_store %arg8[%swap3A_374], %swap3A_377 {strides = array<i32>} : memref<128xi32, #tpu.memory_space<vmem>>, vector<16xi32>,
        %and3A_378 = arith.constant 16383 : i32
        %and3A_379 = vector.broadcast %and3A_378 : i32 to vector<16xi32>
        %and3A_380 = arith.andi %get3A_368, %and3A_379 : vector<16xi32>
        %swap3A_381 = arith.constant 0 : index
        %swap3A_382 = tpu.vector_load %arg10[%swap3A_381] {strides = array<i32>} : memref<128xi32, #tpu.memory_space<vmem>>, vector<16xi32>,
        %swap3A_383 = vector.shape_cast %swap3A_382 : vector<16xi32> to vector<16xi32>
        %swap3A_384 = vector.shape_cast %and3A_380 : vector<16xi32> to vector<16xi32>
        tpu.vector_store %arg10[%swap3A_381], %swap3A_384 {strides = array<i32>} : memref<128xi32, #tpu.memory_space<vmem>>, vector<16xi32>,
        %mul3A_385 = arith.constant 128 : i32
        %mul3A_386 = arith.muli %add3A_361, %mul3A_385 : i32
        %add3A_387 = arith.constant 16 : i32
        %add3A_388 = arith.addi %mul3A_386, %add3A_387 : i32
        %get3A_389 = arith.index_cast %add3A_388 : i32 to index
        %get3A_390 = tpu.vector_load %arg6[%get3A_389] {strides = array<i32>} : memref<10240xi32, #tpu.memory_space<vmem>>, vector<16xi32>,
        %get3A_391 = vector.shape_cast %get3A_390 : vector<16xi32> to vector<16xi32>
        %shift_right_arithmetic3A_392 = arith.constant 14 : i32
        %shift_right_arithmetic3A_393 = vector.broadcast %shift_right_arithmetic3A_392 : i32 to vector<16xi32>
        %shift_right_arithmetic3A_394 = arith.shrsi %get3A_391, %shift_right_arithmetic3A_393 : vector<16xi32>
        %add3A_395 = vector.broadcast %mul3A_4 : i32 to vector<16xi32>
        %add3A_396 = arith.addi %shift_right_arithmetic3A_394, %add3A_395 : vector<16xi32>
        %swap3A_397 = arith.constant 16 : index
        %swap3A_398 = tpu.vector_load %arg8[%swap3A_397] {strides = array<i32>} : memref<128xi32, #tpu.memory_space<vmem>>, vector<16xi32>,
        %swap3A_399 = vector.shape_cast %swap3A_398 : vector<16xi32> to vector<16xi32>
        %swap3A_400 = vector.shape_cast %add3A_396 : vector<16xi32> to vector<16xi32>
        tpu.vector_store %arg8[%swap3A_397], %swap3A_400 {strides = array<i32>} : memref<128xi32, #tpu.memory_space<vmem>>, vector<16xi32>,
        %and3A_401 = arith.constant 16383 : i32
        %and3A_402 = vector.broadcast %and3A_401 : i32 to vector<16xi32>
        %and3A_403 = arith.andi %get3A_391, %and3A_402 : vector<16xi32>
        %swap3A_404 = arith.constant 16 : index
        %swap3A_405 = tpu.vector_load %arg10[%swap3A_404] {strides = array<i32>} : memref<128xi32, #tpu.memory_space<vmem>>, vector<16xi32>,
        %swap3A_406 = vector.shape_cast %swap3A_405 : vector<16xi32> to vector<16xi32>
        %swap3A_407 = vector.shape_cast %and3A_403 : vector<16xi32> to vector<16xi32>
        tpu.vector_store %arg10[%swap3A_404], %swap3A_407 {strides = array<i32>} : memref<128xi32, #tpu.memory_space<vmem>>, vector<16xi32>,
        %mul3A_408 = arith.constant 128 : i32
        %mul3A_409 = arith.muli %add3A_361, %mul3A_408 : i32
        %add3A_410 = arith.constant 32 : i32
        %add3A_411 = arith.addi %mul3A_409, %add3A_410 : i32
        %get3A_412 = arith.index_cast %add3A_411 : i32 to index
        %get3A_413 = tpu.vector_load %arg6[%get3A_412] {strides = array<i32>} : memref<10240xi32, #tpu.memory_space<vmem>>, vector<16xi32>,
        %get3A_414 = vector.shape_cast %get3A_413 : vector<16xi32> to vector<16xi32>
        %shift_right_arithmetic3A_415 = arith.constant 14 : i32
        %shift_right_arithmetic3A_416 = vector.broadcast %shift_right_arithmetic3A_415 : i32 to vector<16xi32>
        %shift_right_arithmetic3A_417 = arith.shrsi %get3A_414, %shift_right_arithmetic3A_416 : vector<16xi32>
        %add3A_418 = vector.broadcast %mul3A_4 : i32 to vector<16xi32>
        %add3A_419 = arith.addi %shift_right_arithmetic3A_417, %add3A_418 : vector<16xi32>
        %swap3A_420 = arith.constant 32 : index
        %swap3A_421 = tpu.vector_load %arg8[%swap3A_420] {strides = array<i32>} : memref<128xi32, #tpu.memory_space<vmem>>, vector<16xi32>,
        %swap3A_422 = vector.shape_cast %swap3A_421 : vector<16xi32> to vector<16xi32>
        %swap3A_423 = vector.shape_cast %add3A_419 : vector<16xi32> to vector<16xi32>
        tpu.vector_store %arg8[%swap3A_420], %swap3A_423 {strides = array<i32>} : memref<128xi32, #tpu.memory_space<vmem>>, vector<16xi32>,
        %and3A_424 = arith.constant 16383 : i32
        %and3A_425 = vector.broadcast %and3A_424 : i32 to vector<16xi32>
        %and3A_426 = arith.andi %get3A_414, %and3A_425 : vector<16xi32>
        %swap3A_427 = arith.constant 32 : index
        %swap3A_428 = tpu.vector_load %arg10[%swap3A_427] {strides = array<i32>} : memref<128xi32, #tpu.memory_space<vmem>>, vector<16xi32>,
        %swap3A_429 = vector.shape_cast %swap3A_428 : vector<16xi32> to vector<16xi32>
        %swap3A_430 = vector.shape_cast %and3A_426 : vector<16xi32> to vector<16xi32>
        tpu.vector_store %arg10[%swap3A_427], %swap3A_430 {strides = array<i32>} : memref<128xi32, #tpu.memory_space<vmem>>, vector<16xi32>,
        %mul3A_431 = arith.constant 128 : i32
        %mul3A_432 = arith.muli %add3A_361, %mul3A_431 : i32
        %add3A_433 = arith.constant 48 : i32
        %add3A_434 = arith.addi %mul3A_432, %add3A_433 : i32
        %get3A_435 = arith.index_cast %add3A_434 : i32 to index
        %get3A_436 = tpu.vector_load %arg6[%get3A_435] {strides = array<i32>} : memref<10240xi32, #tpu.memory_space<vmem>>, vector<16xi32>,
        %get3A_437 = vector.shape_cast %get3A_436 : vector<16xi32> to vector<16xi32>
        %shift_right_arithmetic3A_438 = arith.constant 14 : i32
        %shift_right_arithmetic3A_439 = vector.broadcast %shift_right_arithmetic3A_438 : i32 to vector<16xi32>
        %shift_right_arithmetic3A_440 = arith.shrsi %get3A_437, %shift_right_arithmetic3A_439 : vector<16xi32>
        %add3A_441 = vector.broadcast %mul3A_4 : i32 to vector<16xi32>
        %add3A_442 = arith.addi %shift_right_arithmetic3A_440, %add3A_441 : vector<16xi32>
        %swap3A_443 = arith.constant 48 : index
        %swap3A_444 = tpu.vector_load %arg8[%swap3A_443] {strides = array<i32>} : memref<128xi32, #tpu.memory_space<vmem>>, vector<16xi32>,
        %swap3A_445 = vector.shape_cast %swap3A_444 : vector<16xi32> to vector<16xi32>
        %swap3A_446 = vector.shape_cast %add3A_442 : vector<16xi32> to vector<16xi32>
        tpu.vector_store %arg8[%swap3A_443], %swap3A_446 {strides = array<i32>} : memref<128xi32, #tpu.memory_space<vmem>>, vector<16xi32>,
        %and3A_447 = arith.constant 16383 : i32
        %and3A_448 = vector.broadcast %and3A_447 : i32 to vector<16xi32>
        %and3A_449 = arith.andi %get3A_437, %and3A_448 : vector<16xi32>
        %swap3A_450 = arith.constant 48 : index
        %swap3A_451 = tpu.vector_load %arg10[%swap3A_450] {strides = array<i32>} : memref<128xi32, #tpu.memory_space<vmem>>, vector<16xi32>,
        %swap3A_452 = vector.shape_cast %swap3A_451 : vector<16xi32> to vector<16xi32>
        %swap3A_453 = vector.shape_cast %and3A_449 : vector<16xi32> to vector<16xi32>
        tpu.vector_store %arg10[%swap3A_450], %swap3A_453 {strides = array<i32>} : memref<128xi32, #tpu.memory_space<vmem>>, vector<16xi32>,
        %mul3A_454 = arith.constant 128 : i32
        %mul3A_455 = arith.muli %add3A_361, %mul3A_454 : i32
        %add3A_456 = arith.constant 64 : i32
        %add3A_457 = arith.addi %mul3A_455, %add3A_456 : i32
        %get3A_458 = arith.index_cast %add3A_457 : i32 to index
        %get3A_459 = tpu.vector_load %arg6[%get3A_458] {strides = array<i32>} : memref<10240xi32, #tpu.memory_space<vmem>>, vector<16xi32>,
        %get3A_460 = vector.shape_cast %get3A_459 : vector<16xi32> to vector<16xi32>
        %shift_right_arithmetic3A_461 = arith.constant 14 : i32
        %shift_right_arithmetic3A_462 = vector.broadcast %shift_right_arithmetic3A_461 : i32 to vector<16xi32>
        %shift_right_arithmetic3A_463 = arith.shrsi %get3A_460, %shift_right_arithmetic3A_462 : vector<16xi32>
        %add3A_464 = vector.broadcast %mul3A_4 : i32 to vector<16xi32>
        %add3A_465 = arith.addi %shift_right_arithmetic3A_463, %add3A_464 : vector<16xi32>
        %swap3A_466 = arith.constant 64 : index
        %swap3A_467 = tpu.vector_load %arg8[%swap3A_466] {strides = array<i32>} : memref<128xi32, #tpu.memory_space<vmem>>, vector<16xi32>,
        %swap3A_468 = vector.shape_cast %swap3A_467 : vector<16xi32> to vector<16xi32>
        %swap3A_469 = vector.shape_cast %add3A_465 : vector<16xi32> to vector<16xi32>
        tpu.vector_store %arg8[%swap3A_466], %swap3A_469 {strides = array<i32>} : memref<128xi32, #tpu.memory_space<vmem>>, vector<16xi32>,
        %and3A_470 = arith.constant 16383 : i32
        %and3A_471 = vector.broadcast %and3A_470 : i32 to vector<16xi32>
        %and3A_472 = arith.andi %get3A_460, %and3A_471 : vector<16xi32>
        %swap3A_473 = arith.constant 64 : index
        %swap3A_474 = tpu.vector_load %arg10[%swap3A_473] {strides = array<i32>} : memref<128xi32, #tpu.memory_space<vmem>>, vector<16xi32>,
        %swap3A_475 = vector.shape_cast %swap3A_474 : vector<16xi32> to vector<16xi32>
        %swap3A_476 = vector.shape_cast %and3A_472 : vector<16xi32> to vector<16xi32>
        tpu.vector_store %arg10[%swap3A_473], %swap3A_476 {strides = array<i32>} : memref<128xi32, #tpu.memory_space<vmem>>, vector<16xi32>,
        %mul3A_477 = arith.constant 128 : i32
        %mul3A_478 = arith.muli %add3A_361, %mul3A_477 : i32
        %add3A_479 = arith.constant 80 : i32
        %add3A_480 = arith.addi %mul3A_478, %add3A_479 : i32
        %get3A_481 = arith.index_cast %add3A_480 : i32 to index
        %get3A_482 = tpu.vector_load %arg6[%get3A_481] {strides = array<i32>} : memref<10240xi32, #tpu.memory_space<vmem>>, vector<16xi32>,
        %get3A_483 = vector.shape_cast %get3A_482 : vector<16xi32> to vector<16xi32>
        %shift_right_arithmetic3A_484 = arith.constant 14 : i32
        %shift_right_arithmetic3A_485 = vector.broadcast %shift_right_arithmetic3A_484 : i32 to vector<16xi32>
        %shift_right_arithmetic3A_486 = arith.shrsi %get3A_483, %shift_right_arithmetic3A_485 : vector<16xi32>
        %add3A_487 = vector.broadcast %mul3A_4 : i32 to vector<16xi32>
        %add3A_488 = arith.addi %shift_right_arithmetic3A_486, %add3A_487 : vector<16xi32>
        %swap3A_489 = arith.constant 80 : index
        %swap3A_490 = tpu.vector_load %arg8[%swap3A_489] {strides = array<i32>} : memref<128xi32, #tpu.memory_space<vmem>>, vector<16xi32>,
        %swap3A_491 = vector.shape_cast %swap3A_490 : vector<16xi32> to vector<16xi32>
        %swap3A_492 = vector.shape_cast %add3A_488 : vector<16xi32> to vector<16xi32>
        tpu.vector_store %arg8[%swap3A_489], %swap3A_492 {strides = array<i32>} : memref<128xi32, #tpu.memory_space<vmem>>, vector<16xi32>,
        %and3A_493 = arith.constant 16383 : i32
        %and3A_494 = vector.broadcast %and3A_493 : i32 to vector<16xi32>
        %and3A_495 = arith.andi %get3A_483, %and3A_494 : vector<16xi32>
        %swap3A_496 = arith.constant 80 : index
        %swap3A_497 = tpu.vector_load %arg10[%swap3A_496] {strides = array<i32>} : memref<128xi32, #tpu.memory_space<vmem>>, vector<16xi32>,
        %swap3A_498 = vector.shape_cast %swap3A_497 : vector<16xi32> to vector<16xi32>
        %swap3A_499 = vector.shape_cast %and3A_495 : vector<16xi32> to vector<16xi32>
        tpu.vector_store %arg10[%swap3A_496], %swap3A_499 {strides = array<i32>} : memref<128xi32, #tpu.memory_space<vmem>>, vector<16xi32>,
        %mul3A_500 = arith.constant 128 : i32
        %mul3A_501 = arith.muli %add3A_361, %mul3A_500 : i32
        %add3A_502 = arith.constant 96 : i32
        %add3A_503 = arith.addi %mul3A_501, %add3A_502 : i32
        %get3A_504 = arith.index_cast %add3A_503 : i32 to index
        %get3A_505 = tpu.vector_load %arg6[%get3A_504] {strides = array<i32>} : memref<10240xi32, #tpu.memory_space<vmem>>, vector<16xi32>,
        %get3A_506 = vector.shape_cast %get3A_505 : vector<16xi32> to vector<16xi32>
        %shift_right_arithmetic3A_507 = arith.constant 14 : i32
        %shift_right_arithmetic3A_508 = vector.broadcast %shift_right_arithmetic3A_507 : i32 to vector<16xi32>
        %shift_right_arithmetic3A_509 = arith.shrsi %get3A_506, %shift_right_arithmetic3A_508 : vector<16xi32>
        %add3A_510 = vector.broadcast %mul3A_4 : i32 to vector<16xi32>
        %add3A_511 = arith.addi %shift_right_arithmetic3A_509, %add3A_510 : vector<16xi32>
        %swap3A_512 = arith.constant 96 : index
        %swap3A_513 = tpu.vector_load %arg8[%swap3A_512] {strides = array<i32>} : memref<128xi32, #tpu.memory_space<vmem>>, vector<16xi32>,
        %swap3A_514 = vector.shape_cast %swap3A_513 : vector<16xi32> to vector<16xi32>
        %swap3A_515 = vector.shape_cast %add3A_511 : vector<16xi32> to vector<16xi32>
        tpu.vector_store %arg8[%swap3A_512], %swap3A_515 {strides = array<i32>} : memref<128xi32, #tpu.memory_space<vmem>>, vector<16xi32>,
        %and3A_516 = arith.constant 16383 : i32
        %and3A_517 = vector.broadcast %and3A_516 : i32 to vector<16xi32>
        %and3A_518 = arith.andi %get3A_506, %and3A_517 : vector<16xi32>
        %swap3A_519 = arith.constant 96 : index
        %swap3A_520 = tpu.vector_load %arg10[%swap3A_519] {strides = array<i32>} : memref<128xi32, #tpu.memory_space<vmem>>, vector<16xi32>,
        %swap3A_521 = vector.shape_cast %swap3A_520 : vector<16xi32> to vector<16xi32>
        %swap3A_522 = vector.shape_cast %and3A_518 : vector<16xi32> to vector<16xi32>
        tpu.vector_store %arg10[%swap3A_519], %swap3A_522 {strides = array<i32>} : memref<128xi32, #tpu.memory_space<vmem>>, vector<16xi32>,
        %mul3A_523 = arith.constant 128 : i32
        %mul3A_524 = arith.muli %add3A_361, %mul3A_523 : i32
        %add3A_525 = arith.constant 112 : i32
        %add3A_526 = arith.addi %mul3A_524, %add3A_525 : i32
        %get3A_527 = arith.index_cast %add3A_526 : i32 to index
        %get3A_528 = tpu.vector_load %arg6[%get3A_527] {strides = array<i32>} : memref<10240xi32, #tpu.memory_space<vmem>>, vector<16xi32>,
        %get3A_529 = vector.shape_cast %get3A_528 : vector<16xi32> to vector<16xi32>
        %shift_right_arithmetic3A_530 = arith.constant 14 : i32
        %shift_right_arithmetic3A_531 = vector.broadcast %shift_right_arithmetic3A_530 : i32 to vector<16xi32>
        %shift_right_arithmetic3A_532 = arith.shrsi %get3A_529, %shift_right_arithmetic3A_531 : vector<16xi32>
        %add3A_533 = vector.broadcast %mul3A_4 : i32 to vector<16xi32>
        %add3A_534 = arith.addi %shift_right_arithmetic3A_532, %add3A_533 : vector<16xi32>
        %swap3A_535 = arith.constant 112 : index
        %swap3A_536 = tpu.vector_load %arg8[%swap3A_535] {strides = array<i32>} : memref<128xi32, #tpu.memory_space<vmem>>, vector<16xi32>,
        %swap3A_537 = vector.shape_cast %swap3A_536 : vector<16xi32> to vector<16xi32>
        %swap3A_538 = vector.shape_cast %add3A_534 : vector<16xi32> to vector<16xi32>
        tpu.vector_store %arg8[%swap3A_535], %swap3A_538 {strides = array<i32>} : memref<128xi32, #tpu.memory_space<vmem>>, vector<16xi32>,
        %and3A_539 = arith.constant 16383 : i32
        %and3A_540 = vector.broadcast %and3A_539 : i32 to vector<16xi32>
        %and3A_541 = arith.andi %get3A_529, %and3A_540 : vector<16xi32>
        %swap3A_542 = arith.constant 112 : index
        %swap3A_543 = tpu.vector_load %arg10[%swap3A_542] {strides = array<i32>} : memref<128xi32, #tpu.memory_space<vmem>>, vector<16xi32>,
        %swap3A_544 = vector.shape_cast %swap3A_543 : vector<16xi32> to vector<16xi32>
        %swap3A_545 = vector.shape_cast %and3A_541 : vector<16xi32> to vector<16xi32>
        tpu.vector_store %arg10[%swap3A_542], %swap3A_545 {strides = array<i32>} : memref<128xi32, #tpu.memory_space<vmem>>, vector<16xi32>,
        %dma_start3A_546 = arith.constant 1 : i32
        %dma_start3A_547 = arith.constant 0 : i32
        %dma_start3A_548 = arith.constant 0 : i32
        %dma_start3A_549 = tpu.memref_slice %arg11[%dma_start3A_546, %dma_start3A_547, %dma_start3A_548] : memref<2x128x128xf32, #tpu.memory_space<vmem>> -> memref<1x128x128xf32, #tpu.memory_space<vmem>>
        %dma_start3A_550 = tpu.memref_squeeze %dma_start3A_549 : memref<1x128x128xf32, #tpu.memory_space<vmem>> -> memref<128x128xf32, #tpu.memory_space<vmem>>
        %dma_start3A_551 = arith.constant 0 : i32
        %dma_start3A_552 = arith.constant 0 : i32
        %dma_start3A_553 = tpu.memref_slice %arg2[%dma_start3A_551, %dma_start3A_552] : memref<180000x128xf32, #tpu.memory_space<hbm>> -> memref<180000x128xf32, #tpu.memory_space<hbm>>
        tpu.enqueue_indirect_dma source(%dma_start3A_553 : memref<180000x128xf32, #tpu.memory_space<hbm>>) target(%dma_start3A_550 : memref<128x128xf32, #tpu.memory_space<vmem>>) offsets(%arg8 : memref<128xi32, #tpu.memory_space<vmem>>) semaphore(%arg14 : memref<!tpu.dma_semaphore, #tpu.memory_space<semaphore_mem>>)
      } else {
      }
    }
    %scan3A_323 = arith.constant 40 : i32
    %barrier3A_324 = arith.constant 0 : index
    tpu.barrier barrier_id(%barrier3A_324)
    %eq3A = arith.constant 0 : i32
    %eq3A_325 = arith.cmpi eq, %arg0, %eq3A : i32
    %convert_element_type3A = arith.extui %eq3A_325 : i1 to i32
    %cond3A = arith.constant 0 : i32
    %cond3A_326 = arith.cmpi ne, %convert_element_type3A, %cond3A : i32
    scf.if %cond3A_326 {
      %run_scoped3A = arith.constant 0 : i32
      "tpu.region"() ({
        %run_scoped3A_332 = tpu.sem_alloc : memref<!tpu.dma_semaphore, #tpu.memory_space<semaphore_mem>>
        %dma_start3A_333 = arith.constant 0 : i32
        %dma_start3A_334 = tpu.memref_slice %arg5[%run_scoped3A, %mul3A_0, %dma_start3A_333] : memref<2x10112x128xf32, #tpu.memory_space<hbm>> -> memref<1x632x128xf32, #tpu.memory_space<hbm>>
        %dma_start3A_335 = tpu.memref_squeeze %dma_start3A_334 : memref<1x632x128xf32, #tpu.memory_space<hbm>> -> memref<632x128xf32, #tpu.memory_space<hbm>>
        %dma_start3A_336 = arith.constant 0 : i32
        %dma_start3A_337 = tpu.memref_slice %arg12[%mul3A_0, %dma_start3A_336] : memref<10112x128xf32, #tpu.memory_space<vmem_shared>> -> memref<632x128xf32, #tpu.memory_space<vmem_shared>>
        tpu.enqueue_dma source(%dma_start3A_337 : memref<632x128xf32, #tpu.memory_space<vmem_shared>>) target(%dma_start3A_335 : memref<632x128xf32, #tpu.memory_space<hbm>>) target_semaphore(%run_scoped3A_332 : memref<!tpu.dma_semaphore, #tpu.memory_space<semaphore_mem>>)
        %dma_wait3A = arith.constant 0 : i32
        %dma_wait3A_338 = tpu.memref_slice %arg5[%run_scoped3A, %mul3A_0, %dma_wait3A] : memref<2x10112x128xf32, #tpu.memory_space<hbm>> -> memref<1x632x128xf32, #tpu.memory_space<hbm>>
        %dma_wait3A_339 = tpu.memref_squeeze %dma_wait3A_338 : memref<1x632x128xf32, #tpu.memory_space<hbm>> -> memref<632x128xf32, #tpu.memory_space<hbm>>
        %dma_wait3A_340 = arith.constant 0 : i32
        %dma_wait3A_341 = tpu.memref_slice %arg12[%mul3A_0, %dma_wait3A_340] : memref<10112x128xf32, #tpu.memory_space<vmem_shared>> -> memref<632x128xf32, #tpu.memory_space<vmem_shared>>
        tpu.wait_dma2 semaphore(%run_scoped3A_332 : memref<!tpu.dma_semaphore, #tpu.memory_space<semaphore_mem>>) src(%dma_wait3A_341 : memref<632x128xf32, #tpu.memory_space<vmem_shared>>) dst(%dma_wait3A_339 : memref<632x128xf32, #tpu.memory_space<hbm>>)
        tpu.yield
      }) : () -> ()
    } else {
    }
    %eq3A_327 = arith.constant 1 : i32
    %eq3A_328 = arith.cmpi eq, %arg0, %eq3A_327 : i32
    %convert_element_type3A_329 = arith.extui %eq3A_328 : i1 to i32
    %cond3A_330 = arith.constant 0 : i32
    %cond3A_331 = arith.cmpi ne, %convert_element_type3A_329, %cond3A_330 : i32
    scf.if %cond3A_331 {
      %run_scoped3A = arith.constant 1 : i32
      "tpu.region"() ({
        %run_scoped3A_332 = tpu.sem_alloc : memref<!tpu.dma_semaphore, #tpu.memory_space<semaphore_mem>>
        %dma_start3A_333 = arith.constant 0 : i32
        %dma_start3A_334 = tpu.memref_slice %arg5[%run_scoped3A, %mul3A_0, %dma_start3A_333] : memref<2x10112x128xf32, #tpu.memory_space<hbm>> -> memref<1x632x128xf32, #tpu.memory_space<hbm>>
        %dma_start3A_335 = tpu.memref_squeeze %dma_start3A_334 : memref<1x632x128xf32, #tpu.memory_space<hbm>> -> memref<632x128xf32, #tpu.memory_space<hbm>>
        %dma_start3A_336 = arith.constant 0 : i32
        %dma_start3A_337 = tpu.memref_slice %arg12[%mul3A_0, %dma_start3A_336] : memref<10112x128xf32, #tpu.memory_space<vmem_shared>> -> memref<632x128xf32, #tpu.memory_space<vmem_shared>>
        tpu.enqueue_dma source(%dma_start3A_337 : memref<632x128xf32, #tpu.memory_space<vmem_shared>>) target(%dma_start3A_335 : memref<632x128xf32, #tpu.memory_space<hbm>>) target_semaphore(%run_scoped3A_332 : memref<!tpu.dma_semaphore, #tpu.memory_space<semaphore_mem>>)
        %dma_wait3A = arith.constant 0 : i32
        %dma_wait3A_338 = tpu.memref_slice %arg5[%run_scoped3A, %mul3A_0, %dma_wait3A] : memref<2x10112x128xf32, #tpu.memory_space<hbm>> -> memref<1x632x128xf32, #tpu.memory_space<hbm>>
        %dma_wait3A_339 = tpu.memref_squeeze %dma_wait3A_338 : memref<1x632x128xf32, #tpu.memory_space<hbm>> -> memref<632x128xf32, #tpu.memory_space<hbm>>
        %dma_wait3A_340 = arith.constant 0 : i32
        %dma_wait3A_341 = tpu.memref_slice %arg12[%mul3A_0, %dma_wait3A_340] : memref<10112x128xf32, #tpu.memory_space<vmem_shared>> -> memref<632x128xf32, #tpu.memory_space<vmem_shared>>
        tpu.wait_dma2 semaphore(%run_scoped3A_332 : memref<!tpu.dma_semaphore, #tpu.memory_space<semaphore_mem>>) src(%dma_wait3A_341 : memref<632x128xf32, #tpu.memory_space<vmem_shared>>) dst(%dma_wait3A_339 : memref<632x128xf32, #tpu.memory_space<hbm>>)
        tpu.yield
      }) : () -> ()
    } else {
    }
    return
  }
}

#map = affine_map<(d0, d1) -> (0, 0)>
#map1 = affine_map<(d0, d1) -> (0)>
#map2 = affine_map<(d0, d1) -> (0, 0, 0)>
module attributes {stable_mosaic.version = 14 : i64} {
  func.func @k(%arg0: i32, %arg1: i32, %arg2: memref<180000x128xf32, #tpu.memory_space<hbm>>, %arg3: memref<163840xi32, #tpu.memory_space<hbm>>, %arg4: memref<10112x128xf32, #tpu.memory_space<hbm>>, %arg5: memref<2x10112x128xf32, #tpu.memory_space<hbm>>, %arg6: memref<10240xi32, #tpu.memory_space<vmem>>, %arg7: memref<128xi32, #tpu.memory_space<vmem>>, %arg8: memref<128xi32, #tpu.memory_space<vmem>>, %arg9: memref<128xi32, #tpu.memory_space<vmem>>, %arg10: memref<128xi32, #tpu.memory_space<vmem>>, %arg11: memref<2x128x128xf32, #tpu.memory_space<vmem>>, %arg12: memref<10112x128xf32, #tpu.memory_space<vmem_shared>>, %arg13: memref<!tpu.dma_semaphore, #tpu.memory_space<semaphore_mem>>, %arg14: memref<!tpu.dma_semaphore, #tpu.memory_space<semaphore_mem>>) attributes {dimension_semantics = [#tpu.dimension_semantics<core_parallel>, #tpu.dimension_semantics<subcore_parallel>], iteration_bounds = array<i64: 2, 16>, scalar_prefetch = 0 : i64, scratch_operands = 9 : i64, tpu.core_type = #tpu.core_type<sc_vector_subcore>, window_params = [{transform_indices = #map}, {transform_indices = #map1}, {transform_indices = #map}, {transform_indices = #map2}]} {
    %mul3A = arith.constant 632 : i32
    %mul3A_0 = arith.muli %arg1, %mul3A : i32
    "tpu.region"() ({
      %run_scoped3A = tpu.sem_alloc : memref<!tpu.dma_semaphore, #tpu.memory_space<semaphore_mem>>
      %dma_start3A_332 = arith.constant 0 : i32
      %dma_start3A_333 = tpu.memref_slice %arg12[%mul3A_0, %dma_start3A_332] : memref<10112x128xf32, #tpu.memory_space<vmem_shared>> -> memref<632x128xf32, #tpu.memory_space<vmem_shared>>
      %dma_start3A_334 = arith.constant 0 : i32
      %dma_start3A_335 = tpu.memref_slice %arg4[%mul3A_0, %dma_start3A_334] : memref<10112x128xf32, #tpu.memory_space<hbm>> -> memref<632x128xf32, #tpu.memory_space<hbm>>
      tpu.enqueue_dma source(%dma_start3A_335 : memref<632x128xf32, #tpu.memory_space<hbm>>) target(%dma_start3A_333 : memref<632x128xf32, #tpu.memory_space<vmem_shared>>) target_semaphore(%run_scoped3A : memref<!tpu.dma_semaphore, #tpu.memory_space<semaphore_mem>>)
      %dma_wait3A = arith.constant 0 : i32
      %dma_wait3A_336 = tpu.memref_slice %arg12[%mul3A_0, %dma_wait3A] : memref<10112x128xf32, #tpu.memory_space<vmem_shared>> -> memref<632x128xf32, #tpu.memory_space<vmem_shared>>
      %dma_wait3A_337 = arith.constant 0 : i32
      %dma_wait3A_338 = tpu.memref_slice %arg4[%mul3A_0, %dma_wait3A_337] : memref<10112x128xf32, #tpu.memory_space<hbm>> -> memref<632x128xf32, #tpu.memory_space<hbm>>
      tpu.wait_dma2 semaphore(%run_scoped3A : memref<!tpu.dma_semaphore, #tpu.memory_space<semaphore_mem>>) src(%dma_wait3A_338 : memref<632x128xf32, #tpu.memory_space<hbm>>) dst(%dma_wait3A_336 : memref<632x128xf32, #tpu.memory_space<vmem_shared>>)
      tpu.yield
    }) : () -> ()
    %mul3A_1 = arith.constant 10240 : i32
    %mul3A_2 = arith.muli %arg1, %mul3A_1 : i32
    "tpu.region"() ({
      %run_scoped3A = tpu.sem_alloc : memref<!tpu.dma_semaphore, #tpu.memory_space<semaphore_mem>>
      %dma_start3A_332 = tpu.memref_slice %arg3[%mul3A_2] : memref<163840xi32, #tpu.memory_space<hbm>> -> memref<10240xi32, #tpu.memory_space<hbm>>
      %dma_start3A_333 = tpu.memref_slice %arg3[%mul3A_2] : memref<163840xi32, #tpu.memory_space<hbm>> -> memref<10240xi32, #tpu.memory_space<hbm>>
      tpu.enqueue_dma source(%dma_start3A_333 : memref<10240xi32, #tpu.memory_space<hbm>>) target(%arg6 : memref<10240xi32, #tpu.memory_space<vmem>>) target_semaphore(%run_scoped3A : memref<!tpu.dma_semaphore, #tpu.memory_space<semaphore_mem>>)
      %dma_wait3A = tpu.memref_slice %arg3[%mul3A_2] : memref<163840xi32, #tpu.memory_space<hbm>> -> memref<10240xi32, #tpu.memory_space<hbm>>
      %dma_wait3A_334 = tpu.memref_slice %arg3[%mul3A_2] : memref<163840xi32, #tpu.memory_space<hbm>> -> memref<10240xi32, #tpu.memory_space<hbm>>
      tpu.wait_dma2 semaphore(%run_scoped3A : memref<!tpu.dma_semaphore, #tpu.memory_space<semaphore_mem>>) src(%dma_wait3A_334 : memref<10240xi32, #tpu.memory_space<hbm>>) dst(%arg6 : memref<10240xi32, #tpu.memory_space<vmem>>)
      tpu.yield
    }) : () -> ()
    %mul3A_3 = arith.constant 90000 : i32
    %mul3A_4 = arith.muli %arg0, %mul3A_3 : i32
    %barrier3A = arith.constant 0 : index
    tpu.barrier barrier_id(%barrier3A)
    %get3A = arith.constant 0 : index
    %get3A_5 = tpu.vector_load %arg6[%get3A] {strides = array<i32>} : memref<10240xi32, #tpu.memory_space<vmem>>, vector<16xi32>,
    %get3A_6 = vector.shape_cast %get3A_5 : vector<16xi32> to vector<16xi32>
    %shift_right_arithmetic3A = arith.constant 14 : i32
    %shift_right_arithmetic3A_7 = vector.broadcast %shift_right_arithmetic3A : i32 to vector<16xi32>
    %shift_right_arithmetic3A_8 = arith.shrsi %get3A_6, %shift_right_arithmetic3A_7 : vector<16xi32>
    %add3A = vector.broadcast %mul3A_4 : i32 to vector<16xi32>
    %add3A_9 = arith.addi %shift_right_arithmetic3A_8, %add3A : vector<16xi32>
    %swap3A = arith.constant 0 : index
    %swap3A_10 = tpu.vector_load %arg7[%swap3A] {strides = array<i32>} : memref<128xi32, #tpu.memory_space<vmem>>, vector<16xi32>,
    %swap3A_11 = vector.shape_cast %swap3A_10 : vector<16xi32> to vector<16xi32>
    %swap3A_12 = vector.shape_cast %add3A_9 : vector<16xi32> to vector<16xi32>
    tpu.vector_store %arg7[%swap3A], %swap3A_12 {strides = array<i32>} : memref<128xi32, #tpu.memory_space<vmem>>, vector<16xi32>,
    %and3A = arith.constant 16383 : i32
    %and3A_13 = vector.broadcast %and3A : i32 to vector<16xi32>
    %and3A_14 = arith.andi %get3A_6, %and3A_13 : vector<16xi32>
    %swap3A_15 = arith.constant 0 : index
    %swap3A_16 = tpu.vector_load %arg9[%swap3A_15] {strides = array<i32>} : memref<128xi32, #tpu.memory_space<vmem>>, vector<16xi32>,
    %swap3A_17 = vector.shape_cast %swap3A_16 : vector<16xi32> to vector<16xi32>
    %swap3A_18 = vector.shape_cast %and3A_14 : vector<16xi32> to vector<16xi32>
    tpu.vector_store %arg9[%swap3A_15], %swap3A_18 {strides = array<i32>} : memref<128xi32, #tpu.memory_space<vmem>>, vector<16xi32>,
    %get3A_19 = arith.constant 16 : index
    %get3A_20 = tpu.vector_load %arg6[%get3A_19] {strides = array<i32>} : memref<10240xi32, #tpu.memory_space<vmem>>, vector<16xi32>,
    %get3A_21 = vector.shape_cast %get3A_20 : vector<16xi32> to vector<16xi32>
    %shift_right_arithmetic3A_22 = arith.constant 14 : i32
    %shift_right_arithmetic3A_23 = vector.broadcast %shift_right_arithmetic3A_22 : i32 to vector<16xi32>
    %shift_right_arithmetic3A_24 = arith.shrsi %get3A_21, %shift_right_arithmetic3A_23 : vector<16xi32>
    %add3A_25 = vector.broadcast %mul3A_4 : i32 to vector<16xi32>
    %add3A_26 = arith.addi %shift_right_arithmetic3A_24, %add3A_25 : vector<16xi32>
    %swap3A_27 = arith.constant 16 : index
    %swap3A_28 = tpu.vector_load %arg7[%swap3A_27] {strides = array<i32>} : memref<128xi32, #tpu.memory_space<vmem>>, vector<16xi32>,
    %swap3A_29 = vector.shape_cast %swap3A_28 : vector<16xi32> to vector<16xi32>
    %swap3A_30 = vector.shape_cast %add3A_26 : vector<16xi32> to vector<16xi32>
    tpu.vector_store %arg7[%swap3A_27], %swap3A_30 {strides = array<i32>} : memref<128xi32, #tpu.memory_space<vmem>>, vector<16xi32>,
    %and3A_31 = arith.constant 16383 : i32
    %and3A_32 = vector.broadcast %and3A_31 : i32 to vector<16xi32>
    %and3A_33 = arith.andi %get3A_21, %and3A_32 : vector<16xi32>
    %swap3A_34 = arith.constant 16 : index
    %swap3A_35 = tpu.vector_load %arg9[%swap3A_34] {strides = array<i32>} : memref<128xi32, #tpu.memory_space<vmem>>, vector<16xi32>,
    %swap3A_36 = vector.shape_cast %swap3A_35 : vector<16xi32> to vector<16xi32>
    %swap3A_37 = vector.shape_cast %and3A_33 : vector<16xi32> to vector<16xi32>
    tpu.vector_store %arg9[%swap3A_34], %swap3A_37 {strides = array<i32>} : memref<128xi32, #tpu.memory_space<vmem>>, vector<16xi32>,
    %get3A_38 = arith.constant 32 : index
    %get3A_39 = tpu.vector_load %arg6[%get3A_38] {strides = array<i32>} : memref<10240xi32, #tpu.memory_space<vmem>>, vector<16xi32>,
    %get3A_40 = vector.shape_cast %get3A_39 : vector<16xi32> to vector<16xi32>
    %shift_right_arithmetic3A_41 = arith.constant 14 : i32
    %shift_right_arithmetic3A_42 = vector.broadcast %shift_right_arithmetic3A_41 : i32 to vector<16xi32>
    %shift_right_arithmetic3A_43 = arith.shrsi %get3A_40, %shift_right_arithmetic3A_42 : vector<16xi32>
    %add3A_44 = vector.broadcast %mul3A_4 : i32 to vector<16xi32>
    %add3A_45 = arith.addi %shift_right_arithmetic3A_43, %add3A_44 : vector<16xi32>
    %swap3A_46 = arith.constant 32 : index
    %swap3A_47 = tpu.vector_load %arg7[%swap3A_46] {strides = array<i32>} : memref<128xi32, #tpu.memory_space<vmem>>, vector<16xi32>,
    %swap3A_48 = vector.shape_cast %swap3A_47 : vector<16xi32> to vector<16xi32>
    %swap3A_49 = vector.shape_cast %add3A_45 : vector<16xi32> to vector<16xi32>
    tpu.vector_store %arg7[%swap3A_46], %swap3A_49 {strides = array<i32>} : memref<128xi32, #tpu.memory_space<vmem>>, vector<16xi32>,
    %and3A_50 = arith.constant 16383 : i32
    %and3A_51 = vector.broadcast %and3A_50 : i32 to vector<16xi32>
    %and3A_52 = arith.andi %get3A_40, %and3A_51 : vector<16xi32>
    %swap3A_53 = arith.constant 32 : index
    %swap3A_54 = tpu.vector_load %arg9[%swap3A_53] {strides = array<i32>} : memref<128xi32, #tpu.memory_space<vmem>>, vector<16xi32>,
    %swap3A_55 = vector.shape_cast %swap3A_54 : vector<16xi32> to vector<16xi32>
    %swap3A_56 = vector.shape_cast %and3A_52 : vector<16xi32> to vector<16xi32>
    tpu.vector_store %arg9[%swap3A_53], %swap3A_56 {strides = array<i32>} : memref<128xi32, #tpu.memory_space<vmem>>, vector<16xi32>,
    %get3A_57 = arith.constant 48 : index
    %get3A_58 = tpu.vector_load %arg6[%get3A_57] {strides = array<i32>} : memref<10240xi32, #tpu.memory_space<vmem>>, vector<16xi32>,
    %get3A_59 = vector.shape_cast %get3A_58 : vector<16xi32> to vector<16xi32>
    %shift_right_arithmetic3A_60 = arith.constant 14 : i32
    %shift_right_arithmetic3A_61 = vector.broadcast %shift_right_arithmetic3A_60 : i32 to vector<16xi32>
    %shift_right_arithmetic3A_62 = arith.shrsi %get3A_59, %shift_right_arithmetic3A_61 : vector<16xi32>
    %add3A_63 = vector.broadcast %mul3A_4 : i32 to vector<16xi32>
    %add3A_64 = arith.addi %shift_right_arithmetic3A_62, %add3A_63 : vector<16xi32>
    %swap3A_65 = arith.constant 48 : index
    %swap3A_66 = tpu.vector_load %arg7[%swap3A_65] {strides = array<i32>} : memref<128xi32, #tpu.memory_space<vmem>>, vector<16xi32>,
    %swap3A_67 = vector.shape_cast %swap3A_66 : vector<16xi32> to vector<16xi32>
    %swap3A_68 = vector.shape_cast %add3A_64 : vector<16xi32> to vector<16xi32>
    tpu.vector_store %arg7[%swap3A_65], %swap3A_68 {strides = array<i32>} : memref<128xi32, #tpu.memory_space<vmem>>, vector<16xi32>,
    %and3A_69 = arith.constant 16383 : i32
    %and3A_70 = vector.broadcast %and3A_69 : i32 to vector<16xi32>
    %and3A_71 = arith.andi %get3A_59, %and3A_70 : vector<16xi32>
    %swap3A_72 = arith.constant 48 : index
    %swap3A_73 = tpu.vector_load %arg9[%swap3A_72] {strides = array<i32>} : memref<128xi32, #tpu.memory_space<vmem>>, vector<16xi32>,
    %swap3A_74 = vector.shape_cast %swap3A_73 : vector<16xi32> to vector<16xi32>
    %swap3A_75 = vector.shape_cast %and3A_71 : vector<16xi32> to vector<16xi32>
    tpu.vector_store %arg9[%swap3A_72], %swap3A_75 {strides = array<i32>} : memref<128xi32, #tpu.memory_space<vmem>>, vector<16xi32>,
    %get3A_76 = arith.constant 64 : index
    %get3A_77 = tpu.vector_load %arg6[%get3A_76] {strides = array<i32>} : memref<10240xi32, #tpu.memory_space<vmem>>, vector<16xi32>,
    %get3A_78 = vector.shape_cast %get3A_77 : vector<16xi32> to vector<16xi32>
    %shift_right_arithmetic3A_79 = arith.constant 14 : i32
    %shift_right_arithmetic3A_80 = vector.broadcast %shift_right_arithmetic3A_79 : i32 to vector<16xi32>
    %shift_right_arithmetic3A_81 = arith.shrsi %get3A_78, %shift_right_arithmetic3A_80 : vector<16xi32>
    %add3A_82 = vector.broadcast %mul3A_4 : i32 to vector<16xi32>
    %add3A_83 = arith.addi %shift_right_arithmetic3A_81, %add3A_82 : vector<16xi32>
    %swap3A_84 = arith.constant 64 : index
    %swap3A_85 = tpu.vector_load %arg7[%swap3A_84] {strides = array<i32>} : memref<128xi32, #tpu.memory_space<vmem>>, vector<16xi32>,
    %swap3A_86 = vector.shape_cast %swap3A_85 : vector<16xi32> to vector<16xi32>
    %swap3A_87 = vector.shape_cast %add3A_83 : vector<16xi32> to vector<16xi32>
    tpu.vector_store %arg7[%swap3A_84], %swap3A_87 {strides = array<i32>} : memref<128xi32, #tpu.memory_space<vmem>>, vector<16xi32>,
    %and3A_88 = arith.constant 16383 : i32
    %and3A_89 = vector.broadcast %and3A_88 : i32 to vector<16xi32>
    %and3A_90 = arith.andi %get3A_78, %and3A_89 : vector<16xi32>
    %swap3A_91 = arith.constant 64 : index
    %swap3A_92 = tpu.vector_load %arg9[%swap3A_91] {strides = array<i32>} : memref<128xi32, #tpu.memory_space<vmem>>, vector<16xi32>,
    %swap3A_93 = vector.shape_cast %swap3A_92 : vector<16xi32> to vector<16xi32>
    %swap3A_94 = vector.shape_cast %and3A_90 : vector<16xi32> to vector<16xi32>
    tpu.vector_store %arg9[%swap3A_91], %swap3A_94 {strides = array<i32>} : memref<128xi32, #tpu.memory_space<vmem>>, vector<16xi32>,
    %get3A_95 = arith.constant 80 : index
    %get3A_96 = tpu.vector_load %arg6[%get3A_95] {strides = array<i32>} : memref<10240xi32, #tpu.memory_space<vmem>>, vector<16xi32>,
    %get3A_97 = vector.shape_cast %get3A_96 : vector<16xi32> to vector<16xi32>
    %shift_right_arithmetic3A_98 = arith.constant 14 : i32
    %shift_right_arithmetic3A_99 = vector.broadcast %shift_right_arithmetic3A_98 : i32 to vector<16xi32>
    %shift_right_arithmetic3A_100 = arith.shrsi %get3A_97, %shift_right_arithmetic3A_99 : vector<16xi32>
    %add3A_101 = vector.broadcast %mul3A_4 : i32 to vector<16xi32>
    %add3A_102 = arith.addi %shift_right_arithmetic3A_100, %add3A_101 : vector<16xi32>
    %swap3A_103 = arith.constant 80 : index
    %swap3A_104 = tpu.vector_load %arg7[%swap3A_103] {strides = array<i32>} : memref<128xi32, #tpu.memory_space<vmem>>, vector<16xi32>,
    %swap3A_105 = vector.shape_cast %swap3A_104 : vector<16xi32> to vector<16xi32>
    %swap3A_106 = vector.shape_cast %add3A_102 : vector<16xi32> to vector<16xi32>
    tpu.vector_store %arg7[%swap3A_103], %swap3A_106 {strides = array<i32>} : memref<128xi32, #tpu.memory_space<vmem>>, vector<16xi32>,
    %and3A_107 = arith.constant 16383 : i32
    %and3A_108 = vector.broadcast %and3A_107 : i32 to vector<16xi32>
    %and3A_109 = arith.andi %get3A_97, %and3A_108 : vector<16xi32>
    %swap3A_110 = arith.constant 80 : index
    %swap3A_111 = tpu.vector_load %arg9[%swap3A_110] {strides = array<i32>} : memref<128xi32, #tpu.memory_space<vmem>>, vector<16xi32>,
    %swap3A_112 = vector.shape_cast %swap3A_111 : vector<16xi32> to vector<16xi32>
    %swap3A_113 = vector.shape_cast %and3A_109 : vector<16xi32> to vector<16xi32>
    tpu.vector_store %arg9[%swap3A_110], %swap3A_113 {strides = array<i32>} : memref<128xi32, #tpu.memory_space<vmem>>, vector<16xi32>,
    %get3A_114 = arith.constant 96 : index
    %get3A_115 = tpu.vector_load %arg6[%get3A_114] {strides = array<i32>} : memref<10240xi32, #tpu.memory_space<vmem>>, vector<16xi32>,
    %get3A_116 = vector.shape_cast %get3A_115 : vector<16xi32> to vector<16xi32>
    %shift_right_arithmetic3A_117 = arith.constant 14 : i32
    %shift_right_arithmetic3A_118 = vector.broadcast %shift_right_arithmetic3A_117 : i32 to vector<16xi32>
    %shift_right_arithmetic3A_119 = arith.shrsi %get3A_116, %shift_right_arithmetic3A_118 : vector<16xi32>
    %add3A_120 = vector.broadcast %mul3A_4 : i32 to vector<16xi32>
    %add3A_121 = arith.addi %shift_right_arithmetic3A_119, %add3A_120 : vector<16xi32>
    %swap3A_122 = arith.constant 96 : index
    %swap3A_123 = tpu.vector_load %arg7[%swap3A_122] {strides = array<i32>} : memref<128xi32, #tpu.memory_space<vmem>>, vector<16xi32>,
    %swap3A_124 = vector.shape_cast %swap3A_123 : vector<16xi32> to vector<16xi32>
    %swap3A_125 = vector.shape_cast %add3A_121 : vector<16xi32> to vector<16xi32>
    tpu.vector_store %arg7[%swap3A_122], %swap3A_125 {strides = array<i32>} : memref<128xi32, #tpu.memory_space<vmem>>, vector<16xi32>,
    %and3A_126 = arith.constant 16383 : i32
    %and3A_127 = vector.broadcast %and3A_126 : i32 to vector<16xi32>
    %and3A_128 = arith.andi %get3A_116, %and3A_127 : vector<16xi32>
    %swap3A_129 = arith.constant 96 : index
    %swap3A_130 = tpu.vector_load %arg9[%swap3A_129] {strides = array<i32>} : memref<128xi32, #tpu.memory_space<vmem>>, vector<16xi32>,
    %swap3A_131 = vector.shape_cast %swap3A_130 : vector<16xi32> to vector<16xi32>
    %swap3A_132 = vector.shape_cast %and3A_128 : vector<16xi32> to vector<16xi32>
    tpu.vector_store %arg9[%swap3A_129], %swap3A_132 {strides = array<i32>} : memref<128xi32, #tpu.memory_space<vmem>>, vector<16xi32>,
    %get3A_133 = arith.constant 112 : index
    %get3A_134 = tpu.vector_load %arg6[%get3A_133] {strides = array<i32>} : memref<10240xi32, #tpu.memory_space<vmem>>, vector<16xi32>,
    %get3A_135 = vector.shape_cast %get3A_134 : vector<16xi32> to vector<16xi32>
    %shift_right_arithmetic3A_136 = arith.constant 14 : i32
    %shift_right_arithmetic3A_137 = vector.broadcast %shift_right_arithmetic3A_136 : i32 to vector<16xi32>
    %shift_right_arithmetic3A_138 = arith.shrsi %get3A_135, %shift_right_arithmetic3A_137 : vector<16xi32>
    %add3A_139 = vector.broadcast %mul3A_4 : i32 to vector<16xi32>
    %add3A_140 = arith.addi %shift_right_arithmetic3A_138, %add3A_139 : vector<16xi32>
    %swap3A_141 = arith.constant 112 : index
    %swap3A_142 = tpu.vector_load %arg7[%swap3A_141] {strides = array<i32>} : memref<128xi32, #tpu.memory_space<vmem>>, vector<16xi32>,
    %swap3A_143 = vector.shape_cast %swap3A_142 : vector<16xi32> to vector<16xi32>
    %swap3A_144 = vector.shape_cast %add3A_140 : vector<16xi32> to vector<16xi32>
    tpu.vector_store %arg7[%swap3A_141], %swap3A_144 {strides = array<i32>} : memref<128xi32, #tpu.memory_space<vmem>>, vector<16xi32>,
    %and3A_145 = arith.constant 16383 : i32
    %and3A_146 = vector.broadcast %and3A_145 : i32 to vector<16xi32>
    %and3A_147 = arith.andi %get3A_135, %and3A_146 : vector<16xi32>
    %swap3A_148 = arith.constant 112 : index
    %swap3A_149 = tpu.vector_load %arg9[%swap3A_148] {strides = array<i32>} : memref<128xi32, #tpu.memory_space<vmem>>, vector<16xi32>,
    %swap3A_150 = vector.shape_cast %swap3A_149 : vector<16xi32> to vector<16xi32>
    %swap3A_151 = vector.shape_cast %and3A_147 : vector<16xi32> to vector<16xi32>
    tpu.vector_store %arg9[%swap3A_148], %swap3A_151 {strides = array<i32>} : memref<128xi32, #tpu.memory_space<vmem>>, vector<16xi32>,
    %get3A_152 = arith.constant 128 : index
    %get3A_153 = tpu.vector_load %arg6[%get3A_152] {strides = array<i32>} : memref<10240xi32, #tpu.memory_space<vmem>>, vector<16xi32>,
    %get3A_154 = vector.shape_cast %get3A_153 : vector<16xi32> to vector<16xi32>
    %shift_right_arithmetic3A_155 = arith.constant 14 : i32
    %shift_right_arithmetic3A_156 = vector.broadcast %shift_right_arithmetic3A_155 : i32 to vector<16xi32>
    %shift_right_arithmetic3A_157 = arith.shrsi %get3A_154, %shift_right_arithmetic3A_156 : vector<16xi32>
    %add3A_158 = vector.broadcast %mul3A_4 : i32 to vector<16xi32>
    %add3A_159 = arith.addi %shift_right_arithmetic3A_157, %add3A_158 : vector<16xi32>
    %swap3A_160 = arith.constant 0 : index
    %swap3A_161 = tpu.vector_load %arg8[%swap3A_160] {strides = array<i32>} : memref<128xi32, #tpu.memory_space<vmem>>, vector<16xi32>,
    %swap3A_162 = vector.shape_cast %swap3A_161 : vector<16xi32> to vector<16xi32>
    %swap3A_163 = vector.shape_cast %add3A_159 : vector<16xi32> to vector<16xi32>
    tpu.vector_store %arg8[%swap3A_160], %swap3A_163 {strides = array<i32>} : memref<128xi32, #tpu.memory_space<vmem>>, vector<16xi32>,
    %and3A_164 = arith.constant 16383 : i32
    %and3A_165 = vector.broadcast %and3A_164 : i32 to vector<16xi32>
    %and3A_166 = arith.andi %get3A_154, %and3A_165 : vector<16xi32>
    %swap3A_167 = arith.constant 0 : index
    %swap3A_168 = tpu.vector_load %arg10[%swap3A_167] {strides = array<i32>} : memref<128xi32, #tpu.memory_space<vmem>>, vector<16xi32>,
    %swap3A_169 = vector.shape_cast %swap3A_168 : vector<16xi32> to vector<16xi32>
    %swap3A_170 = vector.shape_cast %and3A_166 : vector<16xi32> to vector<16xi32>
    tpu.vector_store %arg10[%swap3A_167], %swap3A_170 {strides = array<i32>} : memref<128xi32, #tpu.memory_space<vmem>>, vector<16xi32>,
    %get3A_171 = arith.constant 144 : index
    %get3A_172 = tpu.vector_load %arg6[%get3A_171] {strides = array<i32>} : memref<10240xi32, #tpu.memory_space<vmem>>, vector<16xi32>,
    %get3A_173 = vector.shape_cast %get3A_172 : vector<16xi32> to vector<16xi32>
    %shift_right_arithmetic3A_174 = arith.constant 14 : i32
    %shift_right_arithmetic3A_175 = vector.broadcast %shift_right_arithmetic3A_174 : i32 to vector<16xi32>
    %shift_right_arithmetic3A_176 = arith.shrsi %get3A_173, %shift_right_arithmetic3A_175 : vector<16xi32>
    %add3A_177 = vector.broadcast %mul3A_4 : i32 to vector<16xi32>
    %add3A_178 = arith.addi %shift_right_arithmetic3A_176, %add3A_177 : vector<16xi32>
    %swap3A_179 = arith.constant 16 : index
    %swap3A_180 = tpu.vector_load %arg8[%swap3A_179] {strides = array<i32>} : memref<128xi32, #tpu.memory_space<vmem>>, vector<16xi32>,
    %swap3A_181 = vector.shape_cast %swap3A_180 : vector<16xi32> to vector<16xi32>
    %swap3A_182 = vector.shape_cast %add3A_178 : vector<16xi32> to vector<16xi32>
    tpu.vector_store %arg8[%swap3A_179], %swap3A_182 {strides = array<i32>} : memref<128xi32, #tpu.memory_space<vmem>>, vector<16xi32>,
    %and3A_183 = arith.constant 16383 : i32
    %and3A_184 = vector.broadcast %and3A_183 : i32 to vector<16xi32>
    %and3A_185 = arith.andi %get3A_173, %and3A_184 : vector<16xi32>
    %swap3A_186 = arith.constant 16 : index
    %swap3A_187 = tpu.vector_load %arg10[%swap3A_186] {strides = array<i32>} : memref<128xi32, #tpu.memory_space<vmem>>, vector<16xi32>,
    %swap3A_188 = vector.shape_cast %swap3A_187 : vector<16xi32> to vector<16xi32>
    %swap3A_189 = vector.shape_cast %and3A_185 : vector<16xi32> to vector<16xi32>
    tpu.vector_store %arg10[%swap3A_186], %swap3A_189 {strides = array<i32>} : memref<128xi32, #tpu.memory_space<vmem>>, vector<16xi32>,
    %get3A_190 = arith.constant 160 : index
    %get3A_191 = tpu.vector_load %arg6[%get3A_190] {strides = array<i32>} : memref<10240xi32, #tpu.memory_space<vmem>>, vector<16xi32>,
    %get3A_192 = vector.shape_cast %get3A_191 : vector<16xi32> to vector<16xi32>
    %shift_right_arithmetic3A_193 = arith.constant 14 : i32
    %shift_right_arithmetic3A_194 = vector.broadcast %shift_right_arithmetic3A_193 : i32 to vector<16xi32>
    %shift_right_arithmetic3A_195 = arith.shrsi %get3A_192, %shift_right_arithmetic3A_194 : vector<16xi32>
    %add3A_196 = vector.broadcast %mul3A_4 : i32 to vector<16xi32>
    %add3A_197 = arith.addi %shift_right_arithmetic3A_195, %add3A_196 : vector<16xi32>
    %swap3A_198 = arith.constant 32 : index
    %swap3A_199 = tpu.vector_load %arg8[%swap3A_198] {strides = array<i32>} : memref<128xi32, #tpu.memory_space<vmem>>, vector<16xi32>,
    %swap3A_200 = vector.shape_cast %swap3A_199 : vector<16xi32> to vector<16xi32>
    %swap3A_201 = vector.shape_cast %add3A_197 : vector<16xi32> to vector<16xi32>
    tpu.vector_store %arg8[%swap3A_198], %swap3A_201 {strides = array<i32>} : memref<128xi32, #tpu.memory_space<vmem>>, vector<16xi32>,
    %and3A_202 = arith.constant 16383 : i32
    %and3A_203 = vector.broadcast %and3A_202 : i32 to vector<16xi32>
    %and3A_204 = arith.andi %get3A_192, %and3A_203 : vector<16xi32>
    %swap3A_205 = arith.constant 32 : index
    %swap3A_206 = tpu.vector_load %arg10[%swap3A_205] {strides = array<i32>} : memref<128xi32, #tpu.memory_space<vmem>>, vector<16xi32>,
    %swap3A_207 = vector.shape_cast %swap3A_206 : vector<16xi32> to vector<16xi32>
    %swap3A_208 = vector.shape_cast %and3A_204 : vector<16xi32> to vector<16xi32>
    tpu.vector_store %arg10[%swap3A_205], %swap3A_208 {strides = array<i32>} : memref<128xi32, #tpu.memory_space<vmem>>, vector<16xi32>,
    %get3A_209 = arith.constant 176 : index
    %get3A_210 = tpu.vector_load %arg6[%get3A_209] {strides = array<i32>} : memref<10240xi32, #tpu.memory_space<vmem>>, vector<16xi32>,
    %get3A_211 = vector.shape_cast %get3A_210 : vector<16xi32> to vector<16xi32>
    %shift_right_arithmetic3A_212 = arith.constant 14 : i32
    %shift_right_arithmetic3A_213 = vector.broadcast %shift_right_arithmetic3A_212 : i32 to vector<16xi32>
    %shift_right_arithmetic3A_214 = arith.shrsi %get3A_211, %shift_right_arithmetic3A_213 : vector<16xi32>
    %add3A_215 = vector.broadcast %mul3A_4 : i32 to vector<16xi32>
    %add3A_216 = arith.addi %shift_right_arithmetic3A_214, %add3A_215 : vector<16xi32>
    %swap3A_217 = arith.constant 48 : index
    %swap3A_218 = tpu.vector_load %arg8[%swap3A_217] {strides = array<i32>} : memref<128xi32, #tpu.memory_space<vmem>>, vector<16xi32>,
    %swap3A_219 = vector.shape_cast %swap3A_218 : vector<16xi32> to vector<16xi32>
    %swap3A_220 = vector.shape_cast %add3A_216 : vector<16xi32> to vector<16xi32>
    tpu.vector_store %arg8[%swap3A_217], %swap3A_220 {strides = array<i32>} : memref<128xi32, #tpu.memory_space<vmem>>, vector<16xi32>,
    %and3A_221 = arith.constant 16383 : i32
    %and3A_222 = vector.broadcast %and3A_221 : i32 to vector<16xi32>
    %and3A_223 = arith.andi %get3A_211, %and3A_222 : vector<16xi32>
    %swap3A_224 = arith.constant 48 : index
    %swap3A_225 = tpu.vector_load %arg10[%swap3A_224] {strides = array<i32>} : memref<128xi32, #tpu.memory_space<vmem>>, vector<16xi32>,
    %swap3A_226 = vector.shape_cast %swap3A_225 : vector<16xi32> to vector<16xi32>
    %swap3A_227 = vector.shape_cast %and3A_223 : vector<16xi32> to vector<16xi32>
    tpu.vector_store %arg10[%swap3A_224], %swap3A_227 {strides = array<i32>} : memref<128xi32, #tpu.memory_space<vmem>>, vector<16xi32>,
    %get3A_228 = arith.constant 192 : index
    %get3A_229 = tpu.vector_load %arg6[%get3A_228] {strides = array<i32>} : memref<10240xi32, #tpu.memory_space<vmem>>, vector<16xi32>,
    %get3A_230 = vector.shape_cast %get3A_229 : vector<16xi32> to vector<16xi32>
    %shift_right_arithmetic3A_231 = arith.constant 14 : i32
    %shift_right_arithmetic3A_232 = vector.broadcast %shift_right_arithmetic3A_231 : i32 to vector<16xi32>
    %shift_right_arithmetic3A_233 = arith.shrsi %get3A_230, %shift_right_arithmetic3A_232 : vector<16xi32>
    %add3A_234 = vector.broadcast %mul3A_4 : i32 to vector<16xi32>
    %add3A_235 = arith.addi %shift_right_arithmetic3A_233, %add3A_234 : vector<16xi32>
    %swap3A_236 = arith.constant 64 : index
    %swap3A_237 = tpu.vector_load %arg8[%swap3A_236] {strides = array<i32>} : memref<128xi32, #tpu.memory_space<vmem>>, vector<16xi32>,
    %swap3A_238 = vector.shape_cast %swap3A_237 : vector<16xi32> to vector<16xi32>
    %swap3A_239 = vector.shape_cast %add3A_235 : vector<16xi32> to vector<16xi32>
    tpu.vector_store %arg8[%swap3A_236], %swap3A_239 {strides = array<i32>} : memref<128xi32, #tpu.memory_space<vmem>>, vector<16xi32>,
    %and3A_240 = arith.constant 16383 : i32
    %and3A_241 = vector.broadcast %and3A_240 : i32 to vector<16xi32>
    %and3A_242 = arith.andi %get3A_230, %and3A_241 : vector<16xi32>
    %swap3A_243 = arith.constant 64 : index
    %swap3A_244 = tpu.vector_load %arg10[%swap3A_243] {strides = array<i32>} : memref<128xi32, #tpu.memory_space<vmem>>, vector<16xi32>,
    %swap3A_245 = vector.shape_cast %swap3A_244 : vector<16xi32> to vector<16xi32>
    %swap3A_246 = vector.shape_cast %and3A_242 : vector<16xi32> to vector<16xi32>
    tpu.vector_store %arg10[%swap3A_243], %swap3A_246 {strides = array<i32>} : memref<128xi32, #tpu.memory_space<vmem>>, vector<16xi32>,
    %get3A_247 = arith.constant 208 : index
    %get3A_248 = tpu.vector_load %arg6[%get3A_247] {strides = array<i32>} : memref<10240xi32, #tpu.memory_space<vmem>>, vector<16xi32>,
    %get3A_249 = vector.shape_cast %get3A_248 : vector<16xi32> to vector<16xi32>
    %shift_right_arithmetic3A_250 = arith.constant 14 : i32
    %shift_right_arithmetic3A_251 = vector.broadcast %shift_right_arithmetic3A_250 : i32 to vector<16xi32>
    %shift_right_arithmetic3A_252 = arith.shrsi %get3A_249, %shift_right_arithmetic3A_251 : vector<16xi32>
    %add3A_253 = vector.broadcast %mul3A_4 : i32 to vector<16xi32>
    %add3A_254 = arith.addi %shift_right_arithmetic3A_252, %add3A_253 : vector<16xi32>
    %swap3A_255 = arith.constant 80 : index
    %swap3A_256 = tpu.vector_load %arg8[%swap3A_255] {strides = array<i32>} : memref<128xi32, #tpu.memory_space<vmem>>, vector<16xi32>,
    %swap3A_257 = vector.shape_cast %swap3A_256 : vector<16xi32> to vector<16xi32>
    %swap3A_258 = vector.shape_cast %add3A_254 : vector<16xi32> to vector<16xi32>
    tpu.vector_store %arg8[%swap3A_255], %swap3A_258 {strides = array<i32>} : memref<128xi32, #tpu.memory_space<vmem>>, vector<16xi32>,
    %and3A_259 = arith.constant 16383 : i32
    %and3A_260 = vector.broadcast %and3A_259 : i32 to vector<16xi32>
    %and3A_261 = arith.andi %get3A_249, %and3A_260 : vector<16xi32>
    %swap3A_262 = arith.constant 80 : index
    %swap3A_263 = tpu.vector_load %arg10[%swap3A_262] {strides = array<i32>} : memref<128xi32, #tpu.memory_space<vmem>>, vector<16xi32>,
    %swap3A_264 = vector.shape_cast %swap3A_263 : vector<16xi32> to vector<16xi32>
    %swap3A_265 = vector.shape_cast %and3A_261 : vector<16xi32> to vector<16xi32>
    tpu.vector_store %arg10[%swap3A_262], %swap3A_265 {strides = array<i32>} : memref<128xi32, #tpu.memory_space<vmem>>, vector<16xi32>,
    %get3A_266 = arith.constant 224 : index
    %get3A_267 = tpu.vector_load %arg6[%get3A_266] {strides = array<i32>} : memref<10240xi32, #tpu.memory_space<vmem>>, vector<16xi32>,
    %get3A_268 = vector.shape_cast %get3A_267 : vector<16xi32> to vector<16xi32>
    %shift_right_arithmetic3A_269 = arith.constant 14 : i32
    %shift_right_arithmetic3A_270 = vector.broadcast %shift_right_arithmetic3A_269 : i32 to vector<16xi32>
    %shift_right_arithmetic3A_271 = arith.shrsi %get3A_268, %shift_right_arithmetic3A_270 : vector<16xi32>
    %add3A_272 = vector.broadcast %mul3A_4 : i32 to vector<16xi32>
    %add3A_273 = arith.addi %shift_right_arithmetic3A_271, %add3A_272 : vector<16xi32>
    %swap3A_274 = arith.constant 96 : index
    %swap3A_275 = tpu.vector_load %arg8[%swap3A_274] {strides = array<i32>} : memref<128xi32, #tpu.memory_space<vmem>>, vector<16xi32>,
    %swap3A_276 = vector.shape_cast %swap3A_275 : vector<16xi32> to vector<16xi32>
    %swap3A_277 = vector.shape_cast %add3A_273 : vector<16xi32> to vector<16xi32>
    tpu.vector_store %arg8[%swap3A_274], %swap3A_277 {strides = array<i32>} : memref<128xi32, #tpu.memory_space<vmem>>, vector<16xi32>,
    %and3A_278 = arith.constant 16383 : i32
    %and3A_279 = vector.broadcast %and3A_278 : i32 to vector<16xi32>
    %and3A_280 = arith.andi %get3A_268, %and3A_279 : vector<16xi32>
    %swap3A_281 = arith.constant 96 : index
    %swap3A_282 = tpu.vector_load %arg10[%swap3A_281] {strides = array<i32>} : memref<128xi32, #tpu.memory_space<vmem>>, vector<16xi32>,
    %swap3A_283 = vector.shape_cast %swap3A_282 : vector<16xi32> to vector<16xi32>
    %swap3A_284 = vector.shape_cast %and3A_280 : vector<16xi32> to vector<16xi32>
    tpu.vector_store %arg10[%swap3A_281], %swap3A_284 {strides = array<i32>} : memref<128xi32, #tpu.memory_space<vmem>>, vector<16xi32>,
    %get3A_285 = arith.constant 240 : index
    %get3A_286 = tpu.vector_load %arg6[%get3A_285] {strides = array<i32>} : memref<10240xi32, #tpu.memory_space<vmem>>, vector<16xi32>,
    %get3A_287 = vector.shape_cast %get3A_286 : vector<16xi32> to vector<16xi32>
    %shift_right_arithmetic3A_288 = arith.constant 14 : i32
    %shift_right_arithmetic3A_289 = vector.broadcast %shift_right_arithmetic3A_288 : i32 to vector<16xi32>
    %shift_right_arithmetic3A_290 = arith.shrsi %get3A_287, %shift_right_arithmetic3A_289 : vector<16xi32>
    %add3A_291 = vector.broadcast %mul3A_4 : i32 to vector<16xi32>
    %add3A_292 = arith.addi %shift_right_arithmetic3A_290, %add3A_291 : vector<16xi32>
    %swap3A_293 = arith.constant 112 : index
    %swap3A_294 = tpu.vector_load %arg8[%swap3A_293] {strides = array<i32>} : memref<128xi32, #tpu.memory_space<vmem>>, vector<16xi32>,
    %swap3A_295 = vector.shape_cast %swap3A_294 : vector<16xi32> to vector<16xi32>
    %swap3A_296 = vector.shape_cast %add3A_292 : vector<16xi32> to vector<16xi32>
    tpu.vector_store %arg8[%swap3A_293], %swap3A_296 {strides = array<i32>} : memref<128xi32, #tpu.memory_space<vmem>>, vector<16xi32>,
    %and3A_297 = arith.constant 16383 : i32
    %and3A_298 = vector.broadcast %and3A_297 : i32 to vector<16xi32>
    %and3A_299 = arith.andi %get3A_287, %and3A_298 : vector<16xi32>
    %swap3A_300 = arith.constant 112 : index
    %swap3A_301 = tpu.vector_load %arg10[%swap3A_300] {strides = array<i32>} : memref<128xi32, #tpu.memory_space<vmem>>, vector<16xi32>,
    %swap3A_302 = vector.shape_cast %swap3A_301 : vector<16xi32> to vector<16xi32>
    %swap3A_303 = vector.shape_cast %and3A_299 : vector<16xi32> to vector<16xi32>
    tpu.vector_store %arg10[%swap3A_300], %swap3A_303 {strides = array<i32>} : memref<128xi32, #tpu.memory_space<vmem>>, vector<16xi32>,
    %dma_start3A = arith.constant 0 : i32
    %dma_start3A_304 = arith.constant 0 : i32
    %dma_start3A_305 = arith.constant 0 : i32
    %dma_start3A_306 = tpu.memref_slice %arg11[%dma_start3A, %dma_start3A_304, %dma_start3A_305] : memref<2x128x128xf32, #tpu.memory_space<vmem>> -> memref<1x128x128xf32, #tpu.memory_space<vmem>>
    %dma_start3A_307 = tpu.memref_squeeze %dma_start3A_306 : memref<1x128x128xf32, #tpu.memory_space<vmem>> -> memref<128x128xf32, #tpu.memory_space<vmem>>
    %dma_start3A_308 = arith.constant 0 : i32
    %dma_start3A_309 = arith.constant 0 : i32
    %dma_start3A_310 = tpu.memref_slice %arg2[%dma_start3A_308, %dma_start3A_309] : memref<180000x128xf32, #tpu.memory_space<hbm>> -> memref<180000x128xf32, #tpu.memory_space<hbm>>
    tpu.enqueue_indirect_dma source(%dma_start3A_310 : memref<180000x128xf32, #tpu.memory_space<hbm>>) target(%dma_start3A_307 : memref<128x128xf32, #tpu.memory_space<vmem>>) offsets(%arg7 : memref<128xi32, #tpu.memory_space<vmem>>) semaphore(%arg13 : memref<!tpu.dma_semaphore, #tpu.memory_space<semaphore_mem>>)
    %dma_start3A_311 = arith.constant 1 : i32
    %dma_start3A_312 = arith.constant 0 : i32
    %dma_start3A_313 = arith.constant 0 : i32
    %dma_start3A_314 = tpu.memref_slice %arg11[%dma_start3A_311, %dma_start3A_312, %dma_start3A_313] : memref<2x128x128xf32, #tpu.memory_space<vmem>> -> memref<1x128x128xf32, #tpu.memory_space<vmem>>
    %dma_start3A_315 = tpu.memref_squeeze %dma_start3A_314 : memref<1x128x128xf32, #tpu.memory_space<vmem>> -> memref<128x128xf32, #tpu.memory_space<vmem>>
    %dma_start3A_316 = arith.constant 0 : i32
    %dma_start3A_317 = arith.constant 0 : i32
    %dma_start3A_318 = tpu.memref_slice %arg2[%dma_start3A_316, %dma_start3A_317] : memref<180000x128xf32, #tpu.memory_space<hbm>> -> memref<180000x128xf32, #tpu.memory_space<hbm>>
    tpu.enqueue_indirect_dma source(%dma_start3A_318 : memref<180000x128xf32, #tpu.memory_space<hbm>>) target(%dma_start3A_315 : memref<128x128xf32, #tpu.memory_space<vmem>>) offsets(%arg8 : memref<128xi32, #tpu.memory_space<vmem>>) semaphore(%arg14 : memref<!tpu.dma_semaphore, #tpu.memory_space<semaphore_mem>>)
    %scan3A = arith.constant 0 : i32
    %scan3A_319 = arith.constant 0 : i32
    %scan3A_320 = arith.constant 40 : i32
    %scan3A_321 = arith.addi %scan3A_319, %scan3A_320 : i32
    %scan3A_322 = arith.constant 1 : i32
    scf.for %scan3A_332 = %scan3A_319 to %scan3A_321 step %scan3A_322  : i32 {
      %mul3A_333 = arith.constant 2 : i32
      %mul3A_334 = arith.muli %mul3A_333, %scan3A_332 : i32
      %dma_wait3A = arith.constant 0 : i32
      %dma_wait3A_335 = arith.constant 0 : i32
      %dma_wait3A_336 = arith.constant 0 : i32
      %dma_wait3A_337 = tpu.memref_slice %arg11[%dma_wait3A, %dma_wait3A_335, %dma_wait3A_336] : memref<2x128x128xf32, #tpu.memory_space<vmem>> -> memref<1x128x128xf32, #tpu.memory_space<vmem>>
      %dma_wait3A_338 = tpu.memref_squeeze %dma_wait3A_337 : memref<1x128x128xf32, #tpu.memory_space<vmem>> -> memref<128x128xf32, #tpu.memory_space<vmem>>
      %dma_wait3A_339 = arith.constant 0 : i32
      %dma_wait3A_340 = arith.constant 0 : i32
      %dma_wait3A_341 = tpu.memref_slice %arg2[%dma_wait3A_339, %dma_wait3A_340] : memref<180000x128xf32, #tpu.memory_space<hbm>> -> memref<180000x128xf32, #tpu.memory_space<hbm>>
      tpu.wait_indirect_dma semaphore(%arg13 : memref<!tpu.dma_semaphore, #tpu.memory_space<semaphore_mem>>) src(%dma_wait3A_341 : memref<180000x128xf32, #tpu.memory_space<hbm>>) dst(%dma_wait3A_338 : memref<128x128xf32, #tpu.memory_space<vmem>>)
      %run_scoped3A = arith.constant 0 : i32
      "tpu.region"() ({
        %run_scoped3A_360 = tpu.sem_alloc : memref<!tpu.dma_semaphore, #tpu.memory_space<semaphore_mem>>
        %dma_start3A_361 = arith.constant 0 : i32
        %dma_start3A_362 = arith.constant 0 : i32
        %dma_start3A_363 = tpu.memref_slice %arg11[%run_scoped3A, %dma_start3A_361, %dma_start3A_362] : memref<2x128x128xf32, #tpu.memory_space<vmem>> -> memref<1x128x128xf32, #tpu.memory_space<vmem>>
        %dma_start3A_364 = tpu.memref_squeeze %dma_start3A_363 : memref<1x128x128xf32, #tpu.memory_space<vmem>> -> memref<128x128xf32, #tpu.memory_space<vmem>>
        %dma_start3A_365 = arith.constant 0 : i32
        %dma_start3A_366 = arith.constant 0 : i32
        %dma_start3A_367 = tpu.memref_slice %arg12[%dma_start3A_365, %dma_start3A_366] : memref<10112x128xf32, #tpu.memory_space<vmem_shared>> -> memref<10112x128xf32, #tpu.memory_space<vmem_shared>>
        tpu.enqueue_indirect_dma source(%dma_start3A_364 : memref<128x128xf32, #tpu.memory_space<vmem>>) target(%dma_start3A_367 : memref<10112x128xf32, #tpu.memory_space<vmem_shared>>) offsets(%arg9 : memref<128xi32, #tpu.memory_space<vmem>>) semaphore(%run_scoped3A_360 : memref<!tpu.dma_semaphore, #tpu.memory_space<semaphore_mem>>) {add = true}
        %dma_wait3A_368 = arith.constant 0 : i32
        %dma_wait3A_369 = arith.constant 0 : i32
        %dma_wait3A_370 = tpu.memref_slice %arg11[%run_scoped3A, %dma_wait3A_368, %dma_wait3A_369] : memref<2x128x128xf32, #tpu.memory_space<vmem>> -> memref<1x128x128xf32, #tpu.memory_space<vmem>>
        %dma_wait3A_371 = tpu.memref_squeeze %dma_wait3A_370 : memref<1x128x128xf32, #tpu.memory_space<vmem>> -> memref<128x128xf32, #tpu.memory_space<vmem>>
        %dma_wait3A_372 = arith.constant 0 : i32
        %dma_wait3A_373 = arith.constant 0 : i32
        %dma_wait3A_374 = tpu.memref_slice %arg12[%dma_wait3A_372, %dma_wait3A_373] : memref<10112x128xf32, #tpu.memory_space<vmem_shared>> -> memref<10112x128xf32, #tpu.memory_space<vmem_shared>>
        tpu.wait_indirect_dma semaphore(%run_scoped3A_360 : memref<!tpu.dma_semaphore, #tpu.memory_space<semaphore_mem>>) src(%dma_wait3A_371 : memref<128x128xf32, #tpu.memory_space<vmem>>) dst(%dma_wait3A_374 : memref<10112x128xf32, #tpu.memory_space<vmem_shared>>)
        tpu.yield
      }) : () -> ()
      %lt3A = arith.constant 39 : i32
      %lt3A_342 = arith.cmpi slt, %scan3A_332, %lt3A : i32
      %convert_element_type3A_343 = arith.extui %lt3A_342 : i1 to i32
      %cond3A_344 = arith.constant 0 : i32
      %cond3A_345 = arith.cmpi ne, %convert_element_type3A_343, %cond3A_344 : i32
      scf.if %cond3A_345 {
        %add3A_360 = arith.constant 2 : i32
        %add3A_361 = arith.addi %mul3A_334, %add3A_360 : i32
        %mul3A_362 = arith.constant 128 : i32
        %mul3A_363 = arith.muli %add3A_361, %mul3A_362 : i32
        %add3A_364 = arith.constant 0 : i32
        %add3A_365 = arith.addi %mul3A_363, %add3A_364 : i32
        %get3A_366 = arith.index_cast %add3A_365 : i32 to index
        %get3A_367 = tpu.vector_load %arg6[%get3A_366] {strides = array<i32>} : memref<10240xi32, #tpu.memory_space<vmem>>, vector<16xi32>,
        %get3A_368 = vector.shape_cast %get3A_367 : vector<16xi32> to vector<16xi32>
        %shift_right_arithmetic3A_369 = arith.constant 14 : i32
        %shift_right_arithmetic3A_370 = vector.broadcast %shift_right_arithmetic3A_369 : i32 to vector<16xi32>
        %shift_right_arithmetic3A_371 = arith.shrsi %get3A_368, %shift_right_arithmetic3A_370 : vector<16xi32>
        %add3A_372 = vector.broadcast %mul3A_4 : i32 to vector<16xi32>
        %add3A_373 = arith.addi %shift_right_arithmetic3A_371, %add3A_372 : vector<16xi32>
        %swap3A_374 = arith.constant 0 : index
        %swap3A_375 = tpu.vector_load %arg7[%swap3A_374] {strides = array<i32>} : memref<128xi32, #tpu.memory_space<vmem>>, vector<16xi32>,
        %swap3A_376 = vector.shape_cast %swap3A_375 : vector<16xi32> to vector<16xi32>
        %swap3A_377 = vector.shape_cast %add3A_373 : vector<16xi32> to vector<16xi32>
        tpu.vector_store %arg7[%swap3A_374], %swap3A_377 {strides = array<i32>} : memref<128xi32, #tpu.memory_space<vmem>>, vector<16xi32>,
        %and3A_378 = arith.constant 16383 : i32
        %and3A_379 = vector.broadcast %and3A_378 : i32 to vector<16xi32>
        %and3A_380 = arith.andi %get3A_368, %and3A_379 : vector<16xi32>
        %swap3A_381 = arith.constant 0 : index
        %swap3A_382 = tpu.vector_load %arg9[%swap3A_381] {strides = array<i32>} : memref<128xi32, #tpu.memory_space<vmem>>, vector<16xi32>,
        %swap3A_383 = vector.shape_cast %swap3A_382 : vector<16xi32> to vector<16xi32>
        %swap3A_384 = vector.shape_cast %and3A_380 : vector<16xi32> to vector<16xi32>
        tpu.vector_store %arg9[%swap3A_381], %swap3A_384 {strides = array<i32>} : memref<128xi32, #tpu.memory_space<vmem>>, vector<16xi32>,
        %mul3A_385 = arith.constant 128 : i32
        %mul3A_386 = arith.muli %add3A_361, %mul3A_385 : i32
        %add3A_387 = arith.constant 16 : i32
        %add3A_388 = arith.addi %mul3A_386, %add3A_387 : i32
        %get3A_389 = arith.index_cast %add3A_388 : i32 to index
        %get3A_390 = tpu.vector_load %arg6[%get3A_389] {strides = array<i32>} : memref<10240xi32, #tpu.memory_space<vmem>>, vector<16xi32>,
        %get3A_391 = vector.shape_cast %get3A_390 : vector<16xi32> to vector<16xi32>
        %shift_right_arithmetic3A_392 = arith.constant 14 : i32
        %shift_right_arithmetic3A_393 = vector.broadcast %shift_right_arithmetic3A_392 : i32 to vector<16xi32>
        %shift_right_arithmetic3A_394 = arith.shrsi %get3A_391, %shift_right_arithmetic3A_393 : vector<16xi32>
        %add3A_395 = vector.broadcast %mul3A_4 : i32 to vector<16xi32>
        %add3A_396 = arith.addi %shift_right_arithmetic3A_394, %add3A_395 : vector<16xi32>
        %swap3A_397 = arith.constant 16 : index
        %swap3A_398 = tpu.vector_load %arg7[%swap3A_397] {strides = array<i32>} : memref<128xi32, #tpu.memory_space<vmem>>, vector<16xi32>,
        %swap3A_399 = vector.shape_cast %swap3A_398 : vector<16xi32> to vector<16xi32>
        %swap3A_400 = vector.shape_cast %add3A_396 : vector<16xi32> to vector<16xi32>
        tpu.vector_store %arg7[%swap3A_397], %swap3A_400 {strides = array<i32>} : memref<128xi32, #tpu.memory_space<vmem>>, vector<16xi32>,
        %and3A_401 = arith.constant 16383 : i32
        %and3A_402 = vector.broadcast %and3A_401 : i32 to vector<16xi32>
        %and3A_403 = arith.andi %get3A_391, %and3A_402 : vector<16xi32>
        %swap3A_404 = arith.constant 16 : index
        %swap3A_405 = tpu.vector_load %arg9[%swap3A_404] {strides = array<i32>} : memref<128xi32, #tpu.memory_space<vmem>>, vector<16xi32>,
        %swap3A_406 = vector.shape_cast %swap3A_405 : vector<16xi32> to vector<16xi32>
        %swap3A_407 = vector.shape_cast %and3A_403 : vector<16xi32> to vector<16xi32>
        tpu.vector_store %arg9[%swap3A_404], %swap3A_407 {strides = array<i32>} : memref<128xi32, #tpu.memory_space<vmem>>, vector<16xi32>,
        %mul3A_408 = arith.constant 128 : i32
        %mul3A_409 = arith.muli %add3A_361, %mul3A_408 : i32
        %add3A_410 = arith.constant 32 : i32
        %add3A_411 = arith.addi %mul3A_409, %add3A_410 : i32
        %get3A_412 = arith.index_cast %add3A_411 : i32 to index
        %get3A_413 = tpu.vector_load %arg6[%get3A_412] {strides = array<i32>} : memref<10240xi32, #tpu.memory_space<vmem>>, vector<16xi32>,
        %get3A_414 = vector.shape_cast %get3A_413 : vector<16xi32> to vector<16xi32>
        %shift_right_arithmetic3A_415 = arith.constant 14 : i32
        %shift_right_arithmetic3A_416 = vector.broadcast %shift_right_arithmetic3A_415 : i32 to vector<16xi32>
        %shift_right_arithmetic3A_417 = arith.shrsi %get3A_414, %shift_right_arithmetic3A_416 : vector<16xi32>
        %add3A_418 = vector.broadcast %mul3A_4 : i32 to vector<16xi32>
        %add3A_419 = arith.addi %shift_right_arithmetic3A_417, %add3A_418 : vector<16xi32>
        %swap3A_420 = arith.constant 32 : index
        %swap3A_421 = tpu.vector_load %arg7[%swap3A_420] {strides = array<i32>} : memref<128xi32, #tpu.memory_space<vmem>>, vector<16xi32>,
        %swap3A_422 = vector.shape_cast %swap3A_421 : vector<16xi32> to vector<16xi32>
        %swap3A_423 = vector.shape_cast %add3A_419 : vector<16xi32> to vector<16xi32>
        tpu.vector_store %arg7[%swap3A_420], %swap3A_423 {strides = array<i32>} : memref<128xi32, #tpu.memory_space<vmem>>, vector<16xi32>,
        %and3A_424 = arith.constant 16383 : i32
        %and3A_425 = vector.broadcast %and3A_424 : i32 to vector<16xi32>
        %and3A_426 = arith.andi %get3A_414, %and3A_425 : vector<16xi32>
        %swap3A_427 = arith.constant 32 : index
        %swap3A_428 = tpu.vector_load %arg9[%swap3A_427] {strides = array<i32>} : memref<128xi32, #tpu.memory_space<vmem>>, vector<16xi32>,
        %swap3A_429 = vector.shape_cast %swap3A_428 : vector<16xi32> to vector<16xi32>
        %swap3A_430 = vector.shape_cast %and3A_426 : vector<16xi32> to vector<16xi32>
        tpu.vector_store %arg9[%swap3A_427], %swap3A_430 {strides = array<i32>} : memref<128xi32, #tpu.memory_space<vmem>>, vector<16xi32>,
        %mul3A_431 = arith.constant 128 : i32
        %mul3A_432 = arith.muli %add3A_361, %mul3A_431 : i32
        %add3A_433 = arith.constant 48 : i32
        %add3A_434 = arith.addi %mul3A_432, %add3A_433 : i32
        %get3A_435 = arith.index_cast %add3A_434 : i32 to index
        %get3A_436 = tpu.vector_load %arg6[%get3A_435] {strides = array<i32>} : memref<10240xi32, #tpu.memory_space<vmem>>, vector<16xi32>,
        %get3A_437 = vector.shape_cast %get3A_436 : vector<16xi32> to vector<16xi32>
        %shift_right_arithmetic3A_438 = arith.constant 14 : i32
        %shift_right_arithmetic3A_439 = vector.broadcast %shift_right_arithmetic3A_438 : i32 to vector<16xi32>
        %shift_right_arithmetic3A_440 = arith.shrsi %get3A_437, %shift_right_arithmetic3A_439 : vector<16xi32>
        %add3A_441 = vector.broadcast %mul3A_4 : i32 to vector<16xi32>
        %add3A_442 = arith.addi %shift_right_arithmetic3A_440, %add3A_441 : vector<16xi32>
        %swap3A_443 = arith.constant 48 : index
        %swap3A_444 = tpu.vector_load %arg7[%swap3A_443] {strides = array<i32>} : memref<128xi32, #tpu.memory_space<vmem>>, vector<16xi32>,
        %swap3A_445 = vector.shape_cast %swap3A_444 : vector<16xi32> to vector<16xi32>
        %swap3A_446 = vector.shape_cast %add3A_442 : vector<16xi32> to vector<16xi32>
        tpu.vector_store %arg7[%swap3A_443], %swap3A_446 {strides = array<i32>} : memref<128xi32, #tpu.memory_space<vmem>>, vector<16xi32>,
        %and3A_447 = arith.constant 16383 : i32
        %and3A_448 = vector.broadcast %and3A_447 : i32 to vector<16xi32>
        %and3A_449 = arith.andi %get3A_437, %and3A_448 : vector<16xi32>
        %swap3A_450 = arith.constant 48 : index
        %swap3A_451 = tpu.vector_load %arg9[%swap3A_450] {strides = array<i32>} : memref<128xi32, #tpu.memory_space<vmem>>, vector<16xi32>,
        %swap3A_452 = vector.shape_cast %swap3A_451 : vector<16xi32> to vector<16xi32>
        %swap3A_453 = vector.shape_cast %and3A_449 : vector<16xi32> to vector<16xi32>
        tpu.vector_store %arg9[%swap3A_450], %swap3A_453 {strides = array<i32>} : memref<128xi32, #tpu.memory_space<vmem>>, vector<16xi32>,
        %mul3A_454 = arith.constant 128 : i32
        %mul3A_455 = arith.muli %add3A_361, %mul3A_454 : i32
        %add3A_456 = arith.constant 64 : i32
        %add3A_457 = arith.addi %mul3A_455, %add3A_456 : i32
        %get3A_458 = arith.index_cast %add3A_457 : i32 to index
        %get3A_459 = tpu.vector_load %arg6[%get3A_458] {strides = array<i32>} : memref<10240xi32, #tpu.memory_space<vmem>>, vector<16xi32>,
        %get3A_460 = vector.shape_cast %get3A_459 : vector<16xi32> to vector<16xi32>
        %shift_right_arithmetic3A_461 = arith.constant 14 : i32
        %shift_right_arithmetic3A_462 = vector.broadcast %shift_right_arithmetic3A_461 : i32 to vector<16xi32>
        %shift_right_arithmetic3A_463 = arith.shrsi %get3A_460, %shift_right_arithmetic3A_462 : vector<16xi32>
        %add3A_464 = vector.broadcast %mul3A_4 : i32 to vector<16xi32>
        %add3A_465 = arith.addi %shift_right_arithmetic3A_463, %add3A_464 : vector<16xi32>
        %swap3A_466 = arith.constant 64 : index
        %swap3A_467 = tpu.vector_load %arg7[%swap3A_466] {strides = array<i32>} : memref<128xi32, #tpu.memory_space<vmem>>, vector<16xi32>,
        %swap3A_468 = vector.shape_cast %swap3A_467 : vector<16xi32> to vector<16xi32>
        %swap3A_469 = vector.shape_cast %add3A_465 : vector<16xi32> to vector<16xi32>
        tpu.vector_store %arg7[%swap3A_466], %swap3A_469 {strides = array<i32>} : memref<128xi32, #tpu.memory_space<vmem>>, vector<16xi32>,
        %and3A_470 = arith.constant 16383 : i32
        %and3A_471 = vector.broadcast %and3A_470 : i32 to vector<16xi32>
        %and3A_472 = arith.andi %get3A_460, %and3A_471 : vector<16xi32>
        %swap3A_473 = arith.constant 64 : index
        %swap3A_474 = tpu.vector_load %arg9[%swap3A_473] {strides = array<i32>} : memref<128xi32, #tpu.memory_space<vmem>>, vector<16xi32>,
        %swap3A_475 = vector.shape_cast %swap3A_474 : vector<16xi32> to vector<16xi32>
        %swap3A_476 = vector.shape_cast %and3A_472 : vector<16xi32> to vector<16xi32>
        tpu.vector_store %arg9[%swap3A_473], %swap3A_476 {strides = array<i32>} : memref<128xi32, #tpu.memory_space<vmem>>, vector<16xi32>,
        %mul3A_477 = arith.constant 128 : i32
        %mul3A_478 = arith.muli %add3A_361, %mul3A_477 : i32
        %add3A_479 = arith.constant 80 : i32
        %add3A_480 = arith.addi %mul3A_478, %add3A_479 : i32
        %get3A_481 = arith.index_cast %add3A_480 : i32 to index
        %get3A_482 = tpu.vector_load %arg6[%get3A_481] {strides = array<i32>} : memref<10240xi32, #tpu.memory_space<vmem>>, vector<16xi32>,
        %get3A_483 = vector.shape_cast %get3A_482 : vector<16xi32> to vector<16xi32>
        %shift_right_arithmetic3A_484 = arith.constant 14 : i32
        %shift_right_arithmetic3A_485 = vector.broadcast %shift_right_arithmetic3A_484 : i32 to vector<16xi32>
        %shift_right_arithmetic3A_486 = arith.shrsi %get3A_483, %shift_right_arithmetic3A_485 : vector<16xi32>
        %add3A_487 = vector.broadcast %mul3A_4 : i32 to vector<16xi32>
        %add3A_488 = arith.addi %shift_right_arithmetic3A_486, %add3A_487 : vector<16xi32>
        %swap3A_489 = arith.constant 80 : index
        %swap3A_490 = tpu.vector_load %arg7[%swap3A_489] {strides = array<i32>} : memref<128xi32, #tpu.memory_space<vmem>>, vector<16xi32>,
        %swap3A_491 = vector.shape_cast %swap3A_490 : vector<16xi32> to vector<16xi32>
        %swap3A_492 = vector.shape_cast %add3A_488 : vector<16xi32> to vector<16xi32>
        tpu.vector_store %arg7[%swap3A_489], %swap3A_492 {strides = array<i32>} : memref<128xi32, #tpu.memory_space<vmem>>, vector<16xi32>,
        %and3A_493 = arith.constant 16383 : i32
        %and3A_494 = vector.broadcast %and3A_493 : i32 to vector<16xi32>
        %and3A_495 = arith.andi %get3A_483, %and3A_494 : vector<16xi32>
        %swap3A_496 = arith.constant 80 : index
        %swap3A_497 = tpu.vector_load %arg9[%swap3A_496] {strides = array<i32>} : memref<128xi32, #tpu.memory_space<vmem>>, vector<16xi32>,
        %swap3A_498 = vector.shape_cast %swap3A_497 : vector<16xi32> to vector<16xi32>
        %swap3A_499 = vector.shape_cast %and3A_495 : vector<16xi32> to vector<16xi32>
        tpu.vector_store %arg9[%swap3A_496], %swap3A_499 {strides = array<i32>} : memref<128xi32, #tpu.memory_space<vmem>>, vector<16xi32>,
        %mul3A_500 = arith.constant 128 : i32
        %mul3A_501 = arith.muli %add3A_361, %mul3A_500 : i32
        %add3A_502 = arith.constant 96 : i32
        %add3A_503 = arith.addi %mul3A_501, %add3A_502 : i32
        %get3A_504 = arith.index_cast %add3A_503 : i32 to index
        %get3A_505 = tpu.vector_load %arg6[%get3A_504] {strides = array<i32>} : memref<10240xi32, #tpu.memory_space<vmem>>, vector<16xi32>,
        %get3A_506 = vector.shape_cast %get3A_505 : vector<16xi32> to vector<16xi32>
        %shift_right_arithmetic3A_507 = arith.constant 14 : i32
        %shift_right_arithmetic3A_508 = vector.broadcast %shift_right_arithmetic3A_507 : i32 to vector<16xi32>
        %shift_right_arithmetic3A_509 = arith.shrsi %get3A_506, %shift_right_arithmetic3A_508 : vector<16xi32>
        %add3A_510 = vector.broadcast %mul3A_4 : i32 to vector<16xi32>
        %add3A_511 = arith.addi %shift_right_arithmetic3A_509, %add3A_510 : vector<16xi32>
        %swap3A_512 = arith.constant 96 : index
        %swap3A_513 = tpu.vector_load %arg7[%swap3A_512] {strides = array<i32>} : memref<128xi32, #tpu.memory_space<vmem>>, vector<16xi32>,
        %swap3A_514 = vector.shape_cast %swap3A_513 : vector<16xi32> to vector<16xi32>
        %swap3A_515 = vector.shape_cast %add3A_511 : vector<16xi32> to vector<16xi32>
        tpu.vector_store %arg7[%swap3A_512], %swap3A_515 {strides = array<i32>} : memref<128xi32, #tpu.memory_space<vmem>>, vector<16xi32>,
        %and3A_516 = arith.constant 16383 : i32
        %and3A_517 = vector.broadcast %and3A_516 : i32 to vector<16xi32>
        %and3A_518 = arith.andi %get3A_506, %and3A_517 : vector<16xi32>
        %swap3A_519 = arith.constant 96 : index
        %swap3A_520 = tpu.vector_load %arg9[%swap3A_519] {strides = array<i32>} : memref<128xi32, #tpu.memory_space<vmem>>, vector<16xi32>,
        %swap3A_521 = vector.shape_cast %swap3A_520 : vector<16xi32> to vector<16xi32>
        %swap3A_522 = vector.shape_cast %and3A_518 : vector<16xi32> to vector<16xi32>
        tpu.vector_store %arg9[%swap3A_519], %swap3A_522 {strides = array<i32>} : memref<128xi32, #tpu.memory_space<vmem>>, vector<16xi32>,
        %mul3A_523 = arith.constant 128 : i32
        %mul3A_524 = arith.muli %add3A_361, %mul3A_523 : i32
        %add3A_525 = arith.constant 112 : i32
        %add3A_526 = arith.addi %mul3A_524, %add3A_525 : i32
        %get3A_527 = arith.index_cast %add3A_526 : i32 to index
        %get3A_528 = tpu.vector_load %arg6[%get3A_527] {strides = array<i32>} : memref<10240xi32, #tpu.memory_space<vmem>>, vector<16xi32>,
        %get3A_529 = vector.shape_cast %get3A_528 : vector<16xi32> to vector<16xi32>
        %shift_right_arithmetic3A_530 = arith.constant 14 : i32
        %shift_right_arithmetic3A_531 = vector.broadcast %shift_right_arithmetic3A_530 : i32 to vector<16xi32>
        %shift_right_arithmetic3A_532 = arith.shrsi %get3A_529, %shift_right_arithmetic3A_531 : vector<16xi32>
        %add3A_533 = vector.broadcast %mul3A_4 : i32 to vector<16xi32>
        %add3A_534 = arith.addi %shift_right_arithmetic3A_532, %add3A_533 : vector<16xi32>
        %swap3A_535 = arith.constant 112 : index
        %swap3A_536 = tpu.vector_load %arg7[%swap3A_535] {strides = array<i32>} : memref<128xi32, #tpu.memory_space<vmem>>, vector<16xi32>,
        %swap3A_537 = vector.shape_cast %swap3A_536 : vector<16xi32> to vector<16xi32>
        %swap3A_538 = vector.shape_cast %add3A_534 : vector<16xi32> to vector<16xi32>
        tpu.vector_store %arg7[%swap3A_535], %swap3A_538 {strides = array<i32>} : memref<128xi32, #tpu.memory_space<vmem>>, vector<16xi32>,
        %and3A_539 = arith.constant 16383 : i32
        %and3A_540 = vector.broadcast %and3A_539 : i32 to vector<16xi32>
        %and3A_541 = arith.andi %get3A_529, %and3A_540 : vector<16xi32>
        %swap3A_542 = arith.constant 112 : index
        %swap3A_543 = tpu.vector_load %arg9[%swap3A_542] {strides = array<i32>} : memref<128xi32, #tpu.memory_space<vmem>>, vector<16xi32>,
        %swap3A_544 = vector.shape_cast %swap3A_543 : vector<16xi32> to vector<16xi32>
        %swap3A_545 = vector.shape_cast %and3A_541 : vector<16xi32> to vector<16xi32>
        tpu.vector_store %arg9[%swap3A_542], %swap3A_545 {strides = array<i32>} : memref<128xi32, #tpu.memory_space<vmem>>, vector<16xi32>,
        %dma_start3A_546 = arith.constant 0 : i32
        %dma_start3A_547 = arith.constant 0 : i32
        %dma_start3A_548 = arith.constant 0 : i32
        %dma_start3A_549 = tpu.memref_slice %arg11[%dma_start3A_546, %dma_start3A_547, %dma_start3A_548] : memref<2x128x128xf32, #tpu.memory_space<vmem>> -> memref<1x128x128xf32, #tpu.memory_space<vmem>>
        %dma_start3A_550 = tpu.memref_squeeze %dma_start3A_549 : memref<1x128x128xf32, #tpu.memory_space<vmem>> -> memref<128x128xf32, #tpu.memory_space<vmem>>
        %dma_start3A_551 = arith.constant 0 : i32
        %dma_start3A_552 = arith.constant 0 : i32
        %dma_start3A_553 = tpu.memref_slice %arg2[%dma_start3A_551, %dma_start3A_552] : memref<180000x128xf32, #tpu.memory_space<hbm>> -> memref<180000x128xf32, #tpu.memory_space<hbm>>
        tpu.enqueue_indirect_dma source(%dma_start3A_553 : memref<180000x128xf32, #tpu.memory_space<hbm>>) target(%dma_start3A_550 : memref<128x128xf32, #tpu.memory_space<vmem>>) offsets(%arg7 : memref<128xi32, #tpu.memory_space<vmem>>) semaphore(%arg13 : memref<!tpu.dma_semaphore, #tpu.memory_space<semaphore_mem>>)
      } else {
      }
      %dma_wait3A_346 = arith.constant 1 : i32
      %dma_wait3A_347 = arith.constant 0 : i32
      %dma_wait3A_348 = arith.constant 0 : i32
      %dma_wait3A_349 = tpu.memref_slice %arg11[%dma_wait3A_346, %dma_wait3A_347, %dma_wait3A_348] : memref<2x128x128xf32, #tpu.memory_space<vmem>> -> memref<1x128x128xf32, #tpu.memory_space<vmem>>
      %dma_wait3A_350 = tpu.memref_squeeze %dma_wait3A_349 : memref<1x128x128xf32, #tpu.memory_space<vmem>> -> memref<128x128xf32, #tpu.memory_space<vmem>>
      %dma_wait3A_351 = arith.constant 0 : i32
      %dma_wait3A_352 = arith.constant 0 : i32
      %dma_wait3A_353 = tpu.memref_slice %arg2[%dma_wait3A_351, %dma_wait3A_352] : memref<180000x128xf32, #tpu.memory_space<hbm>> -> memref<180000x128xf32, #tpu.memory_space<hbm>>
      tpu.wait_indirect_dma semaphore(%arg14 : memref<!tpu.dma_semaphore, #tpu.memory_space<semaphore_mem>>) src(%dma_wait3A_353 : memref<180000x128xf32, #tpu.memory_space<hbm>>) dst(%dma_wait3A_350 : memref<128x128xf32, #tpu.memory_space<vmem>>)
      %run_scoped3A_354 = arith.constant 1 : i32
      "tpu.region"() ({
        %run_scoped3A_360 = tpu.sem_alloc : memref<!tpu.dma_semaphore, #tpu.memory_space<semaphore_mem>>
        %dma_start3A_361 = arith.constant 0 : i32
        %dma_start3A_362 = arith.constant 0 : i32
        %dma_start3A_363 = tpu.memref_slice %arg11[%run_scoped3A_354, %dma_start3A_361, %dma_start3A_362] : memref<2x128x128xf32, #tpu.memory_space<vmem>> -> memref<1x128x128xf32, #tpu.memory_space<vmem>>
        %dma_start3A_364 = tpu.memref_squeeze %dma_start3A_363 : memref<1x128x128xf32, #tpu.memory_space<vmem>> -> memref<128x128xf32, #tpu.memory_space<vmem>>
        %dma_start3A_365 = arith.constant 0 : i32
        %dma_start3A_366 = arith.constant 0 : i32
        %dma_start3A_367 = tpu.memref_slice %arg12[%dma_start3A_365, %dma_start3A_366] : memref<10112x128xf32, #tpu.memory_space<vmem_shared>> -> memref<10112x128xf32, #tpu.memory_space<vmem_shared>>
        tpu.enqueue_indirect_dma source(%dma_start3A_364 : memref<128x128xf32, #tpu.memory_space<vmem>>) target(%dma_start3A_367 : memref<10112x128xf32, #tpu.memory_space<vmem_shared>>) offsets(%arg10 : memref<128xi32, #tpu.memory_space<vmem>>) semaphore(%run_scoped3A_360 : memref<!tpu.dma_semaphore, #tpu.memory_space<semaphore_mem>>) {add = true}
        %dma_wait3A_368 = arith.constant 0 : i32
        %dma_wait3A_369 = arith.constant 0 : i32
        %dma_wait3A_370 = tpu.memref_slice %arg11[%run_scoped3A_354, %dma_wait3A_368, %dma_wait3A_369] : memref<2x128x128xf32, #tpu.memory_space<vmem>> -> memref<1x128x128xf32, #tpu.memory_space<vmem>>
        %dma_wait3A_371 = tpu.memref_squeeze %dma_wait3A_370 : memref<1x128x128xf32, #tpu.memory_space<vmem>> -> memref<128x128xf32, #tpu.memory_space<vmem>>
        %dma_wait3A_372 = arith.constant 0 : i32
        %dma_wait3A_373 = arith.constant 0 : i32
        %dma_wait3A_374 = tpu.memref_slice %arg12[%dma_wait3A_372, %dma_wait3A_373] : memref<10112x128xf32, #tpu.memory_space<vmem_shared>> -> memref<10112x128xf32, #tpu.memory_space<vmem_shared>>
        tpu.wait_indirect_dma semaphore(%run_scoped3A_360 : memref<!tpu.dma_semaphore, #tpu.memory_space<semaphore_mem>>) src(%dma_wait3A_371 : memref<128x128xf32, #tpu.memory_space<vmem>>) dst(%dma_wait3A_374 : memref<10112x128xf32, #tpu.memory_space<vmem_shared>>)
        tpu.yield
      }) : () -> ()
      %lt3A_355 = arith.constant 39 : i32
      %lt3A_356 = arith.cmpi slt, %scan3A_332, %lt3A_355 : i32
      %convert_element_type3A_357 = arith.extui %lt3A_356 : i1 to i32
      %cond3A_358 = arith.constant 0 : i32
      %cond3A_359 = arith.cmpi ne, %convert_element_type3A_357, %cond3A_358 : i32
      scf.if %cond3A_359 {
        %add3A_360 = arith.constant 3 : i32
        %add3A_361 = arith.addi %mul3A_334, %add3A_360 : i32
        %mul3A_362 = arith.constant 128 : i32
        %mul3A_363 = arith.muli %add3A_361, %mul3A_362 : i32
        %add3A_364 = arith.constant 0 : i32
        %add3A_365 = arith.addi %mul3A_363, %add3A_364 : i32
        %get3A_366 = arith.index_cast %add3A_365 : i32 to index
        %get3A_367 = tpu.vector_load %arg6[%get3A_366] {strides = array<i32>} : memref<10240xi32, #tpu.memory_space<vmem>>, vector<16xi32>,
        %get3A_368 = vector.shape_cast %get3A_367 : vector<16xi32> to vector<16xi32>
        %shift_right_arithmetic3A_369 = arith.constant 14 : i32
        %shift_right_arithmetic3A_370 = vector.broadcast %shift_right_arithmetic3A_369 : i32 to vector<16xi32>
        %shift_right_arithmetic3A_371 = arith.shrsi %get3A_368, %shift_right_arithmetic3A_370 : vector<16xi32>
        %add3A_372 = vector.broadcast %mul3A_4 : i32 to vector<16xi32>
        %add3A_373 = arith.addi %shift_right_arithmetic3A_371, %add3A_372 : vector<16xi32>
        %swap3A_374 = arith.constant 0 : index
        %swap3A_375 = tpu.vector_load %arg8[%swap3A_374] {strides = array<i32>} : memref<128xi32, #tpu.memory_space<vmem>>, vector<16xi32>,
        %swap3A_376 = vector.shape_cast %swap3A_375 : vector<16xi32> to vector<16xi32>
        %swap3A_377 = vector.shape_cast %add3A_373 : vector<16xi32> to vector<16xi32>
        tpu.vector_store %arg8[%swap3A_374], %swap3A_377 {strides = array<i32>} : memref<128xi32, #tpu.memory_space<vmem>>, vector<16xi32>,
        %and3A_378 = arith.constant 16383 : i32
        %and3A_379 = vector.broadcast %and3A_378 : i32 to vector<16xi32>
        %and3A_380 = arith.andi %get3A_368, %and3A_379 : vector<16xi32>
        %swap3A_381 = arith.constant 0 : index
        %swap3A_382 = tpu.vector_load %arg10[%swap3A_381] {strides = array<i32>} : memref<128xi32, #tpu.memory_space<vmem>>, vector<16xi32>,
        %swap3A_383 = vector.shape_cast %swap3A_382 : vector<16xi32> to vector<16xi32>
        %swap3A_384 = vector.shape_cast %and3A_380 : vector<16xi32> to vector<16xi32>
        tpu.vector_store %arg10[%swap3A_381], %swap3A_384 {strides = array<i32>} : memref<128xi32, #tpu.memory_space<vmem>>, vector<16xi32>,
        %mul3A_385 = arith.constant 128 : i32
        %mul3A_386 = arith.muli %add3A_361, %mul3A_385 : i32
        %add3A_387 = arith.constant 16 : i32
        %add3A_388 = arith.addi %mul3A_386, %add3A_387 : i32
        %get3A_389 = arith.index_cast %add3A_388 : i32 to index
        %get3A_390 = tpu.vector_load %arg6[%get3A_389] {strides = array<i32>} : memref<10240xi32, #tpu.memory_space<vmem>>, vector<16xi32>,
        %get3A_391 = vector.shape_cast %get3A_390 : vector<16xi32> to vector<16xi32>
        %shift_right_arithmetic3A_392 = arith.constant 14 : i32
        %shift_right_arithmetic3A_393 = vector.broadcast %shift_right_arithmetic3A_392 : i32 to vector<16xi32>
        %shift_right_arithmetic3A_394 = arith.shrsi %get3A_391, %shift_right_arithmetic3A_393 : vector<16xi32>
        %add3A_395 = vector.broadcast %mul3A_4 : i32 to vector<16xi32>
        %add3A_396 = arith.addi %shift_right_arithmetic3A_394, %add3A_395 : vector<16xi32>
        %swap3A_397 = arith.constant 16 : index
        %swap3A_398 = tpu.vector_load %arg8[%swap3A_397] {strides = array<i32>} : memref<128xi32, #tpu.memory_space<vmem>>, vector<16xi32>,
        %swap3A_399 = vector.shape_cast %swap3A_398 : vector<16xi32> to vector<16xi32>
        %swap3A_400 = vector.shape_cast %add3A_396 : vector<16xi32> to vector<16xi32>
        tpu.vector_store %arg8[%swap3A_397], %swap3A_400 {strides = array<i32>} : memref<128xi32, #tpu.memory_space<vmem>>, vector<16xi32>,
        %and3A_401 = arith.constant 16383 : i32
        %and3A_402 = vector.broadcast %and3A_401 : i32 to vector<16xi32>
        %and3A_403 = arith.andi %get3A_391, %and3A_402 : vector<16xi32>
        %swap3A_404 = arith.constant 16 : index
        %swap3A_405 = tpu.vector_load %arg10[%swap3A_404] {strides = array<i32>} : memref<128xi32, #tpu.memory_space<vmem>>, vector<16xi32>,
        %swap3A_406 = vector.shape_cast %swap3A_405 : vector<16xi32> to vector<16xi32>
        %swap3A_407 = vector.shape_cast %and3A_403 : vector<16xi32> to vector<16xi32>
        tpu.vector_store %arg10[%swap3A_404], %swap3A_407 {strides = array<i32>} : memref<128xi32, #tpu.memory_space<vmem>>, vector<16xi32>,
        %mul3A_408 = arith.constant 128 : i32
        %mul3A_409 = arith.muli %add3A_361, %mul3A_408 : i32
        %add3A_410 = arith.constant 32 : i32
        %add3A_411 = arith.addi %mul3A_409, %add3A_410 : i32
        %get3A_412 = arith.index_cast %add3A_411 : i32 to index
        %get3A_413 = tpu.vector_load %arg6[%get3A_412] {strides = array<i32>} : memref<10240xi32, #tpu.memory_space<vmem>>, vector<16xi32>,
        %get3A_414 = vector.shape_cast %get3A_413 : vector<16xi32> to vector<16xi32>
        %shift_right_arithmetic3A_415 = arith.constant 14 : i32
        %shift_right_arithmetic3A_416 = vector.broadcast %shift_right_arithmetic3A_415 : i32 to vector<16xi32>
        %shift_right_arithmetic3A_417 = arith.shrsi %get3A_414, %shift_right_arithmetic3A_416 : vector<16xi32>
        %add3A_418 = vector.broadcast %mul3A_4 : i32 to vector<16xi32>
        %add3A_419 = arith.addi %shift_right_arithmetic3A_417, %add3A_418 : vector<16xi32>
        %swap3A_420 = arith.constant 32 : index
        %swap3A_421 = tpu.vector_load %arg8[%swap3A_420] {strides = array<i32>} : memref<128xi32, #tpu.memory_space<vmem>>, vector<16xi32>,
        %swap3A_422 = vector.shape_cast %swap3A_421 : vector<16xi32> to vector<16xi32>
        %swap3A_423 = vector.shape_cast %add3A_419 : vector<16xi32> to vector<16xi32>
        tpu.vector_store %arg8[%swap3A_420], %swap3A_423 {strides = array<i32>} : memref<128xi32, #tpu.memory_space<vmem>>, vector<16xi32>,
        %and3A_424 = arith.constant 16383 : i32
        %and3A_425 = vector.broadcast %and3A_424 : i32 to vector<16xi32>
        %and3A_426 = arith.andi %get3A_414, %and3A_425 : vector<16xi32>
        %swap3A_427 = arith.constant 32 : index
        %swap3A_428 = tpu.vector_load %arg10[%swap3A_427] {strides = array<i32>} : memref<128xi32, #tpu.memory_space<vmem>>, vector<16xi32>,
        %swap3A_429 = vector.shape_cast %swap3A_428 : vector<16xi32> to vector<16xi32>
        %swap3A_430 = vector.shape_cast %and3A_426 : vector<16xi32> to vector<16xi32>
        tpu.vector_store %arg10[%swap3A_427], %swap3A_430 {strides = array<i32>} : memref<128xi32, #tpu.memory_space<vmem>>, vector<16xi32>,
        %mul3A_431 = arith.constant 128 : i32
        %mul3A_432 = arith.muli %add3A_361, %mul3A_431 : i32
        %add3A_433 = arith.constant 48 : i32
        %add3A_434 = arith.addi %mul3A_432, %add3A_433 : i32
        %get3A_435 = arith.index_cast %add3A_434 : i32 to index
        %get3A_436 = tpu.vector_load %arg6[%get3A_435] {strides = array<i32>} : memref<10240xi32, #tpu.memory_space<vmem>>, vector<16xi32>,
        %get3A_437 = vector.shape_cast %get3A_436 : vector<16xi32> to vector<16xi32>
        %shift_right_arithmetic3A_438 = arith.constant 14 : i32
        %shift_right_arithmetic3A_439 = vector.broadcast %shift_right_arithmetic3A_438 : i32 to vector<16xi32>
        %shift_right_arithmetic3A_440 = arith.shrsi %get3A_437, %shift_right_arithmetic3A_439 : vector<16xi32>
        %add3A_441 = vector.broadcast %mul3A_4 : i32 to vector<16xi32>
        %add3A_442 = arith.addi %shift_right_arithmetic3A_440, %add3A_441 : vector<16xi32>
        %swap3A_443 = arith.constant 48 : index
        %swap3A_444 = tpu.vector_load %arg8[%swap3A_443] {strides = array<i32>} : memref<128xi32, #tpu.memory_space<vmem>>, vector<16xi32>,
        %swap3A_445 = vector.shape_cast %swap3A_444 : vector<16xi32> to vector<16xi32>
        %swap3A_446 = vector.shape_cast %add3A_442 : vector<16xi32> to vector<16xi32>
        tpu.vector_store %arg8[%swap3A_443], %swap3A_446 {strides = array<i32>} : memref<128xi32, #tpu.memory_space<vmem>>, vector<16xi32>,
        %and3A_447 = arith.constant 16383 : i32
        %and3A_448 = vector.broadcast %and3A_447 : i32 to vector<16xi32>
        %and3A_449 = arith.andi %get3A_437, %and3A_448 : vector<16xi32>
        %swap3A_450 = arith.constant 48 : index
        %swap3A_451 = tpu.vector_load %arg10[%swap3A_450] {strides = array<i32>} : memref<128xi32, #tpu.memory_space<vmem>>, vector<16xi32>,
        %swap3A_452 = vector.shape_cast %swap3A_451 : vector<16xi32> to vector<16xi32>
        %swap3A_453 = vector.shape_cast %and3A_449 : vector<16xi32> to vector<16xi32>
        tpu.vector_store %arg10[%swap3A_450], %swap3A_453 {strides = array<i32>} : memref<128xi32, #tpu.memory_space<vmem>>, vector<16xi32>,
        %mul3A_454 = arith.constant 128 : i32
        %mul3A_455 = arith.muli %add3A_361, %mul3A_454 : i32
        %add3A_456 = arith.constant 64 : i32
        %add3A_457 = arith.addi %mul3A_455, %add3A_456 : i32
        %get3A_458 = arith.index_cast %add3A_457 : i32 to index
        %get3A_459 = tpu.vector_load %arg6[%get3A_458] {strides = array<i32>} : memref<10240xi32, #tpu.memory_space<vmem>>, vector<16xi32>,
        %get3A_460 = vector.shape_cast %get3A_459 : vector<16xi32> to vector<16xi32>
        %shift_right_arithmetic3A_461 = arith.constant 14 : i32
        %shift_right_arithmetic3A_462 = vector.broadcast %shift_right_arithmetic3A_461 : i32 to vector<16xi32>
        %shift_right_arithmetic3A_463 = arith.shrsi %get3A_460, %shift_right_arithmetic3A_462 : vector<16xi32>
        %add3A_464 = vector.broadcast %mul3A_4 : i32 to vector<16xi32>
        %add3A_465 = arith.addi %shift_right_arithmetic3A_463, %add3A_464 : vector<16xi32>
        %swap3A_466 = arith.constant 64 : index
        %swap3A_467 = tpu.vector_load %arg8[%swap3A_466] {strides = array<i32>} : memref<128xi32, #tpu.memory_space<vmem>>, vector<16xi32>,
        %swap3A_468 = vector.shape_cast %swap3A_467 : vector<16xi32> to vector<16xi32>
        %swap3A_469 = vector.shape_cast %add3A_465 : vector<16xi32> to vector<16xi32>
        tpu.vector_store %arg8[%swap3A_466], %swap3A_469 {strides = array<i32>} : memref<128xi32, #tpu.memory_space<vmem>>, vector<16xi32>,
        %and3A_470 = arith.constant 16383 : i32
        %and3A_471 = vector.broadcast %and3A_470 : i32 to vector<16xi32>
        %and3A_472 = arith.andi %get3A_460, %and3A_471 : vector<16xi32>
        %swap3A_473 = arith.constant 64 : index
        %swap3A_474 = tpu.vector_load %arg10[%swap3A_473] {strides = array<i32>} : memref<128xi32, #tpu.memory_space<vmem>>, vector<16xi32>,
        %swap3A_475 = vector.shape_cast %swap3A_474 : vector<16xi32> to vector<16xi32>
        %swap3A_476 = vector.shape_cast %and3A_472 : vector<16xi32> to vector<16xi32>
        tpu.vector_store %arg10[%swap3A_473], %swap3A_476 {strides = array<i32>} : memref<128xi32, #tpu.memory_space<vmem>>, vector<16xi32>,
        %mul3A_477 = arith.constant 128 : i32
        %mul3A_478 = arith.muli %add3A_361, %mul3A_477 : i32
        %add3A_479 = arith.constant 80 : i32
        %add3A_480 = arith.addi %mul3A_478, %add3A_479 : i32
        %get3A_481 = arith.index_cast %add3A_480 : i32 to index
        %get3A_482 = tpu.vector_load %arg6[%get3A_481] {strides = array<i32>} : memref<10240xi32, #tpu.memory_space<vmem>>, vector<16xi32>,
        %get3A_483 = vector.shape_cast %get3A_482 : vector<16xi32> to vector<16xi32>
        %shift_right_arithmetic3A_484 = arith.constant 14 : i32
        %shift_right_arithmetic3A_485 = vector.broadcast %shift_right_arithmetic3A_484 : i32 to vector<16xi32>
        %shift_right_arithmetic3A_486 = arith.shrsi %get3A_483, %shift_right_arithmetic3A_485 : vector<16xi32>
        %add3A_487 = vector.broadcast %mul3A_4 : i32 to vector<16xi32>
        %add3A_488 = arith.addi %shift_right_arithmetic3A_486, %add3A_487 : vector<16xi32>
        %swap3A_489 = arith.constant 80 : index
        %swap3A_490 = tpu.vector_load %arg8[%swap3A_489] {strides = array<i32>} : memref<128xi32, #tpu.memory_space<vmem>>, vector<16xi32>,
        %swap3A_491 = vector.shape_cast %swap3A_490 : vector<16xi32> to vector<16xi32>
        %swap3A_492 = vector.shape_cast %add3A_488 : vector<16xi32> to vector<16xi32>
        tpu.vector_store %arg8[%swap3A_489], %swap3A_492 {strides = array<i32>} : memref<128xi32, #tpu.memory_space<vmem>>, vector<16xi32>,
        %and3A_493 = arith.constant 16383 : i32
        %and3A_494 = vector.broadcast %and3A_493 : i32 to vector<16xi32>
        %and3A_495 = arith.andi %get3A_483, %and3A_494 : vector<16xi32>
        %swap3A_496 = arith.constant 80 : index
        %swap3A_497 = tpu.vector_load %arg10[%swap3A_496] {strides = array<i32>} : memref<128xi32, #tpu.memory_space<vmem>>, vector<16xi32>,
        %swap3A_498 = vector.shape_cast %swap3A_497 : vector<16xi32> to vector<16xi32>
        %swap3A_499 = vector.shape_cast %and3A_495 : vector<16xi32> to vector<16xi32>
        tpu.vector_store %arg10[%swap3A_496], %swap3A_499 {strides = array<i32>} : memref<128xi32, #tpu.memory_space<vmem>>, vector<16xi32>,
        %mul3A_500 = arith.constant 128 : i32
        %mul3A_501 = arith.muli %add3A_361, %mul3A_500 : i32
        %add3A_502 = arith.constant 96 : i32
        %add3A_503 = arith.addi %mul3A_501, %add3A_502 : i32
        %get3A_504 = arith.index_cast %add3A_503 : i32 to index
        %get3A_505 = tpu.vector_load %arg6[%get3A_504] {strides = array<i32>} : memref<10240xi32, #tpu.memory_space<vmem>>, vector<16xi32>,
        %get3A_506 = vector.shape_cast %get3A_505 : vector<16xi32> to vector<16xi32>
        %shift_right_arithmetic3A_507 = arith.constant 14 : i32
        %shift_right_arithmetic3A_508 = vector.broadcast %shift_right_arithmetic3A_507 : i32 to vector<16xi32>
        %shift_right_arithmetic3A_509 = arith.shrsi %get3A_506, %shift_right_arithmetic3A_508 : vector<16xi32>
        %add3A_510 = vector.broadcast %mul3A_4 : i32 to vector<16xi32>
        %add3A_511 = arith.addi %shift_right_arithmetic3A_509, %add3A_510 : vector<16xi32>
        %swap3A_512 = arith.constant 96 : index
        %swap3A_513 = tpu.vector_load %arg8[%swap3A_512] {strides = array<i32>} : memref<128xi32, #tpu.memory_space<vmem>>, vector<16xi32>,
        %swap3A_514 = vector.shape_cast %swap3A_513 : vector<16xi32> to vector<16xi32>
        %swap3A_515 = vector.shape_cast %add3A_511 : vector<16xi32> to vector<16xi32>
        tpu.vector_store %arg8[%swap3A_512], %swap3A_515 {strides = array<i32>} : memref<128xi32, #tpu.memory_space<vmem>>, vector<16xi32>,
        %and3A_516 = arith.constant 16383 : i32
        %and3A_517 = vector.broadcast %and3A_516 : i32 to vector<16xi32>
        %and3A_518 = arith.andi %get3A_506, %and3A_517 : vector<16xi32>
        %swap3A_519 = arith.constant 96 : index
        %swap3A_520 = tpu.vector_load %arg10[%swap3A_519] {strides = array<i32>} : memref<128xi32, #tpu.memory_space<vmem>>, vector<16xi32>,
        %swap3A_521 = vector.shape_cast %swap3A_520 : vector<16xi32> to vector<16xi32>
        %swap3A_522 = vector.shape_cast %and3A_518 : vector<16xi32> to vector<16xi32>
        tpu.vector_store %arg10[%swap3A_519], %swap3A_522 {strides = array<i32>} : memref<128xi32, #tpu.memory_space<vmem>>, vector<16xi32>,
        %mul3A_523 = arith.constant 128 : i32
        %mul3A_524 = arith.muli %add3A_361, %mul3A_523 : i32
        %add3A_525 = arith.constant 112 : i32
        %add3A_526 = arith.addi %mul3A_524, %add3A_525 : i32
        %get3A_527 = arith.index_cast %add3A_526 : i32 to index
        %get3A_528 = tpu.vector_load %arg6[%get3A_527] {strides = array<i32>} : memref<10240xi32, #tpu.memory_space<vmem>>, vector<16xi32>,
        %get3A_529 = vector.shape_cast %get3A_528 : vector<16xi32> to vector<16xi32>
        %shift_right_arithmetic3A_530 = arith.constant 14 : i32
        %shift_right_arithmetic3A_531 = vector.broadcast %shift_right_arithmetic3A_530 : i32 to vector<16xi32>
        %shift_right_arithmetic3A_532 = arith.shrsi %get3A_529, %shift_right_arithmetic3A_531 : vector<16xi32>
        %add3A_533 = vector.broadcast %mul3A_4 : i32 to vector<16xi32>
        %add3A_534 = arith.addi %shift_right_arithmetic3A_532, %add3A_533 : vector<16xi32>
        %swap3A_535 = arith.constant 112 : index
        %swap3A_536 = tpu.vector_load %arg8[%swap3A_535] {strides = array<i32>} : memref<128xi32, #tpu.memory_space<vmem>>, vector<16xi32>,
        %swap3A_537 = vector.shape_cast %swap3A_536 : vector<16xi32> to vector<16xi32>
        %swap3A_538 = vector.shape_cast %add3A_534 : vector<16xi32> to vector<16xi32>
        tpu.vector_store %arg8[%swap3A_535], %swap3A_538 {strides = array<i32>} : memref<128xi32, #tpu.memory_space<vmem>>, vector<16xi32>,
        %and3A_539 = arith.constant 16383 : i32
        %and3A_540 = vector.broadcast %and3A_539 : i32 to vector<16xi32>
        %and3A_541 = arith.andi %get3A_529, %and3A_540 : vector<16xi32>
        %swap3A_542 = arith.constant 112 : index
        %swap3A_543 = tpu.vector_load %arg10[%swap3A_542] {strides = array<i32>} : memref<128xi32, #tpu.memory_space<vmem>>, vector<16xi32>,
        %swap3A_544 = vector.shape_cast %swap3A_543 : vector<16xi32> to vector<16xi32>
        %swap3A_545 = vector.shape_cast %and3A_541 : vector<16xi32> to vector<16xi32>
        tpu.vector_store %arg10[%swap3A_542], %swap3A_545 {strides = array<i32>} : memref<128xi32, #tpu.memory_space<vmem>>, vector<16xi32>,
        %dma_start3A_546 = arith.constant 1 : i32
        %dma_start3A_547 = arith.constant 0 : i32
        %dma_start3A_548 = arith.constant 0 : i32
        %dma_start3A_549 = tpu.memref_slice %arg11[%dma_start3A_546, %dma_start3A_547, %dma_start3A_548] : memref<2x128x128xf32, #tpu.memory_space<vmem>> -> memref<1x128x128xf32, #tpu.memory_space<vmem>>
        %dma_start3A_550 = tpu.memref_squeeze %dma_start3A_549 : memref<1x128x128xf32, #tpu.memory_space<vmem>> -> memref<128x128xf32, #tpu.memory_space<vmem>>
        %dma_start3A_551 = arith.constant 0 : i32
        %dma_start3A_552 = arith.constant 0 : i32
        %dma_start3A_553 = tpu.memref_slice %arg2[%dma_start3A_551, %dma_start3A_552] : memref<180000x128xf32, #tpu.memory_space<hbm>> -> memref<180000x128xf32, #tpu.memory_space<hbm>>
        tpu.enqueue_indirect_dma source(%dma_start3A_553 : memref<180000x128xf32, #tpu.memory_space<hbm>>) target(%dma_start3A_550 : memref<128x128xf32, #tpu.memory_space<vmem>>) offsets(%arg8 : memref<128xi32, #tpu.memory_space<vmem>>) semaphore(%arg14 : memref<!tpu.dma_semaphore, #tpu.memory_space<semaphore_mem>>)
      } else {
      }
    }
    %scan3A_323 = arith.constant 40 : i32
    %barrier3A_324 = arith.constant 0 : index
    tpu.barrier barrier_id(%barrier3A_324)
    %eq3A = arith.constant 0 : i32
    %eq3A_325 = arith.cmpi eq, %arg0, %eq3A : i32
    %convert_element_type3A = arith.extui %eq3A_325 : i1 to i32
    %cond3A = arith.constant 0 : i32
    %cond3A_326 = arith.cmpi ne, %convert_element_type3A, %cond3A : i32
    scf.if %cond3A_326 {
      %run_scoped3A = arith.constant 0 : i32
      "tpu.region"() ({
        %run_scoped3A_332 = tpu.sem_alloc : memref<!tpu.dma_semaphore, #tpu.memory_space<semaphore_mem>>
        %dma_start3A_333 = arith.constant 0 : i32
        %dma_start3A_334 = tpu.memref_slice %arg5[%run_scoped3A, %mul3A_0, %dma_start3A_333] : memref<2x10112x128xf32, #tpu.memory_space<hbm>> -> memref<1x632x128xf32, #tpu.memory_space<hbm>>
        %dma_start3A_335 = tpu.memref_squeeze %dma_start3A_334 : memref<1x632x128xf32, #tpu.memory_space<hbm>> -> memref<632x128xf32, #tpu.memory_space<hbm>>
        %dma_start3A_336 = arith.constant 0 : i32
        %dma_start3A_337 = tpu.memref_slice %arg12[%mul3A_0, %dma_start3A_336] : memref<10112x128xf32, #tpu.memory_space<vmem_shared>> -> memref<632x128xf32, #tpu.memory_space<vmem_shared>>
        tpu.enqueue_dma source(%dma_start3A_337 : memref<632x128xf32, #tpu.memory_space<vmem_shared>>) target(%dma_start3A_335 : memref<632x128xf32, #tpu.memory_space<hbm>>) target_semaphore(%run_scoped3A_332 : memref<!tpu.dma_semaphore, #tpu.memory_space<semaphore_mem>>)
        %dma_wait3A = arith.constant 0 : i32
        %dma_wait3A_338 = tpu.memref_slice %arg5[%run_scoped3A, %mul3A_0, %dma_wait3A] : memref<2x10112x128xf32, #tpu.memory_space<hbm>> -> memref<1x632x128xf32, #tpu.memory_space<hbm>>
        %dma_wait3A_339 = tpu.memref_squeeze %dma_wait3A_338 : memref<1x632x128xf32, #tpu.memory_space<hbm>> -> memref<632x128xf32, #tpu.memory_space<hbm>>
        %dma_wait3A_340 = arith.constant 0 : i32
        %dma_wait3A_341 = tpu.memref_slice %arg12[%mul3A_0, %dma_wait3A_340] : memref<10112x128xf32, #tpu.memory_space<vmem_shared>> -> memref<632x128xf32, #tpu.memory_space<vmem_shared>>
        tpu.wait_dma2 semaphore(%run_scoped3A_332 : memref<!tpu.dma_semaphore, #tpu.memory_space<semaphore_mem>>) src(%dma_wait3A_341 : memref<632x128xf32, #tpu.memory_space<vmem_shared>>) dst(%dma_wait3A_339 : memref<632x128xf32, #tpu.memory_space<hbm>>)
        tpu.yield
      }) : () -> ()
    } else {
    }
    %eq3A_327 = arith.constant 1 : i32
    %eq3A_328 = arith.cmpi eq, %arg0, %eq3A_327 : i32
    %convert_element_type3A_329 = arith.extui %eq3A_328 : i1 to i32
    %cond3A_330 = arith.constant 0 : i32
    %cond3A_331 = arith.cmpi ne, %convert_element_type3A_329, %cond3A_330 : i32
    scf.if %cond3A_331 {
      %run_scoped3A = arith.constant 1 : i32
      "tpu.region"() ({
        %run_scoped3A_332 = tpu.sem_alloc : memref<!tpu.dma_semaphore, #tpu.memory_space<semaphore_mem>>
        %dma_start3A_333 = arith.constant 0 : i32
        %dma_start3A_334 = tpu.memref_slice %arg5[%run_scoped3A, %mul3A_0, %dma_start3A_333] : memref<2x10112x128xf32, #tpu.memory_space<hbm>> -> memref<1x632x128xf32, #tpu.memory_space<hbm>>
        %dma_start3A_335 = tpu.memref_squeeze %dma_start3A_334 : memref<1x632x128xf32, #tpu.memory_space<hbm>> -> memref<632x128xf32, #tpu.memory_space<hbm>>
        %dma_start3A_336 = arith.constant 0 : i32
        %dma_start3A_337 = tpu.memref_slice %arg12[%mul3A_0, %dma_start3A_336] : memref<10112x128xf32, #tpu.memory_space<vmem_shared>> -> memref<632x128xf32, #tpu.memory_space<vmem_shared>>
        tpu.enqueue_dma source(%dma_start3A_337 : memref<632x128xf32, #tpu.memory_space<vmem_shared>>) target(%dma_start3A_335 : memref<632x128xf32, #tpu.memory_space<hbm>>) target_semaphore(%run_scoped3A_332 : memref<!tpu.dma_semaphore, #tpu.memory_space<semaphore_mem>>)
        %dma_wait3A = arith.constant 0 : i32
        %dma_wait3A_338 = tpu.memref_slice %arg5[%run_scoped3A, %mul3A_0, %dma_wait3A] : memref<2x10112x128xf32, #tpu.memory_space<hbm>> -> memref<1x632x128xf32, #tpu.memory_space<hbm>>
        %dma_wait3A_339 = tpu.memref_squeeze %dma_wait3A_338 : memref<1x632x128xf32, #tpu.memory_space<hbm>> -> memref<632x128xf32, #tpu.memory_space<hbm>>
        %dma_wait3A_340 = arith.constant 0 : i32
        %dma_wait3A_341 = tpu.memref_slice %arg12[%mul3A_0, %dma_wait3A_340] : memref<10112x128xf32, #tpu.memory_space<vmem_shared>> -> memref<632x128xf32, #tpu.memory_space<vmem_shared>>
        tpu.wait_dma2 semaphore(%run_scoped3A_332 : memref<!tpu.dma_semaphore, #tpu.memory_space<semaphore_mem>>) src(%dma_wait3A_341 : memref<632x128xf32, #tpu.memory_space<vmem_shared>>) dst(%dma_wait3A_339 : memref<632x128xf32, #tpu.memory_space<hbm>>)
        tpu.yield
      }) : () -> ()
    } else {
    }
    return
  }
}

module attributes {stable_mosaic.version = 14 : i64} {
  func.func @_hrk_body(%arg0: i32, %arg1: i32, %arg2: memref<1000x256xf32, #tpu.memory_space<vmem>>, %arg3: memref<1x256x256xf32, #tpu.memory_space<vmem>>, %arg4: memref<2x1x1000x128xf32, #tpu.memory_space<vmem>>) attributes {dimension_semantics = [#tpu.dimension_semantics<arbitrary>, #tpu.dimension_semantics<arbitrary>], iteration_bounds = array<i64: 10, 9>, scalar_prefetch = 0 : i64, scratch_operands = 0 : i64, tpu.core_type = #tpu.core_type<tc>, window_params = [{transform_indices = @transform_0, window_bounds = array<i64: 1000, 256>}, {transform_indices = @transform_1, window_bounds = array<i64: 1, 256, 256>}, {transform_indices = @transform_2, window_bounds = array<i64: 2, 1, 1000, 128>}]} {
    %get3A = arith.constant 0 : index
    %get3A_0 = arith.constant 0 : index
    %get3A_1 = vector.load %arg2[%get3A, %get3A_0] : memref<1000x256xf32, #tpu.memory_space<vmem>>, vector<1000x256xf32>
    %get3A_2 = arith.constant 0 : index
    %get3A_3 = arith.constant 0 : index
    %get3A_4 = arith.constant 0 : index
    %get3A_5 = vector.load %arg3[%get3A_2, %get3A_3, %get3A_4] : memref<1x256x256xf32, #tpu.memory_space<vmem>>, vector<1x256x256xf32>
    %get3A_6 = vector.shape_cast %get3A_5 : vector<1x256x256xf32> to vector<256x256xf32>
    %dot_general3A = arith.constant dense<0.000000e+00> : vector<1000x256xf32>
    %dot_general3A_7 = tpu.matmul %get3A_1, %get3A_6, %dot_general3A {dimension_numbers = #tpu.dot_dimension_numbers<[1], [0], [0], [1], [0, 0, 1, 1], [], []>, transpose_lhs_hint = false} : vector<1000x256xf32>, vector<256x256xf32>, vector<1000x256xf32> -> vector<1000x256xf32>
    %slice3A = vector.extract_strided_slice %dot_general3A_7 {offsets = [0, 0], sizes = [1000, 128], strides = [1, 1]} : vector<1000x256xf32> to vector<1000x128xf32>
    %swap3A = arith.constant 0 : index
    %swap3A_8 = arith.constant 0 : index
    %swap3A_9 = arith.constant 0 : index
    %swap3A_10 = arith.constant 0 : index
    %swap3A_11 = vector.load %arg4[%swap3A, %swap3A_8, %swap3A_9, %swap3A_10] : memref<2x1x1000x128xf32, #tpu.memory_space<vmem>>, vector<1x1x1000x128xf32>
    %swap3A_12 = vector.shape_cast %swap3A_11 : vector<1x1x1000x128xf32> to vector<1000x128xf32>
    %swap3A_13 = vector.shape_cast %slice3A : vector<1000x128xf32> to vector<1x1x1000x128xf32>
    tpu.vector_store %arg4[%swap3A, %swap3A_8, %swap3A_9, %swap3A_10], %swap3A_13 {strides = array<i32>} : memref<2x1x1000x128xf32, #tpu.memory_space<vmem>>, vector<1x1x1000x128xf32>,
    %slice3A_14 = vector.extract_strided_slice %dot_general3A_7 {offsets = [0, 128], sizes = [1000, 128], strides = [1, 1]} : vector<1000x256xf32> to vector<1000x128xf32>
    %swap3A_15 = arith.constant 1 : index
    %swap3A_16 = arith.constant 0 : index
    %swap3A_17 = arith.constant 0 : index
    %swap3A_18 = arith.constant 0 : index
    %swap3A_19 = vector.load %arg4[%swap3A_15, %swap3A_16, %swap3A_17, %swap3A_18] : memref<2x1x1000x128xf32, #tpu.memory_space<vmem>>, vector<1x1x1000x128xf32>
    %swap3A_20 = vector.shape_cast %swap3A_19 : vector<1x1x1000x128xf32> to vector<1000x128xf32>
    %swap3A_21 = vector.shape_cast %slice3A_14 : vector<1000x128xf32> to vector<1x1x1000x128xf32>
    tpu.vector_store %arg4[%swap3A_15, %swap3A_16, %swap3A_17, %swap3A_18], %swap3A_21 {strides = array<i32>} : memref<2x1x1000x128xf32, #tpu.memory_space<vmem>>, vector<1x1x1000x128xf32>,
    return
  }
  func.func @transform_0(%arg0: i32, %arg1: i32) -> (i32, i32) {
    %c0_i32 = arith.constant 0 : i32
    %c0_i32_0 = arith.constant 0 : i32
    return %arg0, %c0_i32 : i32, i32
  }
  func.func @transform_1(%arg0: i32, %arg1: i32) -> (i32, i32, i32) {
    %c0_i32 = arith.constant 0 : i32
    %c0_i32_0 = arith.constant 0 : i32
    %c0_i32_1 = arith.constant 0 : i32
    return %arg1, %c0_i32, %c0_i32_0 : i32, i32, i32
  }
  func.func @transform_2(%arg0: i32, %arg1: i32) -> (i32, i32, i32, i32) {
    %c0_i32 = arith.constant 0 : i32
    %c0_i32_0 = arith.constant 0 : i32
    %c0_i32_1 = arith.constant 0 : i32
    return %c0_i32, %arg1, %arg0, %c0_i32_0 : i32, i32, i32, i32
  }
}

module attributes {stable_mosaic.version = 14 : i64} {
  func.func @_prep_body(%arg0: i32, %arg1: memref<2x1000x128xf32, #tpu.memory_space<vmem>>, %arg2: memref<2x1x1000x128xf32, #tpu.memory_space<vmem>>, %arg3: memref<1x256xf32, #tpu.memory_space<vmem>>, %arg4: memref<1000x256xf32, #tpu.memory_space<vmem>>) attributes {dimension_semantics = [#tpu.dimension_semantics<arbitrary>], iteration_bounds = array<i64: 10>, scalar_prefetch = 0 : i64, scratch_operands = 0 : i64, tpu.core_type = #tpu.core_type<tc>, window_params = [{transform_indices = @transform_0, window_bounds = array<i64: 2, 1000, 128>}, {transform_indices = @transform_1, window_bounds = array<i64: 2, 1, 1000, 128>}, {pipeline_mode = #tpu.pipeline_mode<synchronous>, transform_indices = @transform_2, window_bounds = array<i64: 1, 256>}, {transform_indices = @transform_3, window_bounds = array<i64: 1000, 256>}]} {
    %get3A = arith.constant 0 : index
    %get3A_0 = arith.constant 0 : index
    %get3A_1 = arith.constant 0 : index
    %get3A_2 = vector.load %arg1[%get3A, %get3A_0, %get3A_1] : memref<2x1000x128xf32, #tpu.memory_space<vmem>>, vector<1x1000x128xf32>
    %get3A_3 = vector.shape_cast %get3A_2 : vector<1x1000x128xf32> to vector<1000x128xf32>
    %get3A_4 = arith.constant 1 : index
    %get3A_5 = arith.constant 0 : index
    %get3A_6 = arith.constant 0 : index
    %get3A_7 = vector.load %arg1[%get3A_4, %get3A_5, %get3A_6] : memref<2x1000x128xf32, #tpu.memory_space<vmem>>, vector<1x1000x128xf32>
    %get3A_8 = vector.shape_cast %get3A_7 : vector<1x1000x128xf32> to vector<1000x128xf32>
    %concatenate3A = tpu.concatenate %get3A_3, %get3A_8 in 1 : vector<1000x128xf32>, vector<1000x128xf32> -> vector<1000x256xf32>
    %get3A_9 = arith.constant 0 : index
    %get3A_10 = arith.constant 0 : index
    %get3A_11 = arith.constant 0 : index
    %get3A_12 = arith.constant 0 : index
    %get3A_13 = vector.load %arg2[%get3A_9, %get3A_10, %get3A_11, %get3A_12] : memref<2x1x1000x128xf32, #tpu.memory_space<vmem>>, vector<1x1x1000x128xf32>
    %get3A_14 = vector.shape_cast %get3A_13 : vector<1x1x1000x128xf32> to vector<1000x128xf32>
    %get3A_15 = arith.constant 1 : index
    %get3A_16 = arith.constant 0 : index
    %get3A_17 = arith.constant 0 : index
    %get3A_18 = arith.constant 0 : index
    %get3A_19 = vector.load %arg2[%get3A_15, %get3A_16, %get3A_17, %get3A_18] : memref<2x1x1000x128xf32, #tpu.memory_space<vmem>>, vector<1x1x1000x128xf32>
    %get3A_20 = vector.shape_cast %get3A_19 : vector<1x1x1000x128xf32> to vector<1000x128xf32>
    %concatenate3A_21 = tpu.concatenate %get3A_14, %get3A_20 in 1 : vector<1000x128xf32>, vector<1000x128xf32> -> vector<1000x256xf32>
    %add3A = arith.addf %concatenate3A, %concatenate3A_21 : vector<1000x256xf32>
    %get3A_22 = arith.constant 0 : index
    %get3A_23 = arith.constant 0 : index
    %get3A_24 = vector.load %arg3[%get3A_22, %get3A_23] : memref<1x256xf32, #tpu.memory_space<vmem>>, vector<1x256xf32>
    %add3A_25 = vector.broadcast %get3A_24 : vector<1x256xf32> to vector<1000x256xf32>
    %add3A_26 = arith.addf %add3A, %add3A_25 : vector<1000x256xf32>
    %max3A = arith.constant 0.000000e+00 : f32
    %max3A_27 = vector.broadcast %max3A : f32 to vector<1000x256xf32>
    %max3A_28 = arith.maximumf %add3A_26, %max3A_27 : vector<1000x256xf32>
    %swap3A = arith.constant 0 : index
    %swap3A_29 = arith.constant 0 : index
    %swap3A_30 = vector.load %arg4[%swap3A, %swap3A_29] : memref<1000x256xf32, #tpu.memory_space<vmem>>, vector<1000x256xf32>
    tpu.vector_store %arg4[%swap3A, %swap3A_29], %max3A_28 {strides = array<i32>} : memref<1000x256xf32, #tpu.memory_space<vmem>>, vector<1000x256xf32>,
    return
  }
  func.func @transform_0(%arg0: i32) -> (i32, i32, i32) {
    %c0_i32 = arith.constant 0 : i32
    %c0_i32_0 = arith.constant 0 : i32
    %c0_i32_1 = arith.constant 0 : i32
    return %c0_i32, %arg0, %c0_i32_0 : i32, i32, i32
  }
  func.func @transform_1(%arg0: i32) -> (i32, i32, i32, i32) {
    %c0_i32 = arith.constant 0 : i32
    %c8_i32 = arith.constant 8 : i32
    %c0_i32_0 = arith.constant 0 : i32
    %c0_i32_1 = arith.constant 0 : i32
    return %c0_i32, %c8_i32, %arg0, %c0_i32_0 : i32, i32, i32, i32
  }
  func.func @transform_2(%arg0: i32) -> (i32, i32) {
    %c0_i32 = arith.constant 0 : i32
    %c0_i32_0 = arith.constant 0 : i32
    %c0_i32_1 = arith.constant 0 : i32
    return %c0_i32, %c0_i32_0 : i32, i32
  }
  func.func @transform_3(%arg0: i32) -> (i32, i32) {
    %c0_i32 = arith.constant 0 : i32
    %c0_i32_0 = arith.constant 0 : i32
    return %arg0, %c0_i32 : i32, i32
  }
}

module attributes {stable_mosaic.version = 14 : i64} {
  func.func @_fin_body(%arg0: i32, %arg1: memref<2x1000x128xf32, #tpu.memory_space<vmem>>, %arg2: memref<2x1x1000x128xf32, #tpu.memory_space<vmem>>, %arg3: memref<1x256xf32, #tpu.memory_space<vmem>>, %arg4: memref<1x256xf32, #tpu.memory_space<vmem>>) attributes {dimension_semantics = [#tpu.dimension_semantics<arbitrary>], iteration_bounds = array<i64: 10>, scalar_prefetch = 0 : i64, scratch_operands = 0 : i64, tpu.core_type = #tpu.core_type<tc>, window_params = [{transform_indices = @transform_0, window_bounds = array<i64: 2, 1000, 128>}, {transform_indices = @transform_1, window_bounds = array<i64: 2, 1, 1000, 128>}, {pipeline_mode = #tpu.pipeline_mode<synchronous>, transform_indices = @transform_2, window_bounds = array<i64: 1, 256>}, {pipeline_mode = #tpu.pipeline_mode<synchronous>, transform_indices = @transform_3, window_bounds = array<i64: 1, 256>}]} {
    %get3A = arith.constant 0 : index
    %get3A_0 = arith.constant 0 : index
    %get3A_1 = arith.constant 0 : index
    %get3A_2 = vector.load %arg1[%get3A, %get3A_0, %get3A_1] : memref<2x1000x128xf32, #tpu.memory_space<vmem>>, vector<1x1000x128xf32>
    %get3A_3 = vector.shape_cast %get3A_2 : vector<1x1000x128xf32> to vector<1000x128xf32>
    %get3A_4 = arith.constant 1 : index
    %get3A_5 = arith.constant 0 : index
    %get3A_6 = arith.constant 0 : index
    %get3A_7 = vector.load %arg1[%get3A_4, %get3A_5, %get3A_6] : memref<2x1000x128xf32, #tpu.memory_space<vmem>>, vector<1x1000x128xf32>
    %get3A_8 = vector.shape_cast %get3A_7 : vector<1x1000x128xf32> to vector<1000x128xf32>
    %concatenate3A = tpu.concatenate %get3A_3, %get3A_8 in 1 : vector<1000x128xf32>, vector<1000x128xf32> -> vector<1000x256xf32>
    %get3A_9 = arith.constant 0 : index
    %get3A_10 = arith.constant 0 : index
    %get3A_11 = arith.constant 0 : index
    %get3A_12 = arith.constant 0 : index
    %get3A_13 = vector.load %arg2[%get3A_9, %get3A_10, %get3A_11, %get3A_12] : memref<2x1x1000x128xf32, #tpu.memory_space<vmem>>, vector<1x1x1000x128xf32>
    %get3A_14 = vector.shape_cast %get3A_13 : vector<1x1x1000x128xf32> to vector<1000x128xf32>
    %get3A_15 = arith.constant 1 : index
    %get3A_16 = arith.constant 0 : index
    %get3A_17 = arith.constant 0 : index
    %get3A_18 = arith.constant 0 : index
    %get3A_19 = vector.load %arg2[%get3A_15, %get3A_16, %get3A_17, %get3A_18] : memref<2x1x1000x128xf32, #tpu.memory_space<vmem>>, vector<1x1x1000x128xf32>
    %get3A_20 = vector.shape_cast %get3A_19 : vector<1x1x1000x128xf32> to vector<1000x128xf32>
    %concatenate3A_21 = tpu.concatenate %get3A_14, %get3A_20 in 1 : vector<1000x128xf32>, vector<1000x128xf32> -> vector<1000x256xf32>
    %add3A = arith.addf %concatenate3A, %concatenate3A_21 : vector<1000x256xf32>
    %get3A_22 = arith.constant 0 : index
    %get3A_23 = arith.constant 0 : index
    %get3A_24 = vector.load %arg3[%get3A_22, %get3A_23] : memref<1x256xf32, #tpu.memory_space<vmem>>, vector<1x256xf32>
    %add3A_25 = vector.broadcast %get3A_24 : vector<1x256xf32> to vector<1000x256xf32>
    %add3A_26 = arith.addf %add3A, %add3A_25 : vector<1000x256xf32>
    %max3A = arith.constant 0.000000e+00 : f32
    %max3A_27 = vector.broadcast %max3A : f32 to vector<1000x256xf32>
    %max3A_28 = arith.maximumf %add3A_26, %max3A_27 : vector<1000x256xf32>
    %reduce_sum3A = arith.constant dense<0.000000e+00> : vector<256xf32>
    %reduce_sum3A_29 = vector.multi_reduction <add>, %max3A_28, %reduce_sum3A [0] : vector<1000x256xf32> to vector<256xf32>
    %broadcast_in_dim3A = vector.shape_cast %reduce_sum3A_29 : vector<256xf32> to vector<1x256xf32>
    %eq3A = arith.constant 0 : i32
    %eq3A_30 = arith.cmpi eq, %arg0, %eq3A : i32
    %convert_element_type3A = arith.extui %eq3A_30 : i1 to i32
    %cond3A = arith.constant 0 : i32
    %cond3A_31 = arith.cmpi ne, %convert_element_type3A, %cond3A : i32
    scf.if %cond3A_31 {
      %broadcast_in_dim3A_38 = arith.constant 0.000000e+00 : f32
      %broadcast_in_dim3A_39 = vector.broadcast %broadcast_in_dim3A_38 : f32 to vector<1x256xf32>
      %swap3A_40 = arith.constant 0 : index
      %swap3A_41 = arith.constant 0 : index
      %swap3A_42 = vector.load %arg4[%swap3A_40, %swap3A_41] : memref<1x256xf32, #tpu.memory_space<vmem>>, vector<1x256xf32>
      tpu.vector_store %arg4[%swap3A_40, %swap3A_41], %broadcast_in_dim3A_39 {strides = array<i32>} : memref<1x256xf32, #tpu.memory_space<vmem>>, vector<1x256xf32>,
    } else {
    }
    %get3A_32 = arith.constant 0 : index
    %get3A_33 = arith.constant 0 : index
    %get3A_34 = vector.load %arg4[%get3A_32, %get3A_33] : memref<1x256xf32, #tpu.memory_space<vmem>>, vector<1x256xf32>
    %add3A_35 = arith.addf %get3A_34, %broadcast_in_dim3A : vector<1x256xf32>
    %swap3A = arith.constant 0 : index
    %swap3A_36 = arith.constant 0 : index
    %swap3A_37 = vector.load %arg4[%swap3A, %swap3A_36] : memref<1x256xf32, #tpu.memory_space<vmem>>, vector<1x256xf32>
    tpu.vector_store %arg4[%swap3A, %swap3A_36], %add3A_35 {strides = array<i32>} : memref<1x256xf32, #tpu.memory_space<vmem>>, vector<1x256xf32>,
    return
  }
  func.func @transform_0(%arg0: i32) -> (i32, i32, i32) {
    %c0_i32 = arith.constant 0 : i32
    %c0_i32_0 = arith.constant 0 : i32
    %c0_i32_1 = arith.constant 0 : i32
    return %c0_i32, %arg0, %c0_i32_0 : i32, i32, i32
  }
  func.func @transform_1(%arg0: i32) -> (i32, i32, i32, i32) {
    %c0_i32 = arith.constant 0 : i32
    %c8_i32 = arith.constant 8 : i32
    %c0_i32_0 = arith.constant 0 : i32
    %c0_i32_1 = arith.constant 0 : i32
    return %c0_i32, %c8_i32, %arg0, %c0_i32_0 : i32, i32, i32, i32
  }
  func.func @transform_2(%arg0: i32) -> (i32, i32) {
    %c0_i32 = arith.constant 0 : i32
    %c0_i32_0 = arith.constant 0 : i32
    %c0_i32_1 = arith.constant 0 : i32
    return %c0_i32, %c0_i32_0 : i32, i32
  }
  func.func @transform_3(%arg0: i32) -> (i32, i32) {
    %c0_i32 = arith.constant 0 : i32
    %c0_i32_0 = arith.constant 0 : i32
    %c0_i32_1 = arith.constant 0 : i32
    return %c0_i32, %c0_i32_0 : i32, i32
  }
}

</mosaic_0001>

<sc_bundles>
// kernel: kernel.14.cloned.1.call-start
scs
__scs_entry_jumppad:
0x0: {  	(pc) =	sbr.rel $0x88, $3  }
0x1: {  	(tag) =	ssettag $0x0;
	lr =	simm.s32 $0x1  }
0x2: {  	[smem:$0x3F92] =	sst lr;
	_ =	strace $0xD0000000  }
0x3: {  	_ = 	snop  }
0x4: {  	_ = 	snop  }
0x5: {  	_ = 	snop  }
0x6: {  	_ = 	snop  }
0x7: {  	_ = 	snop  }
__scs_overlays_trampoline_lowered:
0x8: {  	[smem:$0x3FA1] =	sst s0  }
0x9: {  	[smem:$0x3FA2] =	sst s1  }
0xa: {  	[smem:$0x3FA3] =	sst s2  }
0xb: {  	[smem:$0x3FA4] =	sst s3  }
0xc: {  	[smem:$0x3FA5] =	sst s4  }
0xd: {  	[smem:$0x3FA6] =	sst s5  }
0xe: {  	[smem:$0x3FA7] =	sst s6  }
0xf: {  	[smem:$0x3FA8] =	sst s7  }
0x10: {  	[smem:$0x3FA9] =	sst s8  }
0x11: {  	[smem:$0x3FAA] =	sst s9;
	s0 =	simm.s32 @!p0 $0x0  }
0x12: {  	s1 =	sld [smem:$0x3F90];
	s0 =	simm.s32 @p0 $0x1  }
0x13: {  	[smem:$0x3FAB] =	sst s0;
	s0 =	simm.s32 @!p1 $0x0  }
0x14: {  	s2 =	sld [smem:$0x3F8F];
	s0 =	simm.s32 @p1 $0x1  }
0x15: {  	[smem:$0x3FAC] =	sst s0;
	s0 =	simm.s32 @!p2 $0x0  }
0x16: {  	s3 =	sld [smem:$0x3FDB];
	s0 =	simm.s32 @p2 $0x1  }
0x17: {  	s4 =	simm.s32 $0x1BF5;
	[smem:$0x3FAE] =	sst s0  }
0x18: {  	s0 =	sld [smem:$0x3F91];
	_ =	swait.ge [sflag:s4], $0x0  }
0x19: {  	s7 =	sld [smem:$0x3F92]  }
0x1a: {  	s8 =	sadd.s32 $0xFFFFE003, lr  }
0x1b: {  	s9 =	sadd.s32 $0xFFFFFEF7, lr;
	s5 =	simm.s32 $0xFFFFFFFF;
	p2 =	slt.u32 s8, $0xFFFFF086  }
0x1c: {  	p1 =	slt.u32 s9, $0xF7A;
	s5 =	simm.s32 @!p2 $0x0  }
0x1d: {  	s5 =	simm.s32 @p1 $0x1;
	p0 =	seq.s32 s7, s2  }
0x1e: {  	s7 =	smul.u32 @!p0 $0xF7A, s2;
	p2 =	seq.s32 @!p0 s5, $0x0  }
0x1f: {  	s9 =	smul.u32 $0xF7A, s1;
	s8 =	simm.s32 @!p0 $0x1BF5;
	p2 =	por !p2, p0  }
0x20: {  	[sflag:s8] =	ssyncset.s32 @!p0 $0xFFFFF086;
	s6 =	sadd.s32 @!p0 s3, s7;
	s7 =	simm.s32 @!p0 $0x108  }
0x21: {  	s3 =	sadd.s32 s3, s9;
	s6 =	sadd.s32 @!p0 $0x88, s6;
	s7 =	simm.s32 @p2 $0x1082  }
0x22: {  	[simem:s7], [sflag:s8] =	dma.local @!p0 [hbm:s6], $0xF7A  }
0x23: {  	s9 =	sor.u32 $0xD0000000, s2;
	s6 =	simm.s32 $0x108;
	_ =	swait.ge @!p0 [sflag:s8], $0x0  }
0x24: {  	s3 =	sadd.s32 $0x88, s3;
	s6 =	simm.s32 @!p1 $0x1082;
	[sflag:s4] =	ssyncset.s32 $0xFFFFF086  }
0x25: {  	[simem:s6], [sflag:s4] =	dma.local [hbm:s3], $0xF7A  }
0x26: {  	[smem:$0x3F92] =	sst s1;
	(tag) =	ssettag s2;
	_ =	strace s9  }
0x27: {  	s1 =	sld [smem:$0x3FA2]  }
0x28: {  	s2 =	sld [smem:$0x3FA3]  }
0x29: {  	s4 =	sld [smem:$0x3FA5]  }
0x2a: {  	p0 =	seq.s32 s5, $0x0;
	s5 =	sld [smem:$0x3FA6]  }
0x2b: {  	s6 =	sld [smem:$0x3FA7]  }
0x2c: {  	s7 =	sld [smem:$0x3FA8]  }
0x2d: {  	s3 =	simm.s32 $0x108;
	s8 =	sld [smem:$0x3FA9]  }
0x2e: {  	s3 =	simm.s32 @!p0 $0x1082;
	s9 =	sld [smem:$0x3FAA]  }
0x2f: {  	lr =	sadd.s32 s0, s3;
	s0 =	sld [smem:$0x3FA1]  }
0x30: {  	s3 =	sld [smem:$0x3FA4]  }
0x31: {  	[smem:$0x3FAD] =	sst s10  }
0x32: {  	s10 =	sld [smem:$0x3FAB];
	_ =	sdelay $0x3  }
0x33: {  	p0 =	seq.s32 s10, $0x1;
	s10 =	sld [smem:$0x3FAD];
	_ =	sdelay $0x3  }
0x34: {  	[smem:$0x3FAD] =	sst s10  }
0x35: {  	s10 =	sld [smem:$0x3FAC];
	_ =	sdelay $0x3  }
0x36: {  	p1 =	seq.s32 s10, $0x1;
	s10 =	sld [smem:$0x3FAD];
	_ =	sdelay $0x3  }
0x37: {  	[smem:$0x3FAD] =	sst s10  }
0x38: {  	s10 =	sld [smem:$0x3FAE]  }
0x39: {  	_ = 	snop;
	(pc) =	sbr.ind lr, $3  }
0x3a: {  	_ = 	snop  }
0x3b: {  	_ = 	snop  }
0x3c: {  	p2 =	seq.s32 s10, $0x1;
	s10 =	sld [smem:$0x3FAD]  }
0x3d: {  	_ =	shalt  }
0x3e: {  	_ =	shalt  }
0x3f: {  	_ =	shalt  }
0x40: {  	_ =	shalt  }
0x41: {  	_ =	shalt  }
0x42: {  	_ =	shalt  }
0x43: {  	_ =	shalt  }
0x44: {  	_ =	shalt  }
0x45: {  	_ =	shalt  }
0x46: {  	_ =	shalt  }
0x47: {  	_ =	shalt  }
0x48: {  	_ =	shalt  }
0x49: {  	_ =	shalt  }
0x4a: {  	_ =	shalt  }
0x4b: {  	_ =	shalt  }
0x4c: {  	_ =	shalt  }
0x4d: {  	_ =	shalt  }
0x4e: {  	_ =	shalt  }
0x4f: {  	_ =	shalt  }
0x50: {  	_ =	shalt  }
0x51: {  	_ =	shalt  }
0x52: {  	_ =	shalt  }
0x53: {  	_ =	shalt  }
0x54: {  	_ =	shalt  }
0x55: {  	_ =	shalt  }
0x56: {  	_ =	shalt  }
0x57: {  	_ =	shalt  }
0x58: {  	_ =	shalt  }
0x59: {  	_ =	shalt  }
0x5a: {  	_ =	shalt  }
0x5b: {  	_ =	shalt  }
0x5c: {  	_ =	shalt  }
0x5d: {  	_ =	shalt  }
0x5e: {  	_ =	shalt  }
0x5f: {  	_ =	shalt  }
0x60: {  	_ =	shalt  }
0x61: {  	_ =	shalt  }
0x62: {  	_ =	shalt  }
0x63: {  	_ =	shalt  }
0x64: {  	_ =	shalt  }
0x65: {  	_ =	shalt  }
0x66: {  	_ =	shalt  }
0x67: {  	_ =	shalt  }
0x68: {  	_ =	shalt  }
0x69: {  	_ =	shalt  }
0x6a: {  	_ =	shalt  }
0x6b: {  	_ =	shalt  }
0x6c: {  	_ =	shalt  }
0x6d: {  	_ =	shalt  }
0x6e: {  	_ =	shalt  }
0x6f: {  	_ =	shalt  }
0x70: {  	_ =	shalt  }
0x71: {  	_ =	shalt  }
0x72: {  	_ =	shalt  }
0x73: {  	_ =	shalt  }
0x74: {  	_ =	shalt  }
0x75: {  	_ =	shalt  }
0x76: {  	_ =	shalt  }
0x77: {  	_ =	shalt  }
0x78: {  	_ =	shalt  }
0x79: {  	_ =	shalt  }
0x7a: {  	_ =	shalt  }
0x7b: {  	_ =	shalt  }
0x7c: {  	_ =	shalt  }
0x7d: {  	_ =	shalt  }
0x7e: {  	_ =	shalt  }
0x7f: {  	_ =	shalt  }
0x80: {  	_ =	shalt  }
0x81: {  	_ =	shalt  }
0x82: {  	_ =	shalt  }
0x83: {  	_ =	shalt  }
0x84: {  	_ =	shalt  }
0x85: {  	_ =	shalt  }
0x86: {  	_ =	shalt  }
0x87: {  	_ =	shalt  }
.Lfunc_end0:
.L_simem_size_0:
called_computation_lowered:
.L_overlay_start_0:
0x88: {  	s2 =	sld [smem:$0x3FD9]  }
0x89: {  	s3 =	sld [smem:$0x3FFE];
	_ =	sdelay $0x1  }
0x8a: {  	s1 =	srdreg.scid  }
0x8b: {  	s0 =	sand.u32 $0x1, s1  }
0x8c: {  	s16 =	sshll.u32 s0, $0xA;
	s2 =	sadd.s32 s3, s2  }
0x8d: {  	s2 =	sadd.s32 s2, s16  }
0x8e: {  	[smem:$0x3FB9] =	sst s2  }
0x8f: {  	_ = 	snop  }
0x90: {  	(tm) =	ssettm $0x1  }
0x91: {  	s17 =	sld [smem:$0x3FFB];
	_ =	sdelay $0x3  }
0x92: {  	_ =	strace s17  }
0x93: {  	s2 =	sld [smem:$0x3FFC];
	_ =	sdelay $0x3  }
0x94: {  	_ =	strace s2  }
0x95: {  	s2 =	sld [smem:$0x3FFD];
	_ =	sdelay $0x3  }
0x96: {  	_ =	strace s2  }
0x97: {  	_ =	strace $0x8FFFFFFF  }
0x98: {  	s18 =	sld [smem:$0x3FDB];
	_ =	sdelay $0x1  }
0x99: {  	s19 =	simm.s32 $_scs_section_size  }
0x9a: {  	s4 =	simm.s32 $_size__tile_overlayer_lowered;
	s5 =	simm.s32 $_tile_overlayer_lowered  }
0x9b: {  	s22 =	simm.s32 $0x1BFF;
	s21 =	sshll.u32 s5, $0x1;
	s2 =	sadd.s32 s19, s18  }
0x9c: {  	s6 =	simm.s32 $0x0;
	s20 =	sshll.u32 s4, $0x1;
	s4 =	sadd.s32 s21, s2  }
0x9d: {  	[timem:s6], [sflag:s22] =	dma.local [hbm:s4], s20  }
0x9e: {  	_ =	swait.ge [sflag:s22], s20  }
0x9f: {  	s3 =	ssub.s32 $0x0, s20;
	[sflag:s22] =	ssyncset.done $0x0  }
0xa0: {  	[sflag:s22] =	ssyncadd.s32 s3;
	_ =	sdelay $0x1  }
0xa1: {  	s23 =	simm.s32 $0x1B8B  }
0xa2: {  	_ =	swait.ge [sflag:s23], $0x1  }
0xa3: {  	[sflag:s23] =	ssyncset.done $0x0  }
0xa4: {  	s25 =	simm.s32 $0x1B8E;
	s24 =	sld [smem:$0x3FFE];
	[sflag:s23] =	ssyncadd.s32 $0xFFFFFFFF  }
0xa5: {  	s26 =	simm.s32 $execute0_lowered;
	[smem:$0x3FD2] =	sst s25  }
0xa6: {  	s4 =	sshll.u32 s26, $0x1;
	_ =	strace $0x80000046;
	[dreg:$0x1] =	wrdreg $0xFFFFFFFF  }
0xa7: {  	s28 =	simm.s32 $_size_execute0_lowered;
	s2 =	sadd.s32 s2, s4;
	[dreg:$0x0] =	wrdreg $0x0  }
0xa8: {  	s4 =	sshll.u32 s28, $0x1;
	[dreg:$0x2] =	wrdreg s2  }
0xa9: {  	[dreg:$0x3] =	wrdreg s4  }
0xaa: {  	[dreg:$0x4] =	wrdreg $0xC0  }
0xab: {  	_ =	task [dreg:s6], $0x5FFFF  }
0xac: {  	[dreg:$0x1] =	wrdreg $0xFFFFFFFF  }
0xad: {  	[dreg:$0x0] =	wrdreg $0x60  }
0xae: {  	[dreg:$0x2] =	wrdreg s24  }
0xaf: {  	[dreg:$0x3] =	wrdreg $0xAA000  }
0xb0: {  	[dreg:$0x4] =	wrdreg $0x9  }
0xb1: {  	_ =	task.clear_ibuf [dreg:s6], $0x5FFFF;
	_ =	strace $0x90000046  }
0xb2: {  	s29 =	simm.s32 $0x9;
	_ =	strace $0x80000048  }
0xb3: {  	_ =	swait.ge [sflag:s29], $0x1  }
0xb4: {  	[sflag:s29] =	ssyncadd.s32 $0xFFFFFFFF  }
0xb5: {  	_ =	strace $0x90000048  }
0xb6: {  	_ =	sfence  }
0xb7: {  	s30 =	sld [smem:$0x0];
	_ =	sdelay $0x2  }
0xb8: {  	s31 =	sshll.u32 s1, $0xD;
	s1 =	sshrl.u32 s1, $0x2  }
0xb9: {  	s3 =	sand.u32 $0x4000, s31;
	s1 =	sadd.s32 s1, s30  }
0xba: {  	s0 =	sor.u32 s3, s0;
	s1 =	sshll.u32 s1, $0x11  }
0xbb: {  	s0 =	sor.u32 s1, s0  }
0xbc: {  	s0 =	sadd.s32 $0x8F2B, s0  }
0xbd: {  	[sflag:s0] =	ssyncadd.remote.s32 $0x1  }
0xbe: {  	_ =	sfence.sel $0xFFFF  }
0xbf: {  	[dreg:$0x0] =	wrdreg $0xFFFFFFFF;
	(pc) =	sbr.abs _section_cstart, $3  }
0xc0: {  	[dreg:$0x1] =	wrdreg $0xFFFFFFFF  }
0xc1: {  	_ =	task.clear_ibuf [dreg:s6], $0x2FFFF;
	_ =	strace $0x9FFFFFFF  }
0xc2: {  	(tm) =	ssettm $0x7FFFFFFF  }
0xc3: {  	_ =	shalt  }
tec
execute0_lowered:
.L_overlay_start_1:
0x0: {  	(tag) =	ssettag $0x1  }
0x1: {  	s5 =	rddreg [dreg:$0x0]  }
0x2: {  	s2 =	rddreg [dreg:$0x1]  }
0x3: {  	s0 =	rddreg [dreg:$0x2];
	s3 =	simm.s32 $0x0;
	s1 =	stileid.u32  }
0x4: {  	s7 =	srdreg.scid;
	s14 =	simm.s32 $0x2A00;
	s15 =	simm.s32 $0x2880  }
0x5: {  	s16 =	simm.s32 $0x6A00;
	s17 =	simm.s32 $0x1;
	s18 =	simm.s32 $0x2900  }
0x6: {  	s20 =	simm.s32 $0x2980;
	s21 =	simm.s32 $0x0;
	s6 =	smul.u32 $0x13C00, s1  }
0x7: {  	[smem:$0x7FF] =	sst s3;
	s4 =	sadd.s32 $0x7800, s5;
	s8 =	smul.u32 $0x500, s1  }
0x8: {  	s10 =	sand.u32 $0x1, s7;
	s11 =	smul.u32 $0x4F000, s1;
	s31 =	sshll.u32 s1, $0x6  }
0x9: {  	_ =	strace $0x80000047;
	p0 =	seq.s32 s10, $0x1;
	s26 =	ssub.s32 $0x2, s10  }
0xa: {  	s19 =	smul.u32 $0x15F90, s10;
	s6 =	sshrl.u32 s6, $0x3;
	s8 =	sadd.s32 s8, s5  }
0xb: {  	s28 =	sshrl.u32 s26, $0x1;
	s29 =	sshrl.u32 s11, $0x2;
	s11 =	simm.s32 $0x3  }
0xc: {  	s9 =	sadd.s32 s6, s5;
	s7 =	sadd.s32 $0x27800, s6;
	s30 =	ssub.s32 s26, s28  }
0xd: {  	s13 =	sadd.s32 s29, s2;
	v0 =	vmov s19;
	s19 =	simm.s32 $0x2;
	s6 =	smov.u32 @p0 s7  }
0xe: {  	s7 =	sadd.s32 $0x2800, s8;
	s8 =	smax.u32 s30, $0x1;
	s10 =	sshrl.u32 s13, $0x3  }
0xf: {  	s13 =	simm.s32 $0x2800;
	s12 =	sadd.s32 s6, s5;
	s5 =	sadd.s32 $0x2C6A00, s9  }
0x10: {  	s6 =	sor.u32 $0x1C03, s31;
	s9 =	sadd.s32 $0x2EE200, s12;
	s12 =	simm.s32 $0x80  }
.LBB2_1:
0x11: {  	[spmem:s10], [sflag:s6] =	dma.local [hbm:s5], $0x2780  }
0x12: {  	_ =	swait.ge [sflag:s11], $0x2780  }
0x13: {  	[sflag:s11] =	ssyncset.done $0x0  }
0x14: {  	[sflag:s11] =	ssyncadd.s32 $0xFFFFD880  }
0x15: {  	[tilespmem:s3], [sflag:$0x3] =	stream.linear.gather [hbm4b:s7+s3], $0x2800, $0x38;
	[tilespmem:$0x1E600] =	vst v63  }
0x16: {  	_ =	swait.ge [sflag:s11], $0x2800  }
0x17: {  	[sflag:s11] =	ssyncset.done $0x0  }
0x18: {  	[sflag:s11] =	ssyncadd.s32 $0xFFFFD800  }
0x19: {  	[bflag:$0x0] =	sbarrier.arrive $0xFFFF  }
0x1a: {  	v1 =	vld [tilespmem:$0x0]  }
0x1b: {  	v2 =	vld [tilespmem:$0x10];
	_ =	sdelay $0x1  }
0x1c: {  	v3 =	vld [tilespmem:$0x20];
	_ =	sdelay $0x1  }
0x1d: {  	v5 =	vld [tilespmem:$0x30];
	v4 =	vshra.s32 v1, $0xE;
	v1 =	vand.u32 $0x3FFF, v1  }
0x1e: {  	v51 =	vshra.s32 v2, $0xE;
	v4 =	vadd.s32 v0, v4;
	[tilespmem:$0x2900] =	vst v1  }
0x1f: {  	v52 =	vld [tilespmem:$0x40];
	v1 =	vadd.s32 v0, v51;
	[tilespmem:$0x2800] =	vst v4  }
0x20: {  	[tilespmem:$0x2810] =	vst v1;
	v1 =	vand.u32 $0x3FFF, v2;
	v2 =	vshra.s32 v3, $0xE  }
0x21: {  	[tilespmem:$0x2910] =	vst v1;
	v1 =	vadd.s32 v0, v2;
	v2 =	vld [tilespmem:$0x50]  }
0x22: {  	[tilespmem:$0x2820] =	vst v1;
	v1 =	vand.u32 $0x3FFF, v3;
	v3 =	vshra.s32 v5, $0xE  }
0x23: {  	[tilespmem:$0x2920] =	vst v1;
	v1 =	vadd.s32 v0, v3;
	v3 =	vld [tilespmem:$0x60]  }
0x24: {  	v53 =	vshra.s32 v52, $0xE;
	[tilespmem:$0x2830] =	vst v1;
	v1 =	vand.u32 $0x3FFF, v5  }
0x25: {  	v54 =	vld [tilespmem:$0x70];
	[tilespmem:$0x2930] =	vst v1;
	v1 =	vadd.s32 v0, v53  }
0x26: {  	[tilespmem:$0x2840] =	vst v1;
	v1 =	vand.u32 $0x3FFF, v52;
	v55 =	vshra.s32 v2, $0xE  }
0x27: {  	v56 =	vld [tilespmem:$0x80];
	[tilespmem:$0x2940] =	vst v1;
	v1 =	vadd.s32 v0, v55  }
0x28: {  	[tilespmem:$0x2850] =	vst v1;
	v1 =	vand.u32 $0x3FFF, v2;
	v2 =	vshra.s32 v3, $0xE  }
0x29: {  	[tilespmem:$0x2950] =	vst v1;
	v1 =	vadd.s32 v0, v2;
	v2 =	vld [tilespmem:$0x90]  }
0x2a: {  	[tilespmem:$0x2860] =	vst v1;
	v1 =	vand.u32 $0x3FFF, v3;
	v3 =	vshra.s32 v54, $0xE  }
0x2b: {  	[tilespmem:$0x2960] =	vst v1;
	v1 =	vadd.s32 v0, v3;
	v3 =	vld [tilespmem:$0xA0]  }
0x2c: {  	v57 =	vshra.s32 v56, $0xE;
	[tilespmem:$0x2870] =	vst v1;
	v1 =	vand.u32 $0x3FFF, v54  }
0x2d: {  	v58 =	vld [tilespmem:$0xB0];
	[tilespmem:$0x2970] =	vst v1;
	v1 =	vadd.s32 v0, v57  }
0x2e: {  	[tilespmem:$0x2880] =	vst v1;
	v1 =	vand.u32 $0x3FFF, v56;
	v59 =	vshra.s32 v2, $0xE  }
0x2f: {  	v60 =	vld [tilespmem:$0xC0];
	[tilespmem:$0x2980] =	vst v1;
	v1 =	vadd.s32 v0, v59  }
0x30: {  	[tilespmem:$0x2890] =	vst v1;
	v1 =	vand.u32 $0x3FFF, v2;
	v2 =	vshra.s32 v3, $0xE  }
0x31: {  	[tilespmem:$0x2990] =	vst v1;
	v1 =	vadd.s32 v0, v2;
	v2 =	vld [tilespmem:$0xD0]  }
0x32: {  	[tilespmem:$0x28A0] =	vst v1;
	v1 =	vand.u32 $0x3FFF, v3;
	v3 =	vshra.s32 v58, $0xE  }
0x33: {  	[tilespmem:$0x29A0] =	vst v1;
	v1 =	vadd.s32 v0, v3;
	v3 =	vld [tilespmem:$0xE0]  }
0x34: {  	v61 =	vshra.s32 v60, $0xE;
	[tilespmem:$0x28B0] =	vst v1;
	v1 =	vand.u32 $0x3FFF, v58  }
0x35: {  	v62 =	vld [tilespmem:$0xF0];
	[tilespmem:$0x29B0] =	vst v1;
	v1 =	vadd.s32 v0, v61  }
0x36: {  	[tilespmem:$0x28C0] =	vst v1;
	v1 =	vand.u32 $0x3FFF, v60;
	v63 =	vshra.s32 v2, $0xE  }
0x37: {  	[tilespmem:$0x29C0] =	vst v1;
	v1 =	vadd.s32 v0, v63  }
0x38: {  	[tilespmem:$0x28D0] =	vst v1;
	v1 =	vand.u32 $0x3FFF, v2;
	v2 =	vshra.s32 v3, $0xE  }
0x39: {  	[tilespmem:$0x29D0] =	vst v1;
	v1 =	vadd.s32 v0, v2  }
0x3a: {  	v2 =	vshra.s32 v62, $0xE;
	[tilespmem:$0x28E0] =	vst v1;
	v1 =	vand.u32 $0x3FFF, v3  }
0x3b: {  	[tilespmem:$0x29E0] =	vst v1;
	v1 =	vadd.s32 v0, v2  }
0x3c: {  	[tilespmem:$0x28F0] =	vst v1;
	v1 =	vand.u32 $0x3FFF, v62  }
0x3d: {  	[tilespmem:$0x29F0] =	vst v1  }
0x3e: {  	[tilespmem:s14], [sflag:$0x1] =	stream.indirect.gather [hbm4b:s4+s12], $0x80, s13, s12, $0xb8;
	[tilespmem:$0x1E600] =	vst v63  }
0x3f: {  	_ = 	snop  }
0x40: {  	[tilespmem:s16], [sflag:$0x2] =	stream.indirect.gather [hbm4b:s4+s12], $0x80, s15, s12, $0xb8;
	[tilespmem:$0x1E600] =	vst v63  }
0x41: {  	_ =	swait.ge [sflag:s17], $0x4000  }
0x42: {  	[sflag:s17] =	ssyncset.done $0x0  }
0x43: {  	[sflag:s17] =	ssyncadd.s32 $0xFFFFC000  }
0x44: {  	[spmem:s2] =	stream.indirect.scatter.add.f32 [tilespmem:s14], [sflag:$0x3], $0x80, s18, s12, $0xb8;
	[tilespmem:$0x1E600] =	vst v63  }
0x45: {  	_ =	swait.ge [sflag:s11], $0x4000  }
0x46: {  	[sflag:s11] =	ssyncset.done $0x0  }
0x47: {  	s22 =	simm.s32 $0x1F0;
	[sflag:s11] =	ssyncadd.s32 $0xFFFFC000  }
0x48: {  	v1 =	vld [tilespmem:s22+$0xFFFFFF10];
	_ =	sdelay $0x4  }
0x49: {  	v2 =	vshra.s32 v1, $0xE;
	v1 =	vand.u32 $0x3FFF, v1  }
0x4a: {  	v2 =	vadd.s32 v0, v2;
	[tilespmem:$0x2900] =	vst v1  }
0x4b: {  	[tilespmem:$0x2800] =	vst v2  }
0x4c: {  	v1 =	vld [tilespmem:s22+$0xFFFFFF20];
	_ =	sdelay $0x4  }
0x4d: {  	v2 =	vshra.s32 v1, $0xE;
	v1 =	vand.u32 $0x3FFF, v1  }
0x4e: {  	v2 =	vadd.s32 v0, v2;
	[tilespmem:$0x2910] =	vst v1  }
0x4f: {  	[tilespmem:$0x2810] =	vst v2  }
0x50: {  	v1 =	vld [tilespmem:s22+$0xFFFFFF30];
	_ =	sdelay $0x4  }
0x51: {  	v2 =	vshra.s32 v1, $0xE;
	v1 =	vand.u32 $0x3FFF, v1  }
0x52: {  	v2 =	vadd.s32 v0, v2;
	[tilespmem:$0x2920] =	vst v1  }
0x53: {  	[tilespmem:$0x2820] =	vst v2  }
0x54: {  	v1 =	vld [tilespmem:s22+$0xFFFFFF40];
	_ =	sdelay $0x4  }
0x55: {  	v2 =	vshra.s32 v1, $0xE;
	v1 =	vand.u32 $0x3FFF, v1  }
0x56: {  	v2 =	vadd.s32 v0, v2;
	[tilespmem:$0x2930] =	vst v1  }
0x57: {  	[tilespmem:$0x2830] =	vst v2  }
0x58: {  	v1 =	vld [tilespmem:s22+$0xFFFFFF50];
	_ =	sdelay $0x4  }
0x59: {  	v2 =	vshra.s32 v1, $0xE;
	v1 =	vand.u32 $0x3FFF, v1  }
0x5a: {  	v2 =	vadd.s32 v0, v2;
	[tilespmem:$0x2940] =	vst v1  }
0x5b: {  	[tilespmem:$0x2840] =	vst v2  }
0x5c: {  	v1 =	vld [tilespmem:s22+$0xFFFFFF60];
	_ =	sdelay $0x4  }
0x5d: {  	v2 =	vshra.s32 v1, $0xE;
	v1 =	vand.u32 $0x3FFF, v1  }
0x5e: {  	v2 =	vadd.s32 v0, v2;
	[tilespmem:$0x2950] =	vst v1  }
0x5f: {  	[tilespmem:$0x2850] =	vst v2  }
0x60: {  	v1 =	vld [tilespmem:s22+$0xFFFFFF70];
	_ =	sdelay $0x4  }
0x61: {  	v2 =	vshra.s32 v1, $0xE;
	v1 =	vand.u32 $0x3FFF, v1  }
0x62: {  	v2 =	vadd.s32 v0, v2;
	[tilespmem:$0x2960] =	vst v1  }
0x63: {  	[tilespmem:$0x2860] =	vst v2  }
0x64: {  	v1 =	vld [tilespmem:s22+$0xFFFFFF80];
	_ =	sdelay $0x4  }
0x65: {  	v2 =	vshra.s32 v1, $0xE;
	v1 =	vand.u32 $0x3FFF, v1  }
0x66: {  	v2 =	vadd.s32 v0, v2;
	[tilespmem:$0x2970] =	vst v1  }
0x67: {  	[tilespmem:$0x2870] =	vst v2  }
0x68: {  	[tilespmem:s14], [sflag:$0x1] =	stream.indirect.gather [hbm4b:s4+s12], $0x80, s13, s12, $0xb8;
	[tilespmem:$0x1E600] =	vst v63  }
0x69: {  	_ =	swait.ge [sflag:s19], $0x4000  }
0x6a: {  	[sflag:s19] =	ssyncset.done $0x0  }
0x6b: {  	[sflag:s19] =	ssyncadd.s32 $0xFFFFC000  }
0x6c: {  	[spmem:s2] =	stream.indirect.scatter.add.f32 [tilespmem:s16], [sflag:$0x3], $0x80, s20, s12, $0xb8;
	[tilespmem:$0x1E600] =	vst v63  }
0x6d: {  	_ =	swait.ge [sflag:s11], $0x4000  }
0x6e: {  	[sflag:s11] =	ssyncset.done $0x0  }
0x6f: {  	[sflag:s11] =	ssyncadd.s32 $0xFFFFC000  }
0x70: {  	v1 =	vld [tilespmem:s22+$0xFFFFFF90];
	_ =	sdelay $0x4  }
0x71: {  	v2 =	vshra.s32 v1, $0xE;
	v1 =	vand.u32 $0x3FFF, v1  }
0x72: {  	v2 =	vadd.s32 v0, v2;
	[tilespmem:$0x2980] =	vst v1  }
0x73: {  	[tilespmem:$0x2880] =	vst v2  }
0x74: {  	v1 =	vld [tilespmem:s22+$0xFFFFFFA0];
	_ =	sdelay $0x4  }
0x75: {  	v2 =	vshra.s32 v1, $0xE;
	v1 =	vand.u32 $0x3FFF, v1  }
0x76: {  	v2 =	vadd.s32 v0, v2;
	[tilespmem:$0x2990] =	vst v1  }
0x77: {  	[tilespmem:$0x2890] =	vst v2  }
0x78: {  	v1 =	vld [tilespmem:s22+$0xFFFFFFB0];
	_ =	sdelay $0x4  }
0x79: {  	v2 =	vshra.s32 v1, $0xE;
	v1 =	vand.u32 $0x3FFF, v1  }
0x7a: {  	v2 =	vadd.s32 v0, v2;
	[tilespmem:$0x29A0] =	vst v1  }
0x7b: {  	[tilespmem:$0x28A0] =	vst v2  }
0x7c: {  	v1 =	vld [tilespmem:s22+$0xFFFFFFC0];
	_ =	sdelay $0x4  }
0x7d: {  	v2 =	vshra.s32 v1, $0xE;
	v1 =	vand.u32 $0x3FFF, v1  }
0x7e: {  	v2 =	vadd.s32 v0, v2;
	[tilespmem:$0x29B0] =	vst v1  }
0x7f: {  	[tilespmem:$0x28B0] =	vst v2  }
0x80: {  	v1 =	vld [tilespmem:s22+$0xFFFFFFD0];
	_ =	sdelay $0x4  }
0x81: {  	v2 =	vshra.s32 v1, $0xE;
	v1 =	vand.u32 $0x3FFF, v1  }
0x82: {  	v2 =	vadd.s32 v0, v2;
	[tilespmem:$0x29C0] =	vst v1  }
0x83: {  	[tilespmem:$0x28C0] =	vst v2  }
0x84: {  	v1 =	vld [tilespmem:s22+$0xFFFFFFE0];
	_ =	sdelay $0x4  }
0x85: {  	v2 =	vshra.s32 v1, $0xE;
	v1 =	vand.u32 $0x3FFF, v1  }
0x86: {  	v2 =	vadd.s32 v0, v2;
	[tilespmem:$0x29D0] =	vst v1  }
0x87: {  	[tilespmem:$0x28D0] =	vst v2  }
0x88: {  	v1 =	vld [tilespmem:s22+$0xFFFFFFF0];
	_ =	sdelay $0x4  }
0x89: {  	v2 =	vshra.s32 v1, $0xE;
	v1 =	vand.u32 $0x3FFF, v1  }
0x8a: {  	v2 =	vadd.s32 v0, v2;
	[tilespmem:$0x29E0] =	vst v1  }
0x8b: {  	[tilespmem:$0x28E0] =	vst v2  }
0x8c: {  	v1 =	vld [tilespmem:s22+$0x0];
	_ =	sdelay $0x4  }
0x8d: {  	v2 =	vshra.s32 v1, $0xE;
	v1 =	vand.u32 $0x3FFF, v1  }
0x8e: {  	v2 =	vadd.s32 v0, v2;
	[tilespmem:$0x29F0] =	vst v1  }
0x8f: {  	[tilespmem:$0x28F0] =	vst v2  }
0x90: {  	[tilespmem:s16], [sflag:$0x2] =	stream.indirect.gather [hbm4b:s4+s12], $0x80, s15, s12, $0xb8;
	[tilespmem:$0x1E600] =	vst v63  }
0x91: {  	_ =	swait.ge [sflag:s17], $0x4000  }
0x92: {  	[sflag:s17] =	ssyncset.done $0x0  }
0x93: {  	[sflag:s17] =	ssyncadd.s32 $0xFFFFC000  }
0x94: {  	[spmem:s2] =	stream.indirect.scatter.add.f32 [tilespmem:s14], [sflag:$0x3], $0x80, s18, s12, $0xb8;
	[tilespmem:$0x1E600] =	vst v63  }
0x95: {  	_ =	swait.ge [sflag:s11], $0x4000  }
0x96: {  	s25 =	simm.s32 $0xFC0;
	s22 =	simm.s32 $0xBC0;
	[sflag:s11] =	ssyncset.done $0x0  }
.LBB2_2:
0x97: {  	s24 =	sshra.s32 s22, $0x2  }
0x98: {  	[sflag:s11] =	ssyncadd.s32 $0xFFFFC000;
	s22 =	smov.u32 s25;
	s23 =	sadd.s32 $0x400, s25  }
0x99: {  	p0 =	sne.s32 s25, $0x9FC0;
	v1 =	vld [tilespmem:s24+$0xFFFFFF10];
	_ =	sdelay $0x4  }
0x9a: {  	v2 =	vshra.s32 v1, $0xE;
	v1 =	vand.u32 $0x3FFF, v1  }
0x9b: {  	v2 =	vadd.s32 v0, v2;
	[tilespmem:$0x2900] =	vst v1  }
0x9c: {  	[tilespmem:$0x2800] =	vst v2  }
0x9d: {  	v1 =	vld [tilespmem:s24+$0xFFFFFF20];
	_ =	sdelay $0x4  }
0x9e: {  	v2 =	vshra.s32 v1, $0xE;
	v1 =	vand.u32 $0x3FFF, v1  }
0x9f: {  	v2 =	vadd.s32 v0, v2;
	[tilespmem:$0x2910] =	vst v1  }
0xa0: {  	[tilespmem:$0x2810] =	vst v2  }
0xa1: {  	v1 =	vld [tilespmem:s24+$0xFFFFFF30];
	_ =	sdelay $0x4  }
0xa2: {  	v2 =	vshra.s32 v1, $0xE;
	v1 =	vand.u32 $0x3FFF, v1  }
0xa3: {  	v2 =	vadd.s32 v0, v2;
	[tilespmem:$0x2920] =	vst v1  }
0xa4: {  	[tilespmem:$0x2820] =	vst v2  }
0xa5: {  	v1 =	vld [tilespmem:s24+$0xFFFFFF40];
	_ =	sdelay $0x4  }
0xa6: {  	v2 =	vshra.s32 v1, $0xE;
	v1 =	vand.u32 $0x3FFF, v1  }
0xa7: {  	v2 =	vadd.s32 v0, v2;
	[tilespmem:$0x2930] =	vst v1  }
0xa8: {  	[tilespmem:$0x2830] =	vst v2  }
0xa9: {  	v1 =	vld [tilespmem:s24+$0xFFFFFF50];
	_ =	sdelay $0x4  }
0xaa: {  	v2 =	vshra.s32 v1, $0xE;
	v1 =	vand.u32 $0x3FFF, v1  }
0xab: {  	v2 =	vadd.s32 v0, v2;
	[tilespmem:$0x2940] =	vst v1  }
0xac: {  	[tilespmem:$0x2840] =	vst v2  }
0xad: {  	v1 =	vld [tilespmem:s24+$0xFFFFFF60];
	_ =	sdelay $0x4  }
0xae: {  	v2 =	vshra.s32 v1, $0xE;
	v1 =	vand.u32 $0x3FFF, v1  }
0xaf: {  	v2 =	vadd.s32 v0, v2;
	[tilespmem:$0x2950] =	vst v1  }
0xb0: {  	[tilespmem:$0x2850] =	vst v2  }
0xb1: {  	v1 =	vld [tilespmem:s24+$0xFFFFFF70];
	_ =	sdelay $0x4  }
0xb2: {  	v2 =	vshra.s32 v1, $0xE;
	v1 =	vand.u32 $0x3FFF, v1  }
0xb3: {  	v2 =	vadd.s32 v0, v2;
	[tilespmem:$0x2960] =	vst v1  }
0xb4: {  	[tilespmem:$0x2860] =	vst v2  }
0xb5: {  	v1 =	vld [tilespmem:s24+$0xFFFFFF80];
	_ =	sdelay $0x4  }
0xb6: {  	v2 =	vshra.s32 v1, $0xE;
	v1 =	vand.u32 $0x3FFF, v1  }
0xb7: {  	v2 =	vadd.s32 v0, v2;
	[tilespmem:$0x2970] =	vst v1  }
0xb8: {  	[tilespmem:$0x2870] =	vst v2  }
0xb9: {  	[tilespmem:s14], [sflag:$0x1] =	stream.indirect.gather [hbm4b:s4+s12], $0x80, s13, s12, $0xb8;
	[tilespmem:$0x1E600] =	vst v63  }
0xba: {  	_ =	swait.ge [sflag:s19], $0x4000  }
0xbb: {  	[sflag:s19] =	ssyncset.done $0x0  }
0xbc: {  	[sflag:s19] =	ssyncadd.s32 $0xFFFFC000  }
0xbd: {  	[spmem:s2] =	stream.indirect.scatter.add.f32 [tilespmem:s16], [sflag:$0x3], $0x80, s20, s12, $0xb8;
	[tilespmem:$0x1E600] =	vst v63  }
0xbe: {  	_ =	swait.ge [sflag:s11], $0x4000  }
0xbf: {  	[sflag:s11] =	ssyncset.done $0x0  }
0xc0: {  	[sflag:s11] =	ssyncadd.s32 $0xFFFFC000  }
0xc1: {  	v1 =	vld [tilespmem:s24+$0xFFFFFF90];
	_ =	sdelay $0x4  }
0xc2: {  	v2 =	vshra.s32 v1, $0xE;
	v1 =	vand.u32 $0x3FFF, v1  }
0xc3: {  	v2 =	vadd.s32 v0, v2;
	[tilespmem:$0x2980] =	vst v1  }
0xc4: {  	[tilespmem:$0x2880] =	vst v2  }
0xc5: {  	v1 =	vld [tilespmem:s24+$0xFFFFFFA0];
	_ =	sdelay $0x4  }
0xc6: {  	v2 =	vshra.s32 v1, $0xE;
	v1 =	vand.u32 $0x3FFF, v1  }
0xc7: {  	v2 =	vadd.s32 v0, v2;
	[tilespmem:$0x2990] =	vst v1  }
0xc8: {  	[tilespmem:$0x2890] =	vst v2  }
0xc9: {  	v1 =	vld [tilespmem:s24+$0xFFFFFFB0];
	_ =	sdelay $0x4  }
0xca: {  	v2 =	vshra.s32 v1, $0xE;
	v1 =	vand.u32 $0x3FFF, v1  }
0xcb: {  	v2 =	vadd.s32 v0, v2;
	[tilespmem:$0x29A0] =	vst v1  }
0xcc: {  	[tilespmem:$0x28A0] =	vst v2  }
0xcd: {  	v1 =	vld [tilespmem:s24+$0xFFFFFFC0];
	_ =	sdelay $0x4  }
0xce: {  	v2 =	vshra.s32 v1, $0xE;
	v1 =	vand.u32 $0x3FFF, v1  }
0xcf: {  	v2 =	vadd.s32 v0, v2;
	[tilespmem:$0x29B0] =	vst v1  }
0xd0: {  	[tilespmem:$0x28B0] =	vst v2  }
0xd1: {  	v1 =	vld [tilespmem:s24+$0xFFFFFFD0];
	_ =	sdelay $0x4  }
0xd2: {  	v2 =	vshra.s32 v1, $0xE;
	v1 =	vand.u32 $0x3FFF, v1  }
0xd3: {  	v2 =	vadd.s32 v0, v2;
	[tilespmem:$0x29C0] =	vst v1  }
0xd4: {  	[tilespmem:$0x28C0] =	vst v2  }
0xd5: {  	v1 =	vld [tilespmem:s24+$0xFFFFFFE0];
	_ =	sdelay $0x4  }
0xd6: {  	v2 =	vshra.s32 v1, $0xE;
	v1 =	vand.u32 $0x3FFF, v1  }
0xd7: {  	v2 =	vadd.s32 v0, v2;
	[tilespmem:$0x29D0] =	vst v1  }
0xd8: {  	[tilespmem:$0x28D0] =	vst v2  }
0xd9: {  	v1 =	vld [tilespmem:s24+$0xFFFFFFF0];
	_ =	sdelay $0x4  }
0xda: {  	v2 =	vshra.s32 v1, $0xE;
	v1 =	vand.u32 $0x3FFF, v1  }
0xdb: {  	v2 =	vadd.s32 v0, v2;
	[tilespmem:$0x29E0] =	vst v1  }
0xdc: {  	[tilespmem:$0x28E0] =	vst v2  }
0xdd: {  	v1 =	vld [tilespmem:s24+$0x0];
	_ =	sdelay $0x4  }
0xde: {  	v2 =	vshra.s32 v1, $0xE;
	v1 =	vand.u32 $0x3FFF, v1  }
0xdf: {  	v2 =	vadd.s32 v0, v2;
	[tilespmem:$0x29F0] =	vst v1  }
0xe0: {  	[tilespmem:$0x28F0] =	vst v2  }
0xe1: {  	[tilespmem:s16], [sflag:$0x2] =	stream.indirect.gather [hbm4b:s4+s12], $0x80, s15, s12, $0xb8;
	[tilespmem:$0x1E600] =	vst v63  }
0xe2: {  	_ =	swait.ge [sflag:s17], $0x4000  }
.Ltmp0:
0xe3: {  	[sflag:s17] =	ssyncset.done $0x0;
	(pc) =	sbr.rel @p0 .LBB2_2-.Ltmp0, $4  }
0xe4: {  	[sflag:s17] =	ssyncadd.s32 $0xFFFFC000  }
0xe5: {  	[spmem:s2] =	stream.indirect.scatter.add.f32 [tilespmem:s14], [sflag:$0x3], $0x80, s18, s12, $0xb8;
	[tilespmem:$0x1E600] =	vst v63  }
0xe6: {  	_ =	swait.ge [sflag:s11], $0x4000  }
0xe7: {  	s25 =	smov.u32 s23;
	[sflag:s11] =	ssyncset.done $0x0  }
0xe8: {  	s22 =	sshra.s32 s22, $0x2;
	[sflag:s11] =	ssyncadd.s32 $0xFFFFC000  }
0xe9: {  	v1 =	vld [tilespmem:s22+$0xFFFFFF10];
	_ =	sdelay $0x4  }
0xea: {  	v2 =	vshra.s32 v1, $0xE;
	v1 =	vand.u32 $0x3FFF, v1  }
0xeb: {  	v2 =	vadd.s32 v0, v2;
	[tilespmem:$0x2900] =	vst v1  }
0xec: {  	[tilespmem:$0x2800] =	vst v2  }
0xed: {  	v1 =	vld [tilespmem:s22+$0xFFFFFF20];
	_ =	sdelay $0x4  }
0xee: {  	v2 =	vshra.s32 v1, $0xE;
	v1 =	vand.u32 $0x3FFF, v1  }
0xef: {  	v2 =	vadd.s32 v0, v2;
	[tilespmem:$0x2910] =	vst v1  }
0xf0: {  	[tilespmem:$0x2810] =	vst v2  }
0xf1: {  	v1 =	vld [tilespmem:s22+$0xFFFFFF30];
	_ =	sdelay $0x4  }
0xf2: {  	v2 =	vshra.s32 v1, $0xE;
	v1 =	vand.u32 $0x3FFF, v1  }
0xf3: {  	v2 =	vadd.s32 v0, v2;
	[tilespmem:$0x2920] =	vst v1  }
0xf4: {  	[tilespmem:$0x2820] =	vst v2  }
0xf5: {  	v1 =	vld [tilespmem:s22+$0xFFFFFF40];
	_ =	sdelay $0x4  }
0xf6: {  	v2 =	vshra.s32 v1, $0xE;
	v1 =	vand.u32 $0x3FFF, v1  }
0xf7: {  	v2 =	vadd.s32 v0, v2;
	[tilespmem:$0x2930] =	vst v1  }
0xf8: {  	[tilespmem:$0x2830] =	vst v2  }
0xf9: {  	v1 =	vld [tilespmem:s22+$0xFFFFFF50];
	_ =	sdelay $0x4  }
0xfa: {  	v2 =	vshra.s32 v1, $0xE;
	v1 =	vand.u32 $0x3FFF, v1  }
0xfb: {  	v2 =	vadd.s32 v0, v2;
	[tilespmem:$0x2940] =	vst v1  }
0xfc: {  	[tilespmem:$0x2840] =	vst v2  }
0xfd: {  	v1 =	vld [tilespmem:s22+$0xFFFFFF60];
	_ =	sdelay $0x4  }
0xfe: {  	v2 =	vshra.s32 v1, $0xE;
	v1 =	vand.u32 $0x3FFF, v1  }
0xff: {  	v2 =	vadd.s32 v0, v2;
	[tilespmem:$0x2950] =	vst v1  }
0x100: {  	[tilespmem:$0x2850] =	vst v2  }
0x101: {  	v1 =	vld [tilespmem:s22+$0xFFFFFF70];
	_ =	sdelay $0x4  }
0x102: {  	v2 =	vshra.s32 v1, $0xE;
	v1 =	vand.u32 $0x3FFF, v1  }
0x103: {  	v2 =	vadd.s32 v0, v2;
	[tilespmem:$0x2960] =	vst v1  }
0x104: {  	[tilespmem:$0x2860] =	vst v2  }
0x105: {  	v1 =	vld [tilespmem:s22+$0xFFFFFF80];
	_ =	sdelay $0x4  }
0x106: {  	v2 =	vshra.s32 v1, $0xE;
	v1 =	vand.u32 $0x3FFF, v1  }
0x107: {  	v2 =	vadd.s32 v0, v2;
	[tilespmem:$0x2970] =	vst v1  }
0x108: {  	[tilespmem:$0x2870] =	vst v2  }
0x109: {  	[tilespmem:s14], [sflag:$0x1] =	stream.indirect.gather [hbm4b:s4+s12], $0x80, s13, s12, $0xb8;
	[tilespmem:$0x1E600] =	vst v63  }
0x10a: {  	_ =	swait.ge [sflag:s19], $0x4000  }
0x10b: {  	[sflag:s19] =	ssyncset.done $0x0  }
0x10c: {  	[sflag:s19] =	ssyncadd.s32 $0xFFFFC000  }
0x10d: {  	[spmem:s2] =	stream.indirect.scatter.add.f32 [tilespmem:s16], [sflag:$0x3], $0x80, s20, s12, $0xb8;
	[tilespmem:$0x1E600] =	vst v63  }
0x10e: {  	_ =	swait.ge [sflag:s11], $0x4000  }
0x10f: {  	[sflag:s11] =	ssyncset.done $0x0  }
0x110: {  	[sflag:s11] =	ssyncadd.s32 $0xFFFFC000  }
0x111: {  	v1 =	vld [tilespmem:s22+$0xFFFFFF90];
	_ =	sdelay $0x4  }
0x112: {  	v2 =	vshra.s32 v1, $0xE;
	v1 =	vand.u32 $0x3FFF, v1  }
0x113: {  	v2 =	vadd.s32 v0, v2;
	[tilespmem:$0x2980] =	vst v1  }
0x114: {  	[tilespmem:$0x2880] =	vst v2  }
0x115: {  	v1 =	vld [tilespmem:s22+$0xFFFFFFA0];
	_ =	sdelay $0x4  }
0x116: {  	v2 =	vshra.s32 v1, $0xE;
	v1 =	vand.u32 $0x3FFF, v1  }
0x117: {  	v2 =	vadd.s32 v0, v2;
	[tilespmem:$0x2990] =	vst v1  }
0x118: {  	[tilespmem:$0x2890] =	vst v2  }
0x119: {  	v1 =	vld [tilespmem:s22+$0xFFFFFFB0];
	_ =	sdelay $0x4  }
0x11a: {  	v2 =	vshra.s32 v1, $0xE;
	v1 =	vand.u32 $0x3FFF, v1  }
0x11b: {  	v2 =	vadd.s32 v0, v2;
	[tilespmem:$0x29A0] =	vst v1  }
0x11c: {  	[tilespmem:$0x28A0] =	vst v2  }
0x11d: {  	v1 =	vld [tilespmem:s22+$0xFFFFFFC0];
	_ =	sdelay $0x4  }
0x11e: {  	v2 =	vshra.s32 v1, $0xE;
	v1 =	vand.u32 $0x3FFF, v1  }
0x11f: {  	v2 =	vadd.s32 v0, v2;
	[tilespmem:$0x29B0] =	vst v1  }
0x120: {  	[tilespmem:$0x28B0] =	vst v2  }
0x121: {  	v1 =	vld [tilespmem:s22+$0xFFFFFFD0];
	_ =	sdelay $0x4  }
0x122: {  	v2 =	vshra.s32 v1, $0xE;
	v1 =	vand.u32 $0x3FFF, v1  }
0x123: {  	v2 =	vadd.s32 v0, v2;
	[tilespmem:$0x29C0] =	vst v1  }
0x124: {  	[tilespmem:$0x28C0] =	vst v2  }
0x125: {  	v1 =	vld [tilespmem:s22+$0xFFFFFFE0];
	_ =	sdelay $0x4  }
0x126: {  	v2 =	vshra.s32 v1, $0xE;
	v1 =	vand.u32 $0x3FFF, v1  }
0x127: {  	v2 =	vadd.s32 v0, v2;
	[tilespmem:$0x29D0] =	vst v1  }
0x128: {  	[tilespmem:$0x28D0] =	vst v2  }
0x129: {  	v1 =	vld [tilespmem:s22+$0xFFFFFFF0];
	_ =	sdelay $0x4  }
0x12a: {  	v2 =	vshra.s32 v1, $0xE;
	v1 =	vand.u32 $0x3FFF, v1  }
0x12b: {  	v2 =	vadd.s32 v0, v2;
	[tilespmem:$0x29E0] =	vst v1  }
0x12c: {  	[tilespmem:$0x28E0] =	vst v2  }
0x12d: {  	v1 =	vld [tilespmem:s22+$0x0];
	_ =	sdelay $0x4  }
0x12e: {  	v2 =	vshra.s32 v1, $0xE;
	v1 =	vand.u32 $0x3FFF, v1  }
0x12f: {  	v2 =	vadd.s32 v0, v2;
	[tilespmem:$0x29F0] =	vst v1  }
0x130: {  	[tilespmem:$0x28F0] =	vst v2  }
0x131: {  	[tilespmem:s16], [sflag:$0x2] =	stream.indirect.gather [hbm4b:s4+s12], $0x80, s15, s12, $0xb8;
	[tilespmem:$0x1E600] =	vst v63  }
0x132: {  	_ =	swait.ge [sflag:s17], $0x4000  }
0x133: {  	[sflag:s17] =	ssyncset.done $0x0  }
0x134: {  	[sflag:s17] =	ssyncadd.s32 $0xFFFFC000  }
0x135: {  	[spmem:s2] =	stream.indirect.scatter.add.f32 [tilespmem:s14], [sflag:$0x3], $0x80, s18, s12, $0xb8;
	[tilespmem:$0x1E600] =	vst v63  }
0x136: {  	_ =	swait.ge [sflag:s11], $0x4000  }
0x137: {  	[sflag:s11] =	ssyncset.done $0x0  }
0x138: {  	[sflag:s11] =	ssyncadd.s32 $0xFFFFC000  }
0x139: {  	_ =	swait.ge [sflag:s19], $0x4000  }
0x13a: {  	[sflag:s19] =	ssyncset.done $0x0  }
0x13b: {  	[sflag:s19] =	ssyncadd.s32 $0xFFFFC000  }
0x13c: {  	[spmem:s2] =	stream.indirect.scatter.add.f32 [tilespmem:s16], [sflag:$0x3], $0x80, s20, s12, $0xb8;
	[tilespmem:$0x1E600] =	vst v63  }
0x13d: {  	_ =	swait.ge [sflag:s11], $0x4000  }
0x13e: {  	s21 =	sadd.s32 $0x1, s21;
	[sflag:s11] =	ssyncset.done $0x0  }
0x13f: {  	p0 =	sne.s32 s21, s8;
	[sflag:s11] =	ssyncadd.s32 $0xFFFFC000  }
.Ltmp1:
0x140: {  	[bflag:$0x0] =	sbarrier.arrive $0xFFFF;
	(pc) =	sbr.rel @p0 .LBB2_1-.Ltmp1, $4  }
0x141: {  	[hbm:s9], [sflag:s6] =	dma.local [spmem:s10], $0x2780  }
0x142: {  	_ =	swait.ge [sflag:s11], $0x2780  }
0x143: {  	[sflag:s11] =	ssyncset.done $0x0  }
0x144: {  	[sflag:s11] =	ssyncadd.s32 $0xFFFFD880  }
0x145: {  	_ =	sfence.sel $0x180000  }
0x146: {  	[bflag:$0x0] =	sbarrier.arrive $0xFFFF  }
0x147: {  	p0 =	sne.s32 s1, $0x0;
	_ =	strace $0x90000047  }
0x148: {  	s0 =	sadd.s32 @!p0 $0x100000, s0;
	[bflag:$0x2] =	sbarrier.arrive $0xFFFF  }
0x149: {  	[sflag:s0] =	ssyncadd.tile.s32 @!p0 $0x1;
	_ =	shalt  }
.Lfunc_end2:
_tile_overlayer_lowered:
.L_overlay_start_2:
0x14a: {  	(tag) =	ssettag $0x2  }
0x14b: {  	s0 =	rddreg [dreg:$0x0];
	s2 =	stileid.u32  }
0x14c: {  	s1 =	rddreg [dreg:$0x1];
	p0 =	sne.s32 s2, $0x0  }
0x14d: {  	s3 =	rddreg [dreg:$0x2];
	[bflag:$0x3] =	sbarrier.arrive $0xFFFF;
	s2 =	simm.s32 @!p0 $0x1C03  }
0x14e: {  	[timem:s3], [sflag:s2] =	dma.local @!p0 [hbm:s0], s1  }
0x14f: {  	s0 =	simm.s32 @!p0 $0x3  }
0x150: {  	_ =	swait.ge @!p0 [sflag:s0], s1  }
0x151: {  	s1 =	ssub.s32 @!p0 $0x0, s1;
	[sflag:s0] =	ssyncset.done @!p0 $0x0  }
0x152: {  	[sflag:s0] =	ssyncadd.s32 @!p0 s1  }
0x153: {  	[bflag:$0x3] =	sbarrier.arrive $0xFFFF  }
0x154: {  	_ =	shalt  }

// kernel: kernel.17.cloned.1.call-start
scs
__scs_entry_jumppad:
0x0: {  	(pc) =	sbr.rel $0x88, $3  }
0x1: {  	(tag) =	ssettag $0x0;
	lr =	simm.s32 $0x1  }
0x2: {  	[smem:$0x3F92] =	sst lr;
	_ =	strace $0xD0000000  }
0x3: {  	_ = 	snop  }
0x4: {  	_ = 	snop  }
0x5: {  	_ = 	snop  }
0x6: {  	_ = 	snop  }
0x7: {  	_ = 	snop  }
__scs_overlays_trampoline_lowered:
0x8: {  	[smem:$0x3FA1] =	sst s0  }
0x9: {  	[smem:$0x3FA2] =	sst s1  }
0xa: {  	[smem:$0x3FA3] =	sst s2  }
0xb: {  	[smem:$0x3FA4] =	sst s3  }
0xc: {  	[smem:$0x3FA5] =	sst s4  }
0xd: {  	[smem:$0x3FA6] =	sst s5  }
0xe: {  	[smem:$0x3FA7] =	sst s6  }
0xf: {  	[smem:$0x3FA8] =	sst s7  }
0x10: {  	[smem:$0x3FA9] =	sst s8  }
0x11: {  	[smem:$0x3FAA] =	sst s9;
	s0 =	simm.s32 @!p0 $0x0  }
0x12: {  	s1 =	sld [smem:$0x3F90];
	s0 =	simm.s32 @p0 $0x1  }
0x13: {  	[smem:$0x3FAB] =	sst s0;
	s0 =	simm.s32 @!p1 $0x0  }
0x14: {  	s2 =	sld [smem:$0x3F8F];
	s0 =	simm.s32 @p1 $0x1  }
0x15: {  	[smem:$0x3FAC] =	sst s0;
	s0 =	simm.s32 @!p2 $0x0  }
0x16: {  	s3 =	sld [smem:$0x3FDB];
	s0 =	simm.s32 @p2 $0x1  }
0x17: {  	s4 =	simm.s32 $0x1BF5;
	[smem:$0x3FAE] =	sst s0  }
0x18: {  	s0 =	sld [smem:$0x3F91];
	_ =	swait.ge [sflag:s4], $0x0  }
0x19: {  	s7 =	sld [smem:$0x3F92]  }
0x1a: {  	s8 =	sadd.s32 $0xFFFFE003, lr  }
0x1b: {  	s9 =	sadd.s32 $0xFFFFFEF7, lr;
	s5 =	simm.s32 $0xFFFFFFFF;
	p2 =	slt.u32 s8, $0xFFFFF086  }
0x1c: {  	p1 =	slt.u32 s9, $0xF7A;
	s5 =	simm.s32 @!p2 $0x0  }
0x1d: {  	s5 =	simm.s32 @p1 $0x1;
	p0 =	seq.s32 s7, s2  }
0x1e: {  	s7 =	smul.u32 @!p0 $0xF7A, s2;
	p2 =	seq.s32 @!p0 s5, $0x0  }
0x1f: {  	s9 =	smul.u32 $0xF7A, s1;
	s8 =	simm.s32 @!p0 $0x1BF5;
	p2 =	por !p2, p0  }
0x20: {  	[sflag:s8] =	ssyncset.s32 @!p0 $0xFFFFF086;
	s6 =	sadd.s32 @!p0 s3, s7;
	s7 =	simm.s32 @!p0 $0x108  }
0x21: {  	s3 =	sadd.s32 s3, s9;
	s6 =	sadd.s32 @!p0 $0x88, s6;
	s7 =	simm.s32 @p2 $0x1082  }
0x22: {  	[simem:s7], [sflag:s8] =	dma.local @!p0 [hbm:s6], $0xF7A  }
0x23: {  	s9 =	sor.u32 $0xD0000000, s2;
	s6 =	simm.s32 $0x108;
	_ =	swait.ge @!p0 [sflag:s8], $0x0  }
0x24: {  	s3 =	sadd.s32 $0x88, s3;
	s6 =	simm.s32 @!p1 $0x1082;
	[sflag:s4] =	ssyncset.s32 $0xFFFFF086  }
0x25: {  	[simem:s6], [sflag:s4] =	dma.local [hbm:s3], $0xF7A  }
0x26: {  	[smem:$0x3F92] =	sst s1;
	(tag) =	ssettag s2;
	_ =	strace s9  }
0x27: {  	s1 =	sld [smem:$0x3FA2]  }
0x28: {  	s2 =	sld [smem:$0x3FA3]  }
0x29: {  	s4 =	sld [smem:$0x3FA5]  }
0x2a: {  	p0 =	seq.s32 s5, $0x0;
	s5 =	sld [smem:$0x3FA6]  }
0x2b: {  	s6 =	sld [smem:$0x3FA7]  }
0x2c: {  	s7 =	sld [smem:$0x3FA8]  }
0x2d: {  	s3 =	simm.s32 $0x108;
	s8 =	sld [smem:$0x3FA9]  }
0x2e: {  	s3 =	simm.s32 @!p0 $0x1082;
	s9 =	sld [smem:$0x3FAA]  }
0x2f: {  	lr =	sadd.s32 s0, s3;
	s0 =	sld [smem:$0x3FA1]  }
0x30: {  	s3 =	sld [smem:$0x3FA4]  }
0x31: {  	[smem:$0x3FAD] =	sst s10  }
0x32: {  	s10 =	sld [smem:$0x3FAB];
	_ =	sdelay $0x3  }
0x33: {  	p0 =	seq.s32 s10, $0x1;
	s10 =	sld [smem:$0x3FAD];
	_ =	sdelay $0x3  }
0x34: {  	[smem:$0x3FAD] =	sst s10  }
0x35: {  	s10 =	sld [smem:$0x3FAC];
	_ =	sdelay $0x3  }
0x36: {  	p1 =	seq.s32 s10, $0x1;
	s10 =	sld [smem:$0x3FAD];
	_ =	sdelay $0x3  }
0x37: {  	[smem:$0x3FAD] =	sst s10  }
0x38: {  	s10 =	sld [smem:$0x3FAE]  }
0x39: {  	_ = 	snop;
	(pc) =	sbr.ind lr, $3  }
0x3a: {  	_ = 	snop  }
0x3b: {  	_ = 	snop  }
0x3c: {  	p2 =	seq.s32 s10, $0x1;
	s10 =	sld [smem:$0x3FAD]  }
0x3d: {  	_ =	shalt  }
0x3e: {  	_ =	shalt  }
0x3f: {  	_ =	shalt  }
0x40: {  	_ =	shalt  }
0x41: {  	_ =	shalt  }
0x42: {  	_ =	shalt  }
0x43: {  	_ =	shalt  }
0x44: {  	_ =	shalt  }
0x45: {  	_ =	shalt  }
0x46: {  	_ =	shalt  }
0x47: {  	_ =	shalt  }
0x48: {  	_ =	shalt  }
0x49: {  	_ =	shalt  }
0x4a: {  	_ =	shalt  }
0x4b: {  	_ =	shalt  }
0x4c: {  	_ =	shalt  }
0x4d: {  	_ =	shalt  }
0x4e: {  	_ =	shalt  }
0x4f: {  	_ =	shalt  }
0x50: {  	_ =	shalt  }
0x51: {  	_ =	shalt  }
0x52: {  	_ =	shalt  }
0x53: {  	_ =	shalt  }
0x54: {  	_ =	shalt  }
0x55: {  	_ =	shalt  }
0x56: {  	_ =	shalt  }
0x57: {  	_ =	shalt  }
0x58: {  	_ =	shalt  }
0x59: {  	_ =	shalt  }
0x5a: {  	_ =	shalt  }
0x5b: {  	_ =	shalt  }
0x5c: {  	_ =	shalt  }
0x5d: {  	_ =	shalt  }
0x5e: {  	_ =	shalt  }
0x5f: {  	_ =	shalt  }
0x60: {  	_ =	shalt  }
0x61: {  	_ =	shalt  }
0x62: {  	_ =	shalt  }
0x63: {  	_ =	shalt  }
0x64: {  	_ =	shalt  }
0x65: {  	_ =	shalt  }
0x66: {  	_ =	shalt  }
0x67: {  	_ =	shalt  }
0x68: {  	_ =	shalt  }
0x69: {  	_ =	shalt  }
0x6a: {  	_ =	shalt  }
0x6b: {  	_ =	shalt  }
0x6c: {  	_ =	shalt  }
0x6d: {  	_ =	shalt  }
0x6e: {  	_ =	shalt  }
0x6f: {  	_ =	shalt  }
0x70: {  	_ =	shalt  }
0x71: {  	_ =	shalt  }
0x72: {  	_ =	shalt  }
0x73: {  	_ =	shalt  }
0x74: {  	_ =	shalt  }
0x75: {  	_ =	shalt  }
0x76: {  	_ =	shalt  }
0x77: {  	_ =	shalt  }
0x78: {  	_ =	shalt  }
0x79: {  	_ =	shalt  }
0x7a: {  	_ =	shalt  }
0x7b: {  	_ =	shalt  }
0x7c: {  	_ =	shalt  }
0x7d: {  	_ =	shalt  }
0x7e: {  	_ =	shalt  }
0x7f: {  	_ =	shalt  }
0x80: {  	_ =	shalt  }
0x81: {  	_ =	shalt  }
0x82: {  	_ =	shalt  }
0x83: {  	_ =	shalt  }
0x84: {  	_ =	shalt  }
0x85: {  	_ =	shalt  }
0x86: {  	_ =	shalt  }
0x87: {  	_ =	shalt  }
.Lfunc_end0:
.L_simem_size_0:
called_computation.1_lowered:
.L_overlay_start_0:
0x88: {  	s2 =	sld [smem:$0x3FD9]  }
0x89: {  	s3 =	sld [smem:$0x3FFE];
	_ =	sdelay $0x1  }
0x8a: {  	s1 =	srdreg.scid  }
0x8b: {  	s0 =	sand.u32 $0x1, s1  }
0x8c: {  	s16 =	sshll.u32 s0, $0xA;
	s2 =	sadd.s32 s3, s2  }
0x8d: {  	s2 =	sadd.s32 s2, s16  }
0x8e: {  	[smem:$0x3FB9] =	sst s2  }
0x8f: {  	_ = 	snop  }
0x90: {  	(tm) =	ssettm $0x1  }
0x91: {  	s17 =	sld [smem:$0x3FFB];
	_ =	sdelay $0x3  }
0x92: {  	_ =	strace s17  }
0x93: {  	s2 =	sld [smem:$0x3FFC];
	_ =	sdelay $0x3  }
0x94: {  	_ =	strace s2  }
0x95: {  	s2 =	sld [smem:$0x3FFD];
	_ =	sdelay $0x3  }
0x96: {  	_ =	strace s2  }
0x97: {  	_ =	strace $0x8FFFFFFF  }
0x98: {  	s18 =	sld [smem:$0x3FDB];
	_ =	sdelay $0x1  }
0x99: {  	s19 =	simm.s32 $_scs_section_size  }
0x9a: {  	s4 =	simm.s32 $_size__tile_overlayer_lowered;
	s5 =	simm.s32 $_tile_overlayer_lowered  }
0x9b: {  	s22 =	simm.s32 $0x1BFF;
	s21 =	sshll.u32 s5, $0x1;
	s2 =	sadd.s32 s19, s18  }
0x9c: {  	s6 =	simm.s32 $0x0;
	s20 =	sshll.u32 s4, $0x1;
	s4 =	sadd.s32 s21, s2  }
0x9d: {  	[timem:s6], [sflag:s22] =	dma.local [hbm:s4], s20  }
0x9e: {  	_ =	swait.ge [sflag:s22], s20  }
0x9f: {  	s3 =	ssub.s32 $0x0, s20;
	[sflag:s22] =	ssyncset.done $0x0  }
0xa0: {  	[sflag:s22] =	ssyncadd.s32 s3;
	_ =	sdelay $0x1  }
0xa1: {  	s23 =	simm.s32 $0x1B8B  }
0xa2: {  	_ =	swait.ge [sflag:s23], $0x1  }
0xa3: {  	[sflag:s23] =	ssyncset.done $0x0  }
0xa4: {  	s25 =	simm.s32 $0x1B8E;
	s24 =	sld [smem:$0x3FFE];
	[sflag:s23] =	ssyncadd.s32 $0xFFFFFFFF  }
0xa5: {  	s26 =	simm.s32 $execute0_lowered;
	[smem:$0x3FD2] =	sst s25  }
0xa6: {  	s4 =	sshll.u32 s26, $0x1;
	_ =	strace $0x80000049;
	[dreg:$0x1] =	wrdreg $0xFFFFFFFF  }
0xa7: {  	s28 =	simm.s32 $_size_execute0_lowered;
	s2 =	sadd.s32 s2, s4;
	[dreg:$0x0] =	wrdreg $0x0  }
0xa8: {  	s4 =	sshll.u32 s28, $0x1;
	[dreg:$0x2] =	wrdreg s2  }
0xa9: {  	[dreg:$0x3] =	wrdreg s4  }
0xaa: {  	[dreg:$0x4] =	wrdreg $0xC0  }
0xab: {  	_ =	task [dreg:s6], $0x5FFFF  }
0xac: {  	[dreg:$0x1] =	wrdreg $0xFFFFFFFF  }
0xad: {  	[dreg:$0x0] =	wrdreg $0x60  }
0xae: {  	[dreg:$0x2] =	wrdreg s24  }
0xaf: {  	[dreg:$0x3] =	wrdreg $0xAA000  }
0xb0: {  	[dreg:$0x4] =	wrdreg $0x9  }
0xb1: {  	_ =	task.clear_ibuf [dreg:s6], $0x5FFFF;
	_ =	strace $0x90000049  }
0xb2: {  	s29 =	simm.s32 $0x9;
	_ =	strace $0x8000004B  }
0xb3: {  	_ =	swait.ge [sflag:s29], $0x1  }
0xb4: {  	[sflag:s29] =	ssyncadd.s32 $0xFFFFFFFF  }
0xb5: {  	_ =	strace $0x9000004B  }
0xb6: {  	_ =	sfence  }
0xb7: {  	s30 =	sld [smem:$0x0];
	_ =	sdelay $0x2  }
0xb8: {  	s31 =	sshll.u32 s1, $0xD;
	s1 =	sshrl.u32 s1, $0x2  }
0xb9: {  	s3 =	sand.u32 $0x4000, s31;
	s1 =	sadd.s32 s1, s30  }
0xba: {  	s0 =	sor.u32 s3, s0;
	s1 =	sshll.u32 s1, $0x11  }
0xbb: {  	s0 =	sor.u32 s1, s0  }
0xbc: {  	s0 =	sadd.s32 $0x8F2B, s0  }
0xbd: {  	[sflag:s0] =	ssyncadd.remote.s32 $0x1  }
0xbe: {  	_ =	sfence.sel $0xFFFF  }
0xbf: {  	[dreg:$0x0] =	wrdreg $0xFFFFFFFF;
	(pc) =	sbr.abs _section_cstart, $3  }
0xc0: {  	[dreg:$0x1] =	wrdreg $0xFFFFFFFF  }
0xc1: {  	_ =	task.clear_ibuf [dreg:s6], $0x2FFFF;
	_ =	strace $0x9FFFFFFF  }
0xc2: {  	(tm) =	ssettm $0x7FFFFFFF  }
0xc3: {  	_ =	shalt  }
tec
execute0_lowered:
.L_overlay_start_1:
0x0: {  	(tag) =	ssettag $0x1  }
0x1: {  	s5 =	rddreg [dreg:$0x0]  }
0x2: {  	s2 =	rddreg [dreg:$0x1]  }
0x3: {  	s0 =	rddreg [dreg:$0x2];
	s3 =	simm.s32 $0x0;
	s1 =	stileid.u32  }
0x4: {  	s7 =	srdreg.scid;
	s14 =	simm.s32 $0x2A00;
	s15 =	simm.s32 $0x2880  }
0x5: {  	s16 =	simm.s32 $0x6A00;
	s17 =	simm.s32 $0x1;
	s18 =	simm.s32 $0x2900  }
0x6: {  	s20 =	simm.s32 $0x2980;
	s21 =	simm.s32 $0x0;
	s6 =	smul.u32 $0x13C00, s1  }
0x7: {  	[smem:$0x7FF] =	sst s3;
	s4 =	sadd.s32 $0x7800, s5;
	s8 =	smul.u32 $0x500, s1  }
0x8: {  	s10 =	sand.u32 $0x1, s7;
	s11 =	smul.u32 $0x4F000, s1;
	s31 =	sshll.u32 s1, $0x6  }
0x9: {  	_ =	strace $0x8000004A;
	p0 =	seq.s32 s10, $0x1;
	s26 =	ssub.s32 $0x2, s10  }
0xa: {  	s19 =	smul.u32 $0x15F90, s10;
	s6 =	sshrl.u32 s6, $0x3;
	s8 =	sadd.s32 s8, s5  }
0xb: {  	s28 =	sshrl.u32 s26, $0x1;
	s29 =	sshrl.u32 s11, $0x2;
	s11 =	simm.s32 $0x3  }
0xc: {  	s9 =	sadd.s32 s6, s5;
	s7 =	sadd.s32 $0x27800, s6;
	s30 =	ssub.s32 s26, s28  }
0xd: {  	s13 =	sadd.s32 s29, s2;
	v0 =	vmov s19;
	s19 =	simm.s32 $0x2;
	s6 =	smov.u32 @p0 s7  }
0xe: {  	s7 =	sadd.s32 $0x2800, s8;
	s8 =	smax.u32 s30, $0x1;
	s10 =	sshrl.u32 s13, $0x3  }
0xf: {  	s13 =	simm.s32 $0x2800;
	s12 =	sadd.s32 s6, s5;
	s5 =	sadd.s32 $0x2C6A00, s9  }
0x10: {  	s6 =	sor.u32 $0x1C03, s31;
	s9 =	sadd.s32 $0x2EE200, s12;
	s12 =	simm.s32 $0x80  }
.LBB2_1:
0x11: {  	[spmem:s10], [sflag:s6] =	dma.local [hbm:s5], $0x2780  }
0x12: {  	_ =	swait.ge [sflag:s11], $0x2780  }
0x13: {  	[sflag:s11] =	ssyncset.done $0x0  }
0x14: {  	[sflag:s11] =	ssyncadd.s32 $0xFFFFD880  }
0x15: {  	[tilespmem:s3], [sflag:$0x3] =	stream.linear.gather [hbm4b:s7+s3], $0x2800, $0x38;
	[tilespmem:$0x1E600] =	vst v63  }
0x16: {  	_ =	swait.ge [sflag:s11], $0x2800  }
0x17: {  	[sflag:s11] =	ssyncset.done $0x0  }
0x18: {  	[sflag:s11] =	ssyncadd.s32 $0xFFFFD800  }
0x19: {  	[bflag:$0x0] =	sbarrier.arrive $0xFFFF  }
0x1a: {  	v1 =	vld [tilespmem:$0x0]  }
0x1b: {  	v2 =	vld [tilespmem:$0x10];
	_ =	sdelay $0x1  }
0x1c: {  	v3 =	vld [tilespmem:$0x20];
	_ =	sdelay $0x1  }
0x1d: {  	v5 =	vld [tilespmem:$0x30];
	v4 =	vshra.s32 v1, $0xE;
	v1 =	vand.u32 $0x3FFF, v1  }
0x1e: {  	v51 =	vshra.s32 v2, $0xE;
	v4 =	vadd.s32 v0, v4;
	[tilespmem:$0x2900] =	vst v1  }
0x1f: {  	v52 =	vld [tilespmem:$0x40];
	v1 =	vadd.s32 v0, v51;
	[tilespmem:$0x2800] =	vst v4  }
0x20: {  	[tilespmem:$0x2810] =	vst v1;
	v1 =	vand.u32 $0x3FFF, v2;
	v2 =	vshra.s32 v3, $0xE  }
0x21: {  	[tilespmem:$0x2910] =	vst v1;
	v1 =	vadd.s32 v0, v2;
	v2 =	vld [tilespmem:$0x50]  }
0x22: {  	[tilespmem:$0x2820] =	vst v1;
	v1 =	vand.u32 $0x3FFF, v3;
	v3 =	vshra.s32 v5, $0xE  }
0x23: {  	[tilespmem:$0x2920] =	vst v1;
	v1 =	vadd.s32 v0, v3;
	v3 =	vld [tilespmem:$0x60]  }
0x24: {  	v53 =	vshra.s32 v52, $0xE;
	[tilespmem:$0x2830] =	vst v1;
	v1 =	vand.u32 $0x3FFF, v5  }
0x25: {  	v54 =	vld [tilespmem:$0x70];
	[tilespmem:$0x2930] =	vst v1;
	v1 =	vadd.s32 v0, v53  }
0x26: {  	[tilespmem:$0x2840] =	vst v1;
	v1 =	vand.u32 $0x3FFF, v52;
	v55 =	vshra.s32 v2, $0xE  }
0x27: {  	v56 =	vld [tilespmem:$0x80];
	[tilespmem:$0x2940] =	vst v1;
	v1 =	vadd.s32 v0, v55  }
0x28: {  	[tilespmem:$0x2850] =	vst v1;
	v1 =	vand.u32 $0x3FFF, v2;
	v2 =	vshra.s32 v3, $0xE  }
0x29: {  	[tilespmem:$0x2950] =	vst v1;
	v1 =	vadd.s32 v0, v2;
	v2 =	vld [tilespmem:$0x90]  }
0x2a: {  	[tilespmem:$0x2860] =	vst v1;
	v1 =	vand.u32 $0x3FFF, v3;
	v3 =	vshra.s32 v54, $0xE  }
0x2b: {  	[tilespmem:$0x2960] =	vst v1;
	v1 =	vadd.s32 v0, v3;
	v3 =	vld [tilespmem:$0xA0]  }
0x2c: {  	v57 =	vshra.s32 v56, $0xE;
	[tilespmem:$0x2870] =	vst v1;
	v1 =	vand.u32 $0x3FFF, v54  }
0x2d: {  	v58 =	vld [tilespmem:$0xB0];
	[tilespmem:$0x2970] =	vst v1;
	v1 =	vadd.s32 v0, v57  }
0x2e: {  	[tilespmem:$0x2880] =	vst v1;
	v1 =	vand.u32 $0x3FFF, v56;
	v59 =	vshra.s32 v2, $0xE  }
0x2f: {  	v60 =	vld [tilespmem:$0xC0];
	[tilespmem:$0x2980] =	vst v1;
	v1 =	vadd.s32 v0, v59  }
0x30: {  	[tilespmem:$0x2890] =	vst v1;
	v1 =	vand.u32 $0x3FFF, v2;
	v2 =	vshra.s32 v3, $0xE  }
0x31: {  	[tilespmem:$0x2990] =	vst v1;
	v1 =	vadd.s32 v0, v2;
	v2 =	vld [tilespmem:$0xD0]  }
0x32: {  	[tilespmem:$0x28A0] =	vst v1;
	v1 =	vand.u32 $0x3FFF, v3;
	v3 =	vshra.s32 v58, $0xE  }
0x33: {  	[tilespmem:$0x29A0] =	vst v1;
	v1 =	vadd.s32 v0, v3;
	v3 =	vld [tilespmem:$0xE0]  }
0x34: {  	v61 =	vshra.s32 v60, $0xE;
	[tilespmem:$0x28B0] =	vst v1;
	v1 =	vand.u32 $0x3FFF, v58  }
0x35: {  	v62 =	vld [tilespmem:$0xF0];
	[tilespmem:$0x29B0] =	vst v1;
	v1 =	vadd.s32 v0, v61  }
0x36: {  	[tilespmem:$0x28C0] =	vst v1;
	v1 =	vand.u32 $0x3FFF, v60;
	v63 =	vshra.s32 v2, $0xE  }
0x37: {  	[tilespmem:$0x29C0] =	vst v1;
	v1 =	vadd.s32 v0, v63  }
0x38: {  	[tilespmem:$0x28D0] =	vst v1;
	v1 =	vand.u32 $0x3FFF, v2;
	v2 =	vshra.s32 v3, $0xE  }
0x39: {  	[tilespmem:$0x29D0] =	vst v1;
	v1 =	vadd.s32 v0, v2  }
0x3a: {  	v2 =	vshra.s32 v62, $0xE;
	[tilespmem:$0x28E0] =	vst v1;
	v1 =	vand.u32 $0x3FFF, v3  }
0x3b: {  	[tilespmem:$0x29E0] =	vst v1;
	v1 =	vadd.s32 v0, v2  }
0x3c: {  	[tilespmem:$0x28F0] =	vst v1;
	v1 =	vand.u32 $0x3FFF, v62  }
0x3d: {  	[tilespmem:$0x29F0] =	vst v1  }
0x3e: {  	[tilespmem:s14], [sflag:$0x1] =	stream.indirect.gather [hbm4b:s4+s12], $0x80, s13, s12, $0xb8;
	[tilespmem:$0x1E600] =	vst v63  }
0x3f: {  	_ = 	snop  }
0x40: {  	[tilespmem:s16], [sflag:$0x2] =	stream.indirect.gather [hbm4b:s4+s12], $0x80, s15, s12, $0xb8;
	[tilespmem:$0x1E600] =	vst v63  }
0x41: {  	_ =	swait.ge [sflag:s17], $0x4000  }
0x42: {  	[sflag:s17] =	ssyncset.done $0x0  }
0x43: {  	[sflag:s17] =	ssyncadd.s32 $0xFFFFC000  }
0x44: {  	[spmem:s2] =	stream.indirect.scatter.add.f32 [tilespmem:s14], [sflag:$0x3], $0x80, s18, s12, $0xb8;
	[tilespmem:$0x1E600] =	vst v63  }
0x45: {  	_ =	swait.ge [sflag:s11], $0x4000  }
0x46: {  	[sflag:s11] =	ssyncset.done $0x0  }
0x47: {  	s22 =	simm.s32 $0x1F0;
	[sflag:s11] =	ssyncadd.s32 $0xFFFFC000  }
0x48: {  	v1 =	vld [tilespmem:s22+$0xFFFFFF10];
	_ =	sdelay $0x4  }
0x49: {  	v2 =	vshra.s32 v1, $0xE;
	v1 =	vand.u32 $0x3FFF, v1  }
0x4a: {  	v2 =	vadd.s32 v0, v2;
	[tilespmem:$0x2900] =	vst v1  }
0x4b: {  	[tilespmem:$0x2800] =	vst v2  }
0x4c: {  	v1 =	vld [tilespmem:s22+$0xFFFFFF20];
	_ =	sdelay $0x4  }
0x4d: {  	v2 =	vshra.s32 v1, $0xE;
	v1 =	vand.u32 $0x3FFF, v1  }
0x4e: {  	v2 =	vadd.s32 v0, v2;
	[tilespmem:$0x2910] =	vst v1  }
0x4f: {  	[tilespmem:$0x2810] =	vst v2  }
0x50: {  	v1 =	vld [tilespmem:s22+$0xFFFFFF30];
	_ =	sdelay $0x4  }
0x51: {  	v2 =	vshra.s32 v1, $0xE;
	v1 =	vand.u32 $0x3FFF, v1  }
0x52: {  	v2 =	vadd.s32 v0, v2;
	[tilespmem:$0x2920] =	vst v1  }
0x53: {  	[tilespmem:$0x2820] =	vst v2  }
0x54: {  	v1 =	vld [tilespmem:s22+$0xFFFFFF40];
	_ =	sdelay $0x4  }
0x55: {  	v2 =	vshra.s32 v1, $0xE;
	v1 =	vand.u32 $0x3FFF, v1  }
0x56: {  	v2 =	vadd.s32 v0, v2;
	[tilespmem:$0x2930] =	vst v1  }
0x57: {  	[tilespmem:$0x2830] =	vst v2  }
0x58: {  	v1 =	vld [tilespmem:s22+$0xFFFFFF50];
	_ =	sdelay $0x4  }
0x59: {  	v2 =	vshra.s32 v1, $0xE;
	v1 =	vand.u32 $0x3FFF, v1  }
0x5a: {  	v2 =	vadd.s32 v0, v2;
	[tilespmem:$0x2940] =	vst v1  }
0x5b: {  	[tilespmem:$0x2840] =	vst v2  }
0x5c: {  	v1 =	vld [tilespmem:s22+$0xFFFFFF60];
	_ =	sdelay $0x4  }
0x5d: {  	v2 =	vshra.s32 v1, $0xE;
	v1 =	vand.u32 $0x3FFF, v1  }
0x5e: {  	v2 =	vadd.s32 v0, v2;
	[tilespmem:$0x2950] =	vst v1  }
0x5f: {  	[tilespmem:$0x2850] =	vst v2  }
0x60: {  	v1 =	vld [tilespmem:s22+$0xFFFFFF70];
	_ =	sdelay $0x4  }
0x61: {  	v2 =	vshra.s32 v1, $0xE;
	v1 =	vand.u32 $0x3FFF, v1  }
0x62: {  	v2 =	vadd.s32 v0, v2;
	[tilespmem:$0x2960] =	vst v1  }
0x63: {  	[tilespmem:$0x2860] =	vst v2  }
0x64: {  	v1 =	vld [tilespmem:s22+$0xFFFFFF80];
	_ =	sdelay $0x4  }
0x65: {  	v2 =	vshra.s32 v1, $0xE;
	v1 =	vand.u32 $0x3FFF, v1  }
0x66: {  	v2 =	vadd.s32 v0, v2;
	[tilespmem:$0x2970] =	vst v1  }
0x67: {  	[tilespmem:$0x2870] =	vst v2  }
0x68: {  	[tilespmem:s14], [sflag:$0x1] =	stream.indirect.gather [hbm4b:s4+s12], $0x80, s13, s12, $0xb8;
	[tilespmem:$0x1E600] =	vst v63  }
0x69: {  	_ =	swait.ge [sflag:s19], $0x4000  }
0x6a: {  	[sflag:s19] =	ssyncset.done $0x0  }
0x6b: {  	[sflag:s19] =	ssyncadd.s32 $0xFFFFC000  }
0x6c: {  	[spmem:s2] =	stream.indirect.scatter.add.f32 [tilespmem:s16], [sflag:$0x3], $0x80, s20, s12, $0xb8;
	[tilespmem:$0x1E600] =	vst v63  }
0x6d: {  	_ =	swait.ge [sflag:s11], $0x4000  }
0x6e: {  	[sflag:s11] =	ssyncset.done $0x0  }
0x6f: {  	[sflag:s11] =	ssyncadd.s32 $0xFFFFC000  }
0x70: {  	v1 =	vld [tilespmem:s22+$0xFFFFFF90];
	_ =	sdelay $0x4  }
0x71: {  	v2 =	vshra.s32 v1, $0xE;
	v1 =	vand.u32 $0x3FFF, v1  }
0x72: {  	v2 =	vadd.s32 v0, v2;
	[tilespmem:$0x2980] =	vst v1  }
0x73: {  	[tilespmem:$0x2880] =	vst v2  }
0x74: {  	v1 =	vld [tilespmem:s22+$0xFFFFFFA0];
	_ =	sdelay $0x4  }
0x75: {  	v2 =	vshra.s32 v1, $0xE;
	v1 =	vand.u32 $0x3FFF, v1  }
0x76: {  	v2 =	vadd.s32 v0, v2;
	[tilespmem:$0x2990] =	vst v1  }
0x77: {  	[tilespmem:$0x2890] =	vst v2  }
0x78: {  	v1 =	vld [tilespmem:s22+$0xFFFFFFB0];
	_ =	sdelay $0x4  }
0x79: {  	v2 =	vshra.s32 v1, $0xE;
	v1 =	vand.u32 $0x3FFF, v1  }
0x7a: {  	v2 =	vadd.s32 v0, v2;
	[tilespmem:$0x29A0] =	vst v1  }
0x7b: {  	[tilespmem:$0x28A0] =	vst v2  }
0x7c: {  	v1 =	vld [tilespmem:s22+$0xFFFFFFC0];
	_ =	sdelay $0x4  }
0x7d: {  	v2 =	vshra.s32 v1, $0xE;
	v1 =	vand.u32 $0x3FFF, v1  }
0x7e: {  	v2 =	vadd.s32 v0, v2;
	[tilespmem:$0x29B0] =	vst v1  }
0x7f: {  	[tilespmem:$0x28B0] =	vst v2  }
0x80: {  	v1 =	vld [tilespmem:s22+$0xFFFFFFD0];
	_ =	sdelay $0x4  }
0x81: {  	v2 =	vshra.s32 v1, $0xE;
	v1 =	vand.u32 $0x3FFF, v1  }
0x82: {  	v2 =	vadd.s32 v0, v2;
	[tilespmem:$0x29C0] =	vst v1  }
0x83: {  	[tilespmem:$0x28C0] =	vst v2  }
0x84: {  	v1 =	vld [tilespmem:s22+$0xFFFFFFE0];
	_ =	sdelay $0x4  }
0x85: {  	v2 =	vshra.s32 v1, $0xE;
	v1 =	vand.u32 $0x3FFF, v1  }
0x86: {  	v2 =	vadd.s32 v0, v2;
	[tilespmem:$0x29D0] =	vst v1  }
0x87: {  	[tilespmem:$0x28D0] =	vst v2  }
0x88: {  	v1 =	vld [tilespmem:s22+$0xFFFFFFF0];
	_ =	sdelay $0x4  }
0x89: {  	v2 =	vshra.s32 v1, $0xE;
	v1 =	vand.u32 $0x3FFF, v1  }
0x8a: {  	v2 =	vadd.s32 v0, v2;
	[tilespmem:$0x29E0] =	vst v1  }
0x8b: {  	[tilespmem:$0x28E0] =	vst v2  }
0x8c: {  	v1 =	vld [tilespmem:s22+$0x0];
	_ =	sdelay $0x4  }
0x8d: {  	v2 =	vshra.s32 v1, $0xE;
	v1 =	vand.u32 $0x3FFF, v1  }
0x8e: {  	v2 =	vadd.s32 v0, v2;
	[tilespmem:$0x29F0] =	vst v1  }
0x8f: {  	[tilespmem:$0x28F0] =	vst v2  }
0x90: {  	[tilespmem:s16], [sflag:$0x2] =	stream.indirect.gather [hbm4b:s4+s12], $0x80, s15, s12, $0xb8;
	[tilespmem:$0x1E600] =	vst v63  }
0x91: {  	_ =	swait.ge [sflag:s17], $0x4000  }
0x92: {  	[sflag:s17] =	ssyncset.done $0x0  }
0x93: {  	[sflag:s17] =	ssyncadd.s32 $0xFFFFC000  }
0x94: {  	[spmem:s2] =	stream.indirect.scatter.add.f32 [tilespmem:s14], [sflag:$0x3], $0x80, s18, s12, $0xb8;
	[tilespmem:$0x1E600] =	vst v63  }
0x95: {  	_ =	swait.ge [sflag:s11], $0x4000  }
0x96: {  	s25 =	simm.s32 $0xFC0;
	s22 =	simm.s32 $0xBC0;
	[sflag:s11] =	ssyncset.done $0x0  }
.LBB2_2:
0x97: {  	s24 =	sshra.s32 s22, $0x2  }
0x98: {  	[sflag:s11] =	ssyncadd.s32 $0xFFFFC000;
	s22 =	smov.u32 s25;
	s23 =	sadd.s32 $0x400, s25  }
0x99: {  	p0 =	sne.s32 s25, $0x9FC0;
	v1 =	vld [tilespmem:s24+$0xFFFFFF10];
	_ =	sdelay $0x4  }
0x9a: {  	v2 =	vshra.s32 v1, $0xE;
	v1 =	vand.u32 $0x3FFF, v1  }
0x9b: {  	v2 =	vadd.s32 v0, v2;
	[tilespmem:$0x2900] =	vst v1  }
0x9c: {  	[tilespmem:$0x2800] =	vst v2  }
0x9d: {  	v1 =	vld [tilespmem:s24+$0xFFFFFF20];
	_ =	sdelay $0x4  }
0x9e: {  	v2 =	vshra.s32 v1, $0xE;
	v1 =	vand.u32 $0x3FFF, v1  }
0x9f: {  	v2 =	vadd.s32 v0, v2;
	[tilespmem:$0x2910] =	vst v1  }
0xa0: {  	[tilespmem:$0x2810] =	vst v2  }
0xa1: {  	v1 =	vld [tilespmem:s24+$0xFFFFFF30];
	_ =	sdelay $0x4  }
0xa2: {  	v2 =	vshra.s32 v1, $0xE;
	v1 =	vand.u32 $0x3FFF, v1  }
0xa3: {  	v2 =	vadd.s32 v0, v2;
	[tilespmem:$0x2920] =	vst v1  }
0xa4: {  	[tilespmem:$0x2820] =	vst v2  }
0xa5: {  	v1 =	vld [tilespmem:s24+$0xFFFFFF40];
	_ =	sdelay $0x4  }
0xa6: {  	v2 =	vshra.s32 v1, $0xE;
	v1 =	vand.u32 $0x3FFF, v1  }
0xa7: {  	v2 =	vadd.s32 v0, v2;
	[tilespmem:$0x2930] =	vst v1  }
0xa8: {  	[tilespmem:$0x2830] =	vst v2  }
0xa9: {  	v1 =	vld [tilespmem:s24+$0xFFFFFF50];
	_ =	sdelay $0x4  }
0xaa: {  	v2 =	vshra.s32 v1, $0xE;
	v1 =	vand.u32 $0x3FFF, v1  }
0xab: {  	v2 =	vadd.s32 v0, v2;
	[tilespmem:$0x2940] =	vst v1  }
0xac: {  	[tilespmem:$0x2840] =	vst v2  }
0xad: {  	v1 =	vld [tilespmem:s24+$0xFFFFFF60];
	_ =	sdelay $0x4  }
0xae: {  	v2 =	vshra.s32 v1, $0xE;
	v1 =	vand.u32 $0x3FFF, v1  }
0xaf: {  	v2 =	vadd.s32 v0, v2;
	[tilespmem:$0x2950] =	vst v1  }
0xb0: {  	[tilespmem:$0x2850] =	vst v2  }
0xb1: {  	v1 =	vld [tilespmem:s24+$0xFFFFFF70];
	_ =	sdelay $0x4  }
0xb2: {  	v2 =	vshra.s32 v1, $0xE;
	v1 =	vand.u32 $0x3FFF, v1  }
0xb3: {  	v2 =	vadd.s32 v0, v2;
	[tilespmem:$0x2960] =	vst v1  }
0xb4: {  	[tilespmem:$0x2860] =	vst v2  }
0xb5: {  	v1 =	vld [tilespmem:s24+$0xFFFFFF80];
	_ =	sdelay $0x4  }
0xb6: {  	v2 =	vshra.s32 v1, $0xE;
	v1 =	vand.u32 $0x3FFF, v1  }
0xb7: {  	v2 =	vadd.s32 v0, v2;
	[tilespmem:$0x2970] =	vst v1  }
0xb8: {  	[tilespmem:$0x2870] =	vst v2  }
0xb9: {  	[tilespmem:s14], [sflag:$0x1] =	stream.indirect.gather [hbm4b:s4+s12], $0x80, s13, s12, $0xb8;
	[tilespmem:$0x1E600] =	vst v63  }
0xba: {  	_ =	swait.ge [sflag:s19], $0x4000  }
0xbb: {  	[sflag:s19] =	ssyncset.done $0x0  }
0xbc: {  	[sflag:s19] =	ssyncadd.s32 $0xFFFFC000  }
0xbd: {  	[spmem:s2] =	stream.indirect.scatter.add.f32 [tilespmem:s16], [sflag:$0x3], $0x80, s20, s12, $0xb8;
	[tilespmem:$0x1E600] =	vst v63  }
0xbe: {  	_ =	swait.ge [sflag:s11], $0x4000  }
0xbf: {  	[sflag:s11] =	ssyncset.done $0x0  }
0xc0: {  	[sflag:s11] =	ssyncadd.s32 $0xFFFFC000  }
0xc1: {  	v1 =	vld [tilespmem:s24+$0xFFFFFF90];
	_ =	sdelay $0x4  }
0xc2: {  	v2 =	vshra.s32 v1, $0xE;
	v1 =	vand.u32 $0x3FFF, v1  }
0xc3: {  	v2 =	vadd.s32 v0, v2;
	[tilespmem:$0x2980] =	vst v1  }
0xc4: {  	[tilespmem:$0x2880] =	vst v2  }
0xc5: {  	v1 =	vld [tilespmem:s24+$0xFFFFFFA0];
	_ =	sdelay $0x4  }
0xc6: {  	v2 =	vshra.s32 v1, $0xE;
	v1 =	vand.u32 $0x3FFF, v1  }
0xc7: {  	v2 =	vadd.s32 v0, v2;
	[tilespmem:$0x2990] =	vst v1  }
0xc8: {  	[tilespmem:$0x2890] =	vst v2  }
0xc9: {  	v1 =	vld [tilespmem:s24+$0xFFFFFFB0];
	_ =	sdelay $0x4  }
0xca: {  	v2 =	vshra.s32 v1, $0xE;
	v1 =	vand.u32 $0x3FFF, v1  }
0xcb: {  	v2 =	vadd.s32 v0, v2;
	[tilespmem:$0x29A0] =	vst v1  }
0xcc: {  	[tilespmem:$0x28A0] =	vst v2  }
0xcd: {  	v1 =	vld [tilespmem:s24+$0xFFFFFFC0];
	_ =	sdelay $0x4  }
0xce: {  	v2 =	vshra.s32 v1, $0xE;
	v1 =	vand.u32 $0x3FFF, v1  }
0xcf: {  	v2 =	vadd.s32 v0, v2;
	[tilespmem:$0x29B0] =	vst v1  }
0xd0: {  	[tilespmem:$0x28B0] =	vst v2  }
0xd1: {  	v1 =	vld [tilespmem:s24+$0xFFFFFFD0];
	_ =	sdelay $0x4  }
0xd2: {  	v2 =	vshra.s32 v1, $0xE;
	v1 =	vand.u32 $0x3FFF, v1  }
0xd3: {  	v2 =	vadd.s32 v0, v2;
	[tilespmem:$0x29C0] =	vst v1  }
0xd4: {  	[tilespmem:$0x28C0] =	vst v2  }
0xd5: {  	v1 =	vld [tilespmem:s24+$0xFFFFFFE0];
	_ =	sdelay $0x4  }
0xd6: {  	v2 =	vshra.s32 v1, $0xE;
	v1 =	vand.u32 $0x3FFF, v1  }
0xd7: {  	v2 =	vadd.s32 v0, v2;
	[tilespmem:$0x29D0] =	vst v1  }
0xd8: {  	[tilespmem:$0x28D0] =	vst v2  }
0xd9: {  	v1 =	vld [tilespmem:s24+$0xFFFFFFF0];
	_ =	sdelay $0x4  }
0xda: {  	v2 =	vshra.s32 v1, $0xE;
	v1 =	vand.u32 $0x3FFF, v1  }
0xdb: {  	v2 =	vadd.s32 v0, v2;
	[tilespmem:$0x29E0] =	vst v1  }
0xdc: {  	[tilespmem:$0x28E0] =	vst v2  }
0xdd: {  	v1 =	vld [tilespmem:s24+$0x0];
	_ =	sdelay $0x4  }
0xde: {  	v2 =	vshra.s32 v1, $0xE;
	v1 =	vand.u32 $0x3FFF, v1  }
0xdf: {  	v2 =	vadd.s32 v0, v2;
	[tilespmem:$0x29F0] =	vst v1  }
0xe0: {  	[tilespmem:$0x28F0] =	vst v2  }
0xe1: {  	[tilespmem:s16], [sflag:$0x2] =	stream.indirect.gather [hbm4b:s4+s12], $0x80, s15, s12, $0xb8;
	[tilespmem:$0x1E600] =	vst v63  }
0xe2: {  	_ =	swait.ge [sflag:s17], $0x4000  }
.Ltmp0:
0xe3: {  	[sflag:s17] =	ssyncset.done $0x0;
	(pc) =	sbr.rel @p0 .LBB2_2-.Ltmp0, $4  }
0xe4: {  	[sflag:s17] =	ssyncadd.s32 $0xFFFFC000  }
0xe5: {  	[spmem:s2] =	stream.indirect.scatter.add.f32 [tilespmem:s14], [sflag:$0x3], $0x80, s18, s12, $0xb8;
	[tilespmem:$0x1E600] =	vst v63  }
0xe6: {  	_ =	swait.ge [sflag:s11], $0x4000  }
0xe7: {  	s25 =	smov.u32 s23;
	[sflag:s11] =	ssyncset.done $0x0  }
0xe8: {  	s22 =	sshra.s32 s22, $0x2;
	[sflag:s11] =	ssyncadd.s32 $0xFFFFC000  }
0xe9: {  	v1 =	vld [tilespmem:s22+$0xFFFFFF10];
	_ =	sdelay $0x4  }
0xea: {  	v2 =	vshra.s32 v1, $0xE;
	v1 =	vand.u32 $0x3FFF, v1  }
0xeb: {  	v2 =	vadd.s32 v0, v2;
	[tilespmem:$0x2900] =	vst v1  }
0xec: {  	[tilespmem:$0x2800] =	vst v2  }
0xed: {  	v1 =	vld [tilespmem:s22+$0xFFFFFF20];
	_ =	sdelay $0x4  }
0xee: {  	v2 =	vshra.s32 v1, $0xE;
	v1 =	vand.u32 $0x3FFF, v1  }
0xef: {  	v2 =	vadd.s32 v0, v2;
	[tilespmem:$0x2910] =	vst v1  }
0xf0: {  	[tilespmem:$0x2810] =	vst v2  }
0xf1: {  	v1 =	vld [tilespmem:s22+$0xFFFFFF30];
	_ =	sdelay $0x4  }
0xf2: {  	v2 =	vshra.s32 v1, $0xE;
	v1 =	vand.u32 $0x3FFF, v1  }
0xf3: {  	v2 =	vadd.s32 v0, v2;
	[tilespmem:$0x2920] =	vst v1  }
0xf4: {  	[tilespmem:$0x2820] =	vst v2  }
0xf5: {  	v1 =	vld [tilespmem:s22+$0xFFFFFF40];
	_ =	sdelay $0x4  }
0xf6: {  	v2 =	vshra.s32 v1, $0xE;
	v1 =	vand.u32 $0x3FFF, v1  }
0xf7: {  	v2 =	vadd.s32 v0, v2;
	[tilespmem:$0x2930] =	vst v1  }
0xf8: {  	[tilespmem:$0x2830] =	vst v2  }
0xf9: {  	v1 =	vld [tilespmem:s22+$0xFFFFFF50];
	_ =	sdelay $0x4  }
0xfa: {  	v2 =	vshra.s32 v1, $0xE;
	v1 =	vand.u32 $0x3FFF, v1  }
0xfb: {  	v2 =	vadd.s32 v0, v2;
	[tilespmem:$0x2940] =	vst v1  }
0xfc: {  	[tilespmem:$0x2840] =	vst v2  }
0xfd: {  	v1 =	vld [tilespmem:s22+$0xFFFFFF60];
	_ =	sdelay $0x4  }
0xfe: {  	v2 =	vshra.s32 v1, $0xE;
	v1 =	vand.u32 $0x3FFF, v1  }
0xff: {  	v2 =	vadd.s32 v0, v2;
	[tilespmem:$0x2950] =	vst v1  }
0x100: {  	[tilespmem:$0x2850] =	vst v2  }
0x101: {  	v1 =	vld [tilespmem:s22+$0xFFFFFF70];
	_ =	sdelay $0x4  }
0x102: {  	v2 =	vshra.s32 v1, $0xE;
	v1 =	vand.u32 $0x3FFF, v1  }
0x103: {  	v2 =	vadd.s32 v0, v2;
	[tilespmem:$0x2960] =	vst v1  }
0x104: {  	[tilespmem:$0x2860] =	vst v2  }
0x105: {  	v1 =	vld [tilespmem:s22+$0xFFFFFF80];
	_ =	sdelay $0x4  }
0x106: {  	v2 =	vshra.s32 v1, $0xE;
	v1 =	vand.u32 $0x3FFF, v1  }
0x107: {  	v2 =	vadd.s32 v0, v2;
	[tilespmem:$0x2970] =	vst v1  }
0x108: {  	[tilespmem:$0x2870] =	vst v2  }
0x109: {  	[tilespmem:s14], [sflag:$0x1] =	stream.indirect.gather [hbm4b:s4+s12], $0x80, s13, s12, $0xb8;
	[tilespmem:$0x1E600] =	vst v63  }
0x10a: {  	_ =	swait.ge [sflag:s19], $0x4000  }
0x10b: {  	[sflag:s19] =	ssyncset.done $0x0  }
0x10c: {  	[sflag:s19] =	ssyncadd.s32 $0xFFFFC000  }
0x10d: {  	[spmem:s2] =	stream.indirect.scatter.add.f32 [tilespmem:s16], [sflag:$0x3], $0x80, s20, s12, $0xb8;
	[tilespmem:$0x1E600] =	vst v63  }
0x10e: {  	_ =	swait.ge [sflag:s11], $0x4000  }
0x10f: {  	[sflag:s11] =	ssyncset.done $0x0  }
0x110: {  	[sflag:s11] =	ssyncadd.s32 $0xFFFFC000  }
0x111: {  	v1 =	vld [tilespmem:s22+$0xFFFFFF90];
	_ =	sdelay $0x4  }
0x112: {  	v2 =	vshra.s32 v1, $0xE;
	v1 =	vand.u32 $0x3FFF, v1  }
0x113: {  	v2 =	vadd.s32 v0, v2;
	[tilespmem:$0x2980] =	vst v1  }
0x114: {  	[tilespmem:$0x2880] =	vst v2  }
0x115: {  	v1 =	vld [tilespmem:s22+$0xFFFFFFA0];
	_ =	sdelay $0x4  }
0x116: {  	v2 =	vshra.s32 v1, $0xE;
	v1 =	vand.u32 $0x3FFF, v1  }
0x117: {  	v2 =	vadd.s32 v0, v2;
	[tilespmem:$0x2990] =	vst v1  }
0x118: {  	[tilespmem:$0x2890] =	vst v2  }
0x119: {  	v1 =	vld [tilespmem:s22+$0xFFFFFFB0];
	_ =	sdelay $0x4  }
0x11a: {  	v2 =	vshra.s32 v1, $0xE;
	v1 =	vand.u32 $0x3FFF, v1  }
0x11b: {  	v2 =	vadd.s32 v0, v2;
	[tilespmem:$0x29A0] =	vst v1  }
0x11c: {  	[tilespmem:$0x28A0] =	vst v2  }
0x11d: {  	v1 =	vld [tilespmem:s22+$0xFFFFFFC0];
	_ =	sdelay $0x4  }
0x11e: {  	v2 =	vshra.s32 v1, $0xE;
	v1 =	vand.u32 $0x3FFF, v1  }
0x11f: {  	v2 =	vadd.s32 v0, v2;
	[tilespmem:$0x29B0] =	vst v1  }
0x120: {  	[tilespmem:$0x28B0] =	vst v2  }
0x121: {  	v1 =	vld [tilespmem:s22+$0xFFFFFFD0];
	_ =	sdelay $0x4  }
0x122: {  	v2 =	vshra.s32 v1, $0xE;
	v1 =	vand.u32 $0x3FFF, v1  }
0x123: {  	v2 =	vadd.s32 v0, v2;
	[tilespmem:$0x29C0] =	vst v1  }
0x124: {  	[tilespmem:$0x28C0] =	vst v2  }
0x125: {  	v1 =	vld [tilespmem:s22+$0xFFFFFFE0];
	_ =	sdelay $0x4  }
0x126: {  	v2 =	vshra.s32 v1, $0xE;
	v1 =	vand.u32 $0x3FFF, v1  }
0x127: {  	v2 =	vadd.s32 v0, v2;
	[tilespmem:$0x29D0] =	vst v1  }
0x128: {  	[tilespmem:$0x28D0] =	vst v2  }
0x129: {  	v1 =	vld [tilespmem:s22+$0xFFFFFFF0];
	_ =	sdelay $0x4  }
0x12a: {  	v2 =	vshra.s32 v1, $0xE;
	v1 =	vand.u32 $0x3FFF, v1  }
0x12b: {  	v2 =	vadd.s32 v0, v2;
	[tilespmem:$0x29E0] =	vst v1  }
0x12c: {  	[tilespmem:$0x28E0] =	vst v2  }
0x12d: {  	v1 =	vld [tilespmem:s22+$0x0];
	_ =	sdelay $0x4  }
0x12e: {  	v2 =	vshra.s32 v1, $0xE;
	v1 =	vand.u32 $0x3FFF, v1  }
0x12f: {  	v2 =	vadd.s32 v0, v2;
	[tilespmem:$0x29F0] =	vst v1  }
0x130: {  	[tilespmem:$0x28F0] =	vst v2  }
0x131: {  	[tilespmem:s16], [sflag:$0x2] =	stream.indirect.gather [hbm4b:s4+s12], $0x80, s15, s12, $0xb8;
	[tilespmem:$0x1E600] =	vst v63  }
0x132: {  	_ =	swait.ge [sflag:s17], $0x4000  }
0x133: {  	[sflag:s17] =	ssyncset.done $0x0  }
0x134: {  	[sflag:s17] =	ssyncadd.s32 $0xFFFFC000  }
0x135: {  	[spmem:s2] =	stream.indirect.scatter.add.f32 [tilespmem:s14], [sflag:$0x3], $0x80, s18, s12, $0xb8;
	[tilespmem:$0x1E600] =	vst v63  }
0x136: {  	_ =	swait.ge [sflag:s11], $0x4000  }
0x137: {  	[sflag:s11] =	ssyncset.done $0x0  }
0x138: {  	[sflag:s11] =	ssyncadd.s32 $0xFFFFC000  }
0x139: {  	_ =	swait.ge [sflag:s19], $0x4000  }
0x13a: {  	[sflag:s19] =	ssyncset.done $0x0  }
0x13b: {  	[sflag:s19] =	ssyncadd.s32 $0xFFFFC000  }
0x13c: {  	[spmem:s2] =	stream.indirect.scatter.add.f32 [tilespmem:s16], [sflag:$0x3], $0x80, s20, s12, $0xb8;
	[tilespmem:$0x1E600] =	vst v63  }
0x13d: {  	_ =	swait.ge [sflag:s11], $0x4000  }
0x13e: {  	s21 =	sadd.s32 $0x1, s21;
	[sflag:s11] =	ssyncset.done $0x0  }
0x13f: {  	p0 =	sne.s32 s21, s8;
	[sflag:s11] =	ssyncadd.s32 $0xFFFFC000  }
.Ltmp1:
0x140: {  	[bflag:$0x0] =	sbarrier.arrive $0xFFFF;
	(pc) =	sbr.rel @p0 .LBB2_1-.Ltmp1, $4  }
0x141: {  	[hbm:s9], [sflag:s6] =	dma.local [spmem:s10], $0x2780  }
0x142: {  	_ =	swait.ge [sflag:s11], $0x2780  }
0x143: {  	[sflag:s11] =	ssyncset.done $0x0  }
0x144: {  	[sflag:s11] =	ssyncadd.s32 $0xFFFFD880  }
0x145: {  	_ =	sfence.sel $0x180000  }
0x146: {  	[bflag:$0x0] =	sbarrier.arrive $0xFFFF  }
0x147: {  	p0 =	sne.s32 s1, $0x0;
	_ =	strace $0x9000004A  }
0x148: {  	s0 =	sadd.s32 @!p0 $0x100000, s0;
	[bflag:$0x2] =	sbarrier.arrive $0xFFFF  }
0x149: {  	[sflag:s0] =	ssyncadd.tile.s32 @!p0 $0x1;
	_ =	shalt  }
.Lfunc_end2:
_tile_overlayer_lowered:
.L_overlay_start_2:
0x14a: {  	(tag) =	ssettag $0x2  }
0x14b: {  	s0 =	rddreg [dreg:$0x0];
	s2 =	stileid.u32  }
0x14c: {  	s1 =	rddreg [dreg:$0x1];
	p0 =	sne.s32 s2, $0x0  }
0x14d: {  	s3 =	rddreg [dreg:$0x2];
	[bflag:$0x3] =	sbarrier.arrive $0xFFFF;
	s2 =	simm.s32 @!p0 $0x1C03  }
0x14e: {  	[timem:s3], [sflag:s2] =	dma.local @!p0 [hbm:s0], s1  }
0x14f: {  	s0 =	simm.s32 @!p0 $0x3  }
0x150: {  	_ =	swait.ge @!p0 [sflag:s0], s1  }
0x151: {  	s1 =	ssub.s32 @!p0 $0x0, s1;
	[sflag:s0] =	ssyncset.done @!p0 $0x0  }
0x152: {  	[sflag:s0] =	ssyncadd.s32 @!p0 s1  }
0x153: {  	[bflag:$0x3] =	sbarrier.arrive $0xFFFF  }
0x154: {  	_ =	shalt  }

// kernel: kernel.20.cloned.1.call-start
scs
__scs_entry_jumppad:
0x0: {  	(pc) =	sbr.rel $0x88, $3  }
0x1: {  	(tag) =	ssettag $0x0;
	lr =	simm.s32 $0x1  }
0x2: {  	[smem:$0x3F92] =	sst lr;
	_ =	strace $0xD0000000  }
0x3: {  	_ = 	snop  }
0x4: {  	_ = 	snop  }
0x5: {  	_ = 	snop  }
0x6: {  	_ = 	snop  }
0x7: {  	_ = 	snop  }
__scs_overlays_trampoline_lowered:
0x8: {  	[smem:$0x3FA1] =	sst s0  }
0x9: {  	[smem:$0x3FA2] =	sst s1  }
0xa: {  	[smem:$0x3FA3] =	sst s2  }
0xb: {  	[smem:$0x3FA4] =	sst s3  }
0xc: {  	[smem:$0x3FA5] =	sst s4  }
0xd: {  	[smem:$0x3FA6] =	sst s5  }
0xe: {  	[smem:$0x3FA7] =	sst s6  }
0xf: {  	[smem:$0x3FA8] =	sst s7  }
0x10: {  	[smem:$0x3FA9] =	sst s8  }
0x11: {  	[smem:$0x3FAA] =	sst s9;
	s0 =	simm.s32 @!p0 $0x0  }
0x12: {  	s1 =	sld [smem:$0x3F90];
	s0 =	simm.s32 @p0 $0x1  }
0x13: {  	[smem:$0x3FAB] =	sst s0;
	s0 =	simm.s32 @!p1 $0x0  }
0x14: {  	s2 =	sld [smem:$0x3F8F];
	s0 =	simm.s32 @p1 $0x1  }
0x15: {  	[smem:$0x3FAC] =	sst s0;
	s0 =	simm.s32 @!p2 $0x0  }
0x16: {  	s3 =	sld [smem:$0x3FDB];
	s0 =	simm.s32 @p2 $0x1  }
0x17: {  	s4 =	simm.s32 $0x1BF5;
	[smem:$0x3FAE] =	sst s0  }
0x18: {  	s0 =	sld [smem:$0x3F91];
	_ =	swait.ge [sflag:s4], $0x0  }
0x19: {  	s7 =	sld [smem:$0x3F92]  }
0x1a: {  	s8 =	sadd.s32 $0xFFFFE003, lr  }
0x1b: {  	s9 =	sadd.s32 $0xFFFFFEF7, lr;
	s5 =	simm.s32 $0xFFFFFFFF;
	p2 =	slt.u32 s8, $0xFFFFF086  }
0x1c: {  	p1 =	slt.u32 s9, $0xF7A;
	s5 =	simm.s32 @!p2 $0x0  }
0x1d: {  	s5 =	simm.s32 @p1 $0x1;
	p0 =	seq.s32 s7, s2  }
0x1e: {  	s7 =	smul.u32 @!p0 $0xF7A, s2;
	p2 =	seq.s32 @!p0 s5, $0x0  }
0x1f: {  	s9 =	smul.u32 $0xF7A, s1;
	s8 =	simm.s32 @!p0 $0x1BF5;
	p2 =	por !p2, p0  }
0x20: {  	[sflag:s8] =	ssyncset.s32 @!p0 $0xFFFFF086;
	s6 =	sadd.s32 @!p0 s3, s7;
	s7 =	simm.s32 @!p0 $0x108  }
0x21: {  	s3 =	sadd.s32 s3, s9;
	s6 =	sadd.s32 @!p0 $0x88, s6;
	s7 =	simm.s32 @p2 $0x1082  }
0x22: {  	[simem:s7], [sflag:s8] =	dma.local @!p0 [hbm:s6], $0xF7A  }
0x23: {  	s9 =	sor.u32 $0xD0000000, s2;
	s6 =	simm.s32 $0x108;
	_ =	swait.ge @!p0 [sflag:s8], $0x0  }
0x24: {  	s3 =	sadd.s32 $0x88, s3;
	s6 =	simm.s32 @!p1 $0x1082;
	[sflag:s4] =	ssyncset.s32 $0xFFFFF086  }
0x25: {  	[simem:s6], [sflag:s4] =	dma.local [hbm:s3], $0xF7A  }
0x26: {  	[smem:$0x3F92] =	sst s1;
	(tag) =	ssettag s2;
	_ =	strace s9  }
0x27: {  	s1 =	sld [smem:$0x3FA2]  }
0x28: {  	s2 =	sld [smem:$0x3FA3]  }
0x29: {  	s4 =	sld [smem:$0x3FA5]  }
0x2a: {  	p0 =	seq.s32 s5, $0x0;
	s5 =	sld [smem:$0x3FA6]  }
0x2b: {  	s6 =	sld [smem:$0x3FA7]  }
0x2c: {  	s7 =	sld [smem:$0x3FA8]  }
0x2d: {  	s3 =	simm.s32 $0x108;
	s8 =	sld [smem:$0x3FA9]  }
0x2e: {  	s3 =	simm.s32 @!p0 $0x1082;
	s9 =	sld [smem:$0x3FAA]  }
0x2f: {  	lr =	sadd.s32 s0, s3;
	s0 =	sld [smem:$0x3FA1]  }
0x30: {  	s3 =	sld [smem:$0x3FA4]  }
0x31: {  	[smem:$0x3FAD] =	sst s10  }
0x32: {  	s10 =	sld [smem:$0x3FAB];
	_ =	sdelay $0x3  }
0x33: {  	p0 =	seq.s32 s10, $0x1;
	s10 =	sld [smem:$0x3FAD];
	_ =	sdelay $0x3  }
0x34: {  	[smem:$0x3FAD] =	sst s10  }
0x35: {  	s10 =	sld [smem:$0x3FAC];
	_ =	sdelay $0x3  }
0x36: {  	p1 =	seq.s32 s10, $0x1;
	s10 =	sld [smem:$0x3FAD];
	_ =	sdelay $0x3  }
0x37: {  	[smem:$0x3FAD] =	sst s10  }
0x38: {  	s10 =	sld [smem:$0x3FAE]  }
0x39: {  	_ = 	snop;
	(pc) =	sbr.ind lr, $3  }
0x3a: {  	_ = 	snop  }
0x3b: {  	_ = 	snop  }
0x3c: {  	p2 =	seq.s32 s10, $0x1;
	s10 =	sld [smem:$0x3FAD]  }
0x3d: {  	_ =	shalt  }
0x3e: {  	_ =	shalt  }
0x3f: {  	_ =	shalt  }
0x40: {  	_ =	shalt  }
0x41: {  	_ =	shalt  }
0x42: {  	_ =	shalt  }
0x43: {  	_ =	shalt  }
0x44: {  	_ =	shalt  }
0x45: {  	_ =	shalt  }
0x46: {  	_ =	shalt  }
0x47: {  	_ =	shalt  }
0x48: {  	_ =	shalt  }
0x49: {  	_ =	shalt  }
0x4a: {  	_ =	shalt  }
0x4b: {  	_ =	shalt  }
0x4c: {  	_ =	shalt  }
0x4d: {  	_ =	shalt  }
0x4e: {  	_ =	shalt  }
0x4f: {  	_ =	shalt  }
0x50: {  	_ =	shalt  }
0x51: {  	_ =	shalt  }
0x52: {  	_ =	shalt  }
0x53: {  	_ =	shalt  }
0x54: {  	_ =	shalt  }
0x55: {  	_ =	shalt  }
0x56: {  	_ =	shalt  }
0x57: {  	_ =	shalt  }
0x58: {  	_ =	shalt  }
0x59: {  	_ =	shalt  }
0x5a: {  	_ =	shalt  }
0x5b: {  	_ =	shalt  }
0x5c: {  	_ =	shalt  }
0x5d: {  	_ =	shalt  }
0x5e: {  	_ =	shalt  }
0x5f: {  	_ =	shalt  }
0x60: {  	_ =	shalt  }
0x61: {  	_ =	shalt  }
0x62: {  	_ =	shalt  }
0x63: {  	_ =	shalt  }
0x64: {  	_ =	shalt  }
0x65: {  	_ =	shalt  }
0x66: {  	_ =	shalt  }
0x67: {  	_ =	shalt  }
0x68: {  	_ =	shalt  }
0x69: {  	_ =	shalt  }
0x6a: {  	_ =	shalt  }
0x6b: {  	_ =	shalt  }
0x6c: {  	_ =	shalt  }
0x6d: {  	_ =	shalt  }
0x6e: {  	_ =	shalt  }
0x6f: {  	_ =	shalt  }
0x70: {  	_ =	shalt  }
0x71: {  	_ =	shalt  }
0x72: {  	_ =	shalt  }
0x73: {  	_ =	shalt  }
0x74: {  	_ =	shalt  }
0x75: {  	_ =	shalt  }
0x76: {  	_ =	shalt  }
0x77: {  	_ =	shalt  }
0x78: {  	_ =	shalt  }
0x79: {  	_ =	shalt  }
0x7a: {  	_ =	shalt  }
0x7b: {  	_ =	shalt  }
0x7c: {  	_ =	shalt  }
0x7d: {  	_ =	shalt  }
0x7e: {  	_ =	shalt  }
0x7f: {  	_ =	shalt  }
0x80: {  	_ =	shalt  }
0x81: {  	_ =	shalt  }
0x82: {  	_ =	shalt  }
0x83: {  	_ =	shalt  }
0x84: {  	_ =	shalt  }
0x85: {  	_ =	shalt  }
0x86: {  	_ =	shalt  }
0x87: {  	_ =	shalt  }
.Lfunc_end0:
.L_simem_size_0:
called_computation.2_lowered:
.L_overlay_start_0:
0x88: {  	s2 =	sld [smem:$0x3FD9]  }
0x89: {  	s3 =	sld [smem:$0x3FFE];
	_ =	sdelay $0x1  }
0x8a: {  	s1 =	srdreg.scid  }
0x8b: {  	s0 =	sand.u32 $0x1, s1  }
0x8c: {  	s16 =	sshll.u32 s0, $0xA;
	s2 =	sadd.s32 s3, s2  }
0x8d: {  	s2 =	sadd.s32 s2, s16  }
0x8e: {  	[smem:$0x3FB9] =	sst s2  }
0x8f: {  	_ = 	snop  }
0x90: {  	(tm) =	ssettm $0x1  }
0x91: {  	s17 =	sld [smem:$0x3FFB];
	_ =	sdelay $0x3  }
0x92: {  	_ =	strace s17  }
0x93: {  	s2 =	sld [smem:$0x3FFC];
	_ =	sdelay $0x3  }
0x94: {  	_ =	strace s2  }
0x95: {  	s2 =	sld [smem:$0x3FFD];
	_ =	sdelay $0x3  }
0x96: {  	_ =	strace s2  }
0x97: {  	_ =	strace $0x8FFFFFFF  }
0x98: {  	s18 =	sld [smem:$0x3FDB];
	_ =	sdelay $0x1  }
0x99: {  	s19 =	simm.s32 $_scs_section_size  }
0x9a: {  	s4 =	simm.s32 $_size__tile_overlayer_lowered;
	s5 =	simm.s32 $_tile_overlayer_lowered  }
0x9b: {  	s22 =	simm.s32 $0x1BFF;
	s21 =	sshll.u32 s5, $0x1;
	s2 =	sadd.s32 s19, s18  }
0x9c: {  	s6 =	simm.s32 $0x0;
	s20 =	sshll.u32 s4, $0x1;
	s4 =	sadd.s32 s21, s2  }
0x9d: {  	[timem:s6], [sflag:s22] =	dma.local [hbm:s4], s20  }
0x9e: {  	_ =	swait.ge [sflag:s22], s20  }
0x9f: {  	s3 =	ssub.s32 $0x0, s20;
	[sflag:s22] =	ssyncset.done $0x0  }
0xa0: {  	[sflag:s22] =	ssyncadd.s32 s3;
	_ =	sdelay $0x1  }
0xa1: {  	s23 =	simm.s32 $0x1B8B  }
0xa2: {  	_ =	swait.ge [sflag:s23], $0x1  }
0xa3: {  	[sflag:s23] =	ssyncset.done $0x0  }
0xa4: {  	s25 =	simm.s32 $0x1B8E;
	s24 =	sld [smem:$0x3FFE];
	[sflag:s23] =	ssyncadd.s32 $0xFFFFFFFF  }
0xa5: {  	s26 =	simm.s32 $execute0_lowered;
	[smem:$0x3FD2] =	sst s25  }
0xa6: {  	s4 =	sshll.u32 s26, $0x1;
	_ =	strace $0x8000004C;
	[dreg:$0x1] =	wrdreg $0xFFFFFFFF  }
0xa7: {  	s28 =	simm.s32 $_size_execute0_lowered;
	s2 =	sadd.s32 s2, s4;
	[dreg:$0x0] =	wrdreg $0x0  }
0xa8: {  	s4 =	sshll.u32 s28, $0x1;
	[dreg:$0x2] =	wrdreg s2  }
0xa9: {  	[dreg:$0x3] =	wrdreg s4  }
0xaa: {  	[dreg:$0x4] =	wrdreg $0xC0  }
0xab: {  	_ =	task [dreg:s6], $0x5FFFF  }
0xac: {  	[dreg:$0x1] =	wrdreg $0xFFFFFFFF  }
0xad: {  	[dreg:$0x0] =	wrdreg $0x60  }
0xae: {  	[dreg:$0x2] =	wrdreg s24  }
0xaf: {  	[dreg:$0x3] =	wrdreg $0xAA000  }
0xb0: {  	[dreg:$0x4] =	wrdreg $0x9  }
0xb1: {  	_ =	task.clear_ibuf [dreg:s6], $0x5FFFF;
	_ =	strace $0x9000004C  }
0xb2: {  	s29 =	simm.s32 $0x9;
	_ =	strace $0x8000004E  }
0xb3: {  	_ =	swait.ge [sflag:s29], $0x1  }
0xb4: {  	[sflag:s29] =	ssyncadd.s32 $0xFFFFFFFF  }
0xb5: {  	_ =	strace $0x9000004E  }
0xb6: {  	_ =	sfence  }
0xb7: {  	s30 =	sld [smem:$0x0];
	_ =	sdelay $0x2  }
0xb8: {  	s31 =	sshll.u32 s1, $0xD;
	s1 =	sshrl.u32 s1, $0x2  }
0xb9: {  	s3 =	sand.u32 $0x4000, s31;
	s1 =	sadd.s32 s1, s30  }
0xba: {  	s0 =	sor.u32 s3, s0;
	s1 =	sshll.u32 s1, $0x11  }
0xbb: {  	s0 =	sor.u32 s1, s0  }
0xbc: {  	s0 =	sadd.s32 $0x8F2B, s0  }
0xbd: {  	[sflag:s0] =	ssyncadd.remote.s32 $0x1  }
0xbe: {  	_ =	sfence.sel $0xFFFF  }
0xbf: {  	[dreg:$0x0] =	wrdreg $0xFFFFFFFF;
	(pc) =	sbr.abs _section_cstart, $3  }
0xc0: {  	[dreg:$0x1] =	wrdreg $0xFFFFFFFF  }
0xc1: {  	_ =	task.clear_ibuf [dreg:s6], $0x2FFFF;
	_ =	strace $0x9FFFFFFF  }
0xc2: {  	(tm) =	ssettm $0x7FFFFFFF  }
0xc3: {  	_ =	shalt  }
tec
execute0_lowered:
.L_overlay_start_1:
0x0: {  	(tag) =	ssettag $0x1  }
0x1: {  	s5 =	rddreg [dreg:$0x0]  }
0x2: {  	s2 =	rddreg [dreg:$0x1]  }
0x3: {  	s0 =	rddreg [dreg:$0x2];
	s3 =	simm.s32 $0x0;
	s1 =	stileid.u32  }
0x4: {  	s7 =	srdreg.scid;
	s14 =	simm.s32 $0x2A00;
	s15 =	simm.s32 $0x2880  }
0x5: {  	s16 =	simm.s32 $0x6A00;
	s17 =	simm.s32 $0x1;
	s18 =	simm.s32 $0x2900  }
0x6: {  	s20 =	simm.s32 $0x2980;
	s21 =	simm.s32 $0x0;
	s6 =	smul.u32 $0x13C00, s1  }
0x7: {  	[smem:$0x7FF] =	sst s3;
	s4 =	sadd.s32 $0x7800, s5;
	s8 =	smul.u32 $0x500, s1  }
0x8: {  	s10 =	sand.u32 $0x1, s7;
	s11 =	smul.u32 $0x4F000, s1;
	s31 =	sshll.u32 s1, $0x6  }
0x9: {  	_ =	strace $0x8000004D;
	p0 =	seq.s32 s10, $0x1;
	s26 =	ssub.s32 $0x2, s10  }
0xa: {  	s19 =	smul.u32 $0x15F90, s10;
	s6 =	sshrl.u32 s6, $0x3;
	s8 =	sadd.s32 s8, s5  }
0xb: {  	s28 =	sshrl.u32 s26, $0x1;
	s29 =	sshrl.u32 s11, $0x2;
	s11 =	simm.s32 $0x3  }
0xc: {  	s9 =	sadd.s32 s6, s5;
	s7 =	sadd.s32 $0x27800, s6;
	s30 =	ssub.s32 s26, s28  }
0xd: {  	s13 =	sadd.s32 s29, s2;
	v0 =	vmov s19;
	s19 =	simm.s32 $0x2;
	s6 =	smov.u32 @p0 s7  }
0xe: {  	s7 =	sadd.s32 $0x2800, s8;
	s8 =	smax.u32 s30, $0x1;
	s10 =	sshrl.u32 s13, $0x3  }
0xf: {  	s13 =	simm.s32 $0x2800;
	s12 =	sadd.s32 s6, s5;
	s5 =	sadd.s32 $0x2C6A00, s9  }
0x10: {  	s6 =	sor.u32 $0x1C03, s31;
	s9 =	sadd.s32 $0x2EE200, s12;
	s12 =	simm.s32 $0x80  }
.LBB2_1:
0x11: {  	[spmem:s10], [sflag:s6] =	dma.local [hbm:s5], $0x2780  }
0x12: {  	_ =	swait.ge [sflag:s11], $0x2780  }
0x13: {  	[sflag:s11] =	ssyncset.done $0x0  }
0x14: {  	[sflag:s11] =	ssyncadd.s32 $0xFFFFD880  }
0x15: {  	[tilespmem:s3], [sflag:$0x3] =	stream.linear.gather [hbm4b:s7+s3], $0x2800, $0x38;
	[tilespmem:$0x1E600] =	vst v63  }
0x16: {  	_ =	swait.ge [sflag:s11], $0x2800  }
0x17: {  	[sflag:s11] =	ssyncset.done $0x0  }
0x18: {  	[sflag:s11] =	ssyncadd.s32 $0xFFFFD800  }
0x19: {  	[bflag:$0x0] =	sbarrier.arrive $0xFFFF  }
0x1a: {  	v1 =	vld [tilespmem:$0x0]  }
0x1b: {  	v2 =	vld [tilespmem:$0x10];
	_ =	sdelay $0x1  }
0x1c: {  	v3 =	vld [tilespmem:$0x20];
	_ =	sdelay $0x1  }
0x1d: {  	v5 =	vld [tilespmem:$0x30];
	v4 =	vshra.s32 v1, $0xE;
	v1 =	vand.u32 $0x3FFF, v1  }
0x1e: {  	v51 =	vshra.s32 v2, $0xE;
	v4 =	vadd.s32 v0, v4;
	[tilespmem:$0x2900] =	vst v1  }
0x1f: {  	v52 =	vld [tilespmem:$0x40];
	v1 =	vadd.s32 v0, v51;
	[tilespmem:$0x2800] =	vst v4  }
0x20: {  	[tilespmem:$0x2810] =	vst v1;
	v1 =	vand.u32 $0x3FFF, v2;
	v2 =	vshra.s32 v3, $0xE  }
0x21: {  	[tilespmem:$0x2910] =	vst v1;
	v1 =	vadd.s32 v0, v2;
	v2 =	vld [tilespmem:$0x50]  }
0x22: {  	[tilespmem:$0x2820] =	vst v1;
	v1 =	vand.u32 $0x3FFF, v3;
	v3 =	vshra.s32 v5, $0xE  }
0x23: {  	[tilespmem:$0x2920] =	vst v1;
	v1 =	vadd.s32 v0, v3;
	v3 =	vld [tilespmem:$0x60]  }
0x24: {  	v53 =	vshra.s32 v52, $0xE;
	[tilespmem:$0x2830] =	vst v1;
	v1 =	vand.u32 $0x3FFF, v5  }
0x25: {  	v54 =	vld [tilespmem:$0x70];
	[tilespmem:$0x2930] =	vst v1;
	v1 =	vadd.s32 v0, v53  }
0x26: {  	[tilespmem:$0x2840] =	vst v1;
	v1 =	vand.u32 $0x3FFF, v52;
	v55 =	vshra.s32 v2, $0xE  }
0x27: {  	v56 =	vld [tilespmem:$0x80];
	[tilespmem:$0x2940] =	vst v1;
	v1 =	vadd.s32 v0, v55  }
0x28: {  	[tilespmem:$0x2850] =	vst v1;
	v1 =	vand.u32 $0x3FFF, v2;
	v2 =	vshra.s32 v3, $0xE  }
0x29: {  	[tilespmem:$0x2950] =	vst v1;
	v1 =	vadd.s32 v0, v2;
	v2 =	vld [tilespmem:$0x90]  }
0x2a: {  	[tilespmem:$0x2860] =	vst v1;
	v1 =	vand.u32 $0x3FFF, v3;
	v3 =	vshra.s32 v54, $0xE  }
0x2b: {  	[tilespmem:$0x2960] =	vst v1;
	v1 =	vadd.s32 v0, v3;
	v3 =	vld [tilespmem:$0xA0]  }
0x2c: {  	v57 =	vshra.s32 v56, $0xE;
	[tilespmem:$0x2870] =	vst v1;
	v1 =	vand.u32 $0x3FFF, v54  }
0x2d: {  	v58 =	vld [tilespmem:$0xB0];
	[tilespmem:$0x2970] =	vst v1;
	v1 =	vadd.s32 v0, v57  }
0x2e: {  	[tilespmem:$0x2880] =	vst v1;
	v1 =	vand.u32 $0x3FFF, v56;
	v59 =	vshra.s32 v2, $0xE  }
0x2f: {  	v60 =	vld [tilespmem:$0xC0];
	[tilespmem:$0x2980] =	vst v1;
	v1 =	vadd.s32 v0, v59  }
0x30: {  	[tilespmem:$0x2890] =	vst v1;
	v1 =	vand.u32 $0x3FFF, v2;
	v2 =	vshra.s32 v3, $0xE  }
0x31: {  	[tilespmem:$0x2990] =	vst v1;
	v1 =	vadd.s32 v0, v2;
	v2 =	vld [tilespmem:$0xD0]  }
0x32: {  	[tilespmem:$0x28A0] =	vst v1;
	v1 =	vand.u32 $0x3FFF, v3;
	v3 =	vshra.s32 v58, $0xE  }
0x33: {  	[tilespmem:$0x29A0] =	vst v1;
	v1 =	vadd.s32 v0, v3;
	v3 =	vld [tilespmem:$0xE0]  }
0x34: {  	v61 =	vshra.s32 v60, $0xE;
	[tilespmem:$0x28B0] =	vst v1;
	v1 =	vand.u32 $0x3FFF, v58  }
0x35: {  	v62 =	vld [tilespmem:$0xF0];
	[tilespmem:$0x29B0] =	vst v1;
	v1 =	vadd.s32 v0, v61  }
0x36: {  	[tilespmem:$0x28C0] =	vst v1;
	v1 =	vand.u32 $0x3FFF, v60;
	v63 =	vshra.s32 v2, $0xE  }
0x37: {  	[tilespmem:$0x29C0] =	vst v1;
	v1 =	vadd.s32 v0, v63  }
0x38: {  	[tilespmem:$0x28D0] =	vst v1;
	v1 =	vand.u32 $0x3FFF, v2;
	v2 =	vshra.s32 v3, $0xE  }
0x39: {  	[tilespmem:$0x29D0] =	vst v1;
	v1 =	vadd.s32 v0, v2  }
0x3a: {  	v2 =	vshra.s32 v62, $0xE;
	[tilespmem:$0x28E0] =	vst v1;
	v1 =	vand.u32 $0x3FFF, v3  }
0x3b: {  	[tilespmem:$0x29E0] =	vst v1;
	v1 =	vadd.s32 v0, v2  }
0x3c: {  	[tilespmem:$0x28F0] =	vst v1;
	v1 =	vand.u32 $0x3FFF, v62  }
0x3d: {  	[tilespmem:$0x29F0] =	vst v1  }
0x3e: {  	[tilespmem:s14], [sflag:$0x1] =	stream.indirect.gather [hbm4b:s4+s12], $0x80, s13, s12, $0xb8;
	[tilespmem:$0x1E600] =	vst v63  }
0x3f: {  	_ = 	snop  }
0x40: {  	[tilespmem:s16], [sflag:$0x2] =	stream.indirect.gather [hbm4b:s4+s12], $0x80, s15, s12, $0xb8;
	[tilespmem:$0x1E600] =	vst v63  }
0x41: {  	_ =	swait.ge [sflag:s17], $0x4000  }
0x42: {  	[sflag:s17] =	ssyncset.done $0x0  }
0x43: {  	[sflag:s17] =	ssyncadd.s32 $0xFFFFC000  }
0x44: {  	[spmem:s2] =	stream.indirect.scatter.add.f32 [tilespmem:s14], [sflag:$0x3], $0x80, s18, s12, $0xb8;
	[tilespmem:$0x1E600] =	vst v63  }
0x45: {  	_ =	swait.ge [sflag:s11], $0x4000  }
0x46: {  	[sflag:s11] =	ssyncset.done $0x0  }
0x47: {  	s22 =	simm.s32 $0x1F0;
	[sflag:s11] =	ssyncadd.s32 $0xFFFFC000  }
0x48: {  	v1 =	vld [tilespmem:s22+$0xFFFFFF10];
	_ =	sdelay $0x4  }
0x49: {  	v2 =	vshra.s32 v1, $0xE;
	v1 =	vand.u32 $0x3FFF, v1  }
0x4a: {  	v2 =	vadd.s32 v0, v2;
	[tilespmem:$0x2900] =	vst v1  }
0x4b: {  	[tilespmem:$0x2800] =	vst v2  }
0x4c: {  	v1 =	vld [tilespmem:s22+$0xFFFFFF20];
	_ =	sdelay $0x4  }
0x4d: {  	v2 =	vshra.s32 v1, $0xE;
	v1 =	vand.u32 $0x3FFF, v1  }
0x4e: {  	v2 =	vadd.s32 v0, v2;
	[tilespmem:$0x2910] =	vst v1  }
0x4f: {  	[tilespmem:$0x2810] =	vst v2  }
0x50: {  	v1 =	vld [tilespmem:s22+$0xFFFFFF30];
	_ =	sdelay $0x4  }
0x51: {  	v2 =	vshra.s32 v1, $0xE;
	v1 =	vand.u32 $0x3FFF, v1  }
0x52: {  	v2 =	vadd.s32 v0, v2;
	[tilespmem:$0x2920] =	vst v1  }
0x53: {  	[tilespmem:$0x2820] =	vst v2  }
0x54: {  	v1 =	vld [tilespmem:s22+$0xFFFFFF40];
	_ =	sdelay $0x4  }
0x55: {  	v2 =	vshra.s32 v1, $0xE;
	v1 =	vand.u32 $0x3FFF, v1  }
0x56: {  	v2 =	vadd.s32 v0, v2;
	[tilespmem:$0x2930] =	vst v1  }
0x57: {  	[tilespmem:$0x2830] =	vst v2  }
0x58: {  	v1 =	vld [tilespmem:s22+$0xFFFFFF50];
	_ =	sdelay $0x4  }
0x59: {  	v2 =	vshra.s32 v1, $0xE;
	v1 =	vand.u32 $0x3FFF, v1  }
0x5a: {  	v2 =	vadd.s32 v0, v2;
	[tilespmem:$0x2940] =	vst v1  }
0x5b: {  	[tilespmem:$0x2840] =	vst v2  }
0x5c: {  	v1 =	vld [tilespmem:s22+$0xFFFFFF60];
	_ =	sdelay $0x4  }
0x5d: {  	v2 =	vshra.s32 v1, $0xE;
	v1 =	vand.u32 $0x3FFF, v1  }
0x5e: {  	v2 =	vadd.s32 v0, v2;
	[tilespmem:$0x2950] =	vst v1  }
0x5f: {  	[tilespmem:$0x2850] =	vst v2  }
0x60: {  	v1 =	vld [tilespmem:s22+$0xFFFFFF70];
	_ =	sdelay $0x4  }
0x61: {  	v2 =	vshra.s32 v1, $0xE;
	v1 =	vand.u32 $0x3FFF, v1  }
0x62: {  	v2 =	vadd.s32 v0, v2;
	[tilespmem:$0x2960] =	vst v1  }
0x63: {  	[tilespmem:$0x2860] =	vst v2  }
0x64: {  	v1 =	vld [tilespmem:s22+$0xFFFFFF80];
	_ =	sdelay $0x4  }
0x65: {  	v2 =	vshra.s32 v1, $0xE;
	v1 =	vand.u32 $0x3FFF, v1  }
0x66: {  	v2 =	vadd.s32 v0, v2;
	[tilespmem:$0x2970] =	vst v1  }
0x67: {  	[tilespmem:$0x2870] =	vst v2  }
0x68: {  	[tilespmem:s14], [sflag:$0x1] =	stream.indirect.gather [hbm4b:s4+s12], $0x80, s13, s12, $0xb8;
	[tilespmem:$0x1E600] =	vst v63  }
0x69: {  	_ =	swait.ge [sflag:s19], $0x4000  }
0x6a: {  	[sflag:s19] =	ssyncset.done $0x0  }
0x6b: {  	[sflag:s19] =	ssyncadd.s32 $0xFFFFC000  }
0x6c: {  	[spmem:s2] =	stream.indirect.scatter.add.f32 [tilespmem:s16], [sflag:$0x3], $0x80, s20, s12, $0xb8;
	[tilespmem:$0x1E600] =	vst v63  }
0x6d: {  	_ =	swait.ge [sflag:s11], $0x4000  }
0x6e: {  	[sflag:s11] =	ssyncset.done $0x0  }
0x6f: {  	[sflag:s11] =	ssyncadd.s32 $0xFFFFC000  }
0x70: {  	v1 =	vld [tilespmem:s22+$0xFFFFFF90];
	_ =	sdelay $0x4  }
0x71: {  	v2 =	vshra.s32 v1, $0xE;
	v1 =	vand.u32 $0x3FFF, v1  }
0x72: {  	v2 =	vadd.s32 v0, v2;
	[tilespmem:$0x2980] =	vst v1  }
0x73: {  	[tilespmem:$0x2880] =	vst v2  }
0x74: {  	v1 =	vld [tilespmem:s22+$0xFFFFFFA0];
	_ =	sdelay $0x4  }
0x75: {  	v2 =	vshra.s32 v1, $0xE;
	v1 =	vand.u32 $0x3FFF, v1  }
0x76: {  	v2 =	vadd.s32 v0, v2;
	[tilespmem:$0x2990] =	vst v1  }
0x77: {  	[tilespmem:$0x2890] =	vst v2  }
0x78: {  	v1 =	vld [tilespmem:s22+$0xFFFFFFB0];
	_ =	sdelay $0x4  }
0x79: {  	v2 =	vshra.s32 v1, $0xE;
	v1 =	vand.u32 $0x3FFF, v1  }
0x7a: {  	v2 =	vadd.s32 v0, v2;
	[tilespmem:$0x29A0] =	vst v1  }
0x7b: {  	[tilespmem:$0x28A0] =	vst v2  }
0x7c: {  	v1 =	vld [tilespmem:s22+$0xFFFFFFC0];
	_ =	sdelay $0x4  }
0x7d: {  	v2 =	vshra.s32 v1, $0xE;
	v1 =	vand.u32 $0x3FFF, v1  }
0x7e: {  	v2 =	vadd.s32 v0, v2;
	[tilespmem:$0x29B0] =	vst v1  }
0x7f: {  	[tilespmem:$0x28B0] =	vst v2  }
0x80: {  	v1 =	vld [tilespmem:s22+$0xFFFFFFD0];
	_ =	sdelay $0x4  }
0x81: {  	v2 =	vshra.s32 v1, $0xE;
	v1 =	vand.u32 $0x3FFF, v1  }
0x82: {  	v2 =	vadd.s32 v0, v2;
	[tilespmem:$0x29C0] =	vst v1  }
0x83: {  	[tilespmem:$0x28C0] =	vst v2  }
0x84: {  	v1 =	vld [tilespmem:s22+$0xFFFFFFE0];
	_ =	sdelay $0x4  }
0x85: {  	v2 =	vshra.s32 v1, $0xE;
	v1 =	vand.u32 $0x3FFF, v1  }
0x86: {  	v2 =	vadd.s32 v0, v2;
	[tilespmem:$0x29D0] =	vst v1  }
0x87: {  	[tilespmem:$0x28D0] =	vst v2  }
0x88: {  	v1 =	vld [tilespmem:s22+$0xFFFFFFF0];
	_ =	sdelay $0x4  }
0x89: {  	v2 =	vshra.s32 v1, $0xE;
	v1 =	vand.u32 $0x3FFF, v1  }
0x8a: {  	v2 =	vadd.s32 v0, v2;
	[tilespmem:$0x29E0] =	vst v1  }
0x8b: {  	[tilespmem:$0x28E0] =	vst v2  }
0x8c: {  	v1 =	vld [tilespmem:s22+$0x0];
	_ =	sdelay $0x4  }
0x8d: {  	v2 =	vshra.s32 v1, $0xE;
	v1 =	vand.u32 $0x3FFF, v1  }
0x8e: {  	v2 =	vadd.s32 v0, v2;
	[tilespmem:$0x29F0] =	vst v1  }
0x8f: {  	[tilespmem:$0x28F0] =	vst v2  }
0x90: {  	[tilespmem:s16], [sflag:$0x2] =	stream.indirect.gather [hbm4b:s4+s12], $0x80, s15, s12, $0xb8;
	[tilespmem:$0x1E600] =	vst v63  }
0x91: {  	_ =	swait.ge [sflag:s17], $0x4000  }
0x92: {  	[sflag:s17] =	ssyncset.done $0x0  }
0x93: {  	[sflag:s17] =	ssyncadd.s32 $0xFFFFC000  }
0x94: {  	[spmem:s2] =	stream.indirect.scatter.add.f32 [tilespmem:s14], [sflag:$0x3], $0x80, s18, s12, $0xb8;
	[tilespmem:$0x1E600] =	vst v63  }
0x95: {  	_ =	swait.ge [sflag:s11], $0x4000  }
0x96: {  	s25 =	simm.s32 $0xFC0;
	s22 =	simm.s32 $0xBC0;
	[sflag:s11] =	ssyncset.done $0x0  }
.LBB2_2:
0x97: {  	s24 =	sshra.s32 s22, $0x2  }
0x98: {  	[sflag:s11] =	ssyncadd.s32 $0xFFFFC000;
	s22 =	smov.u32 s25;
	s23 =	sadd.s32 $0x400, s25  }
0x99: {  	p0 =	sne.s32 s25, $0x9FC0;
	v1 =	vld [tilespmem:s24+$0xFFFFFF10];
	_ =	sdelay $0x4  }
0x9a: {  	v2 =	vshra.s32 v1, $0xE;
	v1 =	vand.u32 $0x3FFF, v1  }
0x9b: {  	v2 =	vadd.s32 v0, v2;
	[tilespmem:$0x2900] =	vst v1  }
0x9c: {  	[tilespmem:$0x2800] =	vst v2  }
0x9d: {  	v1 =	vld [tilespmem:s24+$0xFFFFFF20];
	_ =	sdelay $0x4  }
0x9e: {  	v2 =	vshra.s32 v1, $0xE;
	v1 =	vand.u32 $0x3FFF, v1  }
0x9f: {  	v2 =	vadd.s32 v0, v2;
	[tilespmem:$0x2910] =	vst v1  }
0xa0: {  	[tilespmem:$0x2810] =	vst v2  }
0xa1: {  	v1 =	vld [tilespmem:s24+$0xFFFFFF30];
	_ =	sdelay $0x4  }
0xa2: {  	v2 =	vshra.s32 v1, $0xE;
	v1 =	vand.u32 $0x3FFF, v1  }
0xa3: {  	v2 =	vadd.s32 v0, v2;
	[tilespmem:$0x2920] =	vst v1  }
0xa4: {  	[tilespmem:$0x2820] =	vst v2  }
0xa5: {  	v1 =	vld [tilespmem:s24+$0xFFFFFF40];
	_ =	sdelay $0x4  }
0xa6: {  	v2 =	vshra.s32 v1, $0xE;
	v1 =	vand.u32 $0x3FFF, v1  }
0xa7: {  	v2 =	vadd.s32 v0, v2;
	[tilespmem:$0x2930] =	vst v1  }
0xa8: {  	[tilespmem:$0x2830] =	vst v2  }
0xa9: {  	v1 =	vld [tilespmem:s24+$0xFFFFFF50];
	_ =	sdelay $0x4  }
0xaa: {  	v2 =	vshra.s32 v1, $0xE;
	v1 =	vand.u32 $0x3FFF, v1  }
0xab: {  	v2 =	vadd.s32 v0, v2;
	[tilespmem:$0x2940] =	vst v1  }
0xac: {  	[tilespmem:$0x2840] =	vst v2  }
0xad: {  	v1 =	vld [tilespmem:s24+$0xFFFFFF60];
	_ =	sdelay $0x4  }
0xae: {  	v2 =	vshra.s32 v1, $0xE;
	v1 =	vand.u32 $0x3FFF, v1  }
0xaf: {  	v2 =	vadd.s32 v0, v2;
	[tilespmem:$0x2950] =	vst v1  }
0xb0: {  	[tilespmem:$0x2850] =	vst v2  }
0xb1: {  	v1 =	vld [tilespmem:s24+$0xFFFFFF70];
	_ =	sdelay $0x4  }
0xb2: {  	v2 =	vshra.s32 v1, $0xE;
	v1 =	vand.u32 $0x3FFF, v1  }
0xb3: {  	v2 =	vadd.s32 v0, v2;
	[tilespmem:$0x2960] =	vst v1  }
0xb4: {  	[tilespmem:$0x2860] =	vst v2  }
0xb5: {  	v1 =	vld [tilespmem:s24+$0xFFFFFF80];
	_ =	sdelay $0x4  }
0xb6: {  	v2 =	vshra.s32 v1, $0xE;
	v1 =	vand.u32 $0x3FFF, v1  }
0xb7: {  	v2 =	vadd.s32 v0, v2;
	[tilespmem:$0x2970] =	vst v1  }
0xb8: {  	[tilespmem:$0x2870] =	vst v2  }
0xb9: {  	[tilespmem:s14], [sflag:$0x1] =	stream.indirect.gather [hbm4b:s4+s12], $0x80, s13, s12, $0xb8;
	[tilespmem:$0x1E600] =	vst v63  }
0xba: {  	_ =	swait.ge [sflag:s19], $0x4000  }
0xbb: {  	[sflag:s19] =	ssyncset.done $0x0  }
0xbc: {  	[sflag:s19] =	ssyncadd.s32 $0xFFFFC000  }
0xbd: {  	[spmem:s2] =	stream.indirect.scatter.add.f32 [tilespmem:s16], [sflag:$0x3], $0x80, s20, s12, $0xb8;
	[tilespmem:$0x1E600] =	vst v63  }
0xbe: {  	_ =	swait.ge [sflag:s11], $0x4000  }
0xbf: {  	[sflag:s11] =	ssyncset.done $0x0  }
0xc0: {  	[sflag:s11] =	ssyncadd.s32 $0xFFFFC000  }
0xc1: {  	v1 =	vld [tilespmem:s24+$0xFFFFFF90];
	_ =	sdelay $0x4  }
0xc2: {  	v2 =	vshra.s32 v1, $0xE;
	v1 =	vand.u32 $0x3FFF, v1  }
0xc3: {  	v2 =	vadd.s32 v0, v2;
	[tilespmem:$0x2980] =	vst v1  }
0xc4: {  	[tilespmem:$0x2880] =	vst v2  }
0xc5: {  	v1 =	vld [tilespmem:s24+$0xFFFFFFA0];
	_ =	sdelay $0x4  }
0xc6: {  	v2 =	vshra.s32 v1, $0xE;
	v1 =	vand.u32 $0x3FFF, v1  }
0xc7: {  	v2 =	vadd.s32 v0, v2;
	[tilespmem:$0x2990] =	vst v1  }
0xc8: {  	[tilespmem:$0x2890] =	vst v2  }
0xc9: {  	v1 =	vld [tilespmem:s24+$0xFFFFFFB0];
	_ =	sdelay $0x4  }
0xca: {  	v2 =	vshra.s32 v1, $0xE;
	v1 =	vand.u32 $0x3FFF, v1  }
0xcb: {  	v2 =	vadd.s32 v0, v2;
	[tilespmem:$0x29A0] =	vst v1  }
0xcc: {  	[tilespmem:$0x28A0] =	vst v2  }
0xcd: {  	v1 =	vld [tilespmem:s24+$0xFFFFFFC0];
	_ =	sdelay $0x4  }
0xce: {  	v2 =	vshra.s32 v1, $0xE;
	v1 =	vand.u32 $0x3FFF, v1  }
0xcf: {  	v2 =	vadd.s32 v0, v2;
	[tilespmem:$0x29B0] =	vst v1  }
0xd0: {  	[tilespmem:$0x28B0] =	vst v2  }
0xd1: {  	v1 =	vld [tilespmem:s24+$0xFFFFFFD0];
	_ =	sdelay $0x4  }
0xd2: {  	v2 =	vshra.s32 v1, $0xE;
	v1 =	vand.u32 $0x3FFF, v1  }
0xd3: {  	v2 =	vadd.s32 v0, v2;
	[tilespmem:$0x29C0] =	vst v1  }
0xd4: {  	[tilespmem:$0x28C0] =	vst v2  }
0xd5: {  	v1 =	vld [tilespmem:s24+$0xFFFFFFE0];
	_ =	sdelay $0x4  }
0xd6: {  	v2 =	vshra.s32 v1, $0xE;
	v1 =	vand.u32 $0x3FFF, v1  }
0xd7: {  	v2 =	vadd.s32 v0, v2;
	[tilespmem:$0x29D0] =	vst v1  }
0xd8: {  	[tilespmem:$0x28D0] =	vst v2  }
0xd9: {  	v1 =	vld [tilespmem:s24+$0xFFFFFFF0];
	_ =	sdelay $0x4  }
0xda: {  	v2 =	vshra.s32 v1, $0xE;
	v1 =	vand.u32 $0x3FFF, v1  }
0xdb: {  	v2 =	vadd.s32 v0, v2;
	[tilespmem:$0x29E0] =	vst v1  }
0xdc: {  	[tilespmem:$0x28E0] =	vst v2  }
0xdd: {  	v1 =	vld [tilespmem:s24+$0x0];
	_ =	sdelay $0x4  }
0xde: {  	v2 =	vshra.s32 v1, $0xE;
	v1 =	vand.u32 $0x3FFF, v1  }
0xdf: {  	v2 =	vadd.s32 v0, v2;
	[tilespmem:$0x29F0] =	vst v1  }
0xe0: {  	[tilespmem:$0x28F0] =	vst v2  }
0xe1: {  	[tilespmem:s16], [sflag:$0x2] =	stream.indirect.gather [hbm4b:s4+s12], $0x80, s15, s12, $0xb8;
	[tilespmem:$0x1E600] =	vst v63  }
0xe2: {  	_ =	swait.ge [sflag:s17], $0x4000  }
.Ltmp0:
0xe3: {  	[sflag:s17] =	ssyncset.done $0x0;
	(pc) =	sbr.rel @p0 .LBB2_2-.Ltmp0, $4  }
0xe4: {  	[sflag:s17] =	ssyncadd.s32 $0xFFFFC000  }
0xe5: {  	[spmem:s2] =	stream.indirect.scatter.add.f32 [tilespmem:s14], [sflag:$0x3], $0x80, s18, s12, $0xb8;
	[tilespmem:$0x1E600] =	vst v63  }
0xe6: {  	_ =	swait.ge [sflag:s11], $0x4000  }
0xe7: {  	s25 =	smov.u32 s23;
	[sflag:s11] =	ssyncset.done $0x0  }
0xe8: {  	s22 =	sshra.s32 s22, $0x2;
	[sflag:s11] =	ssyncadd.s32 $0xFFFFC000  }
0xe9: {  	v1 =	vld [tilespmem:s22+$0xFFFFFF10];
	_ =	sdelay $0x4  }
0xea: {  	v2 =	vshra.s32 v1, $0xE;
	v1 =	vand.u32 $0x3FFF, v1  }
0xeb: {  	v2 =	vadd.s32 v0, v2;
	[tilespmem:$0x2900] =	vst v1  }
0xec: {  	[tilespmem:$0x2800] =	vst v2  }
0xed: {  	v1 =	vld [tilespmem:s22+$0xFFFFFF20];
	_ =	sdelay $0x4  }
0xee: {  	v2 =	vshra.s32 v1, $0xE;
	v1 =	vand.u32 $0x3FFF, v1  }
0xef: {  	v2 =	vadd.s32 v0, v2;
	[tilespmem:$0x2910] =	vst v1  }
0xf0: {  	[tilespmem:$0x2810] =	vst v2  }
0xf1: {  	v1 =	vld [tilespmem:s22+$0xFFFFFF30];
	_ =	sdelay $0x4  }
0xf2: {  	v2 =	vshra.s32 v1, $0xE;
	v1 =	vand.u32 $0x3FFF, v1  }
0xf3: {  	v2 =	vadd.s32 v0, v2;
	[tilespmem:$0x2920] =	vst v1  }
0xf4: {  	[tilespmem:$0x2820] =	vst v2  }
0xf5: {  	v1 =	vld [tilespmem:s22+$0xFFFFFF40];
	_ =	sdelay $0x4  }
0xf6: {  	v2 =	vshra.s32 v1, $0xE;
	v1 =	vand.u32 $0x3FFF, v1  }
0xf7: {  	v2 =	vadd.s32 v0, v2;
	[tilespmem:$0x2930] =	vst v1  }
0xf8: {  	[tilespmem:$0x2830] =	vst v2  }
0xf9: {  	v1 =	vld [tilespmem:s22+$0xFFFFFF50];
	_ =	sdelay $0x4  }
0xfa: {  	v2 =	vshra.s32 v1, $0xE;
	v1 =	vand.u32 $0x3FFF, v1  }
0xfb: {  	v2 =	vadd.s32 v0, v2;
	[tilespmem:$0x2940] =	vst v1  }
0xfc: {  	[tilespmem:$0x2840] =	vst v2  }
0xfd: {  	v1 =	vld [tilespmem:s22+$0xFFFFFF60];
	_ =	sdelay $0x4  }
0xfe: {  	v2 =	vshra.s32 v1, $0xE;
	v1 =	vand.u32 $0x3FFF, v1  }
0xff: {  	v2 =	vadd.s32 v0, v2;
	[tilespmem:$0x2950] =	vst v1  }
0x100: {  	[tilespmem:$0x2850] =	vst v2  }
0x101: {  	v1 =	vld [tilespmem:s22+$0xFFFFFF70];
	_ =	sdelay $0x4  }
0x102: {  	v2 =	vshra.s32 v1, $0xE;
	v1 =	vand.u32 $0x3FFF, v1  }
0x103: {  	v2 =	vadd.s32 v0, v2;
	[tilespmem:$0x2960] =	vst v1  }
0x104: {  	[tilespmem:$0x2860] =	vst v2  }
0x105: {  	v1 =	vld [tilespmem:s22+$0xFFFFFF80];
	_ =	sdelay $0x4  }
0x106: {  	v2 =	vshra.s32 v1, $0xE;
	v1 =	vand.u32 $0x3FFF, v1  }
0x107: {  	v2 =	vadd.s32 v0, v2;
	[tilespmem:$0x2970] =	vst v1  }
0x108: {  	[tilespmem:$0x2870] =	vst v2  }
0x109: {  	[tilespmem:s14], [sflag:$0x1] =	stream.indirect.gather [hbm4b:s4+s12], $0x80, s13, s12, $0xb8;
	[tilespmem:$0x1E600] =	vst v63  }
0x10a: {  	_ =	swait.ge [sflag:s19], $0x4000  }
0x10b: {  	[sflag:s19] =	ssyncset.done $0x0  }
0x10c: {  	[sflag:s19] =	ssyncadd.s32 $0xFFFFC000  }
0x10d: {  	[spmem:s2] =	stream.indirect.scatter.add.f32 [tilespmem:s16], [sflag:$0x3], $0x80, s20, s12, $0xb8;
	[tilespmem:$0x1E600] =	vst v63  }
0x10e: {  	_ =	swait.ge [sflag:s11], $0x4000  }
0x10f: {  	[sflag:s11] =	ssyncset.done $0x0  }
0x110: {  	[sflag:s11] =	ssyncadd.s32 $0xFFFFC000  }
0x111: {  	v1 =	vld [tilespmem:s22+$0xFFFFFF90];
	_ =	sdelay $0x4  }
0x112: {  	v2 =	vshra.s32 v1, $0xE;
	v1 =	vand.u32 $0x3FFF, v1  }
0x113: {  	v2 =	vadd.s32 v0, v2;
	[tilespmem:$0x2980] =	vst v1  }
0x114: {  	[tilespmem:$0x2880] =	vst v2  }
0x115: {  	v1 =	vld [tilespmem:s22+$0xFFFFFFA0];
	_ =	sdelay $0x4  }
0x116: {  	v2 =	vshra.s32 v1, $0xE;
	v1 =	vand.u32 $0x3FFF, v1  }
0x117: {  	v2 =	vadd.s32 v0, v2;
	[tilespmem:$0x2990] =	vst v1  }
0x118: {  	[tilespmem:$0x2890] =	vst v2  }
0x119: {  	v1 =	vld [tilespmem:s22+$0xFFFFFFB0];
	_ =	sdelay $0x4  }
0x11a: {  	v2 =	vshra.s32 v1, $0xE;
	v1 =	vand.u32 $0x3FFF, v1  }
0x11b: {  	v2 =	vadd.s32 v0, v2;
	[tilespmem:$0x29A0] =	vst v1  }
0x11c: {  	[tilespmem:$0x28A0] =	vst v2  }
0x11d: {  	v1 =	vld [tilespmem:s22+$0xFFFFFFC0];
	_ =	sdelay $0x4  }
0x11e: {  	v2 =	vshra.s32 v1, $0xE;
	v1 =	vand.u32 $0x3FFF, v1  }
0x11f: {  	v2 =	vadd.s32 v0, v2;
	[tilespmem:$0x29B0] =	vst v1  }
0x120: {  	[tilespmem:$0x28B0] =	vst v2  }
0x121: {  	v1 =	vld [tilespmem:s22+$0xFFFFFFD0];
	_ =	sdelay $0x4  }
0x122: {  	v2 =	vshra.s32 v1, $0xE;
	v1 =	vand.u32 $0x3FFF, v1  }
0x123: {  	v2 =	vadd.s32 v0, v2;
	[tilespmem:$0x29C0] =	vst v1  }
0x124: {  	[tilespmem:$0x28C0] =	vst v2  }
0x125: {  	v1 =	vld [tilespmem:s22+$0xFFFFFFE0];
	_ =	sdelay $0x4  }
0x126: {  	v2 =	vshra.s32 v1, $0xE;
	v1 =	vand.u32 $0x3FFF, v1  }
0x127: {  	v2 =	vadd.s32 v0, v2;
	[tilespmem:$0x29D0] =	vst v1  }
0x128: {  	[tilespmem:$0x28D0] =	vst v2  }
0x129: {  	v1 =	vld [tilespmem:s22+$0xFFFFFFF0];
	_ =	sdelay $0x4  }
0x12a: {  	v2 =	vshra.s32 v1, $0xE;
	v1 =	vand.u32 $0x3FFF, v1  }
0x12b: {  	v2 =	vadd.s32 v0, v2;
	[tilespmem:$0x29E0] =	vst v1  }
0x12c: {  	[tilespmem:$0x28E0] =	vst v2  }
0x12d: {  	v1 =	vld [tilespmem:s22+$0x0];
	_ =	sdelay $0x4  }
0x12e: {  	v2 =	vshra.s32 v1, $0xE;
	v1 =	vand.u32 $0x3FFF, v1  }
0x12f: {  	v2 =	vadd.s32 v0, v2;
	[tilespmem:$0x29F0] =	vst v1  }
0x130: {  	[tilespmem:$0x28F0] =	vst v2  }
0x131: {  	[tilespmem:s16], [sflag:$0x2] =	stream.indirect.gather [hbm4b:s4+s12], $0x80, s15, s12, $0xb8;
	[tilespmem:$0x1E600] =	vst v63  }
0x132: {  	_ =	swait.ge [sflag:s17], $0x4000  }
0x133: {  	[sflag:s17] =	ssyncset.done $0x0  }
0x134: {  	[sflag:s17] =	ssyncadd.s32 $0xFFFFC000  }
0x135: {  	[spmem:s2] =	stream.indirect.scatter.add.f32 [tilespmem:s14], [sflag:$0x3], $0x80, s18, s12, $0xb8;
	[tilespmem:$0x1E600] =	vst v63  }
0x136: {  	_ =	swait.ge [sflag:s11], $0x4000  }
0x137: {  	[sflag:s11] =	ssyncset.done $0x0  }
0x138: {  	[sflag:s11] =	ssyncadd.s32 $0xFFFFC000  }
0x139: {  	_ =	swait.ge [sflag:s19], $0x4000  }
0x13a: {  	[sflag:s19] =	ssyncset.done $0x0  }
0x13b: {  	[sflag:s19] =	ssyncadd.s32 $0xFFFFC000  }
0x13c: {  	[spmem:s2] =	stream.indirect.scatter.add.f32 [tilespmem:s16], [sflag:$0x3], $0x80, s20, s12, $0xb8;
	[tilespmem:$0x1E600] =	vst v63  }
0x13d: {  	_ =	swait.ge [sflag:s11], $0x4000  }
0x13e: {  	s21 =	sadd.s32 $0x1, s21;
	[sflag:s11] =	ssyncset.done $0x0  }
0x13f: {  	p0 =	sne.s32 s21, s8;
	[sflag:s11] =	ssyncadd.s32 $0xFFFFC000  }
.Ltmp1:
0x140: {  	[bflag:$0x0] =	sbarrier.arrive $0xFFFF;
	(pc) =	sbr.rel @p0 .LBB2_1-.Ltmp1, $4  }
0x141: {  	[hbm:s9], [sflag:s6] =	dma.local [spmem:s10], $0x2780  }
0x142: {  	_ =	swait.ge [sflag:s11], $0x2780  }
0x143: {  	[sflag:s11] =	ssyncset.done $0x0  }
0x144: {  	[sflag:s11] =	ssyncadd.s32 $0xFFFFD880  }
0x145: {  	_ =	sfence.sel $0x180000  }
0x146: {  	[bflag:$0x0] =	sbarrier.arrive $0xFFFF  }
0x147: {  	p0 =	sne.s32 s1, $0x0;
	_ =	strace $0x9000004D  }
0x148: {  	s0 =	sadd.s32 @!p0 $0x100000, s0;
	[bflag:$0x2] =	sbarrier.arrive $0xFFFF  }
0x149: {  	[sflag:s0] =	ssyncadd.tile.s32 @!p0 $0x1;
	_ =	shalt  }
.Lfunc_end2:
_tile_overlayer_lowered:
.L_overlay_start_2:
0x14a: {  	(tag) =	ssettag $0x2  }
0x14b: {  	s0 =	rddreg [dreg:$0x0];
	s2 =	stileid.u32  }
0x14c: {  	s1 =	rddreg [dreg:$0x1];
	p0 =	sne.s32 s2, $0x0  }
0x14d: {  	s3 =	rddreg [dreg:$0x2];
	[bflag:$0x3] =	sbarrier.arrive $0xFFFF;
	s2 =	simm.s32 @!p0 $0x1C03  }
0x14e: {  	[timem:s3], [sflag:s2] =	dma.local @!p0 [hbm:s0], s1  }
0x14f: {  	s0 =	simm.s32 @!p0 $0x3  }
0x150: {  	_ =	swait.ge @!p0 [sflag:s0], s1  }
0x151: {  	s1 =	ssub.s32 @!p0 $0x0, s1;
	[sflag:s0] =	ssyncset.done @!p0 $0x0  }
0x152: {  	[sflag:s0] =	ssyncadd.s32 @!p0 s1  }
0x153: {  	[bflag:$0x3] =	sbarrier.arrive $0xFFFF  }
0x154: {  	_ =	shalt  }

// kernel: kernel.23.cloned.1.call-start
scs
__scs_entry_jumppad:
0x0: {  	(pc) =	sbr.rel $0x88, $3  }
0x1: {  	(tag) =	ssettag $0x0;
	lr =	simm.s32 $0x1  }
0x2: {  	[smem:$0x3F92] =	sst lr;
	_ =	strace $0xD0000000  }
0x3: {  	_ = 	snop  }
0x4: {  	_ = 	snop  }
0x5: {  	_ = 	snop  }
0x6: {  	_ = 	snop  }
0x7: {  	_ = 	snop  }
__scs_overlays_trampoline_lowered:
0x8: {  	[smem:$0x3FA1] =	sst s0  }
0x9: {  	[smem:$0x3FA2] =	sst s1  }
0xa: {  	[smem:$0x3FA3] =	sst s2  }
0xb: {  	[smem:$0x3FA4] =	sst s3  }
0xc: {  	[smem:$0x3FA5] =	sst s4  }
0xd: {  	[smem:$0x3FA6] =	sst s5  }
0xe: {  	[smem:$0x3FA7] =	sst s6  }
0xf: {  	[smem:$0x3FA8] =	sst s7  }
0x10: {  	[smem:$0x3FA9] =	sst s8  }
0x11: {  	[smem:$0x3FAA] =	sst s9;
	s0 =	simm.s32 @!p0 $0x0  }
0x12: {  	s1 =	sld [smem:$0x3F90];
	s0 =	simm.s32 @p0 $0x1  }
0x13: {  	[smem:$0x3FAB] =	sst s0;
	s0 =	simm.s32 @!p1 $0x0  }
0x14: {  	s2 =	sld [smem:$0x3F8F];
	s0 =	simm.s32 @p1 $0x1  }
0x15: {  	[smem:$0x3FAC] =	sst s0;
	s0 =	simm.s32 @!p2 $0x0  }
0x16: {  	s3 =	sld [smem:$0x3FDB];
	s0 =	simm.s32 @p2 $0x1  }
0x17: {  	s4 =	simm.s32 $0x1BF5;
	[smem:$0x3FAE] =	sst s0  }
0x18: {  	s0 =	sld [smem:$0x3F91];
	_ =	swait.ge [sflag:s4], $0x0  }
0x19: {  	s7 =	sld [smem:$0x3F92]  }
0x1a: {  	s8 =	sadd.s32 $0xFFFFE003, lr  }
0x1b: {  	s9 =	sadd.s32 $0xFFFFFEF7, lr;
	s5 =	simm.s32 $0xFFFFFFFF;
	p2 =	slt.u32 s8, $0xFFFFF086  }
0x1c: {  	p1 =	slt.u32 s9, $0xF7A;
	s5 =	simm.s32 @!p2 $0x0  }
0x1d: {  	s5 =	simm.s32 @p1 $0x1;
	p0 =	seq.s32 s7, s2  }
0x1e: {  	s7 =	smul.u32 @!p0 $0xF7A, s2;
	p2 =	seq.s32 @!p0 s5, $0x0  }
0x1f: {  	s9 =	smul.u32 $0xF7A, s1;
	s8 =	simm.s32 @!p0 $0x1BF5;
	p2 =	por !p2, p0  }
0x20: {  	[sflag:s8] =	ssyncset.s32 @!p0 $0xFFFFF086;
	s6 =	sadd.s32 @!p0 s3, s7;
	s7 =	simm.s32 @!p0 $0x108  }
0x21: {  	s3 =	sadd.s32 s3, s9;
	s6 =	sadd.s32 @!p0 $0x88, s6;
	s7 =	simm.s32 @p2 $0x1082  }
0x22: {  	[simem:s7], [sflag:s8] =	dma.local @!p0 [hbm:s6], $0xF7A  }
0x23: {  	s9 =	sor.u32 $0xD0000000, s2;
	s6 =	simm.s32 $0x108;
	_ =	swait.ge @!p0 [sflag:s8], $0x0  }
0x24: {  	s3 =	sadd.s32 $0x88, s3;
	s6 =	simm.s32 @!p1 $0x1082;
	[sflag:s4] =	ssyncset.s32 $0xFFFFF086  }
0x25: {  	[simem:s6], [sflag:s4] =	dma.local [hbm:s3], $0xF7A  }
0x26: {  	[smem:$0x3F92] =	sst s1;
	(tag) =	ssettag s2;
	_ =	strace s9  }
0x27: {  	s1 =	sld [smem:$0x3FA2]  }
0x28: {  	s2 =	sld [smem:$0x3FA3]  }
0x29: {  	s4 =	sld [smem:$0x3FA5]  }
0x2a: {  	p0 =	seq.s32 s5, $0x0;
	s5 =	sld [smem:$0x3FA6]  }
0x2b: {  	s6 =	sld [smem:$0x3FA7]  }
0x2c: {  	s7 =	sld [smem:$0x3FA8]  }
0x2d: {  	s3 =	simm.s32 $0x108;
	s8 =	sld [smem:$0x3FA9]  }
0x2e: {  	s3 =	simm.s32 @!p0 $0x1082;
	s9 =	sld [smem:$0x3FAA]  }
0x2f: {  	lr =	sadd.s32 s0, s3;
	s0 =	sld [smem:$0x3FA1]  }
0x30: {  	s3 =	sld [smem:$0x3FA4]  }
0x31: {  	[smem:$0x3FAD] =	sst s10  }
0x32: {  	s10 =	sld [smem:$0x3FAB];
	_ =	sdelay $0x3  }
0x33: {  	p0 =	seq.s32 s10, $0x1;
	s10 =	sld [smem:$0x3FAD];
	_ =	sdelay $0x3  }
0x34: {  	[smem:$0x3FAD] =	sst s10  }
0x35: {  	s10 =	sld [smem:$0x3FAC];
	_ =	sdelay $0x3  }
0x36: {  	p1 =	seq.s32 s10, $0x1;
	s10 =	sld [smem:$0x3FAD];
	_ =	sdelay $0x3  }
0x37: {  	[smem:$0x3FAD] =	sst s10  }
0x38: {  	s10 =	sld [smem:$0x3FAE]  }
0x39: {  	_ = 	snop;
	(pc) =	sbr.ind lr, $3  }
0x3a: {  	_ = 	snop  }
0x3b: {  	_ = 	snop  }
0x3c: {  	p2 =	seq.s32 s10, $0x1;
	s10 =	sld [smem:$0x3FAD]  }
0x3d: {  	_ =	shalt  }
0x3e: {  	_ =	shalt  }
0x3f: {  	_ =	shalt  }
0x40: {  	_ =	shalt  }
0x41: {  	_ =	shalt  }
0x42: {  	_ =	shalt  }
0x43: {  	_ =	shalt  }
0x44: {  	_ =	shalt  }
0x45: {  	_ =	shalt  }
0x46: {  	_ =	shalt  }
0x47: {  	_ =	shalt  }
0x48: {  	_ =	shalt  }
0x49: {  	_ =	shalt  }
0x4a: {  	_ =	shalt  }
0x4b: {  	_ =	shalt  }
0x4c: {  	_ =	shalt  }
0x4d: {  	_ =	shalt  }
0x4e: {  	_ =	shalt  }
0x4f: {  	_ =	shalt  }
0x50: {  	_ =	shalt  }
0x51: {  	_ =	shalt  }
0x52: {  	_ =	shalt  }
0x53: {  	_ =	shalt  }
0x54: {  	_ =	shalt  }
0x55: {  	_ =	shalt  }
0x56: {  	_ =	shalt  }
0x57: {  	_ =	shalt  }
0x58: {  	_ =	shalt  }
0x59: {  	_ =	shalt  }
0x5a: {  	_ =	shalt  }
0x5b: {  	_ =	shalt  }
0x5c: {  	_ =	shalt  }
0x5d: {  	_ =	shalt  }
0x5e: {  	_ =	shalt  }
0x5f: {  	_ =	shalt  }
0x60: {  	_ =	shalt  }
0x61: {  	_ =	shalt  }
0x62: {  	_ =	shalt  }
0x63: {  	_ =	shalt  }
0x64: {  	_ =	shalt  }
0x65: {  	_ =	shalt  }
0x66: {  	_ =	shalt  }
0x67: {  	_ =	shalt  }
0x68: {  	_ =	shalt  }
0x69: {  	_ =	shalt  }
0x6a: {  	_ =	shalt  }
0x6b: {  	_ =	shalt  }
0x6c: {  	_ =	shalt  }
0x6d: {  	_ =	shalt  }
0x6e: {  	_ =	shalt  }
0x6f: {  	_ =	shalt  }
0x70: {  	_ =	shalt  }
0x71: {  	_ =	shalt  }
0x72: {  	_ =	shalt  }
0x73: {  	_ =	shalt  }
0x74: {  	_ =	shalt  }
0x75: {  	_ =	shalt  }
0x76: {  	_ =	shalt  }
0x77: {  	_ =	shalt  }
0x78: {  	_ =	shalt  }
0x79: {  	_ =	shalt  }
0x7a: {  	_ =	shalt  }
0x7b: {  	_ =	shalt  }
0x7c: {  	_ =	shalt  }
0x7d: {  	_ =	shalt  }
0x7e: {  	_ =	shalt  }
0x7f: {  	_ =	shalt  }
0x80: {  	_ =	shalt  }
0x81: {  	_ =	shalt  }
0x82: {  	_ =	shalt  }
0x83: {  	_ =	shalt  }
0x84: {  	_ =	shalt  }
0x85: {  	_ =	shalt  }
0x86: {  	_ =	shalt  }
0x87: {  	_ =	shalt  }
.Lfunc_end0:
.L_simem_size_0:
called_computation.3_lowered:
.L_overlay_start_0:
0x88: {  	s2 =	sld [smem:$0x3FD9]  }
0x89: {  	s3 =	sld [smem:$0x3FFE];
	_ =	sdelay $0x1  }
0x8a: {  	s1 =	srdreg.scid  }
0x8b: {  	s0 =	sand.u32 $0x1, s1  }
0x8c: {  	s16 =	sshll.u32 s0, $0xA;
	s2 =	sadd.s32 s3, s2  }
0x8d: {  	s2 =	sadd.s32 s2, s16  }
0x8e: {  	[smem:$0x3FB9] =	sst s2  }
0x8f: {  	_ = 	snop  }
0x90: {  	(tm) =	ssettm $0x1  }
0x91: {  	s17 =	sld [smem:$0x3FFB];
	_ =	sdelay $0x3  }
0x92: {  	_ =	strace s17  }
0x93: {  	s2 =	sld [smem:$0x3FFC];
	_ =	sdelay $0x3  }
0x94: {  	_ =	strace s2  }
0x95: {  	s2 =	sld [smem:$0x3FFD];
	_ =	sdelay $0x3  }
0x96: {  	_ =	strace s2  }
0x97: {  	_ =	strace $0x8FFFFFFF  }
0x98: {  	s18 =	sld [smem:$0x3FDB];
	_ =	sdelay $0x1  }
0x99: {  	s19 =	simm.s32 $_scs_section_size  }
0x9a: {  	s4 =	simm.s32 $_size__tile_overlayer_lowered;
	s5 =	simm.s32 $_tile_overlayer_lowered  }
0x9b: {  	s22 =	simm.s32 $0x1BFF;
	s21 =	sshll.u32 s5, $0x1;
	s2 =	sadd.s32 s19, s18  }
0x9c: {  	s6 =	simm.s32 $0x0;
	s20 =	sshll.u32 s4, $0x1;
	s4 =	sadd.s32 s21, s2  }
0x9d: {  	[timem:s6], [sflag:s22] =	dma.local [hbm:s4], s20  }
0x9e: {  	_ =	swait.ge [sflag:s22], s20  }
0x9f: {  	s3 =	ssub.s32 $0x0, s20;
	[sflag:s22] =	ssyncset.done $0x0  }
0xa0: {  	[sflag:s22] =	ssyncadd.s32 s3;
	_ =	sdelay $0x1  }
0xa1: {  	s23 =	simm.s32 $0x1B8B  }
0xa2: {  	_ =	swait.ge [sflag:s23], $0x1  }
0xa3: {  	[sflag:s23] =	ssyncset.done $0x0  }
0xa4: {  	s25 =	simm.s32 $0x1B8E;
	s24 =	sld [smem:$0x3FFE];
	[sflag:s23] =	ssyncadd.s32 $0xFFFFFFFF  }
0xa5: {  	s26 =	simm.s32 $execute0_lowered;
	[smem:$0x3FD2] =	sst s25  }
0xa6: {  	s4 =	sshll.u32 s26, $0x1;
	_ =	strace $0x8000004F;
	[dreg:$0x1] =	wrdreg $0xFFFFFFFF  }
0xa7: {  	s28 =	simm.s32 $_size_execute0_lowered;
	s2 =	sadd.s32 s2, s4;
	[dreg:$0x0] =	wrdreg $0x0  }
0xa8: {  	s4 =	sshll.u32 s28, $0x1;
	[dreg:$0x2] =	wrdreg s2  }
0xa9: {  	[dreg:$0x3] =	wrdreg s4  }
0xaa: {  	[dreg:$0x4] =	wrdreg $0xC0  }
0xab: {  	_ =	task [dreg:s6], $0x5FFFF  }
0xac: {  	[dreg:$0x1] =	wrdreg $0xFFFFFFFF  }
0xad: {  	[dreg:$0x0] =	wrdreg $0x60  }
0xae: {  	[dreg:$0x2] =	wrdreg s24  }
0xaf: {  	[dreg:$0x3] =	wrdreg $0xAA000  }
0xb0: {  	[dreg:$0x4] =	wrdreg $0x9  }
0xb1: {  	_ =	task.clear_ibuf [dreg:s6], $0x5FFFF;
	_ =	strace $0x9000004F  }
0xb2: {  	s29 =	simm.s32 $0x9;
	_ =	strace $0x80000051  }
0xb3: {  	_ =	swait.ge [sflag:s29], $0x1  }
0xb4: {  	[sflag:s29] =	ssyncadd.s32 $0xFFFFFFFF  }
0xb5: {  	_ =	strace $0x90000051  }
0xb6: {  	_ =	sfence  }
0xb7: {  	s30 =	sld [smem:$0x0];
	_ =	sdelay $0x2  }
0xb8: {  	s31 =	sshll.u32 s1, $0xD;
	s1 =	sshrl.u32 s1, $0x2  }
0xb9: {  	s3 =	sand.u32 $0x4000, s31;
	s1 =	sadd.s32 s1, s30  }
0xba: {  	s0 =	sor.u32 s3, s0;
	s1 =	sshll.u32 s1, $0x11  }
0xbb: {  	s0 =	sor.u32 s1, s0  }
0xbc: {  	s0 =	sadd.s32 $0x8F2B, s0  }
0xbd: {  	[sflag:s0] =	ssyncadd.remote.s32 $0x1  }
0xbe: {  	_ =	sfence.sel $0xFFFF  }
0xbf: {  	[dreg:$0x0] =	wrdreg $0xFFFFFFFF;
	(pc) =	sbr.abs _section_cstart, $3  }
0xc0: {  	[dreg:$0x1] =	wrdreg $0xFFFFFFFF  }
0xc1: {  	_ =	task.clear_ibuf [dreg:s6], $0x2FFFF;
	_ =	strace $0x9FFFFFFF  }
0xc2: {  	(tm) =	ssettm $0x7FFFFFFF  }
0xc3: {  	_ =	shalt  }
tec
execute0_lowered:
.L_overlay_start_1:
0x0: {  	(tag) =	ssettag $0x1  }
0x1: {  	s5 =	rddreg [dreg:$0x0]  }
0x2: {  	s2 =	rddreg [dreg:$0x1]  }
0x3: {  	s0 =	rddreg [dreg:$0x2];
	s3 =	simm.s32 $0x0;
	s1 =	stileid.u32  }
0x4: {  	s7 =	srdreg.scid;
	s14 =	simm.s32 $0x2A00;
	s15 =	simm.s32 $0x2880  }
0x5: {  	s16 =	simm.s32 $0x6A00;
	s17 =	simm.s32 $0x1;
	s18 =	simm.s32 $0x2900  }
0x6: {  	s20 =	simm.s32 $0x2980;
	s21 =	simm.s32 $0x0;
	s6 =	smul.u32 $0x13C00, s1  }
0x7: {  	[smem:$0x7FF] =	sst s3;
	s4 =	sadd.s32 $0x7800, s5;
	s8 =	smul.u32 $0x500, s1  }
0x8: {  	s10 =	sand.u32 $0x1, s7;
	s11 =	smul.u32 $0x4F000, s1;
	s31 =	sshll.u32 s1, $0x6  }
0x9: {  	_ =	strace $0x80000050;
	p0 =	seq.s32 s10, $0x1;
	s26 =	ssub.s32 $0x2, s10  }
0xa: {  	s19 =	smul.u32 $0x15F90, s10;
	s6 =	sshrl.u32 s6, $0x3;
	s8 =	sadd.s32 s8, s5  }
0xb: {  	s28 =	sshrl.u32 s26, $0x1;
	s29 =	sshrl.u32 s11, $0x2;
	s11 =	simm.s32 $0x3  }
0xc: {  	s9 =	sadd.s32 s6, s5;
	s7 =	sadd.s32 $0x27800, s6;
	s30 =	ssub.s32 s26, s28  }
0xd: {  	s13 =	sadd.s32 s29, s2;
	v0 =	vmov s19;
	s19 =	simm.s32 $0x2;
	s6 =	smov.u32 @p0 s7  }
0xe: {  	s7 =	sadd.s32 $0x2800, s8;
	s8 =	smax.u32 s30, $0x1;
	s10 =	sshrl.u32 s13, $0x3  }
0xf: {  	s13 =	simm.s32 $0x2800;
	s12 =	sadd.s32 s6, s5;
	s5 =	sadd.s32 $0x2C6A00, s9  }
0x10: {  	s6 =	sor.u32 $0x1C03, s31;
	s9 =	sadd.s32 $0x2EE200, s12;
	s12 =	simm.s32 $0x80  }
.LBB2_1:
0x11: {  	[spmem:s10], [sflag:s6] =	dma.local [hbm:s5], $0x2780  }
0x12: {  	_ =	swait.ge [sflag:s11], $0x2780  }
0x13: {  	[sflag:s11] =	ssyncset.done $0x0  }
0x14: {  	[sflag:s11] =	ssyncadd.s32 $0xFFFFD880  }
0x15: {  	[tilespmem:s3], [sflag:$0x3] =	stream.linear.gather [hbm4b:s7+s3], $0x2800, $0x38;
	[tilespmem:$0x1E600] =	vst v63  }
0x16: {  	_ =	swait.ge [sflag:s11], $0x2800  }
0x17: {  	[sflag:s11] =	ssyncset.done $0x0  }
0x18: {  	[sflag:s11] =	ssyncadd.s32 $0xFFFFD800  }
0x19: {  	[bflag:$0x0] =	sbarrier.arrive $0xFFFF  }
0x1a: {  	v1 =	vld [tilespmem:$0x0]  }
0x1b: {  	v2 =	vld [tilespmem:$0x10];
	_ =	sdelay $0x1  }
0x1c: {  	v3 =	vld [tilespmem:$0x20];
	_ =	sdelay $0x1  }
0x1d: {  	v5 =	vld [tilespmem:$0x30];
	v4 =	vshra.s32 v1, $0xE;
	v1 =	vand.u32 $0x3FFF, v1  }
0x1e: {  	v51 =	vshra.s32 v2, $0xE;
	v4 =	vadd.s32 v0, v4;
	[tilespmem:$0x2900] =	vst v1  }
0x1f: {  	v52 =	vld [tilespmem:$0x40];
	v1 =	vadd.s32 v0, v51;
	[tilespmem:$0x2800] =	vst v4  }
0x20: {  	[tilespmem:$0x2810] =	vst v1;
	v1 =	vand.u32 $0x3FFF, v2;
	v2 =	vshra.s32 v3, $0xE  }
0x21: {  	[tilespmem:$0x2910] =	vst v1;
	v1 =	vadd.s32 v0, v2;
	v2 =	vld [tilespmem:$0x50]  }
0x22: {  	[tilespmem:$0x2820] =	vst v1;
	v1 =	vand.u32 $0x3FFF, v3;
	v3 =	vshra.s32 v5, $0xE  }
0x23: {  	[tilespmem:$0x2920] =	vst v1;
	v1 =	vadd.s32 v0, v3;
	v3 =	vld [tilespmem:$0x60]  }
0x24: {  	v53 =	vshra.s32 v52, $0xE;
	[tilespmem:$0x2830] =	vst v1;
	v1 =	vand.u32 $0x3FFF, v5  }
0x25: {  	v54 =	vld [tilespmem:$0x70];
	[tilespmem:$0x2930] =	vst v1;
	v1 =	vadd.s32 v0, v53  }
0x26: {  	[tilespmem:$0x2840] =	vst v1;
	v1 =	vand.u32 $0x3FFF, v52;
	v55 =	vshra.s32 v2, $0xE  }
0x27: {  	v56 =	vld [tilespmem:$0x80];
	[tilespmem:$0x2940] =	vst v1;
	v1 =	vadd.s32 v0, v55  }
0x28: {  	[tilespmem:$0x2850] =	vst v1;
	v1 =	vand.u32 $0x3FFF, v2;
	v2 =	vshra.s32 v3, $0xE  }
0x29: {  	[tilespmem:$0x2950] =	vst v1;
	v1 =	vadd.s32 v0, v2;
	v2 =	vld [tilespmem:$0x90]  }
0x2a: {  	[tilespmem:$0x2860] =	vst v1;
	v1 =	vand.u32 $0x3FFF, v3;
	v3 =	vshra.s32 v54, $0xE  }
0x2b: {  	[tilespmem:$0x2960] =	vst v1;
	v1 =	vadd.s32 v0, v3;
	v3 =	vld [tilespmem:$0xA0]  }
0x2c: {  	v57 =	vshra.s32 v56, $0xE;
	[tilespmem:$0x2870] =	vst v1;
	v1 =	vand.u32 $0x3FFF, v54  }
0x2d: {  	v58 =	vld [tilespmem:$0xB0];
	[tilespmem:$0x2970] =	vst v1;
	v1 =	vadd.s32 v0, v57  }
0x2e: {  	[tilespmem:$0x2880] =	vst v1;
	v1 =	vand.u32 $0x3FFF, v56;
	v59 =	vshra.s32 v2, $0xE  }
0x2f: {  	v60 =	vld [tilespmem:$0xC0];
	[tilespmem:$0x2980] =	vst v1;
	v1 =	vadd.s32 v0, v59  }
0x30: {  	[tilespmem:$0x2890] =	vst v1;
	v1 =	vand.u32 $0x3FFF, v2;
	v2 =	vshra.s32 v3, $0xE  }
0x31: {  	[tilespmem:$0x2990] =	vst v1;
	v1 =	vadd.s32 v0, v2;
	v2 =	vld [tilespmem:$0xD0]  }
0x32: {  	[tilespmem:$0x28A0] =	vst v1;
	v1 =	vand.u32 $0x3FFF, v3;
	v3 =	vshra.s32 v58, $0xE  }
0x33: {  	[tilespmem:$0x29A0] =	vst v1;
	v1 =	vadd.s32 v0, v3;
	v3 =	vld [tilespmem:$0xE0]  }
0x34: {  	v61 =	vshra.s32 v60, $0xE;
	[tilespmem:$0x28B0] =	vst v1;
	v1 =	vand.u32 $0x3FFF, v58  }
0x35: {  	v62 =	vld [tilespmem:$0xF0];
	[tilespmem:$0x29B0] =	vst v1;
	v1 =	vadd.s32 v0, v61  }
0x36: {  	[tilespmem:$0x28C0] =	vst v1;
	v1 =	vand.u32 $0x3FFF, v60;
	v63 =	vshra.s32 v2, $0xE  }
0x37: {  	[tilespmem:$0x29C0] =	vst v1;
	v1 =	vadd.s32 v0, v63  }
0x38: {  	[tilespmem:$0x28D0] =	vst v1;
	v1 =	vand.u32 $0x3FFF, v2;
	v2 =	vshra.s32 v3, $0xE  }
0x39: {  	[tilespmem:$0x29D0] =	vst v1;
	v1 =	vadd.s32 v0, v2  }
0x3a: {  	v2 =	vshra.s32 v62, $0xE;
	[tilespmem:$0x28E0] =	vst v1;
	v1 =	vand.u32 $0x3FFF, v3  }
0x3b: {  	[tilespmem:$0x29E0] =	vst v1;
	v1 =	vadd.s32 v0, v2  }
0x3c: {  	[tilespmem:$0x28F0] =	vst v1;
	v1 =	vand.u32 $0x3FFF, v62  }
0x3d: {  	[tilespmem:$0x29F0] =	vst v1  }
0x3e: {  	[tilespmem:s14], [sflag:$0x1] =	stream.indirect.gather [hbm4b:s4+s12], $0x80, s13, s12, $0xb8;
	[tilespmem:$0x1E600] =	vst v63  }
0x3f: {  	_ = 	snop  }
0x40: {  	[tilespmem:s16], [sflag:$0x2] =	stream.indirect.gather [hbm4b:s4+s12], $0x80, s15, s12, $0xb8;
	[tilespmem:$0x1E600] =	vst v63  }
0x41: {  	_ =	swait.ge [sflag:s17], $0x4000  }
0x42: {  	[sflag:s17] =	ssyncset.done $0x0  }
0x43: {  	[sflag:s17] =	ssyncadd.s32 $0xFFFFC000  }
0x44: {  	[spmem:s2] =	stream.indirect.scatter.add.f32 [tilespmem:s14], [sflag:$0x3], $0x80, s18, s12, $0xb8;
	[tilespmem:$0x1E600] =	vst v63  }
0x45: {  	_ =	swait.ge [sflag:s11], $0x4000  }
0x46: {  	[sflag:s11] =	ssyncset.done $0x0  }
0x47: {  	s22 =	simm.s32 $0x1F0;
	[sflag:s11] =	ssyncadd.s32 $0xFFFFC000  }
0x48: {  	v1 =	vld [tilespmem:s22+$0xFFFFFF10];
	_ =	sdelay $0x4  }
0x49: {  	v2 =	vshra.s32 v1, $0xE;
	v1 =	vand.u32 $0x3FFF, v1  }
0x4a: {  	v2 =	vadd.s32 v0, v2;
	[tilespmem:$0x2900] =	vst v1  }
0x4b: {  	[tilespmem:$0x2800] =	vst v2  }
0x4c: {  	v1 =	vld [tilespmem:s22+$0xFFFFFF20];
	_ =	sdelay $0x4  }
0x4d: {  	v2 =	vshra.s32 v1, $0xE;
	v1 =	vand.u32 $0x3FFF, v1  }
0x4e: {  	v2 =	vadd.s32 v0, v2;
	[tilespmem:$0x2910] =	vst v1  }
0x4f: {  	[tilespmem:$0x2810] =	vst v2  }
0x50: {  	v1 =	vld [tilespmem:s22+$0xFFFFFF30];
	_ =	sdelay $0x4  }
0x51: {  	v2 =	vshra.s32 v1, $0xE;
	v1 =	vand.u32 $0x3FFF, v1  }
0x52: {  	v2 =	vadd.s32 v0, v2;
	[tilespmem:$0x2920] =	vst v1  }
0x53: {  	[tilespmem:$0x2820] =	vst v2  }
0x54: {  	v1 =	vld [tilespmem:s22+$0xFFFFFF40];
	_ =	sdelay $0x4  }
0x55: {  	v2 =	vshra.s32 v1, $0xE;
	v1 =	vand.u32 $0x3FFF, v1  }
0x56: {  	v2 =	vadd.s32 v0, v2;
	[tilespmem:$0x2930] =	vst v1  }
0x57: {  	[tilespmem:$0x2830] =	vst v2  }
0x58: {  	v1 =	vld [tilespmem:s22+$0xFFFFFF50];
	_ =	sdelay $0x4  }
0x59: {  	v2 =	vshra.s32 v1, $0xE;
	v1 =	vand.u32 $0x3FFF, v1  }
0x5a: {  	v2 =	vadd.s32 v0, v2;
	[tilespmem:$0x2940] =	vst v1  }
0x5b: {  	[tilespmem:$0x2840] =	vst v2  }
0x5c: {  	v1 =	vld [tilespmem:s22+$0xFFFFFF60];
	_ =	sdelay $0x4  }
0x5d: {  	v2 =	vshra.s32 v1, $0xE;
	v1 =	vand.u32 $0x3FFF, v1  }
0x5e: {  	v2 =	vadd.s32 v0, v2;
	[tilespmem:$0x2950] =	vst v1  }
0x5f: {  	[tilespmem:$0x2850] =	vst v2  }
0x60: {  	v1 =	vld [tilespmem:s22+$0xFFFFFF70];
	_ =	sdelay $0x4  }
0x61: {  	v2 =	vshra.s32 v1, $0xE;
	v1 =	vand.u32 $0x3FFF, v1  }
0x62: {  	v2 =	vadd.s32 v0, v2;
	[tilespmem:$0x2960] =	vst v1  }
0x63: {  	[tilespmem:$0x2860] =	vst v2  }
0x64: {  	v1 =	vld [tilespmem:s22+$0xFFFFFF80];
	_ =	sdelay $0x4  }
0x65: {  	v2 =	vshra.s32 v1, $0xE;
	v1 =	vand.u32 $0x3FFF, v1  }
0x66: {  	v2 =	vadd.s32 v0, v2;
	[tilespmem:$0x2970] =	vst v1  }
0x67: {  	[tilespmem:$0x2870] =	vst v2  }
0x68: {  	[tilespmem:s14], [sflag:$0x1] =	stream.indirect.gather [hbm4b:s4+s12], $0x80, s13, s12, $0xb8;
	[tilespmem:$0x1E600] =	vst v63  }
0x69: {  	_ =	swait.ge [sflag:s19], $0x4000  }
0x6a: {  	[sflag:s19] =	ssyncset.done $0x0  }
0x6b: {  	[sflag:s19] =	ssyncadd.s32 $0xFFFFC000  }
0x6c: {  	[spmem:s2] =	stream.indirect.scatter.add.f32 [tilespmem:s16], [sflag:$0x3], $0x80, s20, s12, $0xb8;
	[tilespmem:$0x1E600] =	vst v63  }
0x6d: {  	_ =	swait.ge [sflag:s11], $0x4000  }
0x6e: {  	[sflag:s11] =	ssyncset.done $0x0  }
0x6f: {  	[sflag:s11] =	ssyncadd.s32 $0xFFFFC000  }
0x70: {  	v1 =	vld [tilespmem:s22+$0xFFFFFF90];
	_ =	sdelay $0x4  }
0x71: {  	v2 =	vshra.s32 v1, $0xE;
	v1 =	vand.u32 $0x3FFF, v1  }
0x72: {  	v2 =	vadd.s32 v0, v2;
	[tilespmem:$0x2980] =	vst v1  }
0x73: {  	[tilespmem:$0x2880] =	vst v2  }
0x74: {  	v1 =	vld [tilespmem:s22+$0xFFFFFFA0];
	_ =	sdelay $0x4  }
0x75: {  	v2 =	vshra.s32 v1, $0xE;
	v1 =	vand.u32 $0x3FFF, v1  }
0x76: {  	v2 =	vadd.s32 v0, v2;
	[tilespmem:$0x2990] =	vst v1  }
0x77: {  	[tilespmem:$0x2890] =	vst v2  }
0x78: {  	v1 =	vld [tilespmem:s22+$0xFFFFFFB0];
	_ =	sdelay $0x4  }
0x79: {  	v2 =	vshra.s32 v1, $0xE;
	v1 =	vand.u32 $0x3FFF, v1  }
0x7a: {  	v2 =	vadd.s32 v0, v2;
	[tilespmem:$0x29A0] =	vst v1  }
0x7b: {  	[tilespmem:$0x28A0] =	vst v2  }
0x7c: {  	v1 =	vld [tilespmem:s22+$0xFFFFFFC0];
	_ =	sdelay $0x4  }
0x7d: {  	v2 =	vshra.s32 v1, $0xE;
	v1 =	vand.u32 $0x3FFF, v1  }
0x7e: {  	v2 =	vadd.s32 v0, v2;
	[tilespmem:$0x29B0] =	vst v1  }
0x7f: {  	[tilespmem:$0x28B0] =	vst v2  }
0x80: {  	v1 =	vld [tilespmem:s22+$0xFFFFFFD0];
	_ =	sdelay $0x4  }
0x81: {  	v2 =	vshra.s32 v1, $0xE;
	v1 =	vand.u32 $0x3FFF, v1  }
0x82: {  	v2 =	vadd.s32 v0, v2;
	[tilespmem:$0x29C0] =	vst v1  }
0x83: {  	[tilespmem:$0x28C0] =	vst v2  }
0x84: {  	v1 =	vld [tilespmem:s22+$0xFFFFFFE0];
	_ =	sdelay $0x4  }
0x85: {  	v2 =	vshra.s32 v1, $0xE;
	v1 =	vand.u32 $0x3FFF, v1  }
0x86: {  	v2 =	vadd.s32 v0, v2;
	[tilespmem:$0x29D0] =	vst v1  }
0x87: {  	[tilespmem:$0x28D0] =	vst v2  }
0x88: {  	v1 =	vld [tilespmem:s22+$0xFFFFFFF0];
	_ =	sdelay $0x4  }
0x89: {  	v2 =	vshra.s32 v1, $0xE;
	v1 =	vand.u32 $0x3FFF, v1  }
0x8a: {  	v2 =	vadd.s32 v0, v2;
	[tilespmem:$0x29E0] =	vst v1  }
0x8b: {  	[tilespmem:$0x28E0] =	vst v2  }
0x8c: {  	v1 =	vld [tilespmem:s22+$0x0];
	_ =	sdelay $0x4  }
0x8d: {  	v2 =	vshra.s32 v1, $0xE;
	v1 =	vand.u32 $0x3FFF, v1  }
0x8e: {  	v2 =	vadd.s32 v0, v2;
	[tilespmem:$0x29F0] =	vst v1  }
0x8f: {  	[tilespmem:$0x28F0] =	vst v2  }
0x90: {  	[tilespmem:s16], [sflag:$0x2] =	stream.indirect.gather [hbm4b:s4+s12], $0x80, s15, s12, $0xb8;
	[tilespmem:$0x1E600] =	vst v63  }
0x91: {  	_ =	swait.ge [sflag:s17], $0x4000  }
0x92: {  	[sflag:s17] =	ssyncset.done $0x0  }
0x93: {  	[sflag:s17] =	ssyncadd.s32 $0xFFFFC000  }
0x94: {  	[spmem:s2] =	stream.indirect.scatter.add.f32 [tilespmem:s14], [sflag:$0x3], $0x80, s18, s12, $0xb8;
	[tilespmem:$0x1E600] =	vst v63  }
0x95: {  	_ =	swait.ge [sflag:s11], $0x4000  }
0x96: {  	s25 =	simm.s32 $0xFC0;
	s22 =	simm.s32 $0xBC0;
	[sflag:s11] =	ssyncset.done $0x0  }
.LBB2_2:
0x97: {  	s24 =	sshra.s32 s22, $0x2  }
0x98: {  	[sflag:s11] =	ssyncadd.s32 $0xFFFFC000;
	s22 =	smov.u32 s25;
	s23 =	sadd.s32 $0x400, s25  }
0x99: {  	p0 =	sne.s32 s25, $0x9FC0;
	v1 =	vld [tilespmem:s24+$0xFFFFFF10];
	_ =	sdelay $0x4  }
0x9a: {  	v2 =	vshra.s32 v1, $0xE;
	v1 =	vand.u32 $0x3FFF, v1  }
0x9b: {  	v2 =	vadd.s32 v0, v2;
	[tilespmem:$0x2900] =	vst v1  }
0x9c: {  	[tilespmem:$0x2800] =	vst v2  }
0x9d: {  	v1 =	vld [tilespmem:s24+$0xFFFFFF20];
	_ =	sdelay $0x4  }
0x9e: {  	v2 =	vshra.s32 v1, $0xE;
	v1 =	vand.u32 $0x3FFF, v1  }
0x9f: {  	v2 =	vadd.s32 v0, v2;
	[tilespmem:$0x2910] =	vst v1  }
0xa0: {  	[tilespmem:$0x2810] =	vst v2  }
0xa1: {  	v1 =	vld [tilespmem:s24+$0xFFFFFF30];
	_ =	sdelay $0x4  }
0xa2: {  	v2 =	vshra.s32 v1, $0xE;
	v1 =	vand.u32 $0x3FFF, v1  }
0xa3: {  	v2 =	vadd.s32 v0, v2;
	[tilespmem:$0x2920] =	vst v1  }
0xa4: {  	[tilespmem:$0x2820] =	vst v2  }
0xa5: {  	v1 =	vld [tilespmem:s24+$0xFFFFFF40];
	_ =	sdelay $0x4  }
0xa6: {  	v2 =	vshra.s32 v1, $0xE;
	v1 =	vand.u32 $0x3FFF, v1  }
0xa7: {  	v2 =	vadd.s32 v0, v2;
	[tilespmem:$0x2930] =	vst v1  }
0xa8: {  	[tilespmem:$0x2830] =	vst v2  }
0xa9: {  	v1 =	vld [tilespmem:s24+$0xFFFFFF50];
	_ =	sdelay $0x4  }
0xaa: {  	v2 =	vshra.s32 v1, $0xE;
	v1 =	vand.u32 $0x3FFF, v1  }
0xab: {  	v2 =	vadd.s32 v0, v2;
	[tilespmem:$0x2940] =	vst v1  }
0xac: {  	[tilespmem:$0x2840] =	vst v2  }
0xad: {  	v1 =	vld [tilespmem:s24+$0xFFFFFF60];
	_ =	sdelay $0x4  }
0xae: {  	v2 =	vshra.s32 v1, $0xE;
	v1 =	vand.u32 $0x3FFF, v1  }
0xaf: {  	v2 =	vadd.s32 v0, v2;
	[tilespmem:$0x2950] =	vst v1  }
0xb0: {  	[tilespmem:$0x2850] =	vst v2  }
0xb1: {  	v1 =	vld [tilespmem:s24+$0xFFFFFF70];
	_ =	sdelay $0x4  }
0xb2: {  	v2 =	vshra.s32 v1, $0xE;
	v1 =	vand.u32 $0x3FFF, v1  }
0xb3: {  	v2 =	vadd.s32 v0, v2;
	[tilespmem:$0x2960] =	vst v1  }
0xb4: {  	[tilespmem:$0x2860] =	vst v2  }
0xb5: {  	v1 =	vld [tilespmem:s24+$0xFFFFFF80];
	_ =	sdelay $0x4  }
0xb6: {  	v2 =	vshra.s32 v1, $0xE;
	v1 =	vand.u32 $0x3FFF, v1  }
0xb7: {  	v2 =	vadd.s32 v0, v2;
	[tilespmem:$0x2970] =	vst v1  }
0xb8: {  	[tilespmem:$0x2870] =	vst v2  }
0xb9: {  	[tilespmem:s14], [sflag:$0x1] =	stream.indirect.gather [hbm4b:s4+s12], $0x80, s13, s12, $0xb8;
	[tilespmem:$0x1E600] =	vst v63  }
0xba: {  	_ =	swait.ge [sflag:s19], $0x4000  }
0xbb: {  	[sflag:s19] =	ssyncset.done $0x0  }
0xbc: {  	[sflag:s19] =	ssyncadd.s32 $0xFFFFC000  }
0xbd: {  	[spmem:s2] =	stream.indirect.scatter.add.f32 [tilespmem:s16], [sflag:$0x3], $0x80, s20, s12, $0xb8;
	[tilespmem:$0x1E600] =	vst v63  }
0xbe: {  	_ =	swait.ge [sflag:s11], $0x4000  }
0xbf: {  	[sflag:s11] =	ssyncset.done $0x0  }
0xc0: {  	[sflag:s11] =	ssyncadd.s32 $0xFFFFC000  }
0xc1: {  	v1 =	vld [tilespmem:s24+$0xFFFFFF90];
	_ =	sdelay $0x4  }
0xc2: {  	v2 =	vshra.s32 v1, $0xE;
	v1 =	vand.u32 $0x3FFF, v1  }
0xc3: {  	v2 =	vadd.s32 v0, v2;
	[tilespmem:$0x2980] =	vst v1  }
0xc4: {  	[tilespmem:$0x2880] =	vst v2  }
0xc5: {  	v1 =	vld [tilespmem:s24+$0xFFFFFFA0];
	_ =	sdelay $0x4  }
0xc6: {  	v2 =	vshra.s32 v1, $0xE;
	v1 =	vand.u32 $0x3FFF, v1  }
0xc7: {  	v2 =	vadd.s32 v0, v2;
	[tilespmem:$0x2990] =	vst v1  }
0xc8: {  	[tilespmem:$0x2890] =	vst v2  }
0xc9: {  	v1 =	vld [tilespmem:s24+$0xFFFFFFB0];
	_ =	sdelay $0x4  }
0xca: {  	v2 =	vshra.s32 v1, $0xE;
	v1 =	vand.u32 $0x3FFF, v1  }
0xcb: {  	v2 =	vadd.s32 v0, v2;
	[tilespmem:$0x29A0] =	vst v1  }
0xcc: {  	[tilespmem:$0x28A0] =	vst v2  }
0xcd: {  	v1 =	vld [tilespmem:s24+$0xFFFFFFC0];
	_ =	sdelay $0x4  }
0xce: {  	v2 =	vshra.s32 v1, $0xE;
	v1 =	vand.u32 $0x3FFF, v1  }
0xcf: {  	v2 =	vadd.s32 v0, v2;
	[tilespmem:$0x29B0] =	vst v1  }
0xd0: {  	[tilespmem:$0x28B0] =	vst v2  }
0xd1: {  	v1 =	vld [tilespmem:s24+$0xFFFFFFD0];
	_ =	sdelay $0x4  }
0xd2: {  	v2 =	vshra.s32 v1, $0xE;
	v1 =	vand.u32 $0x3FFF, v1  }
0xd3: {  	v2 =	vadd.s32 v0, v2;
	[tilespmem:$0x29C0] =	vst v1  }
0xd4: {  	[tilespmem:$0x28C0] =	vst v2  }
0xd5: {  	v1 =	vld [tilespmem:s24+$0xFFFFFFE0];
	_ =	sdelay $0x4  }
0xd6: {  	v2 =	vshra.s32 v1, $0xE;
	v1 =	vand.u32 $0x3FFF, v1  }
0xd7: {  	v2 =	vadd.s32 v0, v2;
	[tilespmem:$0x29D0] =	vst v1  }
0xd8: {  	[tilespmem:$0x28D0] =	vst v2  }
0xd9: {  	v1 =	vld [tilespmem:s24+$0xFFFFFFF0];
	_ =	sdelay $0x4  }
0xda: {  	v2 =	vshra.s32 v1, $0xE;
	v1 =	vand.u32 $0x3FFF, v1  }
0xdb: {  	v2 =	vadd.s32 v0, v2;
	[tilespmem:$0x29E0] =	vst v1  }
0xdc: {  	[tilespmem:$0x28E0] =	vst v2  }
0xdd: {  	v1 =	vld [tilespmem:s24+$0x0];
	_ =	sdelay $0x4  }
0xde: {  	v2 =	vshra.s32 v1, $0xE;
	v1 =	vand.u32 $0x3FFF, v1  }
0xdf: {  	v2 =	vadd.s32 v0, v2;
	[tilespmem:$0x29F0] =	vst v1  }
0xe0: {  	[tilespmem:$0x28F0] =	vst v2  }
0xe1: {  	[tilespmem:s16], [sflag:$0x2] =	stream.indirect.gather [hbm4b:s4+s12], $0x80, s15, s12, $0xb8;
	[tilespmem:$0x1E600] =	vst v63  }
0xe2: {  	_ =	swait.ge [sflag:s17], $0x4000  }
.Ltmp0:
0xe3: {  	[sflag:s17] =	ssyncset.done $0x0;
	(pc) =	sbr.rel @p0 .LBB2_2-.Ltmp0, $4  }
0xe4: {  	[sflag:s17] =	ssyncadd.s32 $0xFFFFC000  }
0xe5: {  	[spmem:s2] =	stream.indirect.scatter.add.f32 [tilespmem:s14], [sflag:$0x3], $0x80, s18, s12, $0xb8;
	[tilespmem:$0x1E600] =	vst v63  }
0xe6: {  	_ =	swait.ge [sflag:s11], $0x4000  }
0xe7: {  	s25 =	smov.u32 s23;
	[sflag:s11] =	ssyncset.done $0x0  }
0xe8: {  	s22 =	sshra.s32 s22, $0x2;
	[sflag:s11] =	ssyncadd.s32 $0xFFFFC000  }
0xe9: {  	v1 =	vld [tilespmem:s22+$0xFFFFFF10];
	_ =	sdelay $0x4  }
0xea: {  	v2 =	vshra.s32 v1, $0xE;
	v1 =	vand.u32 $0x3FFF, v1  }
0xeb: {  	v2 =	vadd.s32 v0, v2;
	[tilespmem:$0x2900] =	vst v1  }
0xec: {  	[tilespmem:$0x2800] =	vst v2  }
0xed: {  	v1 =	vld [tilespmem:s22+$0xFFFFFF20];
	_ =	sdelay $0x4  }
0xee: {  	v2 =	vshra.s32 v1, $0xE;
	v1 =	vand.u32 $0x3FFF, v1  }
0xef: {  	v2 =	vadd.s32 v0, v2;
	[tilespmem:$0x2910] =	vst v1  }
0xf0: {  	[tilespmem:$0x2810] =	vst v2  }
0xf1: {  	v1 =	vld [tilespmem:s22+$0xFFFFFF30];
	_ =	sdelay $0x4  }
0xf2: {  	v2 =	vshra.s32 v1, $0xE;
	v1 =	vand.u32 $0x3FFF, v1  }
0xf3: {  	v2 =	vadd.s32 v0, v2;
	[tilespmem:$0x2920] =	vst v1  }
0xf4: {  	[tilespmem:$0x2820] =	vst v2  }
0xf5: {  	v1 =	vld [tilespmem:s22+$0xFFFFFF40];
	_ =	sdelay $0x4  }
0xf6: {  	v2 =	vshra.s32 v1, $0xE;
	v1 =	vand.u32 $0x3FFF, v1  }
0xf7: {  	v2 =	vadd.s32 v0, v2;
	[tilespmem:$0x2930] =	vst v1  }
0xf8: {  	[tilespmem:$0x2830] =	vst v2  }
0xf9: {  	v1 =	vld [tilespmem:s22+$0xFFFFFF50];
	_ =	sdelay $0x4  }
0xfa: {  	v2 =	vshra.s32 v1, $0xE;
	v1 =	vand.u32 $0x3FFF, v1  }
0xfb: {  	v2 =	vadd.s32 v0, v2;
	[tilespmem:$0x2940] =	vst v1  }
0xfc: {  	[tilespmem:$0x2840] =	vst v2  }
0xfd: {  	v1 =	vld [tilespmem:s22+$0xFFFFFF60];
	_ =	sdelay $0x4  }
0xfe: {  	v2 =	vshra.s32 v1, $0xE;
	v1 =	vand.u32 $0x3FFF, v1  }
0xff: {  	v2 =	vadd.s32 v0, v2;
	[tilespmem:$0x2950] =	vst v1  }
0x100: {  	[tilespmem:$0x2850] =	vst v2  }
0x101: {  	v1 =	vld [tilespmem:s22+$0xFFFFFF70];
	_ =	sdelay $0x4  }
0x102: {  	v2 =	vshra.s32 v1, $0xE;
	v1 =	vand.u32 $0x3FFF, v1  }
0x103: {  	v2 =	vadd.s32 v0, v2;
	[tilespmem:$0x2960] =	vst v1  }
0x104: {  	[tilespmem:$0x2860] =	vst v2  }
0x105: {  	v1 =	vld [tilespmem:s22+$0xFFFFFF80];
	_ =	sdelay $0x4  }
0x106: {  	v2 =	vshra.s32 v1, $0xE;
	v1 =	vand.u32 $0x3FFF, v1  }
0x107: {  	v2 =	vadd.s32 v0, v2;
	[tilespmem:$0x2970] =	vst v1  }
0x108: {  	[tilespmem:$0x2870] =	vst v2  }
0x109: {  	[tilespmem:s14], [sflag:$0x1] =	stream.indirect.gather [hbm4b:s4+s12], $0x80, s13, s12, $0xb8;
	[tilespmem:$0x1E600] =	vst v63  }
0x10a: {  	_ =	swait.ge [sflag:s19], $0x4000  }
0x10b: {  	[sflag:s19] =	ssyncset.done $0x0  }
0x10c: {  	[sflag:s19] =	ssyncadd.s32 $0xFFFFC000  }
0x10d: {  	[spmem:s2] =	stream.indirect.scatter.add.f32 [tilespmem:s16], [sflag:$0x3], $0x80, s20, s12, $0xb8;
	[tilespmem:$0x1E600] =	vst v63  }
0x10e: {  	_ =	swait.ge [sflag:s11], $0x4000  }
0x10f: {  	[sflag:s11] =	ssyncset.done $0x0  }
0x110: {  	[sflag:s11] =	ssyncadd.s32 $0xFFFFC000  }
0x111: {  	v1 =	vld [tilespmem:s22+$0xFFFFFF90];
	_ =	sdelay $0x4  }
0x112: {  	v2 =	vshra.s32 v1, $0xE;
	v1 =	vand.u32 $0x3FFF, v1  }
0x113: {  	v2 =	vadd.s32 v0, v2;
	[tilespmem:$0x2980] =	vst v1  }
0x114: {  	[tilespmem:$0x2880] =	vst v2  }
0x115: {  	v1 =	vld [tilespmem:s22+$0xFFFFFFA0];
	_ =	sdelay $0x4  }
0x116: {  	v2 =	vshra.s32 v1, $0xE;
	v1 =	vand.u32 $0x3FFF, v1  }
0x117: {  	v2 =	vadd.s32 v0, v2;
	[tilespmem:$0x2990] =	vst v1  }
0x118: {  	[tilespmem:$0x2890] =	vst v2  }
0x119: {  	v1 =	vld [tilespmem:s22+$0xFFFFFFB0];
	_ =	sdelay $0x4  }
0x11a: {  	v2 =	vshra.s32 v1, $0xE;
	v1 =	vand.u32 $0x3FFF, v1  }
0x11b: {  	v2 =	vadd.s32 v0, v2;
	[tilespmem:$0x29A0] =	vst v1  }
0x11c: {  	[tilespmem:$0x28A0] =	vst v2  }
0x11d: {  	v1 =	vld [tilespmem:s22+$0xFFFFFFC0];
	_ =	sdelay $0x4  }
0x11e: {  	v2 =	vshra.s32 v1, $0xE;
	v1 =	vand.u32 $0x3FFF, v1  }
0x11f: {  	v2 =	vadd.s32 v0, v2;
	[tilespmem:$0x29B0] =	vst v1  }
0x120: {  	[tilespmem:$0x28B0] =	vst v2  }
0x121: {  	v1 =	vld [tilespmem:s22+$0xFFFFFFD0];
	_ =	sdelay $0x4  }
0x122: {  	v2 =	vshra.s32 v1, $0xE;
	v1 =	vand.u32 $0x3FFF, v1  }
0x123: {  	v2 =	vadd.s32 v0, v2;
	[tilespmem:$0x29C0] =	vst v1  }
0x124: {  	[tilespmem:$0x28C0] =	vst v2  }
0x125: {  	v1 =	vld [tilespmem:s22+$0xFFFFFFE0];
	_ =	sdelay $0x4  }
0x126: {  	v2 =	vshra.s32 v1, $0xE;
	v1 =	vand.u32 $0x3FFF, v1  }
0x127: {  	v2 =	vadd.s32 v0, v2;
	[tilespmem:$0x29D0] =	vst v1  }
0x128: {  	[tilespmem:$0x28D0] =	vst v2  }
0x129: {  	v1 =	vld [tilespmem:s22+$0xFFFFFFF0];
	_ =	sdelay $0x4  }
0x12a: {  	v2 =	vshra.s32 v1, $0xE;
	v1 =	vand.u32 $0x3FFF, v1  }
0x12b: {  	v2 =	vadd.s32 v0, v2;
	[tilespmem:$0x29E0] =	vst v1  }
0x12c: {  	[tilespmem:$0x28E0] =	vst v2  }
0x12d: {  	v1 =	vld [tilespmem:s22+$0x0];
	_ =	sdelay $0x4  }
0x12e: {  	v2 =	vshra.s32 v1, $0xE;
	v1 =	vand.u32 $0x3FFF, v1  }
0x12f: {  	v2 =	vadd.s32 v0, v2;
	[tilespmem:$0x29F0] =	vst v1  }
0x130: {  	[tilespmem:$0x28F0] =	vst v2  }
0x131: {  	[tilespmem:s16], [sflag:$0x2] =	stream.indirect.gather [hbm4b:s4+s12], $0x80, s15, s12, $0xb8;
	[tilespmem:$0x1E600] =	vst v63  }
0x132: {  	_ =	swait.ge [sflag:s17], $0x4000  }
0x133: {  	[sflag:s17] =	ssyncset.done $0x0  }
0x134: {  	[sflag:s17] =	ssyncadd.s32 $0xFFFFC000  }
0x135: {  	[spmem:s2] =	stream.indirect.scatter.add.f32 [tilespmem:s14], [sflag:$0x3], $0x80, s18, s12, $0xb8;
	[tilespmem:$0x1E600] =	vst v63  }
0x136: {  	_ =	swait.ge [sflag:s11], $0x4000  }
0x137: {  	[sflag:s11] =	ssyncset.done $0x0  }
0x138: {  	[sflag:s11] =	ssyncadd.s32 $0xFFFFC000  }
0x139: {  	_ =	swait.ge [sflag:s19], $0x4000  }
0x13a: {  	[sflag:s19] =	ssyncset.done $0x0  }
0x13b: {  	[sflag:s19] =	ssyncadd.s32 $0xFFFFC000  }
0x13c: {  	[spmem:s2] =	stream.indirect.scatter.add.f32 [tilespmem:s16], [sflag:$0x3], $0x80, s20, s12, $0xb8;
	[tilespmem:$0x1E600] =	vst v63  }
0x13d: {  	_ =	swait.ge [sflag:s11], $0x4000  }
0x13e: {  	s21 =	sadd.s32 $0x1, s21;
	[sflag:s11] =	ssyncset.done $0x0  }
0x13f: {  	p0 =	sne.s32 s21, s8;
	[sflag:s11] =	ssyncadd.s32 $0xFFFFC000  }
.Ltmp1:
0x140: {  	[bflag:$0x0] =	sbarrier.arrive $0xFFFF;
	(pc) =	sbr.rel @p0 .LBB2_1-.Ltmp1, $4  }
0x141: {  	[hbm:s9], [sflag:s6] =	dma.local [spmem:s10], $0x2780  }
0x142: {  	_ =	swait.ge [sflag:s11], $0x2780  }
0x143: {  	[sflag:s11] =	ssyncset.done $0x0  }
0x144: {  	[sflag:s11] =	ssyncadd.s32 $0xFFFFD880  }
0x145: {  	_ =	sfence.sel $0x180000  }
0x146: {  	[bflag:$0x0] =	sbarrier.arrive $0xFFFF  }
0x147: {  	p0 =	sne.s32 s1, $0x0;
	_ =	strace $0x90000050  }
0x148: {  	s0 =	sadd.s32 @!p0 $0x100000, s0;
	[bflag:$0x2] =	sbarrier.arrive $0xFFFF  }
0x149: {  	[sflag:s0] =	ssyncadd.tile.s32 @!p0 $0x1;
	_ =	shalt  }
.Lfunc_end2:
_tile_overlayer_lowered:
.L_overlay_start_2:
0x14a: {  	(tag) =	ssettag $0x2  }
0x14b: {  	s0 =	rddreg [dreg:$0x0];
	s2 =	stileid.u32  }
0x14c: {  	s1 =	rddreg [dreg:$0x1];
	p0 =	sne.s32 s2, $0x0  }
0x14d: {  	s3 =	rddreg [dreg:$0x2];
	[bflag:$0x3] =	sbarrier.arrive $0xFFFF;
	s2 =	simm.s32 @!p0 $0x1C03  }
0x14e: {  	[timem:s3], [sflag:s2] =	dma.local @!p0 [hbm:s0], s1  }
0x14f: {  	s0 =	simm.s32 @!p0 $0x3  }
0x150: {  	_ =	swait.ge @!p0 [sflag:s0], s1  }
0x151: {  	s1 =	ssub.s32 @!p0 $0x0, s1;
	[sflag:s0] =	ssyncset.done @!p0 $0x0  }
0x152: {  	[sflag:s0] =	ssyncadd.s32 @!p0 s1  }
0x153: {  	[bflag:$0x3] =	sbarrier.arrive $0xFFFF  }
0x154: {  	_ =	shalt  }

</sc_bundles>
